<compile_context>
chip_gen: v7x
topology: tpu7x:2x2x1
jax: 0.10.2.dev20260603
libtpu: 0.0.44.dev20260713+nightly
codegen_flags: <defaults>
</compile_context>

<pallas_src>
import functools

import jax
import jax.numpy as jnp
from jax import lax
from jax.experimental import pallas as pl
from jax.experimental.pallas import tpu as pltpu
from jax.experimental.pallas import tpu_sc as plsc

NC = 2
NS = 16
NW = NC * NS
B = 32
NBUF = 8


def _sc_segment_accum(n, d, e):
    assert e % (B * NW * 8) == 0 and n % (NS * 8) == 0
    nb = e // B
    cpw = nb // NW
    rows_per_tile = n // NS
    mesh = plsc.VectorSubcoreMesh(core_axis_name="c", subcore_axis_name="s")

    assert cpw % NBUF == 0

    @functools.partial(
        pl.kernel,
        mesh=mesh,
        out_type=jax.ShapeDtypeStruct((NC, n, d), jnp.float32),
        scratch_types=(
            [
                pltpu.VMEM((cpw * B,), jnp.int32),
                pltpu.VMEM((NBUF, B), jnp.int32),
                pltpu.VMEM((NBUF, B), jnp.int32),
                pltpu.VMEM((NBUF, B, d), jnp.float32),
                pltpu.VMEM_SHARED((n, d), jnp.float32),
            ]
            + [pltpu.SemaphoreType.DMA] * (2 * NBUF)
        ),
    )
    def k(x_hbm, eidx_hbm, out_hbm, eidx_v, src_v, dst_v, rows_v, agg_sh,
          *sems):
        gsem = sems[:NBUF]
        ssem = sems[NBUF:]
        c = lax.axis_index("c")
        s = lax.axis_index("s")
        wid = s * NC + c
        r0 = s * rows_per_tile

        pltpu.sync_copy(eidx_hbm.at[pl.ds(wid * (cpw * B), cpw * B)], eidx_v)
        pltpu.sync_copy(x_hbm.at[pl.ds(r0, rows_per_tile)],
                        agg_sh.at[pl.ds(r0, rows_per_tile)])

        def unpack(j, b):
            for t in range(B // 16):
                v = eidx_v[pl.ds(j * B + t * 16, 16)]
                src_v[b, pl.ds(t * 16, 16)] = lax.bitwise_and(v, 0xFFFF)
                dst_v[b, pl.ds(t * 16, 16)] = lax.shift_right_logical(v, 16)

        def gather_start(b):
            pltpu.async_copy(x_hbm.at[src_v.at[b]], rows_v.at[b], gsem[b])

        def gather_wait(b):
            pltpu.make_async_copy(x_hbm.at[src_v.at[b]], rows_v.at[b],
                                  gsem[b]).wait()

        def scatter_start(b):
            pltpu.async_copy(rows_v.at[b], agg_sh.at[dst_v.at[b]], ssem[b],
                             add=True)

        def scatter_wait(b):
            pltpu.make_async_copy(rows_v.at[b], agg_sh.at[dst_v.at[b]],
                                  ssem[b]).wait()

        for b in range(NBUF):
            unpack(b, b)
            gather_start(b)
        plsc.subcore_barrier()

        def body(g, carry):
            for b in range(NBUF):
                gather_wait(b)
                scatter_start(b)
            for b in range(NBUF):
                jn = (g + 1) * NBUF + b

                @pl.when(jn < cpw)
                def _(b=b, jn=jn):
                    scatter_wait(b)
                    unpack(jn, b)
                    gather_start(b)

            return carry

        lax.fori_loop(0, cpw // NBUF, body, 0)
        for b in range(NBUF):
            scatter_wait(b)
        plsc.subcore_barrier()
        pltpu.sync_copy(agg_sh.at[pl.ds(r0, rows_per_tile)],
                        out_hbm.at[c, pl.ds(r0, rows_per_tile)])

    return k


def _tc_mlp(n, d, h, do, final, block_rows=2000):
    assert n % block_rows == 0
    row = lambda i: (i, 0)
    zero = lambda i: (0, 0)
    in_specs = [
        pl.BlockSpec((block_rows, d), row),
        pl.BlockSpec((block_rows, d), row),
        pl.BlockSpec((block_rows, d), row),
        pl.BlockSpec((d, h), zero),
        pl.BlockSpec((1, h), zero),
        pl.BlockSpec((h, do), zero),
        pl.BlockSpec((1, do), zero),
    ]
    if final:
        in_specs.append(pl.BlockSpec((block_rows, do), row))

    def body(p0, p1, xin, wa, ba, wb, bb, *rest):
        if final:
            x0, o = rest
        else:
            (o,) = rest
        hmat = p0[...] + p1[...] - xin[...]
        z = jnp.dot(hmat, wa[...], preferred_element_type=jnp.float32) + ba[...]
        z = jnp.maximum(z, 0.0)
        y = jnp.dot(z, wb[...], preferred_element_type=jnp.float32) + bb[...]
        y = jnp.maximum(y, 0.0)
        if final:
            o[...] = x0[...] + xin[...] + y
        else:
            o[...] = y

    return pl.pallas_call(
        body,
        grid=(n // block_rows,),
        in_specs=in_specs,
        out_specs=pl.BlockSpec((block_rows, do), row),
        out_shape=jax.ShapeDtypeStruct((n, do), jnp.float32),
    )


def kernel(x, edge_index, W1a, b1a, W1b, b1b, W2a, b2a, W2b, b2b):
    n, d = x.shape
    e = edge_index.shape[1]
    h = W1a.shape[1]
    n_pad = -(-n // (NS * 8)) * (NS * 8)
    nb_pad = -(-e // (B * NW * 8)) * (NW * 8)
    e_pad = nb_pad * B
    if e_pad > e and n_pad == n:
        n_pad += NS * 8
    sink = n_pad - 1
    assert n_pad < (1 << 16)
    packed = jnp.pad(edge_index[0], (0, e_pad - e)) | (
        jnp.pad(edge_index[1], (0, e_pad - e),
                constant_values=sink) << 16)

    accum = _sc_segment_accum(n_pad, d, e_pad)
    mlp1 = _tc_mlp(n, d, h, W1b.shape[1], final=False)
    mlp2 = _tc_mlp(n, h, W2a.shape[1], W2b.shape[1], final=True)

    xp = jnp.pad(x, ((0, n_pad - n), (0, 0)))
    p = accum(xp, packed)
    x1 = mlp1(p[0, :n], p[1, :n], x, W1a, b1a.reshape(1, -1),
              W1b, b1b.reshape(1, -1))
    x1p = jnp.pad(x1, ((0, n_pad - n), (0, 0)))
    q = accum(x1p, packed)
    out = mlp2(q[0, :n], q[1, :n], x1, W2a, b2a.reshape(1, -1),
               W2b, b2b.reshape(1, -1), x)
    return out

# --- scband reference (transcript-rebuilt; emitter-appended) ---
"""Pipeline reference for scband-graph-merge-decoder-19628000542977 (READ-ONLY COPY).

The authoritative reference and input builder live on the scoring server;
editing this copy changes nothing except your own understanding.
"""

import jax, jax.numpy as jnp
import numpy as np

N = 10000
E = 320000
D = 128
H = 128


def setup_inputs(seed: int = 0) -> dict:
    key = jax.random.key(seed)
    ks = jax.random.split(key, 12)
    x = jax.random.normal(ks[0], (N, D), dtype=jnp.float32)
    edge_index = jax.random.randint(ks[1], (2, E), 0, N, dtype=jnp.int32)
    s = 0.05
    # conv1 MLP: Linear(D->H), ReLU, Linear(H->H)
    W1a = jax.random.normal(ks[2], (D, H), dtype=jnp.float32) * s
    b1a = jax.random.normal(ks[3], (H,), dtype=jnp.float32) * s
    W1b = jax.random.normal(ks[4], (H, H), dtype=jnp.float32) * s
    b1b = jax.random.normal(ks[5], (H,), dtype=jnp.float32) * s
    # conv2 MLP: Linear(H->H), ReLU, Linear(H->D)
    W2a = jax.random.normal(ks[6], (H, H), dtype=jnp.float32) * s
    b2a = jax.random.normal(ks[7], (H,), dtype=jnp.float32) * s
    W2b = jax.random.normal(ks[8], (H, D), dtype=jnp.float32) * s
    b2b = jax.random.normal(ks[9], (D,), dtype=jnp.float32) * s
    return {"x": x, "edge_index": edge_index,
            "W1a": W1a, "b1a": b1a, "W1b": W1b, "b1b": b1b,
            "W2a": W2a, "b2a": b2a, "W2b": W2b, "b2b": b2b}


def _gin_layer(x_in, src, dst, Wa, ba, Wb, bb):
    # GINConv (eps=0): out = MLP((1+eps)*x_i + sum_{j->i} x_j)
    msgs = jnp.take(x_in, src, axis=0)
    agg = jax.ops.segment_sum(msgs, dst, num_segments=N)
    h = x_in + agg
    h = jnp.maximum(h @ Wa + ba, 0.0)
    h = h @ Wb + bb
    return h


def reference(x, edge_index, W1a, b1a, W1b, b1b, W2a, b2a, W2b, b2b):
    src = edge_index[0]
    dst = edge_index[1]
    x1 = jax.nn.relu(_gin_layer(x, src, dst, W1a, b1a, W1b, b1b))
    x2 = jax.nn.relu(_gin_layer(x1, src, dst, W2a, b2a, W2b, b2b))
    return x + x1 + x2

if __name__ == "__main__":
    import jax
    _d = setup_inputs()
    print(jax.jit(kernel)(*tuple(_d.values())))

</pallas_src>

<mosaic_0001>
#map = affine_map<(d0, d1) -> (0, 0)>
#map1 = affine_map<(d0, d1) -> (0)>
#map2 = affine_map<(d0, d1) -> (0, 0, 0)>
module attributes {stable_mosaic.version = 14 : i64} {
  func.func @k(%arg0: i32, %arg1: i32, %arg2: memref<10112x128xf32, #tpu.memory_space<hbm>>, %arg3: memref<327680xi32, #tpu.memory_space<hbm>>, %arg4: memref<2x10112x128xf32, #tpu.memory_space<hbm>>, %arg5: memref<10240xi32, #tpu.memory_space<vmem>>, %arg6: memref<8x32xi32, #tpu.memory_space<vmem>>, %arg7: memref<8x32xi32, #tpu.memory_space<vmem>>, %arg8: memref<8x32x128xf32, #tpu.memory_space<vmem>>, %arg9: memref<10112x128xf32, #tpu.memory_space<vmem_shared>>, %arg10: memref<!tpu.dma_semaphore, #tpu.memory_space<semaphore_mem>>, %arg11: memref<!tpu.dma_semaphore, #tpu.memory_space<semaphore_mem>>, %arg12: memref<!tpu.dma_semaphore, #tpu.memory_space<semaphore_mem>>, %arg13: memref<!tpu.dma_semaphore, #tpu.memory_space<semaphore_mem>>, %arg14: memref<!tpu.dma_semaphore, #tpu.memory_space<semaphore_mem>>, %arg15: memref<!tpu.dma_semaphore, #tpu.memory_space<semaphore_mem>>, %arg16: memref<!tpu.dma_semaphore, #tpu.memory_space<semaphore_mem>>, %arg17: memref<!tpu.dma_semaphore, #tpu.memory_space<semaphore_mem>>, %arg18: memref<!tpu.dma_semaphore, #tpu.memory_space<semaphore_mem>>, %arg19: memref<!tpu.dma_semaphore, #tpu.memory_space<semaphore_mem>>, %arg20: memref<!tpu.dma_semaphore, #tpu.memory_space<semaphore_mem>>, %arg21: memref<!tpu.dma_semaphore, #tpu.memory_space<semaphore_mem>>, %arg22: memref<!tpu.dma_semaphore, #tpu.memory_space<semaphore_mem>>, %arg23: memref<!tpu.dma_semaphore, #tpu.memory_space<semaphore_mem>>, %arg24: memref<!tpu.dma_semaphore, #tpu.memory_space<semaphore_mem>>, %arg25: memref<!tpu.dma_semaphore, #tpu.memory_space<semaphore_mem>>) attributes {dimension_semantics = [#tpu.dimension_semantics<core_parallel>, #tpu.dimension_semantics<subcore_parallel>], iteration_bounds = array<i64: 2, 16>, scalar_prefetch = 0 : i64, scratch_operands = 21 : i64, tpu.core_type = #tpu.core_type<sc_vector_subcore>, window_params = [{transform_indices = #map}, {transform_indices = #map1}, {transform_indices = #map2}]} {
    %mul3A = arith.constant 2 : i32
    %mul3A_0 = arith.muli %arg1, %mul3A : i32
    %add3A = arith.addi %mul3A_0, %arg0 : i32
    %mul3A_1 = arith.constant 632 : i32
    %mul3A_2 = arith.muli %arg1, %mul3A_1 : i32
    %mul3A_3 = arith.constant 10240 : i32
    %mul3A_4 = arith.muli %add3A, %mul3A_3 : i32
    "tpu.region"() ({
      %run_scoped3A = tpu.sem_alloc : memref<!tpu.dma_semaphore, #tpu.memory_space<semaphore_mem>>
      %dma_start3A_533 = tpu.memref_slice %arg3[%mul3A_4] : memref<327680xi32, #tpu.memory_space<hbm>> -> memref<10240xi32, #tpu.memory_space<hbm>>
      %dma_start3A_534 = tpu.memref_slice %arg3[%mul3A_4] : memref<327680xi32, #tpu.memory_space<hbm>> -> memref<10240xi32, #tpu.memory_space<hbm>>
      tpu.enqueue_dma source(%dma_start3A_534 : memref<10240xi32, #tpu.memory_space<hbm>>) target(%arg5 : memref<10240xi32, #tpu.memory_space<vmem>>) target_semaphore(%run_scoped3A : memref<!tpu.dma_semaphore, #tpu.memory_space<semaphore_mem>>)
      %dma_wait3A_535 = tpu.memref_slice %arg3[%mul3A_4] : memref<327680xi32, #tpu.memory_space<hbm>> -> memref<10240xi32, #tpu.memory_space<hbm>>
      %dma_wait3A_536 = tpu.memref_slice %arg3[%mul3A_4] : memref<327680xi32, #tpu.memory_space<hbm>> -> memref<10240xi32, #tpu.memory_space<hbm>>
      tpu.wait_dma2 semaphore(%run_scoped3A : memref<!tpu.dma_semaphore, #tpu.memory_space<semaphore_mem>>) src(%dma_wait3A_536 : memref<10240xi32, #tpu.memory_space<hbm>>) dst(%arg5 : memref<10240xi32, #tpu.memory_space<vmem>>)
      tpu.yield
    }) : () -> ()
    "tpu.region"() ({
      %run_scoped3A = tpu.sem_alloc : memref<!tpu.dma_semaphore, #tpu.memory_space<semaphore_mem>>
      %dma_start3A_533 = arith.constant 0 : i32
      %dma_start3A_534 = tpu.memref_slice %arg9[%mul3A_2, %dma_start3A_533] : memref<10112x128xf32, #tpu.memory_space<vmem_shared>> -> memref<632x128xf32, #tpu.memory_space<vmem_shared>>
      %dma_start3A_535 = arith.constant 0 : i32
      %dma_start3A_536 = tpu.memref_slice %arg2[%mul3A_2, %dma_start3A_535] : memref<10112x128xf32, #tpu.memory_space<hbm>> -> memref<632x128xf32, #tpu.memory_space<hbm>>
      tpu.enqueue_dma source(%dma_start3A_536 : memref<632x128xf32, #tpu.memory_space<hbm>>) target(%dma_start3A_534 : memref<632x128xf32, #tpu.memory_space<vmem_shared>>) target_semaphore(%run_scoped3A : memref<!tpu.dma_semaphore, #tpu.memory_space<semaphore_mem>>)
      %dma_wait3A_537 = arith.constant 0 : i32
      %dma_wait3A_538 = tpu.memref_slice %arg9[%mul3A_2, %dma_wait3A_537] : memref<10112x128xf32, #tpu.memory_space<vmem_shared>> -> memref<632x128xf32, #tpu.memory_space<vmem_shared>>
      %dma_wait3A_539 = arith.constant 0 : i32
      %dma_wait3A_540 = tpu.memref_slice %arg2[%mul3A_2, %dma_wait3A_539] : memref<10112x128xf32, #tpu.memory_space<hbm>> -> memref<632x128xf32, #tpu.memory_space<hbm>>
      tpu.wait_dma2 semaphore(%run_scoped3A : memref<!tpu.dma_semaphore, #tpu.memory_space<semaphore_mem>>) src(%dma_wait3A_540 : memref<632x128xf32, #tpu.memory_space<hbm>>) dst(%dma_wait3A_538 : memref<632x128xf32, #tpu.memory_space<vmem_shared>>)
      tpu.yield
    }) : () -> ()
    %get3A = arith.constant 0 : index
    %get3A_5 = tpu.vector_load %arg5[%get3A] {strides = array<i32>} : memref<10240xi32, #tpu.memory_space<vmem>>, vector<16xi32>,
    %get3A_6 = vector.shape_cast %get3A_5 : vector<16xi32> to vector<16xi32>
    %and3A = arith.constant 65535 : i32
    %and3A_7 = vector.broadcast %and3A : i32 to vector<16xi32>
    %and3A_8 = arith.andi %get3A_6, %and3A_7 : vector<16xi32>
    %swap3A = arith.constant 0 : i32
    %swap3A_9 = arith.index_cast %swap3A : i32 to index
    %swap3A_10 = arith.constant 0 : index
    %swap3A_11 = tpu.vector_load %arg6[%swap3A_9, %swap3A_10] {strides = array<i32>} : memref<8x32xi32, #tpu.memory_space<vmem>>, vector<1x16xi32>,
    %swap3A_12 = vector.shape_cast %swap3A_11 : vector<1x16xi32> to vector<16xi32>
    %swap3A_13 = vector.shape_cast %and3A_8 : vector<16xi32> to vector<1x16xi32>
    tpu.vector_store %arg6[%swap3A_9, %swap3A_10], %swap3A_13 {strides = array<i32>} : memref<8x32xi32, #tpu.memory_space<vmem>>, vector<1x16xi32>,
    %shift_right_logical3A = arith.constant 16 : i32
    %shift_right_logical3A_14 = vector.broadcast %shift_right_logical3A : i32 to vector<16xi32>
    %shift_right_logical3A_15 = arith.shrui %get3A_6, %shift_right_logical3A_14 : vector<16xi32>
    %swap3A_16 = arith.constant 0 : i32
    %swap3A_17 = arith.index_cast %swap3A_16 : i32 to index
    %swap3A_18 = arith.constant 0 : index
    %swap3A_19 = tpu.vector_load %arg7[%swap3A_17, %swap3A_18] {strides = array<i32>} : memref<8x32xi32, #tpu.memory_space<vmem>>, vector<1x16xi32>,
    %swap3A_20 = vector.shape_cast %swap3A_19 : vector<1x16xi32> to vector<16xi32>
    %swap3A_21 = vector.shape_cast %shift_right_logical3A_15 : vector<16xi32> to vector<1x16xi32>
    tpu.vector_store %arg7[%swap3A_17, %swap3A_18], %swap3A_21 {strides = array<i32>} : memref<8x32xi32, #tpu.memory_space<vmem>>, vector<1x16xi32>,
    %get3A_22 = arith.constant 16 : index
    %get3A_23 = tpu.vector_load %arg5[%get3A_22] {strides = array<i32>} : memref<10240xi32, #tpu.memory_space<vmem>>, vector<16xi32>,
    %get3A_24 = vector.shape_cast %get3A_23 : vector<16xi32> to vector<16xi32>
    %and3A_25 = arith.constant 65535 : i32
    %and3A_26 = vector.broadcast %and3A_25 : i32 to vector<16xi32>
    %and3A_27 = arith.andi %get3A_24, %and3A_26 : vector<16xi32>
    %swap3A_28 = arith.constant 0 : i32
    %swap3A_29 = arith.index_cast %swap3A_28 : i32 to index
    %swap3A_30 = arith.constant 16 : index
    %swap3A_31 = tpu.vector_load %arg6[%swap3A_29, %swap3A_30] {strides = array<i32>} : memref<8x32xi32, #tpu.memory_space<vmem>>, vector<1x16xi32>,
    %swap3A_32 = vector.shape_cast %swap3A_31 : vector<1x16xi32> to vector<16xi32>
    %swap3A_33 = vector.shape_cast %and3A_27 : vector<16xi32> to vector<1x16xi32>
    tpu.vector_store %arg6[%swap3A_29, %swap3A_30], %swap3A_33 {strides = array<i32>} : memref<8x32xi32, #tpu.memory_space<vmem>>, vector<1x16xi32>,
    %shift_right_logical3A_34 = arith.constant 16 : i32
    %shift_right_logical3A_35 = vector.broadcast %shift_right_logical3A_34 : i32 to vector<16xi32>
    %shift_right_logical3A_36 = arith.shrui %get3A_24, %shift_right_logical3A_35 : vector<16xi32>
    %swap3A_37 = arith.constant 0 : i32
    %swap3A_38 = arith.index_cast %swap3A_37 : i32 to index
    %swap3A_39 = arith.constant 16 : index
    %swap3A_40 = tpu.vector_load %arg7[%swap3A_38, %swap3A_39] {strides = array<i32>} : memref<8x32xi32, #tpu.memory_space<vmem>>, vector<1x16xi32>,
    %swap3A_41 = vector.shape_cast %swap3A_40 : vector<1x16xi32> to vector<16xi32>
    %swap3A_42 = vector.shape_cast %shift_right_logical3A_36 : vector<16xi32> to vector<1x16xi32>
    tpu.vector_store %arg7[%swap3A_38, %swap3A_39], %swap3A_42 {strides = array<i32>} : memref<8x32xi32, #tpu.memory_space<vmem>>, vector<1x16xi32>,
    %dma_start3A = arith.constant 0 : i32
    %dma_start3A_43 = arith.constant 0 : i32
    %dma_start3A_44 = arith.constant 0 : i32
    %dma_start3A_45 = arith.constant 0 : i32
    %dma_start3A_46 = tpu.memref_slice %arg8[%dma_start3A_43, %dma_start3A_44, %dma_start3A_45] : memref<8x32x128xf32, #tpu.memory_space<vmem>> -> memref<1x32x128xf32, #tpu.memory_space<vmem>>
    %dma_start3A_47 = tpu.memref_squeeze %dma_start3A_46 : memref<1x32x128xf32, #tpu.memory_space<vmem>> -> memref<32x128xf32, #tpu.memory_space<vmem>>
    %dma_start3A_48 = arith.constant 0 : i32
    %dma_start3A_49 = tpu.memref_slice %arg6[%dma_start3A, %dma_start3A_48] : memref<8x32xi32, #tpu.memory_space<vmem>> -> memref<1x32xi32, #tpu.memory_space<vmem>>
    %dma_start3A_50 = tpu.memref_squeeze %dma_start3A_49 : memref<1x32xi32, #tpu.memory_space<vmem>> -> memref<32xi32, #tpu.memory_space<vmem>>
    %dma_start3A_51 = arith.constant 0 : i32
    %dma_start3A_52 = arith.constant 0 : i32
    %dma_start3A_53 = tpu.memref_slice %arg2[%dma_start3A_51, %dma_start3A_52] : memref<10112x128xf32, #tpu.memory_space<hbm>> -> memref<10112x128xf32, #tpu.memory_space<hbm>>
    tpu.enqueue_indirect_dma source(%dma_start3A_53 : memref<10112x128xf32, #tpu.memory_space<hbm>>) target(%dma_start3A_47 : memref<32x128xf32, #tpu.memory_space<vmem>>) offsets(%dma_start3A_50 : memref<32xi32, #tpu.memory_space<vmem>>) semaphore(%arg10 : memref<!tpu.dma_semaphore, #tpu.memory_space<semaphore_mem>>)
    %get3A_54 = arith.constant 32 : index
    %get3A_55 = tpu.vector_load %arg5[%get3A_54] {strides = array<i32>} : memref<10240xi32, #tpu.memory_space<vmem>>, vector<16xi32>,
    %get3A_56 = vector.shape_cast %get3A_55 : vector<16xi32> to vector<16xi32>
    %and3A_57 = arith.constant 65535 : i32
    %and3A_58 = vector.broadcast %and3A_57 : i32 to vector<16xi32>
    %and3A_59 = arith.andi %get3A_56, %and3A_58 : vector<16xi32>
    %swap3A_60 = arith.constant 1 : i32
    %swap3A_61 = arith.index_cast %swap3A_60 : i32 to index
    %swap3A_62 = arith.constant 0 : index
    %swap3A_63 = tpu.vector_load %arg6[%swap3A_61, %swap3A_62] {strides = array<i32>} : memref<8x32xi32, #tpu.memory_space<vmem>>, vector<1x16xi32>,
    %swap3A_64 = vector.shape_cast %swap3A_63 : vector<1x16xi32> to vector<16xi32>
    %swap3A_65 = vector.shape_cast %and3A_59 : vector<16xi32> to vector<1x16xi32>
    tpu.vector_store %arg6[%swap3A_61, %swap3A_62], %swap3A_65 {strides = array<i32>} : memref<8x32xi32, #tpu.memory_space<vmem>>, vector<1x16xi32>,
    %shift_right_logical3A_66 = arith.constant 16 : i32
    %shift_right_logical3A_67 = vector.broadcast %shift_right_logical3A_66 : i32 to vector<16xi32>
    %shift_right_logical3A_68 = arith.shrui %get3A_56, %shift_right_logical3A_67 : vector<16xi32>
    %swap3A_69 = arith.constant 1 : i32
    %swap3A_70 = arith.index_cast %swap3A_69 : i32 to index
    %swap3A_71 = arith.constant 0 : index
    %swap3A_72 = tpu.vector_load %arg7[%swap3A_70, %swap3A_71] {strides = array<i32>} : memref<8x32xi32, #tpu.memory_space<vmem>>, vector<1x16xi32>,
    %swap3A_73 = vector.shape_cast %swap3A_72 : vector<1x16xi32> to vector<16xi32>
    %swap3A_74 = vector.shape_cast %shift_right_logical3A_68 : vector<16xi32> to vector<1x16xi32>
    tpu.vector_store %arg7[%swap3A_70, %swap3A_71], %swap3A_74 {strides = array<i32>} : memref<8x32xi32, #tpu.memory_space<vmem>>, vector<1x16xi32>,
    %get3A_75 = arith.constant 48 : index
    %get3A_76 = tpu.vector_load %arg5[%get3A_75] {strides = array<i32>} : memref<10240xi32, #tpu.memory_space<vmem>>, vector<16xi32>,
    %get3A_77 = vector.shape_cast %get3A_76 : vector<16xi32> to vector<16xi32>
    %and3A_78 = arith.constant 65535 : i32
    %and3A_79 = vector.broadcast %and3A_78 : i32 to vector<16xi32>
    %and3A_80 = arith.andi %get3A_77, %and3A_79 : vector<16xi32>
    %swap3A_81 = arith.constant 1 : i32
    %swap3A_82 = arith.index_cast %swap3A_81 : i32 to index
    %swap3A_83 = arith.constant 16 : index
    %swap3A_84 = tpu.vector_load %arg6[%swap3A_82, %swap3A_83] {strides = array<i32>} : memref<8x32xi32, #tpu.memory_space<vmem>>, vector<1x16xi32>,
    %swap3A_85 = vector.shape_cast %swap3A_84 : vector<1x16xi32> to vector<16xi32>
    %swap3A_86 = vector.shape_cast %and3A_80 : vector<16xi32> to vector<1x16xi32>
    tpu.vector_store %arg6[%swap3A_82, %swap3A_83], %swap3A_86 {strides = array<i32>} : memref<8x32xi32, #tpu.memory_space<vmem>>, vector<1x16xi32>,
    %shift_right_logical3A_87 = arith.constant 16 : i32
    %shift_right_logical3A_88 = vector.broadcast %shift_right_logical3A_87 : i32 to vector<16xi32>
    %shift_right_logical3A_89 = arith.shrui %get3A_77, %shift_right_logical3A_88 : vector<16xi32>
    %swap3A_90 = arith.constant 1 : i32
    %swap3A_91 = arith.index_cast %swap3A_90 : i32 to index
    %swap3A_92 = arith.constant 16 : index
    %swap3A_93 = tpu.vector_load %arg7[%swap3A_91, %swap3A_92] {strides = array<i32>} : memref<8x32xi32, #tpu.memory_space<vmem>>, vector<1x16xi32>,
    %swap3A_94 = vector.shape_cast %swap3A_93 : vector<1x16xi32> to vector<16xi32>
    %swap3A_95 = vector.shape_cast %shift_right_logical3A_89 : vector<16xi32> to vector<1x16xi32>
    tpu.vector_store %arg7[%swap3A_91, %swap3A_92], %swap3A_95 {strides = array<i32>} : memref<8x32xi32, #tpu.memory_space<vmem>>, vector<1x16xi32>,
    %dma_start3A_96 = arith.constant 1 : i32
    %dma_start3A_97 = arith.constant 1 : i32
    %dma_start3A_98 = arith.constant 0 : i32
    %dma_start3A_99 = arith.constant 0 : i32
    %dma_start3A_100 = tpu.memref_slice %arg8[%dma_start3A_97, %dma_start3A_98, %dma_start3A_99] : memref<8x32x128xf32, #tpu.memory_space<vmem>> -> memref<1x32x128xf32, #tpu.memory_space<vmem>>
    %dma_start3A_101 = tpu.memref_squeeze %dma_start3A_100 : memref<1x32x128xf32, #tpu.memory_space<vmem>> -> memref<32x128xf32, #tpu.memory_space<vmem>>
    %dma_start3A_102 = arith.constant 0 : i32
    %dma_start3A_103 = tpu.memref_slice %arg6[%dma_start3A_96, %dma_start3A_102] : memref<8x32xi32, #tpu.memory_space<vmem>> -> memref<1x32xi32, #tpu.memory_space<vmem>>
    %dma_start3A_104 = tpu.memref_squeeze %dma_start3A_103 : memref<1x32xi32, #tpu.memory_space<vmem>> -> memref<32xi32, #tpu.memory_space<vmem>>
    %dma_start3A_105 = arith.constant 0 : i32
    %dma_start3A_106 = arith.constant 0 : i32
    %dma_start3A_107 = tpu.memref_slice %arg2[%dma_start3A_105, %dma_start3A_106] : memref<10112x128xf32, #tpu.memory_space<hbm>> -> memref<10112x128xf32, #tpu.memory_space<hbm>>
    tpu.enqueue_indirect_dma source(%dma_start3A_107 : memref<10112x128xf32, #tpu.memory_space<hbm>>) target(%dma_start3A_101 : memref<32x128xf32, #tpu.memory_space<vmem>>) offsets(%dma_start3A_104 : memref<32xi32, #tpu.memory_space<vmem>>) semaphore(%arg11 : memref<!tpu.dma_semaphore, #tpu.memory_space<semaphore_mem>>)
    %get3A_108 = arith.constant 64 : index
    %get3A_109 = tpu.vector_load %arg5[%get3A_108] {strides = array<i32>} : memref<10240xi32, #tpu.memory_space<vmem>>, vector<16xi32>,
    %get3A_110 = vector.shape_cast %get3A_109 : vector<16xi32> to vector<16xi32>
    %and3A_111 = arith.constant 65535 : i32
    %and3A_112 = vector.broadcast %and3A_111 : i32 to vector<16xi32>
    %and3A_113 = arith.andi %get3A_110, %and3A_112 : vector<16xi32>
    %swap3A_114 = arith.constant 2 : i32
    %swap3A_115 = arith.index_cast %swap3A_114 : i32 to index
    %swap3A_116 = arith.constant 0 : index
    %swap3A_117 = tpu.vector_load %arg6[%swap3A_115, %swap3A_116] {strides = array<i32>} : memref<8x32xi32, #tpu.memory_space<vmem>>, vector<1x16xi32>,
    %swap3A_118 = vector.shape_cast %swap3A_117 : vector<1x16xi32> to vector<16xi32>
    %swap3A_119 = vector.shape_cast %and3A_113 : vector<16xi32> to vector<1x16xi32>
    tpu.vector_store %arg6[%swap3A_115, %swap3A_116], %swap3A_119 {strides = array<i32>} : memref<8x32xi32, #tpu.memory_space<vmem>>, vector<1x16xi32>,
    %shift_right_logical3A_120 = arith.constant 16 : i32
    %shift_right_logical3A_121 = vector.broadcast %shift_right_logical3A_120 : i32 to vector<16xi32>
    %shift_right_logical3A_122 = arith.shrui %get3A_110, %shift_right_logical3A_121 : vector<16xi32>
    %swap3A_123 = arith.constant 2 : i32
    %swap3A_124 = arith.index_cast %swap3A_123 : i32 to index
    %swap3A_125 = arith.constant 0 : index
    %swap3A_126 = tpu.vector_load %arg7[%swap3A_124, %swap3A_125] {strides = array<i32>} : memref<8x32xi32, #tpu.memory_space<vmem>>, vector<1x16xi32>,
    %swap3A_127 = vector.shape_cast %swap3A_126 : vector<1x16xi32> to vector<16xi32>
    %swap3A_128 = vector.shape_cast %shift_right_logical3A_122 : vector<16xi32> to vector<1x16xi32>
    tpu.vector_store %arg7[%swap3A_124, %swap3A_125], %swap3A_128 {strides = array<i32>} : memref<8x32xi32, #tpu.memory_space<vmem>>, vector<1x16xi32>,
    %get3A_129 = arith.constant 80 : index
    %get3A_130 = tpu.vector_load %arg5[%get3A_129] {strides = array<i32>} : memref<10240xi32, #tpu.memory_space<vmem>>, vector<16xi32>,
    %get3A_131 = vector.shape_cast %get3A_130 : vector<16xi32> to vector<16xi32>
    %and3A_132 = arith.constant 65535 : i32
    %and3A_133 = vector.broadcast %and3A_132 : i32 to vector<16xi32>
    %and3A_134 = arith.andi %get3A_131, %and3A_133 : vector<16xi32>
    %swap3A_135 = arith.constant 2 : i32
    %swap3A_136 = arith.index_cast %swap3A_135 : i32 to index
    %swap3A_137 = arith.constant 16 : index
    %swap3A_138 = tpu.vector_load %arg6[%swap3A_136, %swap3A_137] {strides = array<i32>} : memref<8x32xi32, #tpu.memory_space<vmem>>, vector<1x16xi32>,
    %swap3A_139 = vector.shape_cast %swap3A_138 : vector<1x16xi32> to vector<16xi32>
    %swap3A_140 = vector.shape_cast %and3A_134 : vector<16xi32> to vector<1x16xi32>
    tpu.vector_store %arg6[%swap3A_136, %swap3A_137], %swap3A_140 {strides = array<i32>} : memref<8x32xi32, #tpu.memory_space<vmem>>, vector<1x16xi32>,
    %shift_right_logical3A_141 = arith.constant 16 : i32
    %shift_right_logical3A_142 = vector.broadcast %shift_right_logical3A_141 : i32 to vector<16xi32>
    %shift_right_logical3A_143 = arith.shrui %get3A_131, %shift_right_logical3A_142 : vector<16xi32>
    %swap3A_144 = arith.constant 2 : i32
    %swap3A_145 = arith.index_cast %swap3A_144 : i32 to index
    %swap3A_146 = arith.constant 16 : index
    %swap3A_147 = tpu.vector_load %arg7[%swap3A_145, %swap3A_146] {strides = array<i32>} : memref<8x32xi32, #tpu.memory_space<vmem>>, vector<1x16xi32>,
    %swap3A_148 = vector.shape_cast %swap3A_147 : vector<1x16xi32> to vector<16xi32>
    %swap3A_149 = vector.shape_cast %shift_right_logical3A_143 : vector<16xi32> to vector<1x16xi32>
    tpu.vector_store %arg7[%swap3A_145, %swap3A_146], %swap3A_149 {strides = array<i32>} : memref<8x32xi32, #tpu.memory_space<vmem>>, vector<1x16xi32>,
    %dma_start3A_150 = arith.constant 2 : i32
    %dma_start3A_151 = arith.constant 2 : i32
    %dma_start3A_152 = arith.constant 0 : i32
    %dma_start3A_153 = arith.constant 0 : i32
    %dma_start3A_154 = tpu.memref_slice %arg8[%dma_start3A_151, %dma_start3A_152, %dma_start3A_153] : memref<8x32x128xf32, #tpu.memory_space<vmem>> -> memref<1x32x128xf32, #tpu.memory_space<vmem>>
    %dma_start3A_155 = tpu.memref_squeeze %dma_start3A_154 : memref<1x32x128xf32, #tpu.memory_space<vmem>> -> memref<32x128xf32, #tpu.memory_space<vmem>>
    %dma_start3A_156 = arith.constant 0 : i32
    %dma_start3A_157 = tpu.memref_slice %arg6[%dma_start3A_150, %dma_start3A_156] : memref<8x32xi32, #tpu.memory_space<vmem>> -> memref<1x32xi32, #tpu.memory_space<vmem>>
    %dma_start3A_158 = tpu.memref_squeeze %dma_start3A_157 : memref<1x32xi32, #tpu.memory_space<vmem>> -> memref<32xi32, #tpu.memory_space<vmem>>
    %dma_start3A_159 = arith.constant 0 : i32
    %dma_start3A_160 = arith.constant 0 : i32
    %dma_start3A_161 = tpu.memref_slice %arg2[%dma_start3A_159, %dma_start3A_160] : memref<10112x128xf32, #tpu.memory_space<hbm>> -> memref<10112x128xf32, #tpu.memory_space<hbm>>
    tpu.enqueue_indirect_dma source(%dma_start3A_161 : memref<10112x128xf32, #tpu.memory_space<hbm>>) target(%dma_start3A_155 : memref<32x128xf32, #tpu.memory_space<vmem>>) offsets(%dma_start3A_158 : memref<32xi32, #tpu.memory_space<vmem>>) semaphore(%arg12 : memref<!tpu.dma_semaphore, #tpu.memory_space<semaphore_mem>>)
    %get3A_162 = arith.constant 96 : index
    %get3A_163 = tpu.vector_load %arg5[%get3A_162] {strides = array<i32>} : memref<10240xi32, #tpu.memory_space<vmem>>, vector<16xi32>,
    %get3A_164 = vector.shape_cast %get3A_163 : vector<16xi32> to vector<16xi32>
    %and3A_165 = arith.constant 65535 : i32
    %and3A_166 = vector.broadcast %and3A_165 : i32 to vector<16xi32>
    %and3A_167 = arith.andi %get3A_164, %and3A_166 : vector<16xi32>
    %swap3A_168 = arith.constant 3 : i32
    %swap3A_169 = arith.index_cast %swap3A_168 : i32 to index
    %swap3A_170 = arith.constant 0 : index
    %swap3A_171 = tpu.vector_load %arg6[%swap3A_169, %swap3A_170] {strides = array<i32>} : memref<8x32xi32, #tpu.memory_space<vmem>>, vector<1x16xi32>,
    %swap3A_172 = vector.shape_cast %swap3A_171 : vector<1x16xi32> to vector<16xi32>
    %swap3A_173 = vector.shape_cast %and3A_167 : vector<16xi32> to vector<1x16xi32>
    tpu.vector_store %arg6[%swap3A_169, %swap3A_170], %swap3A_173 {strides = array<i32>} : memref<8x32xi32, #tpu.memory_space<vmem>>, vector<1x16xi32>,
    %shift_right_logical3A_174 = arith.constant 16 : i32
    %shift_right_logical3A_175 = vector.broadcast %shift_right_logical3A_174 : i32 to vector<16xi32>
    %shift_right_logical3A_176 = arith.shrui %get3A_164, %shift_right_logical3A_175 : vector<16xi32>
    %swap3A_177 = arith.constant 3 : i32
    %swap3A_178 = arith.index_cast %swap3A_177 : i32 to index
    %swap3A_179 = arith.constant 0 : index
    %swap3A_180 = tpu.vector_load %arg7[%swap3A_178, %swap3A_179] {strides = array<i32>} : memref<8x32xi32, #tpu.memory_space<vmem>>, vector<1x16xi32>,
    %swap3A_181 = vector.shape_cast %swap3A_180 : vector<1x16xi32> to vector<16xi32>
    %swap3A_182 = vector.shape_cast %shift_right_logical3A_176 : vector<16xi32> to vector<1x16xi32>
    tpu.vector_store %arg7[%swap3A_178, %swap3A_179], %swap3A_182 {strides = array<i32>} : memref<8x32xi32, #tpu.memory_space<vmem>>, vector<1x16xi32>,
    %get3A_183 = arith.constant 112 : index
    %get3A_184 = tpu.vector_load %arg5[%get3A_183] {strides = array<i32>} : memref<10240xi32, #tpu.memory_space<vmem>>, vector<16xi32>,
    %get3A_185 = vector.shape_cast %get3A_184 : vector<16xi32> to vector<16xi32>
    %and3A_186 = arith.constant 65535 : i32
    %and3A_187 = vector.broadcast %and3A_186 : i32 to vector<16xi32>
    %and3A_188 = arith.andi %get3A_185, %and3A_187 : vector<16xi32>
    %swap3A_189 = arith.constant 3 : i32
    %swap3A_190 = arith.index_cast %swap3A_189 : i32 to index
    %swap3A_191 = arith.constant 16 : index
    %swap3A_192 = tpu.vector_load %arg6[%swap3A_190, %swap3A_191] {strides = array<i32>} : memref<8x32xi32, #tpu.memory_space<vmem>>, vector<1x16xi32>,
    %swap3A_193 = vector.shape_cast %swap3A_192 : vector<1x16xi32> to vector<16xi32>
    %swap3A_194 = vector.shape_cast %and3A_188 : vector<16xi32> to vector<1x16xi32>
    tpu.vector_store %arg6[%swap3A_190, %swap3A_191], %swap3A_194 {strides = array<i32>} : memref<8x32xi32, #tpu.memory_space<vmem>>, vector<1x16xi32>,
    %shift_right_logical3A_195 = arith.constant 16 : i32
    %shift_right_logical3A_196 = vector.broadcast %shift_right_logical3A_195 : i32 to vector<16xi32>
    %shift_right_logical3A_197 = arith.shrui %get3A_185, %shift_right_logical3A_196 : vector<16xi32>
    %swap3A_198 = arith.constant 3 : i32
    %swap3A_199 = arith.index_cast %swap3A_198 : i32 to index
    %swap3A_200 = arith.constant 16 : index
    %swap3A_201 = tpu.vector_load %arg7[%swap3A_199, %swap3A_200] {strides = array<i32>} : memref<8x32xi32, #tpu.memory_space<vmem>>, vector<1x16xi32>,
    %swap3A_202 = vector.shape_cast %swap3A_201 : vector<1x16xi32> to vector<16xi32>
    %swap3A_203 = vector.shape_cast %shift_right_logical3A_197 : vector<16xi32> to vector<1x16xi32>
    tpu.vector_store %arg7[%swap3A_199, %swap3A_200], %swap3A_203 {strides = array<i32>} : memref<8x32xi32, #tpu.memory_space<vmem>>, vector<1x16xi32>,
    %dma_start3A_204 = arith.constant 3 : i32
    %dma_start3A_205 = arith.constant 3 : i32
    %dma_start3A_206 = arith.constant 0 : i32
    %dma_start3A_207 = arith.constant 0 : i32
    %dma_start3A_208 = tpu.memref_slice %arg8[%dma_start3A_205, %dma_start3A_206, %dma_start3A_207] : memref<8x32x128xf32, #tpu.memory_space<vmem>> -> memref<1x32x128xf32, #tpu.memory_space<vmem>>
    %dma_start3A_209 = tpu.memref_squeeze %dma_start3A_208 : memref<1x32x128xf32, #tpu.memory_space<vmem>> -> memref<32x128xf32, #tpu.memory_space<vmem>>
    %dma_start3A_210 = arith.constant 0 : i32
    %dma_start3A_211 = tpu.memref_slice %arg6[%dma_start3A_204, %dma_start3A_210] : memref<8x32xi32, #tpu.memory_space<vmem>> -> memref<1x32xi32, #tpu.memory_space<vmem>>
    %dma_start3A_212 = tpu.memref_squeeze %dma_start3A_211 : memref<1x32xi32, #tpu.memory_space<vmem>> -> memref<32xi32, #tpu.memory_space<vmem>>
    %dma_start3A_213 = arith.constant 0 : i32
    %dma_start3A_214 = arith.constant 0 : i32
    %dma_start3A_215 = tpu.memref_slice %arg2[%dma_start3A_213, %dma_start3A_214] : memref<10112x128xf32, #tpu.memory_space<hbm>> -> memref<10112x128xf32, #tpu.memory_space<hbm>>
    tpu.enqueue_indirect_dma source(%dma_start3A_215 : memref<10112x128xf32, #tpu.memory_space<hbm>>) target(%dma_start3A_209 : memref<32x128xf32, #tpu.memory_space<vmem>>) offsets(%dma_start3A_212 : memref<32xi32, #tpu.memory_space<vmem>>) semaphore(%arg13 : memref<!tpu.dma_semaphore, #tpu.memory_space<semaphore_mem>>)
    %get3A_216 = arith.constant 128 : index
    %get3A_217 = tpu.vector_load %arg5[%get3A_216] {strides = array<i32>} : memref<10240xi32, #tpu.memory_space<vmem>>, vector<16xi32>,
    %get3A_218 = vector.shape_cast %get3A_217 : vector<16xi32> to vector<16xi32>
    %and3A_219 = arith.constant 65535 : i32
    %and3A_220 = vector.broadcast %and3A_219 : i32 to vector<16xi32>
    %and3A_221 = arith.andi %get3A_218, %and3A_220 : vector<16xi32>
    %swap3A_222 = arith.constant 4 : i32
    %swap3A_223 = arith.index_cast %swap3A_222 : i32 to index
    %swap3A_224 = arith.constant 0 : index
    %swap3A_225 = tpu.vector_load %arg6[%swap3A_223, %swap3A_224] {strides = array<i32>} : memref<8x32xi32, #tpu.memory_space<vmem>>, vector<1x16xi32>,
    %swap3A_226 = vector.shape_cast %swap3A_225 : vector<1x16xi32> to vector<16xi32>
    %swap3A_227 = vector.shape_cast %and3A_221 : vector<16xi32> to vector<1x16xi32>
    tpu.vector_store %arg6[%swap3A_223, %swap3A_224], %swap3A_227 {strides = array<i32>} : memref<8x32xi32, #tpu.memory_space<vmem>>, vector<1x16xi32>,
    %shift_right_logical3A_228 = arith.constant 16 : i32
    %shift_right_logical3A_229 = vector.broadcast %shift_right_logical3A_228 : i32 to vector<16xi32>
    %shift_right_logical3A_230 = arith.shrui %get3A_218, %shift_right_logical3A_229 : vector<16xi32>
    %swap3A_231 = arith.constant 4 : i32
    %swap3A_232 = arith.index_cast %swap3A_231 : i32 to index
    %swap3A_233 = arith.constant 0 : index
    %swap3A_234 = tpu.vector_load %arg7[%swap3A_232, %swap3A_233] {strides = array<i32>} : memref<8x32xi32, #tpu.memory_space<vmem>>, vector<1x16xi32>,
    %swap3A_235 = vector.shape_cast %swap3A_234 : vector<1x16xi32> to vector<16xi32>
    %swap3A_236 = vector.shape_cast %shift_right_logical3A_230 : vector<16xi32> to vector<1x16xi32>
    tpu.vector_store %arg7[%swap3A_232, %swap3A_233], %swap3A_236 {strides = array<i32>} : memref<8x32xi32, #tpu.memory_space<vmem>>, vector<1x16xi32>,
    %get3A_237 = arith.constant 144 : index
    %get3A_238 = tpu.vector_load %arg5[%get3A_237] {strides = array<i32>} : memref<10240xi32, #tpu.memory_space<vmem>>, vector<16xi32>,
    %get3A_239 = vector.shape_cast %get3A_238 : vector<16xi32> to vector<16xi32>
    %and3A_240 = arith.constant 65535 : i32
    %and3A_241 = vector.broadcast %and3A_240 : i32 to vector<16xi32>
    %and3A_242 = arith.andi %get3A_239, %and3A_241 : vector<16xi32>
    %swap3A_243 = arith.constant 4 : i32
    %swap3A_244 = arith.index_cast %swap3A_243 : i32 to index
    %swap3A_245 = arith.constant 16 : index
    %swap3A_246 = tpu.vector_load %arg6[%swap3A_244, %swap3A_245] {strides = array<i32>} : memref<8x32xi32, #tpu.memory_space<vmem>>, vector<1x16xi32>,
    %swap3A_247 = vector.shape_cast %swap3A_246 : vector<1x16xi32> to vector<16xi32>
    %swap3A_248 = vector.shape_cast %and3A_242 : vector<16xi32> to vector<1x16xi32>
    tpu.vector_store %arg6[%swap3A_244, %swap3A_245], %swap3A_248 {strides = array<i32>} : memref<8x32xi32, #tpu.memory_space<vmem>>, vector<1x16xi32>,
    %shift_right_logical3A_249 = arith.constant 16 : i32
    %shift_right_logical3A_250 = vector.broadcast %shift_right_logical3A_249 : i32 to vector<16xi32>
    %shift_right_logical3A_251 = arith.shrui %get3A_239, %shift_right_logical3A_250 : vector<16xi32>
    %swap3A_252 = arith.constant 4 : i32
    %swap3A_253 = arith.index_cast %swap3A_252 : i32 to index
    %swap3A_254 = arith.constant 16 : index
    %swap3A_255 = tpu.vector_load %arg7[%swap3A_253, %swap3A_254] {strides = array<i32>} : memref<8x32xi32, #tpu.memory_space<vmem>>, vector<1x16xi32>,
    %swap3A_256 = vector.shape_cast %swap3A_255 : vector<1x16xi32> to vector<16xi32>
    %swap3A_257 = vector.shape_cast %shift_right_logical3A_251 : vector<16xi32> to vector<1x16xi32>
    tpu.vector_store %arg7[%swap3A_253, %swap3A_254], %swap3A_257 {strides = array<i32>} : memref<8x32xi32, #tpu.memory_space<vmem>>, vector<1x16xi32>,
    %dma_start3A_258 = arith.constant 4 : i32
    %dma_start3A_259 = arith.constant 4 : i32
    %dma_start3A_260 = arith.constant 0 : i32
    %dma_start3A_261 = arith.constant 0 : i32
    %dma_start3A_262 = tpu.memref_slice %arg8[%dma_start3A_259, %dma_start3A_260, %dma_start3A_261] : memref<8x32x128xf32, #tpu.memory_space<vmem>> -> memref<1x32x128xf32, #tpu.memory_space<vmem>>
    %dma_start3A_263 = tpu.memref_squeeze %dma_start3A_262 : memref<1x32x128xf32, #tpu.memory_space<vmem>> -> memref<32x128xf32, #tpu.memory_space<vmem>>
    %dma_start3A_264 = arith.constant 0 : i32
    %dma_start3A_265 = tpu.memref_slice %arg6[%dma_start3A_258, %dma_start3A_264] : memref<8x32xi32, #tpu.memory_space<vmem>> -> memref<1x32xi32, #tpu.memory_space<vmem>>
    %dma_start3A_266 = tpu.memref_squeeze %dma_start3A_265 : memref<1x32xi32, #tpu.memory_space<vmem>> -> memref<32xi32, #tpu.memory_space<vmem>>
    %dma_start3A_267 = arith.constant 0 : i32
    %dma_start3A_268 = arith.constant 0 : i32
    %dma_start3A_269 = tpu.memref_slice %arg2[%dma_start3A_267, %dma_start3A_268] : memref<10112x128xf32, #tpu.memory_space<hbm>> -> memref<10112x128xf32, #tpu.memory_space<hbm>>
    tpu.enqueue_indirect_dma source(%dma_start3A_269 : memref<10112x128xf32, #tpu.memory_space<hbm>>) target(%dma_start3A_263 : memref<32x128xf32, #tpu.memory_space<vmem>>) offsets(%dma_start3A_266 : memref<32xi32, #tpu.memory_space<vmem>>) semaphore(%arg14 : memref<!tpu.dma_semaphore, #tpu.memory_space<semaphore_mem>>)
    %get3A_270 = arith.constant 160 : index
    %get3A_271 = tpu.vector_load %arg5[%get3A_270] {strides = array<i32>} : memref<10240xi32, #tpu.memory_space<vmem>>, vector<16xi32>,
    %get3A_272 = vector.shape_cast %get3A_271 : vector<16xi32> to vector<16xi32>
    %and3A_273 = arith.constant 65535 : i32
    %and3A_274 = vector.broadcast %and3A_273 : i32 to vector<16xi32>
    %and3A_275 = arith.andi %get3A_272, %and3A_274 : vector<16xi32>
    %swap3A_276 = arith.constant 5 : i32
    %swap3A_277 = arith.index_cast %swap3A_276 : i32 to index
    %swap3A_278 = arith.constant 0 : index
    %swap3A_279 = tpu.vector_load %arg6[%swap3A_277, %swap3A_278] {strides = array<i32>} : memref<8x32xi32, #tpu.memory_space<vmem>>, vector<1x16xi32>,
    %swap3A_280 = vector.shape_cast %swap3A_279 : vector<1x16xi32> to vector<16xi32>
    %swap3A_281 = vector.shape_cast %and3A_275 : vector<16xi32> to vector<1x16xi32>
    tpu.vector_store %arg6[%swap3A_277, %swap3A_278], %swap3A_281 {strides = array<i32>} : memref<8x32xi32, #tpu.memory_space<vmem>>, vector<1x16xi32>,
    %shift_right_logical3A_282 = arith.constant 16 : i32
    %shift_right_logical3A_283 = vector.broadcast %shift_right_logical3A_282 : i32 to vector<16xi32>
    %shift_right_logical3A_284 = arith.shrui %get3A_272, %shift_right_logical3A_283 : vector<16xi32>
    %swap3A_285 = arith.constant 5 : i32
    %swap3A_286 = arith.index_cast %swap3A_285 : i32 to index
    %swap3A_287 = arith.constant 0 : index
    %swap3A_288 = tpu.vector_load %arg7[%swap3A_286, %swap3A_287] {strides = array<i32>} : memref<8x32xi32, #tpu.memory_space<vmem>>, vector<1x16xi32>,
    %swap3A_289 = vector.shape_cast %swap3A_288 : vector<1x16xi32> to vector<16xi32>
    %swap3A_290 = vector.shape_cast %shift_right_logical3A_284 : vector<16xi32> to vector<1x16xi32>
    tpu.vector_store %arg7[%swap3A_286, %swap3A_287], %swap3A_290 {strides = array<i32>} : memref<8x32xi32, #tpu.memory_space<vmem>>, vector<1x16xi32>,
    %get3A_291 = arith.constant 176 : index
    %get3A_292 = tpu.vector_load %arg5[%get3A_291] {strides = array<i32>} : memref<10240xi32, #tpu.memory_space<vmem>>, vector<16xi32>,
    %get3A_293 = vector.shape_cast %get3A_292 : vector<16xi32> to vector<16xi32>
    %and3A_294 = arith.constant 65535 : i32
    %and3A_295 = vector.broadcast %and3A_294 : i32 to vector<16xi32>
    %and3A_296 = arith.andi %get3A_293, %and3A_295 : vector<16xi32>
    %swap3A_297 = arith.constant 5 : i32
    %swap3A_298 = arith.index_cast %swap3A_297 : i32 to index
    %swap3A_299 = arith.constant 16 : index
    %swap3A_300 = tpu.vector_load %arg6[%swap3A_298, %swap3A_299] {strides = array<i32>} : memref<8x32xi32, #tpu.memory_space<vmem>>, vector<1x16xi32>,
    %swap3A_301 = vector.shape_cast %swap3A_300 : vector<1x16xi32> to vector<16xi32>
    %swap3A_302 = vector.shape_cast %and3A_296 : vector<16xi32> to vector<1x16xi32>
    tpu.vector_store %arg6[%swap3A_298, %swap3A_299], %swap3A_302 {strides = array<i32>} : memref<8x32xi32, #tpu.memory_space<vmem>>, vector<1x16xi32>,
    %shift_right_logical3A_303 = arith.constant 16 : i32
    %shift_right_logical3A_304 = vector.broadcast %shift_right_logical3A_303 : i32 to vector<16xi32>
    %shift_right_logical3A_305 = arith.shrui %get3A_293, %shift_right_logical3A_304 : vector<16xi32>
    %swap3A_306 = arith.constant 5 : i32
    %swap3A_307 = arith.index_cast %swap3A_306 : i32 to index
    %swap3A_308 = arith.constant 16 : index
    %swap3A_309 = tpu.vector_load %arg7[%swap3A_307, %swap3A_308] {strides = array<i32>} : memref<8x32xi32, #tpu.memory_space<vmem>>, vector<1x16xi32>,
    %swap3A_310 = vector.shape_cast %swap3A_309 : vector<1x16xi32> to vector<16xi32>
    %swap3A_311 = vector.shape_cast %shift_right_logical3A_305 : vector<16xi32> to vector<1x16xi32>
    tpu.vector_store %arg7[%swap3A_307, %swap3A_308], %swap3A_311 {strides = array<i32>} : memref<8x32xi32, #tpu.memory_space<vmem>>, vector<1x16xi32>,
    %dma_start3A_312 = arith.constant 5 : i32
    %dma_start3A_313 = arith.constant 5 : i32
    %dma_start3A_314 = arith.constant 0 : i32
    %dma_start3A_315 = arith.constant 0 : i32
    %dma_start3A_316 = tpu.memref_slice %arg8[%dma_start3A_313, %dma_start3A_314, %dma_start3A_315] : memref<8x32x128xf32, #tpu.memory_space<vmem>> -> memref<1x32x128xf32, #tpu.memory_space<vmem>>
    %dma_start3A_317 = tpu.memref_squeeze %dma_start3A_316 : memref<1x32x128xf32, #tpu.memory_space<vmem>> -> memref<32x128xf32, #tpu.memory_space<vmem>>
    %dma_start3A_318 = arith.constant 0 : i32
    %dma_start3A_319 = tpu.memref_slice %arg6[%dma_start3A_312, %dma_start3A_318] : memref<8x32xi32, #tpu.memory_space<vmem>> -> memref<1x32xi32, #tpu.memory_space<vmem>>
    %dma_start3A_320 = tpu.memref_squeeze %dma_start3A_319 : memref<1x32xi32, #tpu.memory_space<vmem>> -> memref<32xi32, #tpu.memory_space<vmem>>
    %dma_start3A_321 = arith.constant 0 : i32
    %dma_start3A_322 = arith.constant 0 : i32
    %dma_start3A_323 = tpu.memref_slice %arg2[%dma_start3A_321, %dma_start3A_322] : memref<10112x128xf32, #tpu.memory_space<hbm>> -> memref<10112x128xf32, #tpu.memory_space<hbm>>
    tpu.enqueue_indirect_dma source(%dma_start3A_323 : memref<10112x128xf32, #tpu.memory_space<hbm>>) target(%dma_start3A_317 : memref<32x128xf32, #tpu.memory_space<vmem>>) offsets(%dma_start3A_320 : memref<32xi32, #tpu.memory_space<vmem>>) semaphore(%arg15 : memref<!tpu.dma_semaphore, #tpu.memory_space<semaphore_mem>>)
    %get3A_324 = arith.constant 192 : index
    %get3A_325 = tpu.vector_load %arg5[%get3A_324] {strides = array<i32>} : memref<10240xi32, #tpu.memory_space<vmem>>, vector<16xi32>,
    %get3A_326 = vector.shape_cast %get3A_325 : vector<16xi32> to vector<16xi32>
    %and3A_327 = arith.constant 65535 : i32
    %and3A_328 = vector.broadcast %and3A_327 : i32 to vector<16xi32>
    %and3A_329 = arith.andi %get3A_326, %and3A_328 : vector<16xi32>
    %swap3A_330 = arith.constant 6 : i32
    %swap3A_331 = arith.index_cast %swap3A_330 : i32 to index
    %swap3A_332 = arith.constant 0 : index
    %swap3A_333 = tpu.vector_load %arg6[%swap3A_331, %swap3A_332] {strides = array<i32>} : memref<8x32xi32, #tpu.memory_space<vmem>>, vector<1x16xi32>,
    %swap3A_334 = vector.shape_cast %swap3A_333 : vector<1x16xi32> to vector<16xi32>
    %swap3A_335 = vector.shape_cast %and3A_329 : vector<16xi32> to vector<1x16xi32>
    tpu.vector_store %arg6[%swap3A_331, %swap3A_332], %swap3A_335 {strides = array<i32>} : memref<8x32xi32, #tpu.memory_space<vmem>>, vector<1x16xi32>,
    %shift_right_logical3A_336 = arith.constant 16 : i32
    %shift_right_logical3A_337 = vector.broadcast %shift_right_logical3A_336 : i32 to vector<16xi32>
    %shift_right_logical3A_338 = arith.shrui %get3A_326, %shift_right_logical3A_337 : vector<16xi32>
    %swap3A_339 = arith.constant 6 : i32
    %swap3A_340 = arith.index_cast %swap3A_339 : i32 to index
    %swap3A_341 = arith.constant 0 : index
    %swap3A_342 = tpu.vector_load %arg7[%swap3A_340, %swap3A_341] {strides = array<i32>} : memref<8x32xi32, #tpu.memory_space<vmem>>, vector<1x16xi32>,
    %swap3A_343 = vector.shape_cast %swap3A_342 : vector<1x16xi32> to vector<16xi32>
    %swap3A_344 = vector.shape_cast %shift_right_logical3A_338 : vector<16xi32> to vector<1x16xi32>
    tpu.vector_store %arg7[%swap3A_340, %swap3A_341], %swap3A_344 {strides = array<i32>} : memref<8x32xi32, #tpu.memory_space<vmem>>, vector<1x16xi32>,
    %get3A_345 = arith.constant 208 : index
    %get3A_346 = tpu.vector_load %arg5[%get3A_345] {strides = array<i32>} : memref<10240xi32, #tpu.memory_space<vmem>>, vector<16xi32>,
    %get3A_347 = vector.shape_cast %get3A_346 : vector<16xi32> to vector<16xi32>
    %and3A_348 = arith.constant 65535 : i32
    %and3A_349 = vector.broadcast %and3A_348 : i32 to vector<16xi32>
    %and3A_350 = arith.andi %get3A_347, %and3A_349 : vector<16xi32>
    %swap3A_351 = arith.constant 6 : i32
    %swap3A_352 = arith.index_cast %swap3A_351 : i32 to index
    %swap3A_353 = arith.constant 16 : index
    %swap3A_354 = tpu.vector_load %arg6[%swap3A_352, %swap3A_353] {strides = array<i32>} : memref<8x32xi32, #tpu.memory_space<vmem>>, vector<1x16xi32>,
    %swap3A_355 = vector.shape_cast %swap3A_354 : vector<1x16xi32> to vector<16xi32>
    %swap3A_356 = vector.shape_cast %and3A_350 : vector<16xi32> to vector<1x16xi32>
    tpu.vector_store %arg6[%swap3A_352, %swap3A_353], %swap3A_356 {strides = array<i32>} : memref<8x32xi32, #tpu.memory_space<vmem>>, vector<1x16xi32>,
    %shift_right_logical3A_357 = arith.constant 16 : i32
    %shift_right_logical3A_358 = vector.broadcast %shift_right_logical3A_357 : i32 to vector<16xi32>
    %shift_right_logical3A_359 = arith.shrui %get3A_347, %shift_right_logical3A_358 : vector<16xi32>
    %swap3A_360 = arith.constant 6 : i32
    %swap3A_361 = arith.index_cast %swap3A_360 : i32 to index
    %swap3A_362 = arith.constant 16 : index
    %swap3A_363 = tpu.vector_load %arg7[%swap3A_361, %swap3A_362] {strides = array<i32>} : memref<8x32xi32, #tpu.memory_space<vmem>>, vector<1x16xi32>,
    %swap3A_364 = vector.shape_cast %swap3A_363 : vector<1x16xi32> to vector<16xi32>
    %swap3A_365 = vector.shape_cast %shift_right_logical3A_359 : vector<16xi32> to vector<1x16xi32>
    tpu.vector_store %arg7[%swap3A_361, %swap3A_362], %swap3A_365 {strides = array<i32>} : memref<8x32xi32, #tpu.memory_space<vmem>>, vector<1x16xi32>,
    %dma_start3A_366 = arith.constant 6 : i32
    %dma_start3A_367 = arith.constant 6 : i32
    %dma_start3A_368 = arith.constant 0 : i32
    %dma_start3A_369 = arith.constant 0 : i32
    %dma_start3A_370 = tpu.memref_slice %arg8[%dma_start3A_367, %dma_start3A_368, %dma_start3A_369] : memref<8x32x128xf32, #tpu.memory_space<vmem>> -> memref<1x32x128xf32, #tpu.memory_space<vmem>>
    %dma_start3A_371 = tpu.memref_squeeze %dma_start3A_370 : memref<1x32x128xf32, #tpu.memory_space<vmem>> -> memref<32x128xf32, #tpu.memory_space<vmem>>
    %dma_start3A_372 = arith.constant 0 : i32
    %dma_start3A_373 = tpu.memref_slice %arg6[%dma_start3A_366, %dma_start3A_372] : memref<8x32xi32, #tpu.memory_space<vmem>> -> memref<1x32xi32, #tpu.memory_space<vmem>>
    %dma_start3A_374 = tpu.memref_squeeze %dma_start3A_373 : memref<1x32xi32, #tpu.memory_space<vmem>> -> memref<32xi32, #tpu.memory_space<vmem>>
    %dma_start3A_375 = arith.constant 0 : i32
    %dma_start3A_376 = arith.constant 0 : i32
    %dma_start3A_377 = tpu.memref_slice %arg2[%dma_start3A_375, %dma_start3A_376] : memref<10112x128xf32, #tpu.memory_space<hbm>> -> memref<10112x128xf32, #tpu.memory_space<hbm>>
    tpu.enqueue_indirect_dma source(%dma_start3A_377 : memref<10112x128xf32, #tpu.memory_space<hbm>>) target(%dma_start3A_371 : memref<32x128xf32, #tpu.memory_space<vmem>>) offsets(%dma_start3A_374 : memref<32xi32, #tpu.memory_space<vmem>>) semaphore(%arg16 : memref<!tpu.dma_semaphore, #tpu.memory_space<semaphore_mem>>)
    %get3A_378 = arith.constant 224 : index
    %get3A_379 = tpu.vector_load %arg5[%get3A_378] {strides = array<i32>} : memref<10240xi32, #tpu.memory_space<vmem>>, vector<16xi32>,
    %get3A_380 = vector.shape_cast %get3A_379 : vector<16xi32> to vector<16xi32>
    %and3A_381 = arith.constant 65535 : i32
    %and3A_382 = vector.broadcast %and3A_381 : i32 to vector<16xi32>
    %and3A_383 = arith.andi %get3A_380, %and3A_382 : vector<16xi32>
    %swap3A_384 = arith.constant 7 : i32
    %swap3A_385 = arith.index_cast %swap3A_384 : i32 to index
    %swap3A_386 = arith.constant 0 : index
    %swap3A_387 = tpu.vector_load %arg6[%swap3A_385, %swap3A_386] {strides = array<i32>} : memref<8x32xi32, #tpu.memory_space<vmem>>, vector<1x16xi32>,
    %swap3A_388 = vector.shape_cast %swap3A_387 : vector<1x16xi32> to vector<16xi32>
    %swap3A_389 = vector.shape_cast %and3A_383 : vector<16xi32> to vector<1x16xi32>
    tpu.vector_store %arg6[%swap3A_385, %swap3A_386], %swap3A_389 {strides = array<i32>} : memref<8x32xi32, #tpu.memory_space<vmem>>, vector<1x16xi32>,
    %shift_right_logical3A_390 = arith.constant 16 : i32
    %shift_right_logical3A_391 = vector.broadcast %shift_right_logical3A_390 : i32 to vector<16xi32>
    %shift_right_logical3A_392 = arith.shrui %get3A_380, %shift_right_logical3A_391 : vector<16xi32>
    %swap3A_393 = arith.constant 7 : i32
    %swap3A_394 = arith.index_cast %swap3A_393 : i32 to index
    %swap3A_395 = arith.constant 0 : index
    %swap3A_396 = tpu.vector_load %arg7[%swap3A_394, %swap3A_395] {strides = array<i32>} : memref<8x32xi32, #tpu.memory_space<vmem>>, vector<1x16xi32>,
    %swap3A_397 = vector.shape_cast %swap3A_396 : vector<1x16xi32> to vector<16xi32>
    %swap3A_398 = vector.shape_cast %shift_right_logical3A_392 : vector<16xi32> to vector<1x16xi32>
    tpu.vector_store %arg7[%swap3A_394, %swap3A_395], %swap3A_398 {strides = array<i32>} : memref<8x32xi32, #tpu.memory_space<vmem>>, vector<1x16xi32>,
    %get3A_399 = arith.constant 240 : index
    %get3A_400 = tpu.vector_load %arg5[%get3A_399] {strides = array<i32>} : memref<10240xi32, #tpu.memory_space<vmem>>, vector<16xi32>,
    %get3A_401 = vector.shape_cast %get3A_400 : vector<16xi32> to vector<16xi32>
    %and3A_402 = arith.constant 65535 : i32
    %and3A_403 = vector.broadcast %and3A_402 : i32 to vector<16xi32>
    %and3A_404 = arith.andi %get3A_401, %and3A_403 : vector<16xi32>
    %swap3A_405 = arith.constant 7 : i32
    %swap3A_406 = arith.index_cast %swap3A_405 : i32 to index
    %swap3A_407 = arith.constant 16 : index
    %swap3A_408 = tpu.vector_load %arg6[%swap3A_406, %swap3A_407] {strides = array<i32>} : memref<8x32xi32, #tpu.memory_space<vmem>>, vector<1x16xi32>,
    %swap3A_409 = vector.shape_cast %swap3A_408 : vector<1x16xi32> to vector<16xi32>
    %swap3A_410 = vector.shape_cast %and3A_404 : vector<16xi32> to vector<1x16xi32>
    tpu.vector_store %arg6[%swap3A_406, %swap3A_407], %swap3A_410 {strides = array<i32>} : memref<8x32xi32, #tpu.memory_space<vmem>>, vector<1x16xi32>,
    %shift_right_logical3A_411 = arith.constant 16 : i32
    %shift_right_logical3A_412 = vector.broadcast %shift_right_logical3A_411 : i32 to vector<16xi32>
    %shift_right_logical3A_413 = arith.shrui %get3A_401, %shift_right_logical3A_412 : vector<16xi32>
    %swap3A_414 = arith.constant 7 : i32
    %swap3A_415 = arith.index_cast %swap3A_414 : i32 to index
    %swap3A_416 = arith.constant 16 : index
    %swap3A_417 = tpu.vector_load %arg7[%swap3A_415, %swap3A_416] {strides = array<i32>} : memref<8x32xi32, #tpu.memory_space<vmem>>, vector<1x16xi32>,
    %swap3A_418 = vector.shape_cast %swap3A_417 : vector<1x16xi32> to vector<16xi32>
    %swap3A_419 = vector.shape_cast %shift_right_logical3A_413 : vector<16xi32> to vector<1x16xi32>
    tpu.vector_store %arg7[%swap3A_415, %swap3A_416], %swap3A_419 {strides = array<i32>} : memref<8x32xi32, #tpu.memory_space<vmem>>, vector<1x16xi32>,
    %dma_start3A_420 = arith.constant 7 : i32
    %dma_start3A_421 = arith.constant 7 : i32
    %dma_start3A_422 = arith.constant 0 : i32
    %dma_start3A_423 = arith.constant 0 : i32
    %dma_start3A_424 = tpu.memref_slice %arg8[%dma_start3A_421, %dma_start3A_422, %dma_start3A_423] : memref<8x32x128xf32, #tpu.memory_space<vmem>> -> memref<1x32x128xf32, #tpu.memory_space<vmem>>
    %dma_start3A_425 = tpu.memref_squeeze %dma_start3A_424 : memref<1x32x128xf32, #tpu.memory_space<vmem>> -> memref<32x128xf32, #tpu.memory_space<vmem>>
    %dma_start3A_426 = arith.constant 0 : i32
    %dma_start3A_427 = tpu.memref_slice %arg6[%dma_start3A_420, %dma_start3A_426] : memref<8x32xi32, #tpu.memory_space<vmem>> -> memref<1x32xi32, #tpu.memory_space<vmem>>
    %dma_start3A_428 = tpu.memref_squeeze %dma_start3A_427 : memref<1x32xi32, #tpu.memory_space<vmem>> -> memref<32xi32, #tpu.memory_space<vmem>>
    %dma_start3A_429 = arith.constant 0 : i32
    %dma_start3A_430 = arith.constant 0 : i32
    %dma_start3A_431 = tpu.memref_slice %arg2[%dma_start3A_429, %dma_start3A_430] : memref<10112x128xf32, #tpu.memory_space<hbm>> -> memref<10112x128xf32, #tpu.memory_space<hbm>>
    tpu.enqueue_indirect_dma source(%dma_start3A_431 : memref<10112x128xf32, #tpu.memory_space<hbm>>) target(%dma_start3A_425 : memref<32x128xf32, #tpu.memory_space<vmem>>) offsets(%dma_start3A_428 : memref<32xi32, #tpu.memory_space<vmem>>) semaphore(%arg17 : memref<!tpu.dma_semaphore, #tpu.memory_space<semaphore_mem>>)
    %barrier3A = arith.constant 0 : index
    tpu.barrier barrier_id(%barrier3A)
    %scan3A = arith.constant 0 : i32
    %scan3A_432 = arith.constant 0 : i32
    %scan3A_433 = arith.constant 40 : i32
    %scan3A_434 = arith.addi %scan3A_432, %scan3A_433 : i32
    %scan3A_435 = arith.constant 1 : i32
    scf.for %scan3A_533 = %scan3A_432 to %scan3A_434 step %scan3A_435  : i32 {
      %dma_wait3A_534 = arith.constant 0 : i32
      %dma_wait3A_535 = arith.constant 0 : i32
      %dma_wait3A_536 = arith.constant 0 : i32
      %dma_wait3A_537 = arith.constant 0 : i32
      %dma_wait3A_538 = tpu.memref_slice %arg8[%dma_wait3A_535, %dma_wait3A_536, %dma_wait3A_537] : memref<8x32x128xf32, #tpu.memory_space<vmem>> -> memref<1x32x128xf32, #tpu.memory_space<vmem>>
      %dma_wait3A_539 = tpu.memref_squeeze %dma_wait3A_538 : memref<1x32x128xf32, #tpu.memory_space<vmem>> -> memref<32x128xf32, #tpu.memory_space<vmem>>
      %dma_wait3A_540 = arith.constant 0 : i32
      %dma_wait3A_541 = tpu.memref_slice %arg6[%dma_wait3A_534, %dma_wait3A_540] : memref<8x32xi32, #tpu.memory_space<vmem>> -> memref<1x32xi32, #tpu.memory_space<vmem>>
      %dma_wait3A_542 = tpu.memref_squeeze %dma_wait3A_541 : memref<1x32xi32, #tpu.memory_space<vmem>> -> memref<32xi32, #tpu.memory_space<vmem>>
      %dma_wait3A_543 = arith.constant 0 : i32
      %dma_wait3A_544 = arith.constant 0 : i32
      %dma_wait3A_545 = tpu.memref_slice %arg2[%dma_wait3A_543, %dma_wait3A_544] : memref<10112x128xf32, #tpu.memory_space<hbm>> -> memref<10112x128xf32, #tpu.memory_space<hbm>>
      tpu.wait_indirect_dma semaphore(%arg10 : memref<!tpu.dma_semaphore, #tpu.memory_space<semaphore_mem>>) src(%dma_wait3A_545 : memref<10112x128xf32, #tpu.memory_space<hbm>>) dst(%dma_wait3A_539 : memref<32x128xf32, #tpu.memory_space<vmem>>)
      %dma_start3A_546 = arith.constant 0 : i32
      %dma_start3A_547 = arith.constant 0 : i32
      %dma_start3A_548 = arith.constant 0 : i32
      %dma_start3A_549 = arith.constant 0 : i32
      %dma_start3A_550 = tpu.memref_slice %arg8[%dma_start3A_546, %dma_start3A_548, %dma_start3A_549] : memref<8x32x128xf32, #tpu.memory_space<vmem>> -> memref<1x32x128xf32, #tpu.memory_space<vmem>>
      %dma_start3A_551 = tpu.memref_squeeze %dma_start3A_550 : memref<1x32x128xf32, #tpu.memory_space<vmem>> -> memref<32x128xf32, #tpu.memory_space<vmem>>
      %dma_start3A_552 = arith.constant 0 : i32
      %dma_start3A_553 = tpu.memref_slice %arg7[%dma_start3A_547, %dma_start3A_552] : memref<8x32xi32, #tpu.memory_space<vmem>> -> memref<1x32xi32, #tpu.memory_space<vmem>>
      %dma_start3A_554 = tpu.memref_squeeze %dma_start3A_553 : memref<1x32xi32, #tpu.memory_space<vmem>> -> memref<32xi32, #tpu.memory_space<vmem>>
      %dma_start3A_555 = arith.constant 0 : i32
      %dma_start3A_556 = arith.constant 0 : i32
      %dma_start3A_557 = tpu.memref_slice %arg9[%dma_start3A_555, %dma_start3A_556] : memref<10112x128xf32, #tpu.memory_space<vmem_shared>> -> memref<10112x128xf32, #tpu.memory_space<vmem_shared>>
      tpu.enqueue_indirect_dma source(%dma_start3A_551 : memref<32x128xf32, #tpu.memory_space<vmem>>) target(%dma_start3A_557 : memref<10112x128xf32, #tpu.memory_space<vmem_shared>>) offsets(%dma_start3A_554 : memref<32xi32, #tpu.memory_space<vmem>>) semaphore(%arg18 : memref<!tpu.dma_semaphore, #tpu.memory_space<semaphore_mem>>) {add = true}
      %dma_wait3A_558 = arith.constant 1 : i32
      %dma_wait3A_559 = arith.constant 1 : i32
      %dma_wait3A_560 = arith.constant 0 : i32
      %dma_wait3A_561 = arith.constant 0 : i32
      %dma_wait3A_562 = tpu.memref_slice %arg8[%dma_wait3A_559, %dma_wait3A_560, %dma_wait3A_561] : memref<8x32x128xf32, #tpu.memory_space<vmem>> -> memref<1x32x128xf32, #tpu.memory_space<vmem>>
      %dma_wait3A_563 = tpu.memref_squeeze %dma_wait3A_562 : memref<1x32x128xf32, #tpu.memory_space<vmem>> -> memref<32x128xf32, #tpu.memory_space<vmem>>
      %dma_wait3A_564 = arith.constant 0 : i32
      %dma_wait3A_565 = tpu.memref_slice %arg6[%dma_wait3A_558, %dma_wait3A_564] : memref<8x32xi32, #tpu.memory_space<vmem>> -> memref<1x32xi32, #tpu.memory_space<vmem>>
      %dma_wait3A_566 = tpu.memref_squeeze %dma_wait3A_565 : memref<1x32xi32, #tpu.memory_space<vmem>> -> memref<32xi32, #tpu.memory_space<vmem>>
      %dma_wait3A_567 = arith.constant 0 : i32
      %dma_wait3A_568 = arith.constant 0 : i32
      %dma_wait3A_569 = tpu.memref_slice %arg2[%dma_wait3A_567, %dma_wait3A_568] : memref<10112x128xf32, #tpu.memory_space<hbm>> -> memref<10112x128xf32, #tpu.memory_space<hbm>>
      tpu.wait_indirect_dma semaphore(%arg11 : memref<!tpu.dma_semaphore, #tpu.memory_space<semaphore_mem>>) src(%dma_wait3A_569 : memref<10112x128xf32, #tpu.memory_space<hbm>>) dst(%dma_wait3A_563 : memref<32x128xf32, #tpu.memory_space<vmem>>)
      %dma_start3A_570 = arith.constant 1 : i32
      %dma_start3A_571 = arith.constant 1 : i32
      %dma_start3A_572 = arith.constant 0 : i32
      %dma_start3A_573 = arith.constant 0 : i32
      %dma_start3A_574 = tpu.memref_slice %arg8[%dma_start3A_570, %dma_start3A_572, %dma_start3A_573] : memref<8x32x128xf32, #tpu.memory_space<vmem>> -> memref<1x32x128xf32, #tpu.memory_space<vmem>>
      %dma_start3A_575 = tpu.memref_squeeze %dma_start3A_574 : memref<1x32x128xf32, #tpu.memory_space<vmem>> -> memref<32x128xf32, #tpu.memory_space<vmem>>
      %dma_start3A_576 = arith.constant 0 : i32
      %dma_start3A_577 = tpu.memref_slice %arg7[%dma_start3A_571, %dma_start3A_576] : memref<8x32xi32, #tpu.memory_space<vmem>> -> memref<1x32xi32, #tpu.memory_space<vmem>>
      %dma_start3A_578 = tpu.memref_squeeze %dma_start3A_577 : memref<1x32xi32, #tpu.memory_space<vmem>> -> memref<32xi32, #tpu.memory_space<vmem>>
      %dma_start3A_579 = arith.constant 0 : i32
      %dma_start3A_580 = arith.constant 0 : i32
      %dma_start3A_581 = tpu.memref_slice %arg9[%dma_start3A_579, %dma_start3A_580] : memref<10112x128xf32, #tpu.memory_space<vmem_shared>> -> memref<10112x128xf32, #tpu.memory_space<vmem_shared>>
      tpu.enqueue_indirect_dma source(%dma_start3A_575 : memref<32x128xf32, #tpu.memory_space<vmem>>) target(%dma_start3A_581 : memref<10112x128xf32, #tpu.memory_space<vmem_shared>>) offsets(%dma_start3A_578 : memref<32xi32, #tpu.memory_space<vmem>>) semaphore(%arg19 : memref<!tpu.dma_semaphore, #tpu.memory_space<semaphore_mem>>) {add = true}
      %dma_wait3A_582 = arith.constant 2 : i32
      %dma_wait3A_583 = arith.constant 2 : i32
      %dma_wait3A_584 = arith.constant 0 : i32
      %dma_wait3A_585 = arith.constant 0 : i32
      %dma_wait3A_586 = tpu.memref_slice %arg8[%dma_wait3A_583, %dma_wait3A_584, %dma_wait3A_585] : memref<8x32x128xf32, #tpu.memory_space<vmem>> -> memref<1x32x128xf32, #tpu.memory_space<vmem>>
      %dma_wait3A_587 = tpu.memref_squeeze %dma_wait3A_586 : memref<1x32x128xf32, #tpu.memory_space<vmem>> -> memref<32x128xf32, #tpu.memory_space<vmem>>
      %dma_wait3A_588 = arith.constant 0 : i32
      %dma_wait3A_589 = tpu.memref_slice %arg6[%dma_wait3A_582, %dma_wait3A_588] : memref<8x32xi32, #tpu.memory_space<vmem>> -> memref<1x32xi32, #tpu.memory_space<vmem>>
      %dma_wait3A_590 = tpu.memref_squeeze %dma_wait3A_589 : memref<1x32xi32, #tpu.memory_space<vmem>> -> memref<32xi32, #tpu.memory_space<vmem>>
      %dma_wait3A_591 = arith.constant 0 : i32
      %dma_wait3A_592 = arith.constant 0 : i32
      %dma_wait3A_593 = tpu.memref_slice %arg2[%dma_wait3A_591, %dma_wait3A_592] : memref<10112x128xf32, #tpu.memory_space<hbm>> -> memref<10112x128xf32, #tpu.memory_space<hbm>>
      tpu.wait_indirect_dma semaphore(%arg12 : memref<!tpu.dma_semaphore, #tpu.memory_space<semaphore_mem>>) src(%dma_wait3A_593 : memref<10112x128xf32, #tpu.memory_space<hbm>>) dst(%dma_wait3A_587 : memref<32x128xf32, #tpu.memory_space<vmem>>)
      %dma_start3A_594 = arith.constant 2 : i32
      %dma_start3A_595 = arith.constant 2 : i32
      %dma_start3A_596 = arith.constant 0 : i32
      %dma_start3A_597 = arith.constant 0 : i32
      %dma_start3A_598 = tpu.memref_slice %arg8[%dma_start3A_594, %dma_start3A_596, %dma_start3A_597] : memref<8x32x128xf32, #tpu.memory_space<vmem>> -> memref<1x32x128xf32, #tpu.memory_space<vmem>>
      %dma_start3A_599 = tpu.memref_squeeze %dma_start3A_598 : memref<1x32x128xf32, #tpu.memory_space<vmem>> -> memref<32x128xf32, #tpu.memory_space<vmem>>
      %dma_start3A_600 = arith.constant 0 : i32
      %dma_start3A_601 = tpu.memref_slice %arg7[%dma_start3A_595, %dma_start3A_600] : memref<8x32xi32, #tpu.memory_space<vmem>> -> memref<1x32xi32, #tpu.memory_space<vmem>>
      %dma_start3A_602 = tpu.memref_squeeze %dma_start3A_601 : memref<1x32xi32, #tpu.memory_space<vmem>> -> memref<32xi32, #tpu.memory_space<vmem>>
      %dma_start3A_603 = arith.constant 0 : i32
      %dma_start3A_604 = arith.constant 0 : i32
      %dma_start3A_605 = tpu.memref_slice %arg9[%dma_start3A_603, %dma_start3A_604] : memref<10112x128xf32, #tpu.memory_space<vmem_shared>> -> memref<10112x128xf32, #tpu.memory_space<vmem_shared>>
      tpu.enqueue_indirect_dma source(%dma_start3A_599 : memref<32x128xf32, #tpu.memory_space<vmem>>) target(%dma_start3A_605 : memref<10112x128xf32, #tpu.memory_space<vmem_shared>>) offsets(%dma_start3A_602 : memref<32xi32, #tpu.memory_space<vmem>>) semaphore(%arg20 : memref<!tpu.dma_semaphore, #tpu.memory_space<semaphore_mem>>) {add = true}
      %dma_wait3A_606 = arith.constant 3 : i32
      %dma_wait3A_607 = arith.constant 3 : i32
      %dma_wait3A_608 = arith.constant 0 : i32
      %dma_wait3A_609 = arith.constant 0 : i32
      %dma_wait3A_610 = tpu.memref_slice %arg8[%dma_wait3A_607, %dma_wait3A_608, %dma_wait3A_609] : memref<8x32x128xf32, #tpu.memory_space<vmem>> -> memref<1x32x128xf32, #tpu.memory_space<vmem>>
      %dma_wait3A_611 = tpu.memref_squeeze %dma_wait3A_610 : memref<1x32x128xf32, #tpu.memory_space<vmem>> -> memref<32x128xf32, #tpu.memory_space<vmem>>
      %dma_wait3A_612 = arith.constant 0 : i32
      %dma_wait3A_613 = tpu.memref_slice %arg6[%dma_wait3A_606, %dma_wait3A_612] : memref<8x32xi32, #tpu.memory_space<vmem>> -> memref<1x32xi32, #tpu.memory_space<vmem>>
      %dma_wait3A_614 = tpu.memref_squeeze %dma_wait3A_613 : memref<1x32xi32, #tpu.memory_space<vmem>> -> memref<32xi32, #tpu.memory_space<vmem>>
      %dma_wait3A_615 = arith.constant 0 : i32
      %dma_wait3A_616 = arith.constant 0 : i32
      %dma_wait3A_617 = tpu.memref_slice %arg2[%dma_wait3A_615, %dma_wait3A_616] : memref<10112x128xf32, #tpu.memory_space<hbm>> -> memref<10112x128xf32, #tpu.memory_space<hbm>>
      tpu.wait_indirect_dma semaphore(%arg13 : memref<!tpu.dma_semaphore, #tpu.memory_space<semaphore_mem>>) src(%dma_wait3A_617 : memref<10112x128xf32, #tpu.memory_space<hbm>>) dst(%dma_wait3A_611 : memref<32x128xf32, #tpu.memory_space<vmem>>)
      %dma_start3A_618 = arith.constant 3 : i32
      %dma_start3A_619 = arith.constant 3 : i32
      %dma_start3A_620 = arith.constant 0 : i32
      %dma_start3A_621 = arith.constant 0 : i32
      %dma_start3A_622 = tpu.memref_slice %arg8[%dma_start3A_618, %dma_start3A_620, %dma_start3A_621] : memref<8x32x128xf32, #tpu.memory_space<vmem>> -> memref<1x32x128xf32, #tpu.memory_space<vmem>>
      %dma_start3A_623 = tpu.memref_squeeze %dma_start3A_622 : memref<1x32x128xf32, #tpu.memory_space<vmem>> -> memref<32x128xf32, #tpu.memory_space<vmem>>
      %dma_start3A_624 = arith.constant 0 : i32
      %dma_start3A_625 = tpu.memref_slice %arg7[%dma_start3A_619, %dma_start3A_624] : memref<8x32xi32, #tpu.memory_space<vmem>> -> memref<1x32xi32, #tpu.memory_space<vmem>>
      %dma_start3A_626 = tpu.memref_squeeze %dma_start3A_625 : memref<1x32xi32, #tpu.memory_space<vmem>> -> memref<32xi32, #tpu.memory_space<vmem>>
      %dma_start3A_627 = arith.constant 0 : i32
      %dma_start3A_628 = arith.constant 0 : i32
      %dma_start3A_629 = tpu.memref_slice %arg9[%dma_start3A_627, %dma_start3A_628] : memref<10112x128xf32, #tpu.memory_space<vmem_shared>> -> memref<10112x128xf32, #tpu.memory_space<vmem_shared>>
      tpu.enqueue_indirect_dma source(%dma_start3A_623 : memref<32x128xf32, #tpu.memory_space<vmem>>) target(%dma_start3A_629 : memref<10112x128xf32, #tpu.memory_space<vmem_shared>>) offsets(%dma_start3A_626 : memref<32xi32, #tpu.memory_space<vmem>>) semaphore(%arg21 : memref<!tpu.dma_semaphore, #tpu.memory_space<semaphore_mem>>) {add = true}
      %dma_wait3A_630 = arith.constant 4 : i32
      %dma_wait3A_631 = arith.constant 4 : i32
      %dma_wait3A_632 = arith.constant 0 : i32
      %dma_wait3A_633 = arith.constant 0 : i32
      %dma_wait3A_634 = tpu.memref_slice %arg8[%dma_wait3A_631, %dma_wait3A_632, %dma_wait3A_633] : memref<8x32x128xf32, #tpu.memory_space<vmem>> -> memref<1x32x128xf32, #tpu.memory_space<vmem>>
      %dma_wait3A_635 = tpu.memref_squeeze %dma_wait3A_634 : memref<1x32x128xf32, #tpu.memory_space<vmem>> -> memref<32x128xf32, #tpu.memory_space<vmem>>
      %dma_wait3A_636 = arith.constant 0 : i32
      %dma_wait3A_637 = tpu.memref_slice %arg6[%dma_wait3A_630, %dma_wait3A_636] : memref<8x32xi32, #tpu.memory_space<vmem>> -> memref<1x32xi32, #tpu.memory_space<vmem>>
      %dma_wait3A_638 = tpu.memref_squeeze %dma_wait3A_637 : memref<1x32xi32, #tpu.memory_space<vmem>> -> memref<32xi32, #tpu.memory_space<vmem>>
      %dma_wait3A_639 = arith.constant 0 : i32
      %dma_wait3A_640 = arith.constant 0 : i32
      %dma_wait3A_641 = tpu.memref_slice %arg2[%dma_wait3A_639, %dma_wait3A_640] : memref<10112x128xf32, #tpu.memory_space<hbm>> -> memref<10112x128xf32, #tpu.memory_space<hbm>>
      tpu.wait_indirect_dma semaphore(%arg14 : memref<!tpu.dma_semaphore, #tpu.memory_space<semaphore_mem>>) src(%dma_wait3A_641 : memref<10112x128xf32, #tpu.memory_space<hbm>>) dst(%dma_wait3A_635 : memref<32x128xf32, #tpu.memory_space<vmem>>)
      %dma_start3A_642 = arith.constant 4 : i32
      %dma_start3A_643 = arith.constant 4 : i32
      %dma_start3A_644 = arith.constant 0 : i32
      %dma_start3A_645 = arith.constant 0 : i32
      %dma_start3A_646 = tpu.memref_slice %arg8[%dma_start3A_642, %dma_start3A_644, %dma_start3A_645] : memref<8x32x128xf32, #tpu.memory_space<vmem>> -> memref<1x32x128xf32, #tpu.memory_space<vmem>>
      %dma_start3A_647 = tpu.memref_squeeze %dma_start3A_646 : memref<1x32x128xf32, #tpu.memory_space<vmem>> -> memref<32x128xf32, #tpu.memory_space<vmem>>
      %dma_start3A_648 = arith.constant 0 : i32
      %dma_start3A_649 = tpu.memref_slice %arg7[%dma_start3A_643, %dma_start3A_648] : memref<8x32xi32, #tpu.memory_space<vmem>> -> memref<1x32xi32, #tpu.memory_space<vmem>>
      %dma_start3A_650 = tpu.memref_squeeze %dma_start3A_649 : memref<1x32xi32, #tpu.memory_space<vmem>> -> memref<32xi32, #tpu.memory_space<vmem>>
      %dma_start3A_651 = arith.constant 0 : i32
      %dma_start3A_652 = arith.constant 0 : i32
      %dma_start3A_653 = tpu.memref_slice %arg9[%dma_start3A_651, %dma_start3A_652] : memref<10112x128xf32, #tpu.memory_space<vmem_shared>> -> memref<10112x128xf32, #tpu.memory_space<vmem_shared>>
      tpu.enqueue_indirect_dma source(%dma_start3A_647 : memref<32x128xf32, #tpu.memory_space<vmem>>) target(%dma_start3A_653 : memref<10112x128xf32, #tpu.memory_space<vmem_shared>>) offsets(%dma_start3A_650 : memref<32xi32, #tpu.memory_space<vmem>>) semaphore(%arg22 : memref<!tpu.dma_semaphore, #tpu.memory_space<semaphore_mem>>) {add = true}
      %dma_wait3A_654 = arith.constant 5 : i32
      %dma_wait3A_655 = arith.constant 5 : i32
      %dma_wait3A_656 = arith.constant 0 : i32
      %dma_wait3A_657 = arith.constant 0 : i32
      %dma_wait3A_658 = tpu.memref_slice %arg8[%dma_wait3A_655, %dma_wait3A_656, %dma_wait3A_657] : memref<8x32x128xf32, #tpu.memory_space<vmem>> -> memref<1x32x128xf32, #tpu.memory_space<vmem>>
      %dma_wait3A_659 = tpu.memref_squeeze %dma_wait3A_658 : memref<1x32x128xf32, #tpu.memory_space<vmem>> -> memref<32x128xf32, #tpu.memory_space<vmem>>
      %dma_wait3A_660 = arith.constant 0 : i32
      %dma_wait3A_661 = tpu.memref_slice %arg6[%dma_wait3A_654, %dma_wait3A_660] : memref<8x32xi32, #tpu.memory_space<vmem>> -> memref<1x32xi32, #tpu.memory_space<vmem>>
      %dma_wait3A_662 = tpu.memref_squeeze %dma_wait3A_661 : memref<1x32xi32, #tpu.memory_space<vmem>> -> memref<32xi32, #tpu.memory_space<vmem>>
      %dma_wait3A_663 = arith.constant 0 : i32
      %dma_wait3A_664 = arith.constant 0 : i32
      %dma_wait3A_665 = tpu.memref_slice %arg2[%dma_wait3A_663, %dma_wait3A_664] : memref<10112x128xf32, #tpu.memory_space<hbm>> -> memref<10112x128xf32, #tpu.memory_space<hbm>>
      tpu.wait_indirect_dma semaphore(%arg15 : memref<!tpu.dma_semaphore, #tpu.memory_space<semaphore_mem>>) src(%dma_wait3A_665 : memref<10112x128xf32, #tpu.memory_space<hbm>>) dst(%dma_wait3A_659 : memref<32x128xf32, #tpu.memory_space<vmem>>)
      %dma_start3A_666 = arith.constant 5 : i32
      %dma_start3A_667 = arith.constant 5 : i32
      %dma_start3A_668 = arith.constant 0 : i32
      %dma_start3A_669 = arith.constant 0 : i32
      %dma_start3A_670 = tpu.memref_slice %arg8[%dma_start3A_666, %dma_start3A_668, %dma_start3A_669] : memref<8x32x128xf32, #tpu.memory_space<vmem>> -> memref<1x32x128xf32, #tpu.memory_space<vmem>>
      %dma_start3A_671 = tpu.memref_squeeze %dma_start3A_670 : memref<1x32x128xf32, #tpu.memory_space<vmem>> -> memref<32x128xf32, #tpu.memory_space<vmem>>
      %dma_start3A_672 = arith.constant 0 : i32
      %dma_start3A_673 = tpu.memref_slice %arg7[%dma_start3A_667, %dma_start3A_672] : memref<8x32xi32, #tpu.memory_space<vmem>> -> memref<1x32xi32, #tpu.memory_space<vmem>>
      %dma_start3A_674 = tpu.memref_squeeze %dma_start3A_673 : memref<1x32xi32, #tpu.memory_space<vmem>> -> memref<32xi32, #tpu.memory_space<vmem>>
      %dma_start3A_675 = arith.constant 0 : i32
      %dma_start3A_676 = arith.constant 0 : i32
      %dma_start3A_677 = tpu.memref_slice %arg9[%dma_start3A_675, %dma_start3A_676] : memref<10112x128xf32, #tpu.memory_space<vmem_shared>> -> memref<10112x128xf32, #tpu.memory_space<vmem_shared>>
      tpu.enqueue_indirect_dma source(%dma_start3A_671 : memref<32x128xf32, #tpu.memory_space<vmem>>) target(%dma_start3A_677 : memref<10112x128xf32, #tpu.memory_space<vmem_shared>>) offsets(%dma_start3A_674 : memref<32xi32, #tpu.memory_space<vmem>>) semaphore(%arg23 : memref<!tpu.dma_semaphore, #tpu.memory_space<semaphore_mem>>) {add = true}
      %dma_wait3A_678 = arith.constant 6 : i32
      %dma_wait3A_679 = arith.constant 6 : i32
      %dma_wait3A_680 = arith.constant 0 : i32
      %dma_wait3A_681 = arith.constant 0 : i32
      %dma_wait3A_682 = tpu.memref_slice %arg8[%dma_wait3A_679, %dma_wait3A_680, %dma_wait3A_681] : memref<8x32x128xf32, #tpu.memory_space<vmem>> -> memref<1x32x128xf32, #tpu.memory_space<vmem>>
      %dma_wait3A_683 = tpu.memref_squeeze %dma_wait3A_682 : memref<1x32x128xf32, #tpu.memory_space<vmem>> -> memref<32x128xf32, #tpu.memory_space<vmem>>
      %dma_wait3A_684 = arith.constant 0 : i32
      %dma_wait3A_685 = tpu.memref_slice %arg6[%dma_wait3A_678, %dma_wait3A_684] : memref<8x32xi32, #tpu.memory_space<vmem>> -> memref<1x32xi32, #tpu.memory_space<vmem>>
      %dma_wait3A_686 = tpu.memref_squeeze %dma_wait3A_685 : memref<1x32xi32, #tpu.memory_space<vmem>> -> memref<32xi32, #tpu.memory_space<vmem>>
      %dma_wait3A_687 = arith.constant 0 : i32
      %dma_wait3A_688 = arith.constant 0 : i32
      %dma_wait3A_689 = tpu.memref_slice %arg2[%dma_wait3A_687, %dma_wait3A_688] : memref<10112x128xf32, #tpu.memory_space<hbm>> -> memref<10112x128xf32, #tpu.memory_space<hbm>>
      tpu.wait_indirect_dma semaphore(%arg16 : memref<!tpu.dma_semaphore, #tpu.memory_space<semaphore_mem>>) src(%dma_wait3A_689 : memref<10112x128xf32, #tpu.memory_space<hbm>>) dst(%dma_wait3A_683 : memref<32x128xf32, #tpu.memory_space<vmem>>)
      %dma_start3A_690 = arith.constant 6 : i32
      %dma_start3A_691 = arith.constant 6 : i32
      %dma_start3A_692 = arith.constant 0 : i32
      %dma_start3A_693 = arith.constant 0 : i32
      %dma_start3A_694 = tpu.memref_slice %arg8[%dma_start3A_690, %dma_start3A_692, %dma_start3A_693] : memref<8x32x128xf32, #tpu.memory_space<vmem>> -> memref<1x32x128xf32, #tpu.memory_space<vmem>>
      %dma_start3A_695 = tpu.memref_squeeze %dma_start3A_694 : memref<1x32x128xf32, #tpu.memory_space<vmem>> -> memref<32x128xf32, #tpu.memory_space<vmem>>
      %dma_start3A_696 = arith.constant 0 : i32
      %dma_start3A_697 = tpu.memref_slice %arg7[%dma_start3A_691, %dma_start3A_696] : memref<8x32xi32, #tpu.memory_space<vmem>> -> memref<1x32xi32, #tpu.memory_space<vmem>>
      %dma_start3A_698 = tpu.memref_squeeze %dma_start3A_697 : memref<1x32xi32, #tpu.memory_space<vmem>> -> memref<32xi32, #tpu.memory_space<vmem>>
      %dma_start3A_699 = arith.constant 0 : i32
      %dma_start3A_700 = arith.constant 0 : i32
      %dma_start3A_701 = tpu.memref_slice %arg9[%dma_start3A_699, %dma_start3A_700] : memref<10112x128xf32, #tpu.memory_space<vmem_shared>> -> memref<10112x128xf32, #tpu.memory_space<vmem_shared>>
      tpu.enqueue_indirect_dma source(%dma_start3A_695 : memref<32x128xf32, #tpu.memory_space<vmem>>) target(%dma_start3A_701 : memref<10112x128xf32, #tpu.memory_space<vmem_shared>>) offsets(%dma_start3A_698 : memref<32xi32, #tpu.memory_space<vmem>>) semaphore(%arg24 : memref<!tpu.dma_semaphore, #tpu.memory_space<semaphore_mem>>) {add = true}
      %dma_wait3A_702 = arith.constant 7 : i32
      %dma_wait3A_703 = arith.constant 7 : i32
      %dma_wait3A_704 = arith.constant 0 : i32
      %dma_wait3A_705 = arith.constant 0 : i32
      %dma_wait3A_706 = tpu.memref_slice %arg8[%dma_wait3A_703, %dma_wait3A_704, %dma_wait3A_705] : memref<8x32x128xf32, #tpu.memory_space<vmem>> -> memref<1x32x128xf32, #tpu.memory_space<vmem>>
      %dma_wait3A_707 = tpu.memref_squeeze %dma_wait3A_706 : memref<1x32x128xf32, #tpu.memory_space<vmem>> -> memref<32x128xf32, #tpu.memory_space<vmem>>
      %dma_wait3A_708 = arith.constant 0 : i32
      %dma_wait3A_709 = tpu.memref_slice %arg6[%dma_wait3A_702, %dma_wait3A_708] : memref<8x32xi32, #tpu.memory_space<vmem>> -> memref<1x32xi32, #tpu.memory_space<vmem>>
      %dma_wait3A_710 = tpu.memref_squeeze %dma_wait3A_709 : memref<1x32xi32, #tpu.memory_space<vmem>> -> memref<32xi32, #tpu.memory_space<vmem>>
      %dma_wait3A_711 = arith.constant 0 : i32
      %dma_wait3A_712 = arith.constant 0 : i32
      %dma_wait3A_713 = tpu.memref_slice %arg2[%dma_wait3A_711, %dma_wait3A_712] : memref<10112x128xf32, #tpu.memory_space<hbm>> -> memref<10112x128xf32, #tpu.memory_space<hbm>>
      tpu.wait_indirect_dma semaphore(%arg17 : memref<!tpu.dma_semaphore, #tpu.memory_space<semaphore_mem>>) src(%dma_wait3A_713 : memref<10112x128xf32, #tpu.memory_space<hbm>>) dst(%dma_wait3A_707 : memref<32x128xf32, #tpu.memory_space<vmem>>)
      %dma_start3A_714 = arith.constant 7 : i32
      %dma_start3A_715 = arith.constant 7 : i32
      %dma_start3A_716 = arith.constant 0 : i32
      %dma_start3A_717 = arith.constant 0 : i32
      %dma_start3A_718 = tpu.memref_slice %arg8[%dma_start3A_714, %dma_start3A_716, %dma_start3A_717] : memref<8x32x128xf32, #tpu.memory_space<vmem>> -> memref<1x32x128xf32, #tpu.memory_space<vmem>>
      %dma_start3A_719 = tpu.memref_squeeze %dma_start3A_718 : memref<1x32x128xf32, #tpu.memory_space<vmem>> -> memref<32x128xf32, #tpu.memory_space<vmem>>
      %dma_start3A_720 = arith.constant 0 : i32
      %dma_start3A_721 = tpu.memref_slice %arg7[%dma_start3A_715, %dma_start3A_720] : memref<8x32xi32, #tpu.memory_space<vmem>> -> memref<1x32xi32, #tpu.memory_space<vmem>>
      %dma_start3A_722 = tpu.memref_squeeze %dma_start3A_721 : memref<1x32xi32, #tpu.memory_space<vmem>> -> memref<32xi32, #tpu.memory_space<vmem>>
      %dma_start3A_723 = arith.constant 0 : i32
      %dma_start3A_724 = arith.constant 0 : i32
      %dma_start3A_725 = tpu.memref_slice %arg9[%dma_start3A_723, %dma_start3A_724] : memref<10112x128xf32, #tpu.memory_space<vmem_shared>> -> memref<10112x128xf32, #tpu.memory_space<vmem_shared>>
      tpu.enqueue_indirect_dma source(%dma_start3A_719 : memref<32x128xf32, #tpu.memory_space<vmem>>) target(%dma_start3A_725 : memref<10112x128xf32, #tpu.memory_space<vmem_shared>>) offsets(%dma_start3A_722 : memref<32xi32, #tpu.memory_space<vmem>>) semaphore(%arg25 : memref<!tpu.dma_semaphore, #tpu.memory_space<semaphore_mem>>) {add = true}
      %add3A_726 = arith.constant 1 : i32
      %add3A_727 = arith.addi %scan3A_533, %add3A_726 : i32
      %mul3A_728 = arith.constant 8 : i32
      %mul3A_729 = arith.muli %add3A_727, %mul3A_728 : i32
      %add3A_730 = arith.constant 0 : i32
      %add3A_731 = arith.addi %mul3A_729, %add3A_730 : i32
      %lt3A = arith.constant 320 : i32
      %lt3A_732 = arith.cmpi slt, %add3A_731, %lt3A : i32
      %convert_element_type3A = arith.extui %lt3A_732 : i1 to i32
      %cond3A = arith.constant 0 : i32
      %cond3A_733 = arith.cmpi ne, %convert_element_type3A, %cond3A : i32
      scf.if %cond3A_733 {
        %dma_wait3A_811 = arith.constant 0 : i32
        %dma_wait3A_812 = arith.constant 0 : i32
        %dma_wait3A_813 = arith.constant 0 : i32
        %dma_wait3A_814 = arith.constant 0 : i32
        %dma_wait3A_815 = tpu.memref_slice %arg8[%dma_wait3A_811, %dma_wait3A_813, %dma_wait3A_814] : memref<8x32x128xf32, #tpu.memory_space<vmem>> -> memref<1x32x128xf32, #tpu.memory_space<vmem>>
        %dma_wait3A_816 = tpu.memref_squeeze %dma_wait3A_815 : memref<1x32x128xf32, #tpu.memory_space<vmem>> -> memref<32x128xf32, #tpu.memory_space<vmem>>
        %dma_wait3A_817 = arith.constant 0 : i32
        %dma_wait3A_818 = tpu.memref_slice %arg7[%dma_wait3A_812, %dma_wait3A_817] : memref<8x32xi32, #tpu.memory_space<vmem>> -> memref<1x32xi32, #tpu.memory_space<vmem>>
        %dma_wait3A_819 = tpu.memref_squeeze %dma_wait3A_818 : memref<1x32xi32, #tpu.memory_space<vmem>> -> memref<32xi32, #tpu.memory_space<vmem>>
        %dma_wait3A_820 = arith.constant 0 : i32
        %dma_wait3A_821 = arith.constant 0 : i32
        %dma_wait3A_822 = tpu.memref_slice %arg9[%dma_wait3A_820, %dma_wait3A_821] : memref<10112x128xf32, #tpu.memory_space<vmem_shared>> -> memref<10112x128xf32, #tpu.memory_space<vmem_shared>>
        tpu.wait_indirect_dma semaphore(%arg18 : memref<!tpu.dma_semaphore, #tpu.memory_space<semaphore_mem>>) src(%dma_wait3A_816 : memref<32x128xf32, #tpu.memory_space<vmem>>) dst(%dma_wait3A_822 : memref<10112x128xf32, #tpu.memory_space<vmem_shared>>)
        %mul3A_823 = arith.constant 32 : i32
        %mul3A_824 = arith.muli %add3A_731, %mul3A_823 : i32
        %add3A_825 = arith.constant 0 : i32
        %add3A_826 = arith.addi %mul3A_824, %add3A_825 : i32
        %get3A_827 = arith.index_cast %add3A_826 : i32 to index
        %get3A_828 = tpu.vector_load %arg5[%get3A_827] {strides = array<i32>} : memref<10240xi32, #tpu.memory_space<vmem>>, vector<16xi32>,
        %get3A_829 = vector.shape_cast %get3A_828 : vector<16xi32> to vector<16xi32>
        %and3A_830 = arith.constant 65535 : i32
        %and3A_831 = vector.broadcast %and3A_830 : i32 to vector<16xi32>
        %and3A_832 = arith.andi %get3A_829, %and3A_831 : vector<16xi32>
        %swap3A_833 = arith.constant 0 : i32
        %swap3A_834 = arith.index_cast %swap3A_833 : i32 to index
        %swap3A_835 = arith.constant 0 : index
        %swap3A_836 = tpu.vector_load %arg6[%swap3A_834, %swap3A_835] {strides = array<i32>} : memref<8x32xi32, #tpu.memory_space<vmem>>, vector<1x16xi32>,
        %swap3A_837 = vector.shape_cast %swap3A_836 : vector<1x16xi32> to vector<16xi32>
        %swap3A_838 = vector.shape_cast %and3A_832 : vector<16xi32> to vector<1x16xi32>
        tpu.vector_store %arg6[%swap3A_834, %swap3A_835], %swap3A_838 {strides = array<i32>} : memref<8x32xi32, #tpu.memory_space<vmem>>, vector<1x16xi32>,
        %shift_right_logical3A_839 = arith.constant 16 : i32
        %shift_right_logical3A_840 = vector.broadcast %shift_right_logical3A_839 : i32 to vector<16xi32>
        %shift_right_logical3A_841 = arith.shrui %get3A_829, %shift_right_logical3A_840 : vector<16xi32>
        %swap3A_842 = arith.constant 0 : i32
        %swap3A_843 = arith.index_cast %swap3A_842 : i32 to index
        %swap3A_844 = arith.constant 0 : index
        %swap3A_845 = tpu.vector_load %arg7[%swap3A_843, %swap3A_844] {strides = array<i32>} : memref<8x32xi32, #tpu.memory_space<vmem>>, vector<1x16xi32>,
        %swap3A_846 = vector.shape_cast %swap3A_845 : vector<1x16xi32> to vector<16xi32>
        %swap3A_847 = vector.shape_cast %shift_right_logical3A_841 : vector<16xi32> to vector<1x16xi32>
        tpu.vector_store %arg7[%swap3A_843, %swap3A_844], %swap3A_847 {strides = array<i32>} : memref<8x32xi32, #tpu.memory_space<vmem>>, vector<1x16xi32>,
        %mul3A_848 = arith.constant 32 : i32
        %mul3A_849 = arith.muli %add3A_731, %mul3A_848 : i32
        %add3A_850 = arith.constant 16 : i32
        %add3A_851 = arith.addi %mul3A_849, %add3A_850 : i32
        %get3A_852 = arith.index_cast %add3A_851 : i32 to index
        %get3A_853 = tpu.vector_load %arg5[%get3A_852] {strides = array<i32>} : memref<10240xi32, #tpu.memory_space<vmem>>, vector<16xi32>,
        %get3A_854 = vector.shape_cast %get3A_853 : vector<16xi32> to vector<16xi32>
        %and3A_855 = arith.constant 65535 : i32
        %and3A_856 = vector.broadcast %and3A_855 : i32 to vector<16xi32>
        %and3A_857 = arith.andi %get3A_854, %and3A_856 : vector<16xi32>
        %swap3A_858 = arith.constant 0 : i32
        %swap3A_859 = arith.index_cast %swap3A_858 : i32 to index
        %swap3A_860 = arith.constant 16 : index
        %swap3A_861 = tpu.vector_load %arg6[%swap3A_859, %swap3A_860] {strides = array<i32>} : memref<8x32xi32, #tpu.memory_space<vmem>>, vector<1x16xi32>,
        %swap3A_862 = vector.shape_cast %swap3A_861 : vector<1x16xi32> to vector<16xi32>
        %swap3A_863 = vector.shape_cast %and3A_857 : vector<16xi32> to vector<1x16xi32>
        tpu.vector_store %arg6[%swap3A_859, %swap3A_860], %swap3A_863 {strides = array<i32>} : memref<8x32xi32, #tpu.memory_space<vmem>>, vector<1x16xi32>,
        %shift_right_logical3A_864 = arith.constant 16 : i32
        %shift_right_logical3A_865 = vector.broadcast %shift_right_logical3A_864 : i32 to vector<16xi32>
        %shift_right_logical3A_866 = arith.shrui %get3A_854, %shift_right_logical3A_865 : vector<16xi32>
        %swap3A_867 = arith.constant 0 : i32
        %swap3A_868 = arith.index_cast %swap3A_867 : i32 to index
        %swap3A_869 = arith.constant 16 : index
        %swap3A_870 = tpu.vector_load %arg7[%swap3A_868, %swap3A_869] {strides = array<i32>} : memref<8x32xi32, #tpu.memory_space<vmem>>, vector<1x16xi32>,
        %swap3A_871 = vector.shape_cast %swap3A_870 : vector<1x16xi32> to vector<16xi32>
        %swap3A_872 = vector.shape_cast %shift_right_logical3A_866 : vector<16xi32> to vector<1x16xi32>
        tpu.vector_store %arg7[%swap3A_868, %swap3A_869], %swap3A_872 {strides = array<i32>} : memref<8x32xi32, #tpu.memory_space<vmem>>, vector<1x16xi32>,
        %dma_start3A_873 = arith.constant 0 : i32
        %dma_start3A_874 = arith.constant 0 : i32
        %dma_start3A_875 = arith.constant 0 : i32
        %dma_start3A_876 = arith.constant 0 : i32
        %dma_start3A_877 = tpu.memref_slice %arg8[%dma_start3A_874, %dma_start3A_875, %dma_start3A_876] : memref<8x32x128xf32, #tpu.memory_space<vmem>> -> memref<1x32x128xf32, #tpu.memory_space<vmem>>
        %dma_start3A_878 = tpu.memref_squeeze %dma_start3A_877 : memref<1x32x128xf32, #tpu.memory_space<vmem>> -> memref<32x128xf32, #tpu.memory_space<vmem>>
        %dma_start3A_879 = arith.constant 0 : i32
        %dma_start3A_880 = tpu.memref_slice %arg6[%dma_start3A_873, %dma_start3A_879] : memref<8x32xi32, #tpu.memory_space<vmem>> -> memref<1x32xi32, #tpu.memory_space<vmem>>
        %dma_start3A_881 = tpu.memref_squeeze %dma_start3A_880 : memref<1x32xi32, #tpu.memory_space<vmem>> -> memref<32xi32, #tpu.memory_space<vmem>>
        %dma_start3A_882 = arith.constant 0 : i32
        %dma_start3A_883 = arith.constant 0 : i32
        %dma_start3A_884 = tpu.memref_slice %arg2[%dma_start3A_882, %dma_start3A_883] : memref<10112x128xf32, #tpu.memory_space<hbm>> -> memref<10112x128xf32, #tpu.memory_space<hbm>>
        tpu.enqueue_indirect_dma source(%dma_start3A_884 : memref<10112x128xf32, #tpu.memory_space<hbm>>) target(%dma_start3A_878 : memref<32x128xf32, #tpu.memory_space<vmem>>) offsets(%dma_start3A_881 : memref<32xi32, #tpu.memory_space<vmem>>) semaphore(%arg10 : memref<!tpu.dma_semaphore, #tpu.memory_space<semaphore_mem>>)
      } else {
      }
      %add3A_734 = arith.constant 1 : i32
      %add3A_735 = arith.addi %scan3A_533, %add3A_734 : i32
      %mul3A_736 = arith.constant 8 : i32
      %mul3A_737 = arith.muli %add3A_735, %mul3A_736 : i32
      %add3A_738 = arith.constant 1 : i32
      %add3A_739 = arith.addi %mul3A_737, %add3A_738 : i32
      %lt3A_740 = arith.constant 320 : i32
      %lt3A_741 = arith.cmpi slt, %add3A_739, %lt3A_740 : i32
      %convert_element_type3A_742 = arith.extui %lt3A_741 : i1 to i32
      %cond3A_743 = arith.constant 0 : i32
      %cond3A_744 = arith.cmpi ne, %convert_element_type3A_742, %cond3A_743 : i32
      scf.if %cond3A_744 {
        %dma_wait3A_811 = arith.constant 1 : i32
        %dma_wait3A_812 = arith.constant 1 : i32
        %dma_wait3A_813 = arith.constant 0 : i32
        %dma_wait3A_814 = arith.constant 0 : i32
        %dma_wait3A_815 = tpu.memref_slice %arg8[%dma_wait3A_811, %dma_wait3A_813, %dma_wait3A_814] : memref<8x32x128xf32, #tpu.memory_space<vmem>> -> memref<1x32x128xf32, #tpu.memory_space<vmem>>
        %dma_wait3A_816 = tpu.memref_squeeze %dma_wait3A_815 : memref<1x32x128xf32, #tpu.memory_space<vmem>> -> memref<32x128xf32, #tpu.memory_space<vmem>>
        %dma_wait3A_817 = arith.constant 0 : i32
        %dma_wait3A_818 = tpu.memref_slice %arg7[%dma_wait3A_812, %dma_wait3A_817] : memref<8x32xi32, #tpu.memory_space<vmem>> -> memref<1x32xi32, #tpu.memory_space<vmem>>
        %dma_wait3A_819 = tpu.memref_squeeze %dma_wait3A_818 : memref<1x32xi32, #tpu.memory_space<vmem>> -> memref<32xi32, #tpu.memory_space<vmem>>
        %dma_wait3A_820 = arith.constant 0 : i32
        %dma_wait3A_821 = arith.constant 0 : i32
        %dma_wait3A_822 = tpu.memref_slice %arg9[%dma_wait3A_820, %dma_wait3A_821] : memref<10112x128xf32, #tpu.memory_space<vmem_shared>> -> memref<10112x128xf32, #tpu.memory_space<vmem_shared>>
        tpu.wait_indirect_dma semaphore(%arg19 : memref<!tpu.dma_semaphore, #tpu.memory_space<semaphore_mem>>) src(%dma_wait3A_816 : memref<32x128xf32, #tpu.memory_space<vmem>>) dst(%dma_wait3A_822 : memref<10112x128xf32, #tpu.memory_space<vmem_shared>>)
        %mul3A_823 = arith.constant 32 : i32
        %mul3A_824 = arith.muli %add3A_739, %mul3A_823 : i32
        %add3A_825 = arith.constant 0 : i32
        %add3A_826 = arith.addi %mul3A_824, %add3A_825 : i32
        %get3A_827 = arith.index_cast %add3A_826 : i32 to index
        %get3A_828 = tpu.vector_load %arg5[%get3A_827] {strides = array<i32>} : memref<10240xi32, #tpu.memory_space<vmem>>, vector<16xi32>,
        %get3A_829 = vector.shape_cast %get3A_828 : vector<16xi32> to vector<16xi32>
        %and3A_830 = arith.constant 65535 : i32
        %and3A_831 = vector.broadcast %and3A_830 : i32 to vector<16xi32>
        %and3A_832 = arith.andi %get3A_829, %and3A_831 : vector<16xi32>
        %swap3A_833 = arith.constant 1 : i32
        %swap3A_834 = arith.index_cast %swap3A_833 : i32 to index
        %swap3A_835 = arith.constant 0 : index
        %swap3A_836 = tpu.vector_load %arg6[%swap3A_834, %swap3A_835] {strides = array<i32>} : memref<8x32xi32, #tpu.memory_space<vmem>>, vector<1x16xi32>,
        %swap3A_837 = vector.shape_cast %swap3A_836 : vector<1x16xi32> to vector<16xi32>
        %swap3A_838 = vector.shape_cast %and3A_832 : vector<16xi32> to vector<1x16xi32>
        tpu.vector_store %arg6[%swap3A_834, %swap3A_835], %swap3A_838 {strides = array<i32>} : memref<8x32xi32, #tpu.memory_space<vmem>>, vector<1x16xi32>,
        %shift_right_logical3A_839 = arith.constant 16 : i32
        %shift_right_logical3A_840 = vector.broadcast %shift_right_logical3A_839 : i32 to vector<16xi32>
        %shift_right_logical3A_841 = arith.shrui %get3A_829, %shift_right_logical3A_840 : vector<16xi32>
        %swap3A_842 = arith.constant 1 : i32
        %swap3A_843 = arith.index_cast %swap3A_842 : i32 to index
        %swap3A_844 = arith.constant 0 : index
        %swap3A_845 = tpu.vector_load %arg7[%swap3A_843, %swap3A_844] {strides = array<i32>} : memref<8x32xi32, #tpu.memory_space<vmem>>, vector<1x16xi32>,
        %swap3A_846 = vector.shape_cast %swap3A_845 : vector<1x16xi32> to vector<16xi32>
        %swap3A_847 = vector.shape_cast %shift_right_logical3A_841 : vector<16xi32> to vector<1x16xi32>
        tpu.vector_store %arg7[%swap3A_843, %swap3A_844], %swap3A_847 {strides = array<i32>} : memref<8x32xi32, #tpu.memory_space<vmem>>, vector<1x16xi32>,
        %mul3A_848 = arith.constant 32 : i32
        %mul3A_849 = arith.muli %add3A_739, %mul3A_848 : i32
        %add3A_850 = arith.constant 16 : i32
        %add3A_851 = arith.addi %mul3A_849, %add3A_850 : i32
        %get3A_852 = arith.index_cast %add3A_851 : i32 to index
        %get3A_853 = tpu.vector_load %arg5[%get3A_852] {strides = array<i32>} : memref<10240xi32, #tpu.memory_space<vmem>>, vector<16xi32>,
        %get3A_854 = vector.shape_cast %get3A_853 : vector<16xi32> to vector<16xi32>
        %and3A_855 = arith.constant 65535 : i32
        %and3A_856 = vector.broadcast %and3A_855 : i32 to vector<16xi32>
        %and3A_857 = arith.andi %get3A_854, %and3A_856 : vector<16xi32>
        %swap3A_858 = arith.constant 1 : i32
        %swap3A_859 = arith.index_cast %swap3A_858 : i32 to index
        %swap3A_860 = arith.constant 16 : index
        %swap3A_861 = tpu.vector_load %arg6[%swap3A_859, %swap3A_860] {strides = array<i32>} : memref<8x32xi32, #tpu.memory_space<vmem>>, vector<1x16xi32>,
        %swap3A_862 = vector.shape_cast %swap3A_861 : vector<1x16xi32> to vector<16xi32>
        %swap3A_863 = vector.shape_cast %and3A_857 : vector<16xi32> to vector<1x16xi32>
        tpu.vector_store %arg6[%swap3A_859, %swap3A_860], %swap3A_863 {strides = array<i32>} : memref<8x32xi32, #tpu.memory_space<vmem>>, vector<1x16xi32>,
        %shift_right_logical3A_864 = arith.constant 16 : i32
        %shift_right_logical3A_865 = vector.broadcast %shift_right_logical3A_864 : i32 to vector<16xi32>
        %shift_right_logical3A_866 = arith.shrui %get3A_854, %shift_right_logical3A_865 : vector<16xi32>
        %swap3A_867 = arith.constant 1 : i32
        %swap3A_868 = arith.index_cast %swap3A_867 : i32 to index
        %swap3A_869 = arith.constant 16 : index
        %swap3A_870 = tpu.vector_load %arg7[%swap3A_868, %swap3A_869] {strides = array<i32>} : memref<8x32xi32, #tpu.memory_space<vmem>>, vector<1x16xi32>,
        %swap3A_871 = vector.shape_cast %swap3A_870 : vector<1x16xi32> to vector<16xi32>
        %swap3A_872 = vector.shape_cast %shift_right_logical3A_866 : vector<16xi32> to vector<1x16xi32>
        tpu.vector_store %arg7[%swap3A_868, %swap3A_869], %swap3A_872 {strides = array<i32>} : memref<8x32xi32, #tpu.memory_space<vmem>>, vector<1x16xi32>,
        %dma_start3A_873 = arith.constant 1 : i32
        %dma_start3A_874 = arith.constant 1 : i32
        %dma_start3A_875 = arith.constant 0 : i32
        %dma_start3A_876 = arith.constant 0 : i32
        %dma_start3A_877 = tpu.memref_slice %arg8[%dma_start3A_874, %dma_start3A_875, %dma_start3A_876] : memref<8x32x128xf32, #tpu.memory_space<vmem>> -> memref<1x32x128xf32, #tpu.memory_space<vmem>>
        %dma_start3A_878 = tpu.memref_squeeze %dma_start3A_877 : memref<1x32x128xf32, #tpu.memory_space<vmem>> -> memref<32x128xf32, #tpu.memory_space<vmem>>
        %dma_start3A_879 = arith.constant 0 : i32
        %dma_start3A_880 = tpu.memref_slice %arg6[%dma_start3A_873, %dma_start3A_879] : memref<8x32xi32, #tpu.memory_space<vmem>> -> memref<1x32xi32, #tpu.memory_space<vmem>>
        %dma_start3A_881 = tpu.memref_squeeze %dma_start3A_880 : memref<1x32xi32, #tpu.memory_space<vmem>> -> memref<32xi32, #tpu.memory_space<vmem>>
        %dma_start3A_882 = arith.constant 0 : i32
        %dma_start3A_883 = arith.constant 0 : i32
        %dma_start3A_884 = tpu.memref_slice %arg2[%dma_start3A_882, %dma_start3A_883] : memref<10112x128xf32, #tpu.memory_space<hbm>> -> memref<10112x128xf32, #tpu.memory_space<hbm>>
        tpu.enqueue_indirect_dma source(%dma_start3A_884 : memref<10112x128xf32, #tpu.memory_space<hbm>>) target(%dma_start3A_878 : memref<32x128xf32, #tpu.memory_space<vmem>>) offsets(%dma_start3A_881 : memref<32xi32, #tpu.memory_space<vmem>>) semaphore(%arg11 : memref<!tpu.dma_semaphore, #tpu.memory_space<semaphore_mem>>)
      } else {
      }
      %add3A_745 = arith.constant 1 : i32
      %add3A_746 = arith.addi %scan3A_533, %add3A_745 : i32
      %mul3A_747 = arith.constant 8 : i32
      %mul3A_748 = arith.muli %add3A_746, %mul3A_747 : i32
      %add3A_749 = arith.constant 2 : i32
      %add3A_750 = arith.addi %mul3A_748, %add3A_749 : i32
      %lt3A_751 = arith.constant 320 : i32
      %lt3A_752 = arith.cmpi slt, %add3A_750, %lt3A_751 : i32
      %convert_element_type3A_753 = arith.extui %lt3A_752 : i1 to i32
      %cond3A_754 = arith.constant 0 : i32
      %cond3A_755 = arith.cmpi ne, %convert_element_type3A_753, %cond3A_754 : i32
      scf.if %cond3A_755 {
        %dma_wait3A_811 = arith.constant 2 : i32
        %dma_wait3A_812 = arith.constant 2 : i32
        %dma_wait3A_813 = arith.constant 0 : i32
        %dma_wait3A_814 = arith.constant 0 : i32
        %dma_wait3A_815 = tpu.memref_slice %arg8[%dma_wait3A_811, %dma_wait3A_813, %dma_wait3A_814] : memref<8x32x128xf32, #tpu.memory_space<vmem>> -> memref<1x32x128xf32, #tpu.memory_space<vmem>>
        %dma_wait3A_816 = tpu.memref_squeeze %dma_wait3A_815 : memref<1x32x128xf32, #tpu.memory_space<vmem>> -> memref<32x128xf32, #tpu.memory_space<vmem>>
        %dma_wait3A_817 = arith.constant 0 : i32
        %dma_wait3A_818 = tpu.memref_slice %arg7[%dma_wait3A_812, %dma_wait3A_817] : memref<8x32xi32, #tpu.memory_space<vmem>> -> memref<1x32xi32, #tpu.memory_space<vmem>>
        %dma_wait3A_819 = tpu.memref_squeeze %dma_wait3A_818 : memref<1x32xi32, #tpu.memory_space<vmem>> -> memref<32xi32, #tpu.memory_space<vmem>>
        %dma_wait3A_820 = arith.constant 0 : i32
        %dma_wait3A_821 = arith.constant 0 : i32
        %dma_wait3A_822 = tpu.memref_slice %arg9[%dma_wait3A_820, %dma_wait3A_821] : memref<10112x128xf32, #tpu.memory_space<vmem_shared>> -> memref<10112x128xf32, #tpu.memory_space<vmem_shared>>
        tpu.wait_indirect_dma semaphore(%arg20 : memref<!tpu.dma_semaphore, #tpu.memory_space<semaphore_mem>>) src(%dma_wait3A_816 : memref<32x128xf32, #tpu.memory_space<vmem>>) dst(%dma_wait3A_822 : memref<10112x128xf32, #tpu.memory_space<vmem_shared>>)
        %mul3A_823 = arith.constant 32 : i32
        %mul3A_824 = arith.muli %add3A_750, %mul3A_823 : i32
        %add3A_825 = arith.constant 0 : i32
        %add3A_826 = arith.addi %mul3A_824, %add3A_825 : i32
        %get3A_827 = arith.index_cast %add3A_826 : i32 to index
        %get3A_828 = tpu.vector_load %arg5[%get3A_827] {strides = array<i32>} : memref<10240xi32, #tpu.memory_space<vmem>>, vector<16xi32>,
        %get3A_829 = vector.shape_cast %get3A_828 : vector<16xi32> to vector<16xi32>
        %and3A_830 = arith.constant 65535 : i32
        %and3A_831 = vector.broadcast %and3A_830 : i32 to vector<16xi32>
        %and3A_832 = arith.andi %get3A_829, %and3A_831 : vector<16xi32>
        %swap3A_833 = arith.constant 2 : i32
        %swap3A_834 = arith.index_cast %swap3A_833 : i32 to index
        %swap3A_835 = arith.constant 0 : index
        %swap3A_836 = tpu.vector_load %arg6[%swap3A_834, %swap3A_835] {strides = array<i32>} : memref<8x32xi32, #tpu.memory_space<vmem>>, vector<1x16xi32>,
        %swap3A_837 = vector.shape_cast %swap3A_836 : vector<1x16xi32> to vector<16xi32>
        %swap3A_838 = vector.shape_cast %and3A_832 : vector<16xi32> to vector<1x16xi32>
        tpu.vector_store %arg6[%swap3A_834, %swap3A_835], %swap3A_838 {strides = array<i32>} : memref<8x32xi32, #tpu.memory_space<vmem>>, vector<1x16xi32>,
        %shift_right_logical3A_839 = arith.constant 16 : i32
        %shift_right_logical3A_840 = vector.broadcast %shift_right_logical3A_839 : i32 to vector<16xi32>
        %shift_right_logical3A_841 = arith.shrui %get3A_829, %shift_right_logical3A_840 : vector<16xi32>
        %swap3A_842 = arith.constant 2 : i32
        %swap3A_843 = arith.index_cast %swap3A_842 : i32 to index
        %swap3A_844 = arith.constant 0 : index
        %swap3A_845 = tpu.vector_load %arg7[%swap3A_843, %swap3A_844] {strides = array<i32>} : memref<8x32xi32, #tpu.memory_space<vmem>>, vector<1x16xi32>,
        %swap3A_846 = vector.shape_cast %swap3A_845 : vector<1x16xi32> to vector<16xi32>
        %swap3A_847 = vector.shape_cast %shift_right_logical3A_841 : vector<16xi32> to vector<1x16xi32>
        tpu.vector_store %arg7[%swap3A_843, %swap3A_844], %swap3A_847 {strides = array<i32>} : memref<8x32xi32, #tpu.memory_space<vmem>>, vector<1x16xi32>,
        %mul3A_848 = arith.constant 32 : i32
        %mul3A_849 = arith.muli %add3A_750, %mul3A_848 : i32
        %add3A_850 = arith.constant 16 : i32
        %add3A_851 = arith.addi %mul3A_849, %add3A_850 : i32
        %get3A_852 = arith.index_cast %add3A_851 : i32 to index
        %get3A_853 = tpu.vector_load %arg5[%get3A_852] {strides = array<i32>} : memref<10240xi32, #tpu.memory_space<vmem>>, vector<16xi32>,
        %get3A_854 = vector.shape_cast %get3A_853 : vector<16xi32> to vector<16xi32>
        %and3A_855 = arith.constant 65535 : i32
        %and3A_856 = vector.broadcast %and3A_855 : i32 to vector<16xi32>
        %and3A_857 = arith.andi %get3A_854, %and3A_856 : vector<16xi32>
        %swap3A_858 = arith.constant 2 : i32
        %swap3A_859 = arith.index_cast %swap3A_858 : i32 to index
        %swap3A_860 = arith.constant 16 : index
        %swap3A_861 = tpu.vector_load %arg6[%swap3A_859, %swap3A_860] {strides = array<i32>} : memref<8x32xi32, #tpu.memory_space<vmem>>, vector<1x16xi32>,
        %swap3A_862 = vector.shape_cast %swap3A_861 : vector<1x16xi32> to vector<16xi32>
        %swap3A_863 = vector.shape_cast %and3A_857 : vector<16xi32> to vector<1x16xi32>
        tpu.vector_store %arg6[%swap3A_859, %swap3A_860], %swap3A_863 {strides = array<i32>} : memref<8x32xi32, #tpu.memory_space<vmem>>, vector<1x16xi32>,
        %shift_right_logical3A_864 = arith.constant 16 : i32
        %shift_right_logical3A_865 = vector.broadcast %shift_right_logical3A_864 : i32 to vector<16xi32>
        %shift_right_logical3A_866 = arith.shrui %get3A_854, %shift_right_logical3A_865 : vector<16xi32>
        %swap3A_867 = arith.constant 2 : i32
        %swap3A_868 = arith.index_cast %swap3A_867 : i32 to index
        %swap3A_869 = arith.constant 16 : index
        %swap3A_870 = tpu.vector_load %arg7[%swap3A_868, %swap3A_869] {strides = array<i32>} : memref<8x32xi32, #tpu.memory_space<vmem>>, vector<1x16xi32>,
        %swap3A_871 = vector.shape_cast %swap3A_870 : vector<1x16xi32> to vector<16xi32>
        %swap3A_872 = vector.shape_cast %shift_right_logical3A_866 : vector<16xi32> to vector<1x16xi32>
        tpu.vector_store %arg7[%swap3A_868, %swap3A_869], %swap3A_872 {strides = array<i32>} : memref<8x32xi32, #tpu.memory_space<vmem>>, vector<1x16xi32>,
        %dma_start3A_873 = arith.constant 2 : i32
        %dma_start3A_874 = arith.constant 2 : i32
        %dma_start3A_875 = arith.constant 0 : i32
        %dma_start3A_876 = arith.constant 0 : i32
        %dma_start3A_877 = tpu.memref_slice %arg8[%dma_start3A_874, %dma_start3A_875, %dma_start3A_876] : memref<8x32x128xf32, #tpu.memory_space<vmem>> -> memref<1x32x128xf32, #tpu.memory_space<vmem>>
        %dma_start3A_878 = tpu.memref_squeeze %dma_start3A_877 : memref<1x32x128xf32, #tpu.memory_space<vmem>> -> memref<32x128xf32, #tpu.memory_space<vmem>>
        %dma_start3A_879 = arith.constant 0 : i32
        %dma_start3A_880 = tpu.memref_slice %arg6[%dma_start3A_873, %dma_start3A_879] : memref<8x32xi32, #tpu.memory_space<vmem>> -> memref<1x32xi32, #tpu.memory_space<vmem>>
        %dma_start3A_881 = tpu.memref_squeeze %dma_start3A_880 : memref<1x32xi32, #tpu.memory_space<vmem>> -> memref<32xi32, #tpu.memory_space<vmem>>
        %dma_start3A_882 = arith.constant 0 : i32
        %dma_start3A_883 = arith.constant 0 : i32
        %dma_start3A_884 = tpu.memref_slice %arg2[%dma_start3A_882, %dma_start3A_883] : memref<10112x128xf32, #tpu.memory_space<hbm>> -> memref<10112x128xf32, #tpu.memory_space<hbm>>
        tpu.enqueue_indirect_dma source(%dma_start3A_884 : memref<10112x128xf32, #tpu.memory_space<hbm>>) target(%dma_start3A_878 : memref<32x128xf32, #tpu.memory_space<vmem>>) offsets(%dma_start3A_881 : memref<32xi32, #tpu.memory_space<vmem>>) semaphore(%arg12 : memref<!tpu.dma_semaphore, #tpu.memory_space<semaphore_mem>>)
      } else {
      }
      %add3A_756 = arith.constant 1 : i32
      %add3A_757 = arith.addi %scan3A_533, %add3A_756 : i32
      %mul3A_758 = arith.constant 8 : i32
      %mul3A_759 = arith.muli %add3A_757, %mul3A_758 : i32
      %add3A_760 = arith.constant 3 : i32
      %add3A_761 = arith.addi %mul3A_759, %add3A_760 : i32
      %lt3A_762 = arith.constant 320 : i32
      %lt3A_763 = arith.cmpi slt, %add3A_761, %lt3A_762 : i32
      %convert_element_type3A_764 = arith.extui %lt3A_763 : i1 to i32
      %cond3A_765 = arith.constant 0 : i32
      %cond3A_766 = arith.cmpi ne, %convert_element_type3A_764, %cond3A_765 : i32
      scf.if %cond3A_766 {
        %dma_wait3A_811 = arith.constant 3 : i32
        %dma_wait3A_812 = arith.constant 3 : i32
        %dma_wait3A_813 = arith.constant 0 : i32
        %dma_wait3A_814 = arith.constant 0 : i32
        %dma_wait3A_815 = tpu.memref_slice %arg8[%dma_wait3A_811, %dma_wait3A_813, %dma_wait3A_814] : memref<8x32x128xf32, #tpu.memory_space<vmem>> -> memref<1x32x128xf32, #tpu.memory_space<vmem>>
        %dma_wait3A_816 = tpu.memref_squeeze %dma_wait3A_815 : memref<1x32x128xf32, #tpu.memory_space<vmem>> -> memref<32x128xf32, #tpu.memory_space<vmem>>
        %dma_wait3A_817 = arith.constant 0 : i32
        %dma_wait3A_818 = tpu.memref_slice %arg7[%dma_wait3A_812, %dma_wait3A_817] : memref<8x32xi32, #tpu.memory_space<vmem>> -> memref<1x32xi32, #tpu.memory_space<vmem>>
        %dma_wait3A_819 = tpu.memref_squeeze %dma_wait3A_818 : memref<1x32xi32, #tpu.memory_space<vmem>> -> memref<32xi32, #tpu.memory_space<vmem>>
        %dma_wait3A_820 = arith.constant 0 : i32
        %dma_wait3A_821 = arith.constant 0 : i32
        %dma_wait3A_822 = tpu.memref_slice %arg9[%dma_wait3A_820, %dma_wait3A_821] : memref<10112x128xf32, #tpu.memory_space<vmem_shared>> -> memref<10112x128xf32, #tpu.memory_space<vmem_shared>>
        tpu.wait_indirect_dma semaphore(%arg21 : memref<!tpu.dma_semaphore, #tpu.memory_space<semaphore_mem>>) src(%dma_wait3A_816 : memref<32x128xf32, #tpu.memory_space<vmem>>) dst(%dma_wait3A_822 : memref<10112x128xf32, #tpu.memory_space<vmem_shared>>)
        %mul3A_823 = arith.constant 32 : i32
        %mul3A_824 = arith.muli %add3A_761, %mul3A_823 : i32
        %add3A_825 = arith.constant 0 : i32
        %add3A_826 = arith.addi %mul3A_824, %add3A_825 : i32
        %get3A_827 = arith.index_cast %add3A_826 : i32 to index
        %get3A_828 = tpu.vector_load %arg5[%get3A_827] {strides = array<i32>} : memref<10240xi32, #tpu.memory_space<vmem>>, vector<16xi32>,
        %get3A_829 = vector.shape_cast %get3A_828 : vector<16xi32> to vector<16xi32>
        %and3A_830 = arith.constant 65535 : i32
        %and3A_831 = vector.broadcast %and3A_830 : i32 to vector<16xi32>
        %and3A_832 = arith.andi %get3A_829, %and3A_831 : vector<16xi32>
        %swap3A_833 = arith.constant 3 : i32
        %swap3A_834 = arith.index_cast %swap3A_833 : i32 to index
        %swap3A_835 = arith.constant 0 : index
        %swap3A_836 = tpu.vector_load %arg6[%swap3A_834, %swap3A_835] {strides = array<i32>} : memref<8x32xi32, #tpu.memory_space<vmem>>, vector<1x16xi32>,
        %swap3A_837 = vector.shape_cast %swap3A_836 : vector<1x16xi32> to vector<16xi32>
        %swap3A_838 = vector.shape_cast %and3A_832 : vector<16xi32> to vector<1x16xi32>
        tpu.vector_store %arg6[%swap3A_834, %swap3A_835], %swap3A_838 {strides = array<i32>} : memref<8x32xi32, #tpu.memory_space<vmem>>, vector<1x16xi32>,
        %shift_right_logical3A_839 = arith.constant 16 : i32
        %shift_right_logical3A_840 = vector.broadcast %shift_right_logical3A_839 : i32 to vector<16xi32>
        %shift_right_logical3A_841 = arith.shrui %get3A_829, %shift_right_logical3A_840 : vector<16xi32>
        %swap3A_842 = arith.constant 3 : i32
        %swap3A_843 = arith.index_cast %swap3A_842 : i32 to index
        %swap3A_844 = arith.constant 0 : index
        %swap3A_845 = tpu.vector_load %arg7[%swap3A_843, %swap3A_844] {strides = array<i32>} : memref<8x32xi32, #tpu.memory_space<vmem>>, vector<1x16xi32>,
        %swap3A_846 = vector.shape_cast %swap3A_845 : vector<1x16xi32> to vector<16xi32>
        %swap3A_847 = vector.shape_cast %shift_right_logical3A_841 : vector<16xi32> to vector<1x16xi32>
        tpu.vector_store %arg7[%swap3A_843, %swap3A_844], %swap3A_847 {strides = array<i32>} : memref<8x32xi32, #tpu.memory_space<vmem>>, vector<1x16xi32>,
        %mul3A_848 = arith.constant 32 : i32
        %mul3A_849 = arith.muli %add3A_761, %mul3A_848 : i32
        %add3A_850 = arith.constant 16 : i32
        %add3A_851 = arith.addi %mul3A_849, %add3A_850 : i32
        %get3A_852 = arith.index_cast %add3A_851 : i32 to index
        %get3A_853 = tpu.vector_load %arg5[%get3A_852] {strides = array<i32>} : memref<10240xi32, #tpu.memory_space<vmem>>, vector<16xi32>,
        %get3A_854 = vector.shape_cast %get3A_853 : vector<16xi32> to vector<16xi32>
        %and3A_855 = arith.constant 65535 : i32
        %and3A_856 = vector.broadcast %and3A_855 : i32 to vector<16xi32>
        %and3A_857 = arith.andi %get3A_854, %and3A_856 : vector<16xi32>
        %swap3A_858 = arith.constant 3 : i32
        %swap3A_859 = arith.index_cast %swap3A_858 : i32 to index
        %swap3A_860 = arith.constant 16 : index
        %swap3A_861 = tpu.vector_load %arg6[%swap3A_859, %swap3A_860] {strides = array<i32>} : memref<8x32xi32, #tpu.memory_space<vmem>>, vector<1x16xi32>,
        %swap3A_862 = vector.shape_cast %swap3A_861 : vector<1x16xi32> to vector<16xi32>
        %swap3A_863 = vector.shape_cast %and3A_857 : vector<16xi32> to vector<1x16xi32>
        tpu.vector_store %arg6[%swap3A_859, %swap3A_860], %swap3A_863 {strides = array<i32>} : memref<8x32xi32, #tpu.memory_space<vmem>>, vector<1x16xi32>,
        %shift_right_logical3A_864 = arith.constant 16 : i32
        %shift_right_logical3A_865 = vector.broadcast %shift_right_logical3A_864 : i32 to vector<16xi32>
        %shift_right_logical3A_866 = arith.shrui %get3A_854, %shift_right_logical3A_865 : vector<16xi32>
        %swap3A_867 = arith.constant 3 : i32
        %swap3A_868 = arith.index_cast %swap3A_867 : i32 to index
        %swap3A_869 = arith.constant 16 : index
        %swap3A_870 = tpu.vector_load %arg7[%swap3A_868, %swap3A_869] {strides = array<i32>} : memref<8x32xi32, #tpu.memory_space<vmem>>, vector<1x16xi32>,
        %swap3A_871 = vector.shape_cast %swap3A_870 : vector<1x16xi32> to vector<16xi32>
        %swap3A_872 = vector.shape_cast %shift_right_logical3A_866 : vector<16xi32> to vector<1x16xi32>
        tpu.vector_store %arg7[%swap3A_868, %swap3A_869], %swap3A_872 {strides = array<i32>} : memref<8x32xi32, #tpu.memory_space<vmem>>, vector<1x16xi32>,
        %dma_start3A_873 = arith.constant 3 : i32
        %dma_start3A_874 = arith.constant 3 : i32
        %dma_start3A_875 = arith.constant 0 : i32
        %dma_start3A_876 = arith.constant 0 : i32
        %dma_start3A_877 = tpu.memref_slice %arg8[%dma_start3A_874, %dma_start3A_875, %dma_start3A_876] : memref<8x32x128xf32, #tpu.memory_space<vmem>> -> memref<1x32x128xf32, #tpu.memory_space<vmem>>
        %dma_start3A_878 = tpu.memref_squeeze %dma_start3A_877 : memref<1x32x128xf32, #tpu.memory_space<vmem>> -> memref<32x128xf32, #tpu.memory_space<vmem>>
        %dma_start3A_879 = arith.constant 0 : i32
        %dma_start3A_880 = tpu.memref_slice %arg6[%dma_start3A_873, %dma_start3A_879] : memref<8x32xi32, #tpu.memory_space<vmem>> -> memref<1x32xi32, #tpu.memory_space<vmem>>
        %dma_start3A_881 = tpu.memref_squeeze %dma_start3A_880 : memref<1x32xi32, #tpu.memory_space<vmem>> -> memref<32xi32, #tpu.memory_space<vmem>>
        %dma_start3A_882 = arith.constant 0 : i32
        %dma_start3A_883 = arith.constant 0 : i32
        %dma_start3A_884 = tpu.memref_slice %arg2[%dma_start3A_882, %dma_start3A_883] : memref<10112x128xf32, #tpu.memory_space<hbm>> -> memref<10112x128xf32, #tpu.memory_space<hbm>>
        tpu.enqueue_indirect_dma source(%dma_start3A_884 : memref<10112x128xf32, #tpu.memory_space<hbm>>) target(%dma_start3A_878 : memref<32x128xf32, #tpu.memory_space<vmem>>) offsets(%dma_start3A_881 : memref<32xi32, #tpu.memory_space<vmem>>) semaphore(%arg13 : memref<!tpu.dma_semaphore, #tpu.memory_space<semaphore_mem>>)
      } else {
      }
      %add3A_767 = arith.constant 1 : i32
      %add3A_768 = arith.addi %scan3A_533, %add3A_767 : i32
      %mul3A_769 = arith.constant 8 : i32
      %mul3A_770 = arith.muli %add3A_768, %mul3A_769 : i32
      %add3A_771 = arith.constant 4 : i32
      %add3A_772 = arith.addi %mul3A_770, %add3A_771 : i32
      %lt3A_773 = arith.constant 320 : i32
      %lt3A_774 = arith.cmpi slt, %add3A_772, %lt3A_773 : i32
      %convert_element_type3A_775 = arith.extui %lt3A_774 : i1 to i32
      %cond3A_776 = arith.constant 0 : i32
      %cond3A_777 = arith.cmpi ne, %convert_element_type3A_775, %cond3A_776 : i32
      scf.if %cond3A_777 {
        %dma_wait3A_811 = arith.constant 4 : i32
        %dma_wait3A_812 = arith.constant 4 : i32
        %dma_wait3A_813 = arith.constant 0 : i32
        %dma_wait3A_814 = arith.constant 0 : i32
        %dma_wait3A_815 = tpu.memref_slice %arg8[%dma_wait3A_811, %dma_wait3A_813, %dma_wait3A_814] : memref<8x32x128xf32, #tpu.memory_space<vmem>> -> memref<1x32x128xf32, #tpu.memory_space<vmem>>
        %dma_wait3A_816 = tpu.memref_squeeze %dma_wait3A_815 : memref<1x32x128xf32, #tpu.memory_space<vmem>> -> memref<32x128xf32, #tpu.memory_space<vmem>>
        %dma_wait3A_817 = arith.constant 0 : i32
        %dma_wait3A_818 = tpu.memref_slice %arg7[%dma_wait3A_812, %dma_wait3A_817] : memref<8x32xi32, #tpu.memory_space<vmem>> -> memref<1x32xi32, #tpu.memory_space<vmem>>
        %dma_wait3A_819 = tpu.memref_squeeze %dma_wait3A_818 : memref<1x32xi32, #tpu.memory_space<vmem>> -> memref<32xi32, #tpu.memory_space<vmem>>
        %dma_wait3A_820 = arith.constant 0 : i32
        %dma_wait3A_821 = arith.constant 0 : i32
        %dma_wait3A_822 = tpu.memref_slice %arg9[%dma_wait3A_820, %dma_wait3A_821] : memref<10112x128xf32, #tpu.memory_space<vmem_shared>> -> memref<10112x128xf32, #tpu.memory_space<vmem_shared>>
        tpu.wait_indirect_dma semaphore(%arg22 : memref<!tpu.dma_semaphore, #tpu.memory_space<semaphore_mem>>) src(%dma_wait3A_816 : memref<32x128xf32, #tpu.memory_space<vmem>>) dst(%dma_wait3A_822 : memref<10112x128xf32, #tpu.memory_space<vmem_shared>>)
        %mul3A_823 = arith.constant 32 : i32
        %mul3A_824 = arith.muli %add3A_772, %mul3A_823 : i32
        %add3A_825 = arith.constant 0 : i32
        %add3A_826 = arith.addi %mul3A_824, %add3A_825 : i32
        %get3A_827 = arith.index_cast %add3A_826 : i32 to index
        %get3A_828 = tpu.vector_load %arg5[%get3A_827] {strides = array<i32>} : memref<10240xi32, #tpu.memory_space<vmem>>, vector<16xi32>,
        %get3A_829 = vector.shape_cast %get3A_828 : vector<16xi32> to vector<16xi32>
        %and3A_830 = arith.constant 65535 : i32
        %and3A_831 = vector.broadcast %and3A_830 : i32 to vector<16xi32>
        %and3A_832 = arith.andi %get3A_829, %and3A_831 : vector<16xi32>
        %swap3A_833 = arith.constant 4 : i32
        %swap3A_834 = arith.index_cast %swap3A_833 : i32 to index
        %swap3A_835 = arith.constant 0 : index
        %swap3A_836 = tpu.vector_load %arg6[%swap3A_834, %swap3A_835] {strides = array<i32>} : memref<8x32xi32, #tpu.memory_space<vmem>>, vector<1x16xi32>,
        %swap3A_837 = vector.shape_cast %swap3A_836 : vector<1x16xi32> to vector<16xi32>
        %swap3A_838 = vector.shape_cast %and3A_832 : vector<16xi32> to vector<1x16xi32>
        tpu.vector_store %arg6[%swap3A_834, %swap3A_835], %swap3A_838 {strides = array<i32>} : memref<8x32xi32, #tpu.memory_space<vmem>>, vector<1x16xi32>,
        %shift_right_logical3A_839 = arith.constant 16 : i32
        %shift_right_logical3A_840 = vector.broadcast %shift_right_logical3A_839 : i32 to vector<16xi32>
        %shift_right_logical3A_841 = arith.shrui %get3A_829, %shift_right_logical3A_840 : vector<16xi32>
        %swap3A_842 = arith.constant 4 : i32
        %swap3A_843 = arith.index_cast %swap3A_842 : i32 to index
        %swap3A_844 = arith.constant 0 : index
        %swap3A_845 = tpu.vector_load %arg7[%swap3A_843, %swap3A_844] {strides = array<i32>} : memref<8x32xi32, #tpu.memory_space<vmem>>, vector<1x16xi32>,
        %swap3A_846 = vector.shape_cast %swap3A_845 : vector<1x16xi32> to vector<16xi32>
        %swap3A_847 = vector.shape_cast %shift_right_logical3A_841 : vector<16xi32> to vector<1x16xi32>
        tpu.vector_store %arg7[%swap3A_843, %swap3A_844], %swap3A_847 {strides = array<i32>} : memref<8x32xi32, #tpu.memory_space<vmem>>, vector<1x16xi32>,
        %mul3A_848 = arith.constant 32 : i32
        %mul3A_849 = arith.muli %add3A_772, %mul3A_848 : i32
        %add3A_850 = arith.constant 16 : i32
        %add3A_851 = arith.addi %mul3A_849, %add3A_850 : i32
        %get3A_852 = arith.index_cast %add3A_851 : i32 to index
        %get3A_853 = tpu.vector_load %arg5[%get3A_852] {strides = array<i32>} : memref<10240xi32, #tpu.memory_space<vmem>>, vector<16xi32>,
        %get3A_854 = vector.shape_cast %get3A_853 : vector<16xi32> to vector<16xi32>
        %and3A_855 = arith.constant 65535 : i32
        %and3A_856 = vector.broadcast %and3A_855 : i32 to vector<16xi32>
        %and3A_857 = arith.andi %get3A_854, %and3A_856 : vector<16xi32>
        %swap3A_858 = arith.constant 4 : i32
        %swap3A_859 = arith.index_cast %swap3A_858 : i32 to index
        %swap3A_860 = arith.constant 16 : index
        %swap3A_861 = tpu.vector_load %arg6[%swap3A_859, %swap3A_860] {strides = array<i32>} : memref<8x32xi32, #tpu.memory_space<vmem>>, vector<1x16xi32>,
        %swap3A_862 = vector.shape_cast %swap3A_861 : vector<1x16xi32> to vector<16xi32>
        %swap3A_863 = vector.shape_cast %and3A_857 : vector<16xi32> to vector<1x16xi32>
        tpu.vector_store %arg6[%swap3A_859, %swap3A_860], %swap3A_863 {strides = array<i32>} : memref<8x32xi32, #tpu.memory_space<vmem>>, vector<1x16xi32>,
        %shift_right_logical3A_864 = arith.constant 16 : i32
        %shift_right_logical3A_865 = vector.broadcast %shift_right_logical3A_864 : i32 to vector<16xi32>
        %shift_right_logical3A_866 = arith.shrui %get3A_854, %shift_right_logical3A_865 : vector<16xi32>
        %swap3A_867 = arith.constant 4 : i32
        %swap3A_868 = arith.index_cast %swap3A_867 : i32 to index
        %swap3A_869 = arith.constant 16 : index
        %swap3A_870 = tpu.vector_load %arg7[%swap3A_868, %swap3A_869] {strides = array<i32>} : memref<8x32xi32, #tpu.memory_space<vmem>>, vector<1x16xi32>,
        %swap3A_871 = vector.shape_cast %swap3A_870 : vector<1x16xi32> to vector<16xi32>
        %swap3A_872 = vector.shape_cast %shift_right_logical3A_866 : vector<16xi32> to vector<1x16xi32>
        tpu.vector_store %arg7[%swap3A_868, %swap3A_869], %swap3A_872 {strides = array<i32>} : memref<8x32xi32, #tpu.memory_space<vmem>>, vector<1x16xi32>,
        %dma_start3A_873 = arith.constant 4 : i32
        %dma_start3A_874 = arith.constant 4 : i32
        %dma_start3A_875 = arith.constant 0 : i32
        %dma_start3A_876 = arith.constant 0 : i32
        %dma_start3A_877 = tpu.memref_slice %arg8[%dma_start3A_874, %dma_start3A_875, %dma_start3A_876] : memref<8x32x128xf32, #tpu.memory_space<vmem>> -> memref<1x32x128xf32, #tpu.memory_space<vmem>>
        %dma_start3A_878 = tpu.memref_squeeze %dma_start3A_877 : memref<1x32x128xf32, #tpu.memory_space<vmem>> -> memref<32x128xf32, #tpu.memory_space<vmem>>
        %dma_start3A_879 = arith.constant 0 : i32
        %dma_start3A_880 = tpu.memref_slice %arg6[%dma_start3A_873, %dma_start3A_879] : memref<8x32xi32, #tpu.memory_space<vmem>> -> memref<1x32xi32, #tpu.memory_space<vmem>>
        %dma_start3A_881 = tpu.memref_squeeze %dma_start3A_880 : memref<1x32xi32, #tpu.memory_space<vmem>> -> memref<32xi32, #tpu.memory_space<vmem>>
        %dma_start3A_882 = arith.constant 0 : i32
        %dma_start3A_883 = arith.constant 0 : i32
        %dma_start3A_884 = tpu.memref_slice %arg2[%dma_start3A_882, %dma_start3A_883] : memref<10112x128xf32, #tpu.memory_space<hbm>> -> memref<10112x128xf32, #tpu.memory_space<hbm>>
        tpu.enqueue_indirect_dma source(%dma_start3A_884 : memref<10112x128xf32, #tpu.memory_space<hbm>>) target(%dma_start3A_878 : memref<32x128xf32, #tpu.memory_space<vmem>>) offsets(%dma_start3A_881 : memref<32xi32, #tpu.memory_space<vmem>>) semaphore(%arg14 : memref<!tpu.dma_semaphore, #tpu.memory_space<semaphore_mem>>)
      } else {
      }
      %add3A_778 = arith.constant 1 : i32
      %add3A_779 = arith.addi %scan3A_533, %add3A_778 : i32
      %mul3A_780 = arith.constant 8 : i32
      %mul3A_781 = arith.muli %add3A_779, %mul3A_780 : i32
      %add3A_782 = arith.constant 5 : i32
      %add3A_783 = arith.addi %mul3A_781, %add3A_782 : i32
      %lt3A_784 = arith.constant 320 : i32
      %lt3A_785 = arith.cmpi slt, %add3A_783, %lt3A_784 : i32
      %convert_element_type3A_786 = arith.extui %lt3A_785 : i1 to i32
      %cond3A_787 = arith.constant 0 : i32
      %cond3A_788 = arith.cmpi ne, %convert_element_type3A_786, %cond3A_787 : i32
      scf.if %cond3A_788 {
        %dma_wait3A_811 = arith.constant 5 : i32
        %dma_wait3A_812 = arith.constant 5 : i32
        %dma_wait3A_813 = arith.constant 0 : i32
        %dma_wait3A_814 = arith.constant 0 : i32
        %dma_wait3A_815 = tpu.memref_slice %arg8[%dma_wait3A_811, %dma_wait3A_813, %dma_wait3A_814] : memref<8x32x128xf32, #tpu.memory_space<vmem>> -> memref<1x32x128xf32, #tpu.memory_space<vmem>>
        %dma_wait3A_816 = tpu.memref_squeeze %dma_wait3A_815 : memref<1x32x128xf32, #tpu.memory_space<vmem>> -> memref<32x128xf32, #tpu.memory_space<vmem>>
        %dma_wait3A_817 = arith.constant 0 : i32
        %dma_wait3A_818 = tpu.memref_slice %arg7[%dma_wait3A_812, %dma_wait3A_817] : memref<8x32xi32, #tpu.memory_space<vmem>> -> memref<1x32xi32, #tpu.memory_space<vmem>>
        %dma_wait3A_819 = tpu.memref_squeeze %dma_wait3A_818 : memref<1x32xi32, #tpu.memory_space<vmem>> -> memref<32xi32, #tpu.memory_space<vmem>>
        %dma_wait3A_820 = arith.constant 0 : i32
        %dma_wait3A_821 = arith.constant 0 : i32
        %dma_wait3A_822 = tpu.memref_slice %arg9[%dma_wait3A_820, %dma_wait3A_821] : memref<10112x128xf32, #tpu.memory_space<vmem_shared>> -> memref<10112x128xf32, #tpu.memory_space<vmem_shared>>
        tpu.wait_indirect_dma semaphore(%arg23 : memref<!tpu.dma_semaphore, #tpu.memory_space<semaphore_mem>>) src(%dma_wait3A_816 : memref<32x128xf32, #tpu.memory_space<vmem>>) dst(%dma_wait3A_822 : memref<10112x128xf32, #tpu.memory_space<vmem_shared>>)
        %mul3A_823 = arith.constant 32 : i32
        %mul3A_824 = arith.muli %add3A_783, %mul3A_823 : i32
        %add3A_825 = arith.constant 0 : i32
        %add3A_826 = arith.addi %mul3A_824, %add3A_825 : i32
        %get3A_827 = arith.index_cast %add3A_826 : i32 to index
        %get3A_828 = tpu.vector_load %arg5[%get3A_827] {strides = array<i32>} : memref<10240xi32, #tpu.memory_space<vmem>>, vector<16xi32>,
        %get3A_829 = vector.shape_cast %get3A_828 : vector<16xi32> to vector<16xi32>
        %and3A_830 = arith.constant 65535 : i32
        %and3A_831 = vector.broadcast %and3A_830 : i32 to vector<16xi32>
        %and3A_832 = arith.andi %get3A_829, %and3A_831 : vector<16xi32>
        %swap3A_833 = arith.constant 5 : i32
        %swap3A_834 = arith.index_cast %swap3A_833 : i32 to index
        %swap3A_835 = arith.constant 0 : index
        %swap3A_836 = tpu.vector_load %arg6[%swap3A_834, %swap3A_835] {strides = array<i32>} : memref<8x32xi32, #tpu.memory_space<vmem>>, vector<1x16xi32>,
        %swap3A_837 = vector.shape_cast %swap3A_836 : vector<1x16xi32> to vector<16xi32>
        %swap3A_838 = vector.shape_cast %and3A_832 : vector<16xi32> to vector<1x16xi32>
        tpu.vector_store %arg6[%swap3A_834, %swap3A_835], %swap3A_838 {strides = array<i32>} : memref<8x32xi32, #tpu.memory_space<vmem>>, vector<1x16xi32>,
        %shift_right_logical3A_839 = arith.constant 16 : i32
        %shift_right_logical3A_840 = vector.broadcast %shift_right_logical3A_839 : i32 to vector<16xi32>
        %shift_right_logical3A_841 = arith.shrui %get3A_829, %shift_right_logical3A_840 : vector<16xi32>
        %swap3A_842 = arith.constant 5 : i32
        %swap3A_843 = arith.index_cast %swap3A_842 : i32 to index
        %swap3A_844 = arith.constant 0 : index
        %swap3A_845 = tpu.vector_load %arg7[%swap3A_843, %swap3A_844] {strides = array<i32>} : memref<8x32xi32, #tpu.memory_space<vmem>>, vector<1x16xi32>,
        %swap3A_846 = vector.shape_cast %swap3A_845 : vector<1x16xi32> to vector<16xi32>
        %swap3A_847 = vector.shape_cast %shift_right_logical3A_841 : vector<16xi32> to vector<1x16xi32>
        tpu.vector_store %arg7[%swap3A_843, %swap3A_844], %swap3A_847 {strides = array<i32>} : memref<8x32xi32, #tpu.memory_space<vmem>>, vector<1x16xi32>,
        %mul3A_848 = arith.constant 32 : i32
        %mul3A_849 = arith.muli %add3A_783, %mul3A_848 : i32
        %add3A_850 = arith.constant 16 : i32
        %add3A_851 = arith.addi %mul3A_849, %add3A_850 : i32
        %get3A_852 = arith.index_cast %add3A_851 : i32 to index
        %get3A_853 = tpu.vector_load %arg5[%get3A_852] {strides = array<i32>} : memref<10240xi32, #tpu.memory_space<vmem>>, vector<16xi32>,
        %get3A_854 = vector.shape_cast %get3A_853 : vector<16xi32> to vector<16xi32>
        %and3A_855 = arith.constant 65535 : i32
        %and3A_856 = vector.broadcast %and3A_855 : i32 to vector<16xi32>
        %and3A_857 = arith.andi %get3A_854, %and3A_856 : vector<16xi32>
        %swap3A_858 = arith.constant 5 : i32
        %swap3A_859 = arith.index_cast %swap3A_858 : i32 to index
        %swap3A_860 = arith.constant 16 : index
        %swap3A_861 = tpu.vector_load %arg6[%swap3A_859, %swap3A_860] {strides = array<i32>} : memref<8x32xi32, #tpu.memory_space<vmem>>, vector<1x16xi32>,
        %swap3A_862 = vector.shape_cast %swap3A_861 : vector<1x16xi32> to vector<16xi32>
        %swap3A_863 = vector.shape_cast %and3A_857 : vector<16xi32> to vector<1x16xi32>
        tpu.vector_store %arg6[%swap3A_859, %swap3A_860], %swap3A_863 {strides = array<i32>} : memref<8x32xi32, #tpu.memory_space<vmem>>, vector<1x16xi32>,
        %shift_right_logical3A_864 = arith.constant 16 : i32
        %shift_right_logical3A_865 = vector.broadcast %shift_right_logical3A_864 : i32 to vector<16xi32>
        %shift_right_logical3A_866 = arith.shrui %get3A_854, %shift_right_logical3A_865 : vector<16xi32>
        %swap3A_867 = arith.constant 5 : i32
        %swap3A_868 = arith.index_cast %swap3A_867 : i32 to index
        %swap3A_869 = arith.constant 16 : index
        %swap3A_870 = tpu.vector_load %arg7[%swap3A_868, %swap3A_869] {strides = array<i32>} : memref<8x32xi32, #tpu.memory_space<vmem>>, vector<1x16xi32>,
        %swap3A_871 = vector.shape_cast %swap3A_870 : vector<1x16xi32> to vector<16xi32>
        %swap3A_872 = vector.shape_cast %shift_right_logical3A_866 : vector<16xi32> to vector<1x16xi32>
        tpu.vector_store %arg7[%swap3A_868, %swap3A_869], %swap3A_872 {strides = array<i32>} : memref<8x32xi32, #tpu.memory_space<vmem>>, vector<1x16xi32>,
        %dma_start3A_873 = arith.constant 5 : i32
        %dma_start3A_874 = arith.constant 5 : i32
        %dma_start3A_875 = arith.constant 0 : i32
        %dma_start3A_876 = arith.constant 0 : i32
        %dma_start3A_877 = tpu.memref_slice %arg8[%dma_start3A_874, %dma_start3A_875, %dma_start3A_876] : memref<8x32x128xf32, #tpu.memory_space<vmem>> -> memref<1x32x128xf32, #tpu.memory_space<vmem>>
        %dma_start3A_878 = tpu.memref_squeeze %dma_start3A_877 : memref<1x32x128xf32, #tpu.memory_space<vmem>> -> memref<32x128xf32, #tpu.memory_space<vmem>>
        %dma_start3A_879 = arith.constant 0 : i32
        %dma_start3A_880 = tpu.memref_slice %arg6[%dma_start3A_873, %dma_start3A_879] : memref<8x32xi32, #tpu.memory_space<vmem>> -> memref<1x32xi32, #tpu.memory_space<vmem>>
        %dma_start3A_881 = tpu.memref_squeeze %dma_start3A_880 : memref<1x32xi32, #tpu.memory_space<vmem>> -> memref<32xi32, #tpu.memory_space<vmem>>
        %dma_start3A_882 = arith.constant 0 : i32
        %dma_start3A_883 = arith.constant 0 : i32
        %dma_start3A_884 = tpu.memref_slice %arg2[%dma_start3A_882, %dma_start3A_883] : memref<10112x128xf32, #tpu.memory_space<hbm>> -> memref<10112x128xf32, #tpu.memory_space<hbm>>
        tpu.enqueue_indirect_dma source(%dma_start3A_884 : memref<10112x128xf32, #tpu.memory_space<hbm>>) target(%dma_start3A_878 : memref<32x128xf32, #tpu.memory_space<vmem>>) offsets(%dma_start3A_881 : memref<32xi32, #tpu.memory_space<vmem>>) semaphore(%arg15 : memref<!tpu.dma_semaphore, #tpu.memory_space<semaphore_mem>>)
      } else {
      }
      %add3A_789 = arith.constant 1 : i32
      %add3A_790 = arith.addi %scan3A_533, %add3A_789 : i32
      %mul3A_791 = arith.constant 8 : i32
      %mul3A_792 = arith.muli %add3A_790, %mul3A_791 : i32
      %add3A_793 = arith.constant 6 : i32
      %add3A_794 = arith.addi %mul3A_792, %add3A_793 : i32
      %lt3A_795 = arith.constant 320 : i32
      %lt3A_796 = arith.cmpi slt, %add3A_794, %lt3A_795 : i32
      %convert_element_type3A_797 = arith.extui %lt3A_796 : i1 to i32
      %cond3A_798 = arith.constant 0 : i32
      %cond3A_799 = arith.cmpi ne, %convert_element_type3A_797, %cond3A_798 : i32
      scf.if %cond3A_799 {
        %dma_wait3A_811 = arith.constant 6 : i32
        %dma_wait3A_812 = arith.constant 6 : i32
        %dma_wait3A_813 = arith.constant 0 : i32
        %dma_wait3A_814 = arith.constant 0 : i32
        %dma_wait3A_815 = tpu.memref_slice %arg8[%dma_wait3A_811, %dma_wait3A_813, %dma_wait3A_814] : memref<8x32x128xf32, #tpu.memory_space<vmem>> -> memref<1x32x128xf32, #tpu.memory_space<vmem>>
        %dma_wait3A_816 = tpu.memref_squeeze %dma_wait3A_815 : memref<1x32x128xf32, #tpu.memory_space<vmem>> -> memref<32x128xf32, #tpu.memory_space<vmem>>
        %dma_wait3A_817 = arith.constant 0 : i32
        %dma_wait3A_818 = tpu.memref_slice %arg7[%dma_wait3A_812, %dma_wait3A_817] : memref<8x32xi32, #tpu.memory_space<vmem>> -> memref<1x32xi32, #tpu.memory_space<vmem>>
        %dma_wait3A_819 = tpu.memref_squeeze %dma_wait3A_818 : memref<1x32xi32, #tpu.memory_space<vmem>> -> memref<32xi32, #tpu.memory_space<vmem>>
        %dma_wait3A_820 = arith.constant 0 : i32
        %dma_wait3A_821 = arith.constant 0 : i32
        %dma_wait3A_822 = tpu.memref_slice %arg9[%dma_wait3A_820, %dma_wait3A_821] : memref<10112x128xf32, #tpu.memory_space<vmem_shared>> -> memref<10112x128xf32, #tpu.memory_space<vmem_shared>>
        tpu.wait_indirect_dma semaphore(%arg24 : memref<!tpu.dma_semaphore, #tpu.memory_space<semaphore_mem>>) src(%dma_wait3A_816 : memref<32x128xf32, #tpu.memory_space<vmem>>) dst(%dma_wait3A_822 : memref<10112x128xf32, #tpu.memory_space<vmem_shared>>)
        %mul3A_823 = arith.constant 32 : i32
        %mul3A_824 = arith.muli %add3A_794, %mul3A_823 : i32
        %add3A_825 = arith.constant 0 : i32
        %add3A_826 = arith.addi %mul3A_824, %add3A_825 : i32
        %get3A_827 = arith.index_cast %add3A_826 : i32 to index
        %get3A_828 = tpu.vector_load %arg5[%get3A_827] {strides = array<i32>} : memref<10240xi32, #tpu.memory_space<vmem>>, vector<16xi32>,
        %get3A_829 = vector.shape_cast %get3A_828 : vector<16xi32> to vector<16xi32>
        %and3A_830 = arith.constant 65535 : i32
        %and3A_831 = vector.broadcast %and3A_830 : i32 to vector<16xi32>
        %and3A_832 = arith.andi %get3A_829, %and3A_831 : vector<16xi32>
        %swap3A_833 = arith.constant 6 : i32
        %swap3A_834 = arith.index_cast %swap3A_833 : i32 to index
        %swap3A_835 = arith.constant 0 : index
        %swap3A_836 = tpu.vector_load %arg6[%swap3A_834, %swap3A_835] {strides = array<i32>} : memref<8x32xi32, #tpu.memory_space<vmem>>, vector<1x16xi32>,
        %swap3A_837 = vector.shape_cast %swap3A_836 : vector<1x16xi32> to vector<16xi32>
        %swap3A_838 = vector.shape_cast %and3A_832 : vector<16xi32> to vector<1x16xi32>
        tpu.vector_store %arg6[%swap3A_834, %swap3A_835], %swap3A_838 {strides = array<i32>} : memref<8x32xi32, #tpu.memory_space<vmem>>, vector<1x16xi32>,
        %shift_right_logical3A_839 = arith.constant 16 : i32
        %shift_right_logical3A_840 = vector.broadcast %shift_right_logical3A_839 : i32 to vector<16xi32>
        %shift_right_logical3A_841 = arith.shrui %get3A_829, %shift_right_logical3A_840 : vector<16xi32>
        %swap3A_842 = arith.constant 6 : i32
        %swap3A_843 = arith.index_cast %swap3A_842 : i32 to index
        %swap3A_844 = arith.constant 0 : index
        %swap3A_845 = tpu.vector_load %arg7[%swap3A_843, %swap3A_844] {strides = array<i32>} : memref<8x32xi32, #tpu.memory_space<vmem>>, vector<1x16xi32>,
        %swap3A_846 = vector.shape_cast %swap3A_845 : vector<1x16xi32> to vector<16xi32>
        %swap3A_847 = vector.shape_cast %shift_right_logical3A_841 : vector<16xi32> to vector<1x16xi32>
        tpu.vector_store %arg7[%swap3A_843, %swap3A_844], %swap3A_847 {strides = array<i32>} : memref<8x32xi32, #tpu.memory_space<vmem>>, vector<1x16xi32>,
        %mul3A_848 = arith.constant 32 : i32
        %mul3A_849 = arith.muli %add3A_794, %mul3A_848 : i32
        %add3A_850 = arith.constant 16 : i32
        %add3A_851 = arith.addi %mul3A_849, %add3A_850 : i32
        %get3A_852 = arith.index_cast %add3A_851 : i32 to index
        %get3A_853 = tpu.vector_load %arg5[%get3A_852] {strides = array<i32>} : memref<10240xi32, #tpu.memory_space<vmem>>, vector<16xi32>,
        %get3A_854 = vector.shape_cast %get3A_853 : vector<16xi32> to vector<16xi32>
        %and3A_855 = arith.constant 65535 : i32
        %and3A_856 = vector.broadcast %and3A_855 : i32 to vector<16xi32>
        %and3A_857 = arith.andi %get3A_854, %and3A_856 : vector<16xi32>
        %swap3A_858 = arith.constant 6 : i32
        %swap3A_859 = arith.index_cast %swap3A_858 : i32 to index
        %swap3A_860 = arith.constant 16 : index
        %swap3A_861 = tpu.vector_load %arg6[%swap3A_859, %swap3A_860] {strides = array<i32>} : memref<8x32xi32, #tpu.memory_space<vmem>>, vector<1x16xi32>,
        %swap3A_862 = vector.shape_cast %swap3A_861 : vector<1x16xi32> to vector<16xi32>
        %swap3A_863 = vector.shape_cast %and3A_857 : vector<16xi32> to vector<1x16xi32>
        tpu.vector_store %arg6[%swap3A_859, %swap3A_860], %swap3A_863 {strides = array<i32>} : memref<8x32xi32, #tpu.memory_space<vmem>>, vector<1x16xi32>,
        %shift_right_logical3A_864 = arith.constant 16 : i32
        %shift_right_logical3A_865 = vector.broadcast %shift_right_logical3A_864 : i32 to vector<16xi32>
        %shift_right_logical3A_866 = arith.shrui %get3A_854, %shift_right_logical3A_865 : vector<16xi32>
        %swap3A_867 = arith.constant 6 : i32
        %swap3A_868 = arith.index_cast %swap3A_867 : i32 to index
        %swap3A_869 = arith.constant 16 : index
        %swap3A_870 = tpu.vector_load %arg7[%swap3A_868, %swap3A_869] {strides = array<i32>} : memref<8x32xi32, #tpu.memory_space<vmem>>, vector<1x16xi32>,
        %swap3A_871 = vector.shape_cast %swap3A_870 : vector<1x16xi32> to vector<16xi32>
        %swap3A_872 = vector.shape_cast %shift_right_logical3A_866 : vector<16xi32> to vector<1x16xi32>
        tpu.vector_store %arg7[%swap3A_868, %swap3A_869], %swap3A_872 {strides = array<i32>} : memref<8x32xi32, #tpu.memory_space<vmem>>, vector<1x16xi32>,
        %dma_start3A_873 = arith.constant 6 : i32
        %dma_start3A_874 = arith.constant 6 : i32
        %dma_start3A_875 = arith.constant 0 : i32
        %dma_start3A_876 = arith.constant 0 : i32
        %dma_start3A_877 = tpu.memref_slice %arg8[%dma_start3A_874, %dma_start3A_875, %dma_start3A_876] : memref<8x32x128xf32, #tpu.memory_space<vmem>> -> memref<1x32x128xf32, #tpu.memory_space<vmem>>
        %dma_start3A_878 = tpu.memref_squeeze %dma_start3A_877 : memref<1x32x128xf32, #tpu.memory_space<vmem>> -> memref<32x128xf32, #tpu.memory_space<vmem>>
        %dma_start3A_879 = arith.constant 0 : i32
        %dma_start3A_880 = tpu.memref_slice %arg6[%dma_start3A_873, %dma_start3A_879] : memref<8x32xi32, #tpu.memory_space<vmem>> -> memref<1x32xi32, #tpu.memory_space<vmem>>
        %dma_start3A_881 = tpu.memref_squeeze %dma_start3A_880 : memref<1x32xi32, #tpu.memory_space<vmem>> -> memref<32xi32, #tpu.memory_space<vmem>>
        %dma_start3A_882 = arith.constant 0 : i32
        %dma_start3A_883 = arith.constant 0 : i32
        %dma_start3A_884 = tpu.memref_slice %arg2[%dma_start3A_882, %dma_start3A_883] : memref<10112x128xf32, #tpu.memory_space<hbm>> -> memref<10112x128xf32, #tpu.memory_space<hbm>>
        tpu.enqueue_indirect_dma source(%dma_start3A_884 : memref<10112x128xf32, #tpu.memory_space<hbm>>) target(%dma_start3A_878 : memref<32x128xf32, #tpu.memory_space<vmem>>) offsets(%dma_start3A_881 : memref<32xi32, #tpu.memory_space<vmem>>) semaphore(%arg16 : memref<!tpu.dma_semaphore, #tpu.memory_space<semaphore_mem>>)
      } else {
      }
      %add3A_800 = arith.constant 1 : i32
      %add3A_801 = arith.addi %scan3A_533, %add3A_800 : i32
      %mul3A_802 = arith.constant 8 : i32
      %mul3A_803 = arith.muli %add3A_801, %mul3A_802 : i32
      %add3A_804 = arith.constant 7 : i32
      %add3A_805 = arith.addi %mul3A_803, %add3A_804 : i32
      %lt3A_806 = arith.constant 320 : i32
      %lt3A_807 = arith.cmpi slt, %add3A_805, %lt3A_806 : i32
      %convert_element_type3A_808 = arith.extui %lt3A_807 : i1 to i32
      %cond3A_809 = arith.constant 0 : i32
      %cond3A_810 = arith.cmpi ne, %convert_element_type3A_808, %cond3A_809 : i32
      scf.if %cond3A_810 {
        %dma_wait3A_811 = arith.constant 7 : i32
        %dma_wait3A_812 = arith.constant 7 : i32
        %dma_wait3A_813 = arith.constant 0 : i32
        %dma_wait3A_814 = arith.constant 0 : i32
        %dma_wait3A_815 = tpu.memref_slice %arg8[%dma_wait3A_811, %dma_wait3A_813, %dma_wait3A_814] : memref<8x32x128xf32, #tpu.memory_space<vmem>> -> memref<1x32x128xf32, #tpu.memory_space<vmem>>
        %dma_wait3A_816 = tpu.memref_squeeze %dma_wait3A_815 : memref<1x32x128xf32, #tpu.memory_space<vmem>> -> memref<32x128xf32, #tpu.memory_space<vmem>>
        %dma_wait3A_817 = arith.constant 0 : i32
        %dma_wait3A_818 = tpu.memref_slice %arg7[%dma_wait3A_812, %dma_wait3A_817] : memref<8x32xi32, #tpu.memory_space<vmem>> -> memref<1x32xi32, #tpu.memory_space<vmem>>
        %dma_wait3A_819 = tpu.memref_squeeze %dma_wait3A_818 : memref<1x32xi32, #tpu.memory_space<vmem>> -> memref<32xi32, #tpu.memory_space<vmem>>
        %dma_wait3A_820 = arith.constant 0 : i32
        %dma_wait3A_821 = arith.constant 0 : i32
        %dma_wait3A_822 = tpu.memref_slice %arg9[%dma_wait3A_820, %dma_wait3A_821] : memref<10112x128xf32, #tpu.memory_space<vmem_shared>> -> memref<10112x128xf32, #tpu.memory_space<vmem_shared>>
        tpu.wait_indirect_dma semaphore(%arg25 : memref<!tpu.dma_semaphore, #tpu.memory_space<semaphore_mem>>) src(%dma_wait3A_816 : memref<32x128xf32, #tpu.memory_space<vmem>>) dst(%dma_wait3A_822 : memref<10112x128xf32, #tpu.memory_space<vmem_shared>>)
        %mul3A_823 = arith.constant 32 : i32
        %mul3A_824 = arith.muli %add3A_805, %mul3A_823 : i32
        %add3A_825 = arith.constant 0 : i32
        %add3A_826 = arith.addi %mul3A_824, %add3A_825 : i32
        %get3A_827 = arith.index_cast %add3A_826 : i32 to index
        %get3A_828 = tpu.vector_load %arg5[%get3A_827] {strides = array<i32>} : memref<10240xi32, #tpu.memory_space<vmem>>, vector<16xi32>,
        %get3A_829 = vector.shape_cast %get3A_828 : vector<16xi32> to vector<16xi32>
        %and3A_830 = arith.constant 65535 : i32
        %and3A_831 = vector.broadcast %and3A_830 : i32 to vector<16xi32>
        %and3A_832 = arith.andi %get3A_829, %and3A_831 : vector<16xi32>
        %swap3A_833 = arith.constant 7 : i32
        %swap3A_834 = arith.index_cast %swap3A_833 : i32 to index
        %swap3A_835 = arith.constant 0 : index
        %swap3A_836 = tpu.vector_load %arg6[%swap3A_834, %swap3A_835] {strides = array<i32>} : memref<8x32xi32, #tpu.memory_space<vmem>>, vector<1x16xi32>,
        %swap3A_837 = vector.shape_cast %swap3A_836 : vector<1x16xi32> to vector<16xi32>
        %swap3A_838 = vector.shape_cast %and3A_832 : vector<16xi32> to vector<1x16xi32>
        tpu.vector_store %arg6[%swap3A_834, %swap3A_835], %swap3A_838 {strides = array<i32>} : memref<8x32xi32, #tpu.memory_space<vmem>>, vector<1x16xi32>,
        %shift_right_logical3A_839 = arith.constant 16 : i32
        %shift_right_logical3A_840 = vector.broadcast %shift_right_logical3A_839 : i32 to vector<16xi32>
        %shift_right_logical3A_841 = arith.shrui %get3A_829, %shift_right_logical3A_840 : vector<16xi32>
        %swap3A_842 = arith.constant 7 : i32
        %swap3A_843 = arith.index_cast %swap3A_842 : i32 to index
        %swap3A_844 = arith.constant 0 : index
        %swap3A_845 = tpu.vector_load %arg7[%swap3A_843, %swap3A_844] {strides = array<i32>} : memref<8x32xi32, #tpu.memory_space<vmem>>, vector<1x16xi32>,
        %swap3A_846 = vector.shape_cast %swap3A_845 : vector<1x16xi32> to vector<16xi32>
        %swap3A_847 = vector.shape_cast %shift_right_logical3A_841 : vector<16xi32> to vector<1x16xi32>
        tpu.vector_store %arg7[%swap3A_843, %swap3A_844], %swap3A_847 {strides = array<i32>} : memref<8x32xi32, #tpu.memory_space<vmem>>, vector<1x16xi32>,
        %mul3A_848 = arith.constant 32 : i32
        %mul3A_849 = arith.muli %add3A_805, %mul3A_848 : i32
        %add3A_850 = arith.constant 16 : i32
        %add3A_851 = arith.addi %mul3A_849, %add3A_850 : i32
        %get3A_852 = arith.index_cast %add3A_851 : i32 to index
        %get3A_853 = tpu.vector_load %arg5[%get3A_852] {strides = array<i32>} : memref<10240xi32, #tpu.memory_space<vmem>>, vector<16xi32>,
        %get3A_854 = vector.shape_cast %get3A_853 : vector<16xi32> to vector<16xi32>
        %and3A_855 = arith.constant 65535 : i32
        %and3A_856 = vector.broadcast %and3A_855 : i32 to vector<16xi32>
        %and3A_857 = arith.andi %get3A_854, %and3A_856 : vector<16xi32>
        %swap3A_858 = arith.constant 7 : i32
        %swap3A_859 = arith.index_cast %swap3A_858 : i32 to index
        %swap3A_860 = arith.constant 16 : index
        %swap3A_861 = tpu.vector_load %arg6[%swap3A_859, %swap3A_860] {strides = array<i32>} : memref<8x32xi32, #tpu.memory_space<vmem>>, vector<1x16xi32>,
        %swap3A_862 = vector.shape_cast %swap3A_861 : vector<1x16xi32> to vector<16xi32>
        %swap3A_863 = vector.shape_cast %and3A_857 : vector<16xi32> to vector<1x16xi32>
        tpu.vector_store %arg6[%swap3A_859, %swap3A_860], %swap3A_863 {strides = array<i32>} : memref<8x32xi32, #tpu.memory_space<vmem>>, vector<1x16xi32>,
        %shift_right_logical3A_864 = arith.constant 16 : i32
        %shift_right_logical3A_865 = vector.broadcast %shift_right_logical3A_864 : i32 to vector<16xi32>
        %shift_right_logical3A_866 = arith.shrui %get3A_854, %shift_right_logical3A_865 : vector<16xi32>
        %swap3A_867 = arith.constant 7 : i32
        %swap3A_868 = arith.index_cast %swap3A_867 : i32 to index
        %swap3A_869 = arith.constant 16 : index
        %swap3A_870 = tpu.vector_load %arg7[%swap3A_868, %swap3A_869] {strides = array<i32>} : memref<8x32xi32, #tpu.memory_space<vmem>>, vector<1x16xi32>,
        %swap3A_871 = vector.shape_cast %swap3A_870 : vector<1x16xi32> to vector<16xi32>
        %swap3A_872 = vector.shape_cast %shift_right_logical3A_866 : vector<16xi32> to vector<1x16xi32>
        tpu.vector_store %arg7[%swap3A_868, %swap3A_869], %swap3A_872 {strides = array<i32>} : memref<8x32xi32, #tpu.memory_space<vmem>>, vector<1x16xi32>,
        %dma_start3A_873 = arith.constant 7 : i32
        %dma_start3A_874 = arith.constant 7 : i32
        %dma_start3A_875 = arith.constant 0 : i32
        %dma_start3A_876 = arith.constant 0 : i32
        %dma_start3A_877 = tpu.memref_slice %arg8[%dma_start3A_874, %dma_start3A_875, %dma_start3A_876] : memref<8x32x128xf32, #tpu.memory_space<vmem>> -> memref<1x32x128xf32, #tpu.memory_space<vmem>>
        %dma_start3A_878 = tpu.memref_squeeze %dma_start3A_877 : memref<1x32x128xf32, #tpu.memory_space<vmem>> -> memref<32x128xf32, #tpu.memory_space<vmem>>
        %dma_start3A_879 = arith.constant 0 : i32
        %dma_start3A_880 = tpu.memref_slice %arg6[%dma_start3A_873, %dma_start3A_879] : memref<8x32xi32, #tpu.memory_space<vmem>> -> memref<1x32xi32, #tpu.memory_space<vmem>>
        %dma_start3A_881 = tpu.memref_squeeze %dma_start3A_880 : memref<1x32xi32, #tpu.memory_space<vmem>> -> memref<32xi32, #tpu.memory_space<vmem>>
        %dma_start3A_882 = arith.constant 0 : i32
        %dma_start3A_883 = arith.constant 0 : i32
        %dma_start3A_884 = tpu.memref_slice %arg2[%dma_start3A_882, %dma_start3A_883] : memref<10112x128xf32, #tpu.memory_space<hbm>> -> memref<10112x128xf32, #tpu.memory_space<hbm>>
        tpu.enqueue_indirect_dma source(%dma_start3A_884 : memref<10112x128xf32, #tpu.memory_space<hbm>>) target(%dma_start3A_878 : memref<32x128xf32, #tpu.memory_space<vmem>>) offsets(%dma_start3A_881 : memref<32xi32, #tpu.memory_space<vmem>>) semaphore(%arg17 : memref<!tpu.dma_semaphore, #tpu.memory_space<semaphore_mem>>)
      } else {
      }
    }
    %scan3A_436 = arith.constant 40 : i32
    %dma_wait3A = arith.constant 0 : i32
    %dma_wait3A_437 = arith.constant 0 : i32
    %dma_wait3A_438 = arith.constant 0 : i32
    %dma_wait3A_439 = arith.constant 0 : i32
    %dma_wait3A_440 = tpu.memref_slice %arg8[%dma_wait3A, %dma_wait3A_438, %dma_wait3A_439] : memref<8x32x128xf32, #tpu.memory_space<vmem>> -> memref<1x32x128xf32, #tpu.memory_space<vmem>>
    %dma_wait3A_441 = tpu.memref_squeeze %dma_wait3A_440 : memref<1x32x128xf32, #tpu.memory_space<vmem>> -> memref<32x128xf32, #tpu.memory_space<vmem>>
    %dma_wait3A_442 = arith.constant 0 : i32
    %dma_wait3A_443 = tpu.memref_slice %arg7[%dma_wait3A_437, %dma_wait3A_442] : memref<8x32xi32, #tpu.memory_space<vmem>> -> memref<1x32xi32, #tpu.memory_space<vmem>>
    %dma_wait3A_444 = tpu.memref_squeeze %dma_wait3A_443 : memref<1x32xi32, #tpu.memory_space<vmem>> -> memref<32xi32, #tpu.memory_space<vmem>>
    %dma_wait3A_445 = arith.constant 0 : i32
    %dma_wait3A_446 = arith.constant 0 : i32
    %dma_wait3A_447 = tpu.memref_slice %arg9[%dma_wait3A_445, %dma_wait3A_446] : memref<10112x128xf32, #tpu.memory_space<vmem_shared>> -> memref<10112x128xf32, #tpu.memory_space<vmem_shared>>
    tpu.wait_indirect_dma semaphore(%arg18 : memref<!tpu.dma_semaphore, #tpu.memory_space<semaphore_mem>>) src(%dma_wait3A_441 : memref<32x128xf32, #tpu.memory_space<vmem>>) dst(%dma_wait3A_447 : memref<10112x128xf32, #tpu.memory_space<vmem_shared>>)
    %dma_wait3A_448 = arith.constant 1 : i32
    %dma_wait3A_449 = arith.constant 1 : i32
    %dma_wait3A_450 = arith.constant 0 : i32
    %dma_wait3A_451 = arith.constant 0 : i32
    %dma_wait3A_452 = tpu.memref_slice %arg8[%dma_wait3A_448, %dma_wait3A_450, %dma_wait3A_451] : memref<8x32x128xf32, #tpu.memory_space<vmem>> -> memref<1x32x128xf32, #tpu.memory_space<vmem>>
    %dma_wait3A_453 = tpu.memref_squeeze %dma_wait3A_452 : memref<1x32x128xf32, #tpu.memory_space<vmem>> -> memref<32x128xf32, #tpu.memory_space<vmem>>
    %dma_wait3A_454 = arith.constant 0 : i32
    %dma_wait3A_455 = tpu.memref_slice %arg7[%dma_wait3A_449, %dma_wait3A_454] : memref<8x32xi32, #tpu.memory_space<vmem>> -> memref<1x32xi32, #tpu.memory_space<vmem>>
    %dma_wait3A_456 = tpu.memref_squeeze %dma_wait3A_455 : memref<1x32xi32, #tpu.memory_space<vmem>> -> memref<32xi32, #tpu.memory_space<vmem>>
    %dma_wait3A_457 = arith.constant 0 : i32
    %dma_wait3A_458 = arith.constant 0 : i32
    %dma_wait3A_459 = tpu.memref_slice %arg9[%dma_wait3A_457, %dma_wait3A_458] : memref<10112x128xf32, #tpu.memory_space<vmem_shared>> -> memref<10112x128xf32, #tpu.memory_space<vmem_shared>>
    tpu.wait_indirect_dma semaphore(%arg19 : memref<!tpu.dma_semaphore, #tpu.memory_space<semaphore_mem>>) src(%dma_wait3A_453 : memref<32x128xf32, #tpu.memory_space<vmem>>) dst(%dma_wait3A_459 : memref<10112x128xf32, #tpu.memory_space<vmem_shared>>)
    %dma_wait3A_460 = arith.constant 2 : i32
    %dma_wait3A_461 = arith.constant 2 : i32
    %dma_wait3A_462 = arith.constant 0 : i32
    %dma_wait3A_463 = arith.constant 0 : i32
    %dma_wait3A_464 = tpu.memref_slice %arg8[%dma_wait3A_460, %dma_wait3A_462, %dma_wait3A_463] : memref<8x32x128xf32, #tpu.memory_space<vmem>> -> memref<1x32x128xf32, #tpu.memory_space<vmem>>
    %dma_wait3A_465 = tpu.memref_squeeze %dma_wait3A_464 : memref<1x32x128xf32, #tpu.memory_space<vmem>> -> memref<32x128xf32, #tpu.memory_space<vmem>>
    %dma_wait3A_466 = arith.constant 0 : i32
    %dma_wait3A_467 = tpu.memref_slice %arg7[%dma_wait3A_461, %dma_wait3A_466] : memref<8x32xi32, #tpu.memory_space<vmem>> -> memref<1x32xi32, #tpu.memory_space<vmem>>
    %dma_wait3A_468 = tpu.memref_squeeze %dma_wait3A_467 : memref<1x32xi32, #tpu.memory_space<vmem>> -> memref<32xi32, #tpu.memory_space<vmem>>
    %dma_wait3A_469 = arith.constant 0 : i32
    %dma_wait3A_470 = arith.constant 0 : i32
    %dma_wait3A_471 = tpu.memref_slice %arg9[%dma_wait3A_469, %dma_wait3A_470] : memref<10112x128xf32, #tpu.memory_space<vmem_shared>> -> memref<10112x128xf32, #tpu.memory_space<vmem_shared>>
    tpu.wait_indirect_dma semaphore(%arg20 : memref<!tpu.dma_semaphore, #tpu.memory_space<semaphore_mem>>) src(%dma_wait3A_465 : memref<32x128xf32, #tpu.memory_space<vmem>>) dst(%dma_wait3A_471 : memref<10112x128xf32, #tpu.memory_space<vmem_shared>>)
    %dma_wait3A_472 = arith.constant 3 : i32
    %dma_wait3A_473 = arith.constant 3 : i32
    %dma_wait3A_474 = arith.constant 0 : i32
    %dma_wait3A_475 = arith.constant 0 : i32
    %dma_wait3A_476 = tpu.memref_slice %arg8[%dma_wait3A_472, %dma_wait3A_474, %dma_wait3A_475] : memref<8x32x128xf32, #tpu.memory_space<vmem>> -> memref<1x32x128xf32, #tpu.memory_space<vmem>>
    %dma_wait3A_477 = tpu.memref_squeeze %dma_wait3A_476 : memref<1x32x128xf32, #tpu.memory_space<vmem>> -> memref<32x128xf32, #tpu.memory_space<vmem>>
    %dma_wait3A_478 = arith.constant 0 : i32
    %dma_wait3A_479 = tpu.memref_slice %arg7[%dma_wait3A_473, %dma_wait3A_478] : memref<8x32xi32, #tpu.memory_space<vmem>> -> memref<1x32xi32, #tpu.memory_space<vmem>>
    %dma_wait3A_480 = tpu.memref_squeeze %dma_wait3A_479 : memref<1x32xi32, #tpu.memory_space<vmem>> -> memref<32xi32, #tpu.memory_space<vmem>>
    %dma_wait3A_481 = arith.constant 0 : i32
    %dma_wait3A_482 = arith.constant 0 : i32
    %dma_wait3A_483 = tpu.memref_slice %arg9[%dma_wait3A_481, %dma_wait3A_482] : memref<10112x128xf32, #tpu.memory_space<vmem_shared>> -> memref<10112x128xf32, #tpu.memory_space<vmem_shared>>
    tpu.wait_indirect_dma semaphore(%arg21 : memref<!tpu.dma_semaphore, #tpu.memory_space<semaphore_mem>>) src(%dma_wait3A_477 : memref<32x128xf32, #tpu.memory_space<vmem>>) dst(%dma_wait3A_483 : memref<10112x128xf32, #tpu.memory_space<vmem_shared>>)
    %dma_wait3A_484 = arith.constant 4 : i32
    %dma_wait3A_485 = arith.constant 4 : i32
    %dma_wait3A_486 = arith.constant 0 : i32
    %dma_wait3A_487 = arith.constant 0 : i32
    %dma_wait3A_488 = tpu.memref_slice %arg8[%dma_wait3A_484, %dma_wait3A_486, %dma_wait3A_487] : memref<8x32x128xf32, #tpu.memory_space<vmem>> -> memref<1x32x128xf32, #tpu.memory_space<vmem>>
    %dma_wait3A_489 = tpu.memref_squeeze %dma_wait3A_488 : memref<1x32x128xf32, #tpu.memory_space<vmem>> -> memref<32x128xf32, #tpu.memory_space<vmem>>
    %dma_wait3A_490 = arith.constant 0 : i32
    %dma_wait3A_491 = tpu.memref_slice %arg7[%dma_wait3A_485, %dma_wait3A_490] : memref<8x32xi32, #tpu.memory_space<vmem>> -> memref<1x32xi32, #tpu.memory_space<vmem>>
    %dma_wait3A_492 = tpu.memref_squeeze %dma_wait3A_491 : memref<1x32xi32, #tpu.memory_space<vmem>> -> memref<32xi32, #tpu.memory_space<vmem>>
    %dma_wait3A_493 = arith.constant 0 : i32
    %dma_wait3A_494 = arith.constant 0 : i32
    %dma_wait3A_495 = tpu.memref_slice %arg9[%dma_wait3A_493, %dma_wait3A_494] : memref<10112x128xf32, #tpu.memory_space<vmem_shared>> -> memref<10112x128xf32, #tpu.memory_space<vmem_shared>>
    tpu.wait_indirect_dma semaphore(%arg22 : memref<!tpu.dma_semaphore, #tpu.memory_space<semaphore_mem>>) src(%dma_wait3A_489 : memref<32x128xf32, #tpu.memory_space<vmem>>) dst(%dma_wait3A_495 : memref<10112x128xf32, #tpu.memory_space<vmem_shared>>)
    %dma_wait3A_496 = arith.constant 5 : i32
    %dma_wait3A_497 = arith.constant 5 : i32
    %dma_wait3A_498 = arith.constant 0 : i32
    %dma_wait3A_499 = arith.constant 0 : i32
    %dma_wait3A_500 = tpu.memref_slice %arg8[%dma_wait3A_496, %dma_wait3A_498, %dma_wait3A_499] : memref<8x32x128xf32, #tpu.memory_space<vmem>> -> memref<1x32x128xf32, #tpu.memory_space<vmem>>
    %dma_wait3A_501 = tpu.memref_squeeze %dma_wait3A_500 : memref<1x32x128xf32, #tpu.memory_space<vmem>> -> memref<32x128xf32, #tpu.memory_space<vmem>>
    %dma_wait3A_502 = arith.constant 0 : i32
    %dma_wait3A_503 = tpu.memref_slice %arg7[%dma_wait3A_497, %dma_wait3A_502] : memref<8x32xi32, #tpu.memory_space<vmem>> -> memref<1x32xi32, #tpu.memory_space<vmem>>
    %dma_wait3A_504 = tpu.memref_squeeze %dma_wait3A_503 : memref<1x32xi32, #tpu.memory_space<vmem>> -> memref<32xi32, #tpu.memory_space<vmem>>
    %dma_wait3A_505 = arith.constant 0 : i32
    %dma_wait3A_506 = arith.constant 0 : i32
    %dma_wait3A_507 = tpu.memref_slice %arg9[%dma_wait3A_505, %dma_wait3A_506] : memref<10112x128xf32, #tpu.memory_space<vmem_shared>> -> memref<10112x128xf32, #tpu.memory_space<vmem_shared>>
    tpu.wait_indirect_dma semaphore(%arg23 : memref<!tpu.dma_semaphore, #tpu.memory_space<semaphore_mem>>) src(%dma_wait3A_501 : memref<32x128xf32, #tpu.memory_space<vmem>>) dst(%dma_wait3A_507 : memref<10112x128xf32, #tpu.memory_space<vmem_shared>>)
    %dma_wait3A_508 = arith.constant 6 : i32
    %dma_wait3A_509 = arith.constant 6 : i32
    %dma_wait3A_510 = arith.constant 0 : i32
    %dma_wait3A_511 = arith.constant 0 : i32
    %dma_wait3A_512 = tpu.memref_slice %arg8[%dma_wait3A_508, %dma_wait3A_510, %dma_wait3A_511] : memref<8x32x128xf32, #tpu.memory_space<vmem>> -> memref<1x32x128xf32, #tpu.memory_space<vmem>>
    %dma_wait3A_513 = tpu.memref_squeeze %dma_wait3A_512 : memref<1x32x128xf32, #tpu.memory_space<vmem>> -> memref<32x128xf32, #tpu.memory_space<vmem>>
    %dma_wait3A_514 = arith.constant 0 : i32
    %dma_wait3A_515 = tpu.memref_slice %arg7[%dma_wait3A_509, %dma_wait3A_514] : memref<8x32xi32, #tpu.memory_space<vmem>> -> memref<1x32xi32, #tpu.memory_space<vmem>>
    %dma_wait3A_516 = tpu.memref_squeeze %dma_wait3A_515 : memref<1x32xi32, #tpu.memory_space<vmem>> -> memref<32xi32, #tpu.memory_space<vmem>>
    %dma_wait3A_517 = arith.constant 0 : i32
    %dma_wait3A_518 = arith.constant 0 : i32
    %dma_wait3A_519 = tpu.memref_slice %arg9[%dma_wait3A_517, %dma_wait3A_518] : memref<10112x128xf32, #tpu.memory_space<vmem_shared>> -> memref<10112x128xf32, #tpu.memory_space<vmem_shared>>
    tpu.wait_indirect_dma semaphore(%arg24 : memref<!tpu.dma_semaphore, #tpu.memory_space<semaphore_mem>>) src(%dma_wait3A_513 : memref<32x128xf32, #tpu.memory_space<vmem>>) dst(%dma_wait3A_519 : memref<10112x128xf32, #tpu.memory_space<vmem_shared>>)
    %dma_wait3A_520 = arith.constant 7 : i32
    %dma_wait3A_521 = arith.constant 7 : i32
    %dma_wait3A_522 = arith.constant 0 : i32
    %dma_wait3A_523 = arith.constant 0 : i32
    %dma_wait3A_524 = tpu.memref_slice %arg8[%dma_wait3A_520, %dma_wait3A_522, %dma_wait3A_523] : memref<8x32x128xf32, #tpu.memory_space<vmem>> -> memref<1x32x128xf32, #tpu.memory_space<vmem>>
    %dma_wait3A_525 = tpu.memref_squeeze %dma_wait3A_524 : memref<1x32x128xf32, #tpu.memory_space<vmem>> -> memref<32x128xf32, #tpu.memory_space<vmem>>
    %dma_wait3A_526 = arith.constant 0 : i32
    %dma_wait3A_527 = tpu.memref_slice %arg7[%dma_wait3A_521, %dma_wait3A_526] : memref<8x32xi32, #tpu.memory_space<vmem>> -> memref<1x32xi32, #tpu.memory_space<vmem>>
    %dma_wait3A_528 = tpu.memref_squeeze %dma_wait3A_527 : memref<1x32xi32, #tpu.memory_space<vmem>> -> memref<32xi32, #tpu.memory_space<vmem>>
    %dma_wait3A_529 = arith.constant 0 : i32
    %dma_wait3A_530 = arith.constant 0 : i32
    %dma_wait3A_531 = tpu.memref_slice %arg9[%dma_wait3A_529, %dma_wait3A_530] : memref<10112x128xf32, #tpu.memory_space<vmem_shared>> -> memref<10112x128xf32, #tpu.memory_space<vmem_shared>>
    tpu.wait_indirect_dma semaphore(%arg25 : memref<!tpu.dma_semaphore, #tpu.memory_space<semaphore_mem>>) src(%dma_wait3A_525 : memref<32x128xf32, #tpu.memory_space<vmem>>) dst(%dma_wait3A_531 : memref<10112x128xf32, #tpu.memory_space<vmem_shared>>)
    %barrier3A_532 = arith.constant 0 : index
    tpu.barrier barrier_id(%barrier3A_532)
    "tpu.region"() ({
      %run_scoped3A = tpu.sem_alloc : memref<!tpu.dma_semaphore, #tpu.memory_space<semaphore_mem>>
      %dma_start3A_533 = arith.constant 0 : i32
      %dma_start3A_534 = tpu.memref_slice %arg4[%arg0, %mul3A_2, %dma_start3A_533] : memref<2x10112x128xf32, #tpu.memory_space<hbm>> -> memref<1x632x128xf32, #tpu.memory_space<hbm>>
      %dma_start3A_535 = tpu.memref_squeeze %dma_start3A_534 : memref<1x632x128xf32, #tpu.memory_space<hbm>> -> memref<632x128xf32, #tpu.memory_space<hbm>>
      %dma_start3A_536 = arith.constant 0 : i32
      %dma_start3A_537 = tpu.memref_slice %arg9[%mul3A_2, %dma_start3A_536] : memref<10112x128xf32, #tpu.memory_space<vmem_shared>> -> memref<632x128xf32, #tpu.memory_space<vmem_shared>>
      tpu.enqueue_dma source(%dma_start3A_537 : memref<632x128xf32, #tpu.memory_space<vmem_shared>>) target(%dma_start3A_535 : memref<632x128xf32, #tpu.memory_space<hbm>>) target_semaphore(%run_scoped3A : memref<!tpu.dma_semaphore, #tpu.memory_space<semaphore_mem>>)
      %dma_wait3A_538 = arith.constant 0 : i32
      %dma_wait3A_539 = tpu.memref_slice %arg4[%arg0, %mul3A_2, %dma_wait3A_538] : memref<2x10112x128xf32, #tpu.memory_space<hbm>> -> memref<1x632x128xf32, #tpu.memory_space<hbm>>
      %dma_wait3A_540 = tpu.memref_squeeze %dma_wait3A_539 : memref<1x632x128xf32, #tpu.memory_space<hbm>> -> memref<632x128xf32, #tpu.memory_space<hbm>>
      %dma_wait3A_541 = arith.constant 0 : i32
      %dma_wait3A_542 = tpu.memref_slice %arg9[%mul3A_2, %dma_wait3A_541] : memref<10112x128xf32, #tpu.memory_space<vmem_shared>> -> memref<632x128xf32, #tpu.memory_space<vmem_shared>>
      tpu.wait_dma2 semaphore(%run_scoped3A : memref<!tpu.dma_semaphore, #tpu.memory_space<semaphore_mem>>) src(%dma_wait3A_542 : memref<632x128xf32, #tpu.memory_space<vmem_shared>>) dst(%dma_wait3A_540 : memref<632x128xf32, #tpu.memory_space<hbm>>)
      tpu.yield
    }) : () -> ()
    return
  }
}

#map = affine_map<(d0, d1) -> (0, 0)>
#map1 = affine_map<(d0, d1) -> (0)>
#map2 = affine_map<(d0, d1) -> (0, 0, 0)>
module attributes {stable_mosaic.version = 14 : i64} {
  func.func @k(%arg0: i32, %arg1: i32, %arg2: memref<10112x128xf32, #tpu.memory_space<hbm>>, %arg3: memref<327680xi32, #tpu.memory_space<hbm>>, %arg4: memref<2x10112x128xf32, #tpu.memory_space<hbm>>, %arg5: memref<10240xi32, #tpu.memory_space<vmem>>, %arg6: memref<8x32xi32, #tpu.memory_space<vmem>>, %arg7: memref<8x32xi32, #tpu.memory_space<vmem>>, %arg8: memref<8x32x128xf32, #tpu.memory_space<vmem>>, %arg9: memref<10112x128xf32, #tpu.memory_space<vmem_shared>>, %arg10: memref<!tpu.dma_semaphore, #tpu.memory_space<semaphore_mem>>, %arg11: memref<!tpu.dma_semaphore, #tpu.memory_space<semaphore_mem>>, %arg12: memref<!tpu.dma_semaphore, #tpu.memory_space<semaphore_mem>>, %arg13: memref<!tpu.dma_semaphore, #tpu.memory_space<semaphore_mem>>, %arg14: memref<!tpu.dma_semaphore, #tpu.memory_space<semaphore_mem>>, %arg15: memref<!tpu.dma_semaphore, #tpu.memory_space<semaphore_mem>>, %arg16: memref<!tpu.dma_semaphore, #tpu.memory_space<semaphore_mem>>, %arg17: memref<!tpu.dma_semaphore, #tpu.memory_space<semaphore_mem>>, %arg18: memref<!tpu.dma_semaphore, #tpu.memory_space<semaphore_mem>>, %arg19: memref<!tpu.dma_semaphore, #tpu.memory_space<semaphore_mem>>, %arg20: memref<!tpu.dma_semaphore, #tpu.memory_space<semaphore_mem>>, %arg21: memref<!tpu.dma_semaphore, #tpu.memory_space<semaphore_mem>>, %arg22: memref<!tpu.dma_semaphore, #tpu.memory_space<semaphore_mem>>, %arg23: memref<!tpu.dma_semaphore, #tpu.memory_space<semaphore_mem>>, %arg24: memref<!tpu.dma_semaphore, #tpu.memory_space<semaphore_mem>>, %arg25: memref<!tpu.dma_semaphore, #tpu.memory_space<semaphore_mem>>) attributes {dimension_semantics = [#tpu.dimension_semantics<core_parallel>, #tpu.dimension_semantics<subcore_parallel>], iteration_bounds = array<i64: 2, 16>, scalar_prefetch = 0 : i64, scratch_operands = 21 : i64, tpu.core_type = #tpu.core_type<sc_vector_subcore>, window_params = [{transform_indices = #map}, {transform_indices = #map1}, {transform_indices = #map2}]} {
    %mul3A = arith.constant 2 : i32
    %mul3A_0 = arith.muli %arg1, %mul3A : i32
    %add3A = arith.addi %mul3A_0, %arg0 : i32
    %mul3A_1 = arith.constant 632 : i32
    %mul3A_2 = arith.muli %arg1, %mul3A_1 : i32
    %mul3A_3 = arith.constant 10240 : i32
    %mul3A_4 = arith.muli %add3A, %mul3A_3 : i32
    "tpu.region"() ({
      %run_scoped3A = tpu.sem_alloc : memref<!tpu.dma_semaphore, #tpu.memory_space<semaphore_mem>>
      %dma_start3A_533 = tpu.memref_slice %arg3[%mul3A_4] : memref<327680xi32, #tpu.memory_space<hbm>> -> memref<10240xi32, #tpu.memory_space<hbm>>
      %dma_start3A_534 = tpu.memref_slice %arg3[%mul3A_4] : memref<327680xi32, #tpu.memory_space<hbm>> -> memref<10240xi32, #tpu.memory_space<hbm>>
      tpu.enqueue_dma source(%dma_start3A_534 : memref<10240xi32, #tpu.memory_space<hbm>>) target(%arg5 : memref<10240xi32, #tpu.memory_space<vmem>>) target_semaphore(%run_scoped3A : memref<!tpu.dma_semaphore, #tpu.memory_space<semaphore_mem>>)
      %dma_wait3A_535 = tpu.memref_slice %arg3[%mul3A_4] : memref<327680xi32, #tpu.memory_space<hbm>> -> memref<10240xi32, #tpu.memory_space<hbm>>
      %dma_wait3A_536 = tpu.memref_slice %arg3[%mul3A_4] : memref<327680xi32, #tpu.memory_space<hbm>> -> memref<10240xi32, #tpu.memory_space<hbm>>
      tpu.wait_dma2 semaphore(%run_scoped3A : memref<!tpu.dma_semaphore, #tpu.memory_space<semaphore_mem>>) src(%dma_wait3A_536 : memref<10240xi32, #tpu.memory_space<hbm>>) dst(%arg5 : memref<10240xi32, #tpu.memory_space<vmem>>)
      tpu.yield
    }) : () -> ()
    "tpu.region"() ({
      %run_scoped3A = tpu.sem_alloc : memref<!tpu.dma_semaphore, #tpu.memory_space<semaphore_mem>>
      %dma_start3A_533 = arith.constant 0 : i32
      %dma_start3A_534 = tpu.memref_slice %arg9[%mul3A_2, %dma_start3A_533] : memref<10112x128xf32, #tpu.memory_space<vmem_shared>> -> memref<632x128xf32, #tpu.memory_space<vmem_shared>>
      %dma_start3A_535 = arith.constant 0 : i32
      %dma_start3A_536 = tpu.memref_slice %arg2[%mul3A_2, %dma_start3A_535] : memref<10112x128xf32, #tpu.memory_space<hbm>> -> memref<632x128xf32, #tpu.memory_space<hbm>>
      tpu.enqueue_dma source(%dma_start3A_536 : memref<632x128xf32, #tpu.memory_space<hbm>>) target(%dma_start3A_534 : memref<632x128xf32, #tpu.memory_space<vmem_shared>>) target_semaphore(%run_scoped3A : memref<!tpu.dma_semaphore, #tpu.memory_space<semaphore_mem>>)
      %dma_wait3A_537 = arith.constant 0 : i32
      %dma_wait3A_538 = tpu.memref_slice %arg9[%mul3A_2, %dma_wait3A_537] : memref<10112x128xf32, #tpu.memory_space<vmem_shared>> -> memref<632x128xf32, #tpu.memory_space<vmem_shared>>
      %dma_wait3A_539 = arith.constant 0 : i32
      %dma_wait3A_540 = tpu.memref_slice %arg2[%mul3A_2, %dma_wait3A_539] : memref<10112x128xf32, #tpu.memory_space<hbm>> -> memref<632x128xf32, #tpu.memory_space<hbm>>
      tpu.wait_dma2 semaphore(%run_scoped3A : memref<!tpu.dma_semaphore, #tpu.memory_space<semaphore_mem>>) src(%dma_wait3A_540 : memref<632x128xf32, #tpu.memory_space<hbm>>) dst(%dma_wait3A_538 : memref<632x128xf32, #tpu.memory_space<vmem_shared>>)
      tpu.yield
    }) : () -> ()
    %get3A = arith.constant 0 : index
    %get3A_5 = tpu.vector_load %arg5[%get3A] {strides = array<i32>} : memref<10240xi32, #tpu.memory_space<vmem>>, vector<16xi32>,
    %get3A_6 = vector.shape_cast %get3A_5 : vector<16xi32> to vector<16xi32>
    %and3A = arith.constant 65535 : i32
    %and3A_7 = vector.broadcast %and3A : i32 to vector<16xi32>
    %and3A_8 = arith.andi %get3A_6, %and3A_7 : vector<16xi32>
    %swap3A = arith.constant 0 : i32
    %swap3A_9 = arith.index_cast %swap3A : i32 to index
    %swap3A_10 = arith.constant 0 : index
    %swap3A_11 = tpu.vector_load %arg6[%swap3A_9, %swap3A_10] {strides = array<i32>} : memref<8x32xi32, #tpu.memory_space<vmem>>, vector<1x16xi32>,
    %swap3A_12 = vector.shape_cast %swap3A_11 : vector<1x16xi32> to vector<16xi32>
    %swap3A_13 = vector.shape_cast %and3A_8 : vector<16xi32> to vector<1x16xi32>
    tpu.vector_store %arg6[%swap3A_9, %swap3A_10], %swap3A_13 {strides = array<i32>} : memref<8x32xi32, #tpu.memory_space<vmem>>, vector<1x16xi32>,
    %shift_right_logical3A = arith.constant 16 : i32
    %shift_right_logical3A_14 = vector.broadcast %shift_right_logical3A : i32 to vector<16xi32>
    %shift_right_logical3A_15 = arith.shrui %get3A_6, %shift_right_logical3A_14 : vector<16xi32>
    %swap3A_16 = arith.constant 0 : i32
    %swap3A_17 = arith.index_cast %swap3A_16 : i32 to index
    %swap3A_18 = arith.constant 0 : index
    %swap3A_19 = tpu.vector_load %arg7[%swap3A_17, %swap3A_18] {strides = array<i32>} : memref<8x32xi32, #tpu.memory_space<vmem>>, vector<1x16xi32>,
    %swap3A_20 = vector.shape_cast %swap3A_19 : vector<1x16xi32> to vector<16xi32>
    %swap3A_21 = vector.shape_cast %shift_right_logical3A_15 : vector<16xi32> to vector<1x16xi32>
    tpu.vector_store %arg7[%swap3A_17, %swap3A_18], %swap3A_21 {strides = array<i32>} : memref<8x32xi32, #tpu.memory_space<vmem>>, vector<1x16xi32>,
    %get3A_22 = arith.constant 16 : index
    %get3A_23 = tpu.vector_load %arg5[%get3A_22] {strides = array<i32>} : memref<10240xi32, #tpu.memory_space<vmem>>, vector<16xi32>,
    %get3A_24 = vector.shape_cast %get3A_23 : vector<16xi32> to vector<16xi32>
    %and3A_25 = arith.constant 65535 : i32
    %and3A_26 = vector.broadcast %and3A_25 : i32 to vector<16xi32>
    %and3A_27 = arith.andi %get3A_24, %and3A_26 : vector<16xi32>
    %swap3A_28 = arith.constant 0 : i32
    %swap3A_29 = arith.index_cast %swap3A_28 : i32 to index
    %swap3A_30 = arith.constant 16 : index
    %swap3A_31 = tpu.vector_load %arg6[%swap3A_29, %swap3A_30] {strides = array<i32>} : memref<8x32xi32, #tpu.memory_space<vmem>>, vector<1x16xi32>,
    %swap3A_32 = vector.shape_cast %swap3A_31 : vector<1x16xi32> to vector<16xi32>
    %swap3A_33 = vector.shape_cast %and3A_27 : vector<16xi32> to vector<1x16xi32>
    tpu.vector_store %arg6[%swap3A_29, %swap3A_30], %swap3A_33 {strides = array<i32>} : memref<8x32xi32, #tpu.memory_space<vmem>>, vector<1x16xi32>,
    %shift_right_logical3A_34 = arith.constant 16 : i32
    %shift_right_logical3A_35 = vector.broadcast %shift_right_logical3A_34 : i32 to vector<16xi32>
    %shift_right_logical3A_36 = arith.shrui %get3A_24, %shift_right_logical3A_35 : vector<16xi32>
    %swap3A_37 = arith.constant 0 : i32
    %swap3A_38 = arith.index_cast %swap3A_37 : i32 to index
    %swap3A_39 = arith.constant 16 : index
    %swap3A_40 = tpu.vector_load %arg7[%swap3A_38, %swap3A_39] {strides = array<i32>} : memref<8x32xi32, #tpu.memory_space<vmem>>, vector<1x16xi32>,
    %swap3A_41 = vector.shape_cast %swap3A_40 : vector<1x16xi32> to vector<16xi32>
    %swap3A_42 = vector.shape_cast %shift_right_logical3A_36 : vector<16xi32> to vector<1x16xi32>
    tpu.vector_store %arg7[%swap3A_38, %swap3A_39], %swap3A_42 {strides = array<i32>} : memref<8x32xi32, #tpu.memory_space<vmem>>, vector<1x16xi32>,
    %dma_start3A = arith.constant 0 : i32
    %dma_start3A_43 = arith.constant 0 : i32
    %dma_start3A_44 = arith.constant 0 : i32
    %dma_start3A_45 = arith.constant 0 : i32
    %dma_start3A_46 = tpu.memref_slice %arg8[%dma_start3A_43, %dma_start3A_44, %dma_start3A_45] : memref<8x32x128xf32, #tpu.memory_space<vmem>> -> memref<1x32x128xf32, #tpu.memory_space<vmem>>
    %dma_start3A_47 = tpu.memref_squeeze %dma_start3A_46 : memref<1x32x128xf32, #tpu.memory_space<vmem>> -> memref<32x128xf32, #tpu.memory_space<vmem>>
    %dma_start3A_48 = arith.constant 0 : i32
    %dma_start3A_49 = tpu.memref_slice %arg6[%dma_start3A, %dma_start3A_48] : memref<8x32xi32, #tpu.memory_space<vmem>> -> memref<1x32xi32, #tpu.memory_space<vmem>>
    %dma_start3A_50 = tpu.memref_squeeze %dma_start3A_49 : memref<1x32xi32, #tpu.memory_space<vmem>> -> memref<32xi32, #tpu.memory_space<vmem>>
    %dma_start3A_51 = arith.constant 0 : i32
    %dma_start3A_52 = arith.constant 0 : i32
    %dma_start3A_53 = tpu.memref_slice %arg2[%dma_start3A_51, %dma_start3A_52] : memref<10112x128xf32, #tpu.memory_space<hbm>> -> memref<10112x128xf32, #tpu.memory_space<hbm>>
    tpu.enqueue_indirect_dma source(%dma_start3A_53 : memref<10112x128xf32, #tpu.memory_space<hbm>>) target(%dma_start3A_47 : memref<32x128xf32, #tpu.memory_space<vmem>>) offsets(%dma_start3A_50 : memref<32xi32, #tpu.memory_space<vmem>>) semaphore(%arg10 : memref<!tpu.dma_semaphore, #tpu.memory_space<semaphore_mem>>)
    %get3A_54 = arith.constant 32 : index
    %get3A_55 = tpu.vector_load %arg5[%get3A_54] {strides = array<i32>} : memref<10240xi32, #tpu.memory_space<vmem>>, vector<16xi32>,
    %get3A_56 = vector.shape_cast %get3A_55 : vector<16xi32> to vector<16xi32>
    %and3A_57 = arith.constant 65535 : i32
    %and3A_58 = vector.broadcast %and3A_57 : i32 to vector<16xi32>
    %and3A_59 = arith.andi %get3A_56, %and3A_58 : vector<16xi32>
    %swap3A_60 = arith.constant 1 : i32
    %swap3A_61 = arith.index_cast %swap3A_60 : i32 to index
    %swap3A_62 = arith.constant 0 : index
    %swap3A_63 = tpu.vector_load %arg6[%swap3A_61, %swap3A_62] {strides = array<i32>} : memref<8x32xi32, #tpu.memory_space<vmem>>, vector<1x16xi32>,
    %swap3A_64 = vector.shape_cast %swap3A_63 : vector<1x16xi32> to vector<16xi32>
    %swap3A_65 = vector.shape_cast %and3A_59 : vector<16xi32> to vector<1x16xi32>
    tpu.vector_store %arg6[%swap3A_61, %swap3A_62], %swap3A_65 {strides = array<i32>} : memref<8x32xi32, #tpu.memory_space<vmem>>, vector<1x16xi32>,
    %shift_right_logical3A_66 = arith.constant 16 : i32
    %shift_right_logical3A_67 = vector.broadcast %shift_right_logical3A_66 : i32 to vector<16xi32>
    %shift_right_logical3A_68 = arith.shrui %get3A_56, %shift_right_logical3A_67 : vector<16xi32>
    %swap3A_69 = arith.constant 1 : i32
    %swap3A_70 = arith.index_cast %swap3A_69 : i32 to index
    %swap3A_71 = arith.constant 0 : index
    %swap3A_72 = tpu.vector_load %arg7[%swap3A_70, %swap3A_71] {strides = array<i32>} : memref<8x32xi32, #tpu.memory_space<vmem>>, vector<1x16xi32>,
    %swap3A_73 = vector.shape_cast %swap3A_72 : vector<1x16xi32> to vector<16xi32>
    %swap3A_74 = vector.shape_cast %shift_right_logical3A_68 : vector<16xi32> to vector<1x16xi32>
    tpu.vector_store %arg7[%swap3A_70, %swap3A_71], %swap3A_74 {strides = array<i32>} : memref<8x32xi32, #tpu.memory_space<vmem>>, vector<1x16xi32>,
    %get3A_75 = arith.constant 48 : index
    %get3A_76 = tpu.vector_load %arg5[%get3A_75] {strides = array<i32>} : memref<10240xi32, #tpu.memory_space<vmem>>, vector<16xi32>,
    %get3A_77 = vector.shape_cast %get3A_76 : vector<16xi32> to vector<16xi32>
    %and3A_78 = arith.constant 65535 : i32
    %and3A_79 = vector.broadcast %and3A_78 : i32 to vector<16xi32>
    %and3A_80 = arith.andi %get3A_77, %and3A_79 : vector<16xi32>
    %swap3A_81 = arith.constant 1 : i32
    %swap3A_82 = arith.index_cast %swap3A_81 : i32 to index
    %swap3A_83 = arith.constant 16 : index
    %swap3A_84 = tpu.vector_load %arg6[%swap3A_82, %swap3A_83] {strides = array<i32>} : memref<8x32xi32, #tpu.memory_space<vmem>>, vector<1x16xi32>,
    %swap3A_85 = vector.shape_cast %swap3A_84 : vector<1x16xi32> to vector<16xi32>
    %swap3A_86 = vector.shape_cast %and3A_80 : vector<16xi32> to vector<1x16xi32>
    tpu.vector_store %arg6[%swap3A_82, %swap3A_83], %swap3A_86 {strides = array<i32>} : memref<8x32xi32, #tpu.memory_space<vmem>>, vector<1x16xi32>,
    %shift_right_logical3A_87 = arith.constant 16 : i32
    %shift_right_logical3A_88 = vector.broadcast %shift_right_logical3A_87 : i32 to vector<16xi32>
    %shift_right_logical3A_89 = arith.shrui %get3A_77, %shift_right_logical3A_88 : vector<16xi32>
    %swap3A_90 = arith.constant 1 : i32
    %swap3A_91 = arith.index_cast %swap3A_90 : i32 to index
    %swap3A_92 = arith.constant 16 : index
    %swap3A_93 = tpu.vector_load %arg7[%swap3A_91, %swap3A_92] {strides = array<i32>} : memref<8x32xi32, #tpu.memory_space<vmem>>, vector<1x16xi32>,
    %swap3A_94 = vector.shape_cast %swap3A_93 : vector<1x16xi32> to vector<16xi32>
    %swap3A_95 = vector.shape_cast %shift_right_logical3A_89 : vector<16xi32> to vector<1x16xi32>
    tpu.vector_store %arg7[%swap3A_91, %swap3A_92], %swap3A_95 {strides = array<i32>} : memref<8x32xi32, #tpu.memory_space<vmem>>, vector<1x16xi32>,
    %dma_start3A_96 = arith.constant 1 : i32
    %dma_start3A_97 = arith.constant 1 : i32
    %dma_start3A_98 = arith.constant 0 : i32
    %dma_start3A_99 = arith.constant 0 : i32
    %dma_start3A_100 = tpu.memref_slice %arg8[%dma_start3A_97, %dma_start3A_98, %dma_start3A_99] : memref<8x32x128xf32, #tpu.memory_space<vmem>> -> memref<1x32x128xf32, #tpu.memory_space<vmem>>
    %dma_start3A_101 = tpu.memref_squeeze %dma_start3A_100 : memref<1x32x128xf32, #tpu.memory_space<vmem>> -> memref<32x128xf32, #tpu.memory_space<vmem>>
    %dma_start3A_102 = arith.constant 0 : i32
    %dma_start3A_103 = tpu.memref_slice %arg6[%dma_start3A_96, %dma_start3A_102] : memref<8x32xi32, #tpu.memory_space<vmem>> -> memref<1x32xi32, #tpu.memory_space<vmem>>
    %dma_start3A_104 = tpu.memref_squeeze %dma_start3A_103 : memref<1x32xi32, #tpu.memory_space<vmem>> -> memref<32xi32, #tpu.memory_space<vmem>>
    %dma_start3A_105 = arith.constant 0 : i32
    %dma_start3A_106 = arith.constant 0 : i32
    %dma_start3A_107 = tpu.memref_slice %arg2[%dma_start3A_105, %dma_start3A_106] : memref<10112x128xf32, #tpu.memory_space<hbm>> -> memref<10112x128xf32, #tpu.memory_space<hbm>>
    tpu.enqueue_indirect_dma source(%dma_start3A_107 : memref<10112x128xf32, #tpu.memory_space<hbm>>) target(%dma_start3A_101 : memref<32x128xf32, #tpu.memory_space<vmem>>) offsets(%dma_start3A_104 : memref<32xi32, #tpu.memory_space<vmem>>) semaphore(%arg11 : memref<!tpu.dma_semaphore, #tpu.memory_space<semaphore_mem>>)
    %get3A_108 = arith.constant 64 : index
    %get3A_109 = tpu.vector_load %arg5[%get3A_108] {strides = array<i32>} : memref<10240xi32, #tpu.memory_space<vmem>>, vector<16xi32>,
    %get3A_110 = vector.shape_cast %get3A_109 : vector<16xi32> to vector<16xi32>
    %and3A_111 = arith.constant 65535 : i32
    %and3A_112 = vector.broadcast %and3A_111 : i32 to vector<16xi32>
    %and3A_113 = arith.andi %get3A_110, %and3A_112 : vector<16xi32>
    %swap3A_114 = arith.constant 2 : i32
    %swap3A_115 = arith.index_cast %swap3A_114 : i32 to index
    %swap3A_116 = arith.constant 0 : index
    %swap3A_117 = tpu.vector_load %arg6[%swap3A_115, %swap3A_116] {strides = array<i32>} : memref<8x32xi32, #tpu.memory_space<vmem>>, vector<1x16xi32>,
    %swap3A_118 = vector.shape_cast %swap3A_117 : vector<1x16xi32> to vector<16xi32>
    %swap3A_119 = vector.shape_cast %and3A_113 : vector<16xi32> to vector<1x16xi32>
    tpu.vector_store %arg6[%swap3A_115, %swap3A_116], %swap3A_119 {strides = array<i32>} : memref<8x32xi32, #tpu.memory_space<vmem>>, vector<1x16xi32>,
    %shift_right_logical3A_120 = arith.constant 16 : i32
    %shift_right_logical3A_121 = vector.broadcast %shift_right_logical3A_120 : i32 to vector<16xi32>
    %shift_right_logical3A_122 = arith.shrui %get3A_110, %shift_right_logical3A_121 : vector<16xi32>
    %swap3A_123 = arith.constant 2 : i32
    %swap3A_124 = arith.index_cast %swap3A_123 : i32 to index
    %swap3A_125 = arith.constant 0 : index
    %swap3A_126 = tpu.vector_load %arg7[%swap3A_124, %swap3A_125] {strides = array<i32>} : memref<8x32xi32, #tpu.memory_space<vmem>>, vector<1x16xi32>,
    %swap3A_127 = vector.shape_cast %swap3A_126 : vector<1x16xi32> to vector<16xi32>
    %swap3A_128 = vector.shape_cast %shift_right_logical3A_122 : vector<16xi32> to vector<1x16xi32>
    tpu.vector_store %arg7[%swap3A_124, %swap3A_125], %swap3A_128 {strides = array<i32>} : memref<8x32xi32, #tpu.memory_space<vmem>>, vector<1x16xi32>,
    %get3A_129 = arith.constant 80 : index
    %get3A_130 = tpu.vector_load %arg5[%get3A_129] {strides = array<i32>} : memref<10240xi32, #tpu.memory_space<vmem>>, vector<16xi32>,
    %get3A_131 = vector.shape_cast %get3A_130 : vector<16xi32> to vector<16xi32>
    %and3A_132 = arith.constant 65535 : i32
    %and3A_133 = vector.broadcast %and3A_132 : i32 to vector<16xi32>
    %and3A_134 = arith.andi %get3A_131, %and3A_133 : vector<16xi32>
    %swap3A_135 = arith.constant 2 : i32
    %swap3A_136 = arith.index_cast %swap3A_135 : i32 to index
    %swap3A_137 = arith.constant 16 : index
    %swap3A_138 = tpu.vector_load %arg6[%swap3A_136, %swap3A_137] {strides = array<i32>} : memref<8x32xi32, #tpu.memory_space<vmem>>, vector<1x16xi32>,
    %swap3A_139 = vector.shape_cast %swap3A_138 : vector<1x16xi32> to vector<16xi32>
    %swap3A_140 = vector.shape_cast %and3A_134 : vector<16xi32> to vector<1x16xi32>
    tpu.vector_store %arg6[%swap3A_136, %swap3A_137], %swap3A_140 {strides = array<i32>} : memref<8x32xi32, #tpu.memory_space<vmem>>, vector<1x16xi32>,
    %shift_right_logical3A_141 = arith.constant 16 : i32
    %shift_right_logical3A_142 = vector.broadcast %shift_right_logical3A_141 : i32 to vector<16xi32>
    %shift_right_logical3A_143 = arith.shrui %get3A_131, %shift_right_logical3A_142 : vector<16xi32>
    %swap3A_144 = arith.constant 2 : i32
    %swap3A_145 = arith.index_cast %swap3A_144 : i32 to index
    %swap3A_146 = arith.constant 16 : index
    %swap3A_147 = tpu.vector_load %arg7[%swap3A_145, %swap3A_146] {strides = array<i32>} : memref<8x32xi32, #tpu.memory_space<vmem>>, vector<1x16xi32>,
    %swap3A_148 = vector.shape_cast %swap3A_147 : vector<1x16xi32> to vector<16xi32>
    %swap3A_149 = vector.shape_cast %shift_right_logical3A_143 : vector<16xi32> to vector<1x16xi32>
    tpu.vector_store %arg7[%swap3A_145, %swap3A_146], %swap3A_149 {strides = array<i32>} : memref<8x32xi32, #tpu.memory_space<vmem>>, vector<1x16xi32>,
    %dma_start3A_150 = arith.constant 2 : i32
    %dma_start3A_151 = arith.constant 2 : i32
    %dma_start3A_152 = arith.constant 0 : i32
    %dma_start3A_153 = arith.constant 0 : i32
    %dma_start3A_154 = tpu.memref_slice %arg8[%dma_start3A_151, %dma_start3A_152, %dma_start3A_153] : memref<8x32x128xf32, #tpu.memory_space<vmem>> -> memref<1x32x128xf32, #tpu.memory_space<vmem>>
    %dma_start3A_155 = tpu.memref_squeeze %dma_start3A_154 : memref<1x32x128xf32, #tpu.memory_space<vmem>> -> memref<32x128xf32, #tpu.memory_space<vmem>>
    %dma_start3A_156 = arith.constant 0 : i32
    %dma_start3A_157 = tpu.memref_slice %arg6[%dma_start3A_150, %dma_start3A_156] : memref<8x32xi32, #tpu.memory_space<vmem>> -> memref<1x32xi32, #tpu.memory_space<vmem>>
    %dma_start3A_158 = tpu.memref_squeeze %dma_start3A_157 : memref<1x32xi32, #tpu.memory_space<vmem>> -> memref<32xi32, #tpu.memory_space<vmem>>
    %dma_start3A_159 = arith.constant 0 : i32
    %dma_start3A_160 = arith.constant 0 : i32
    %dma_start3A_161 = tpu.memref_slice %arg2[%dma_start3A_159, %dma_start3A_160] : memref<10112x128xf32, #tpu.memory_space<hbm>> -> memref<10112x128xf32, #tpu.memory_space<hbm>>
    tpu.enqueue_indirect_dma source(%dma_start3A_161 : memref<10112x128xf32, #tpu.memory_space<hbm>>) target(%dma_start3A_155 : memref<32x128xf32, #tpu.memory_space<vmem>>) offsets(%dma_start3A_158 : memref<32xi32, #tpu.memory_space<vmem>>) semaphore(%arg12 : memref<!tpu.dma_semaphore, #tpu.memory_space<semaphore_mem>>)
    %get3A_162 = arith.constant 96 : index
    %get3A_163 = tpu.vector_load %arg5[%get3A_162] {strides = array<i32>} : memref<10240xi32, #tpu.memory_space<vmem>>, vector<16xi32>,
    %get3A_164 = vector.shape_cast %get3A_163 : vector<16xi32> to vector<16xi32>
    %and3A_165 = arith.constant 65535 : i32
    %and3A_166 = vector.broadcast %and3A_165 : i32 to vector<16xi32>
    %and3A_167 = arith.andi %get3A_164, %and3A_166 : vector<16xi32>
    %swap3A_168 = arith.constant 3 : i32
    %swap3A_169 = arith.index_cast %swap3A_168 : i32 to index
    %swap3A_170 = arith.constant 0 : index
    %swap3A_171 = tpu.vector_load %arg6[%swap3A_169, %swap3A_170] {strides = array<i32>} : memref<8x32xi32, #tpu.memory_space<vmem>>, vector<1x16xi32>,
    %swap3A_172 = vector.shape_cast %swap3A_171 : vector<1x16xi32> to vector<16xi32>
    %swap3A_173 = vector.shape_cast %and3A_167 : vector<16xi32> to vector<1x16xi32>
    tpu.vector_store %arg6[%swap3A_169, %swap3A_170], %swap3A_173 {strides = array<i32>} : memref<8x32xi32, #tpu.memory_space<vmem>>, vector<1x16xi32>,
    %shift_right_logical3A_174 = arith.constant 16 : i32
    %shift_right_logical3A_175 = vector.broadcast %shift_right_logical3A_174 : i32 to vector<16xi32>
    %shift_right_logical3A_176 = arith.shrui %get3A_164, %shift_right_logical3A_175 : vector<16xi32>
    %swap3A_177 = arith.constant 3 : i32
    %swap3A_178 = arith.index_cast %swap3A_177 : i32 to index
    %swap3A_179 = arith.constant 0 : index
    %swap3A_180 = tpu.vector_load %arg7[%swap3A_178, %swap3A_179] {strides = array<i32>} : memref<8x32xi32, #tpu.memory_space<vmem>>, vector<1x16xi32>,
    %swap3A_181 = vector.shape_cast %swap3A_180 : vector<1x16xi32> to vector<16xi32>
    %swap3A_182 = vector.shape_cast %shift_right_logical3A_176 : vector<16xi32> to vector<1x16xi32>
    tpu.vector_store %arg7[%swap3A_178, %swap3A_179], %swap3A_182 {strides = array<i32>} : memref<8x32xi32, #tpu.memory_space<vmem>>, vector<1x16xi32>,
    %get3A_183 = arith.constant 112 : index
    %get3A_184 = tpu.vector_load %arg5[%get3A_183] {strides = array<i32>} : memref<10240xi32, #tpu.memory_space<vmem>>, vector<16xi32>,
    %get3A_185 = vector.shape_cast %get3A_184 : vector<16xi32> to vector<16xi32>
    %and3A_186 = arith.constant 65535 : i32
    %and3A_187 = vector.broadcast %and3A_186 : i32 to vector<16xi32>
    %and3A_188 = arith.andi %get3A_185, %and3A_187 : vector<16xi32>
    %swap3A_189 = arith.constant 3 : i32
    %swap3A_190 = arith.index_cast %swap3A_189 : i32 to index
    %swap3A_191 = arith.constant 16 : index
    %swap3A_192 = tpu.vector_load %arg6[%swap3A_190, %swap3A_191] {strides = array<i32>} : memref<8x32xi32, #tpu.memory_space<vmem>>, vector<1x16xi32>,
    %swap3A_193 = vector.shape_cast %swap3A_192 : vector<1x16xi32> to vector<16xi32>
    %swap3A_194 = vector.shape_cast %and3A_188 : vector<16xi32> to vector<1x16xi32>
    tpu.vector_store %arg6[%swap3A_190, %swap3A_191], %swap3A_194 {strides = array<i32>} : memref<8x32xi32, #tpu.memory_space<vmem>>, vector<1x16xi32>,
    %shift_right_logical3A_195 = arith.constant 16 : i32
    %shift_right_logical3A_196 = vector.broadcast %shift_right_logical3A_195 : i32 to vector<16xi32>
    %shift_right_logical3A_197 = arith.shrui %get3A_185, %shift_right_logical3A_196 : vector<16xi32>
    %swap3A_198 = arith.constant 3 : i32
    %swap3A_199 = arith.index_cast %swap3A_198 : i32 to index
    %swap3A_200 = arith.constant 16 : index
    %swap3A_201 = tpu.vector_load %arg7[%swap3A_199, %swap3A_200] {strides = array<i32>} : memref<8x32xi32, #tpu.memory_space<vmem>>, vector<1x16xi32>,
    %swap3A_202 = vector.shape_cast %swap3A_201 : vector<1x16xi32> to vector<16xi32>
    %swap3A_203 = vector.shape_cast %shift_right_logical3A_197 : vector<16xi32> to vector<1x16xi32>
    tpu.vector_store %arg7[%swap3A_199, %swap3A_200], %swap3A_203 {strides = array<i32>} : memref<8x32xi32, #tpu.memory_space<vmem>>, vector<1x16xi32>,
    %dma_start3A_204 = arith.constant 3 : i32
    %dma_start3A_205 = arith.constant 3 : i32
    %dma_start3A_206 = arith.constant 0 : i32
    %dma_start3A_207 = arith.constant 0 : i32
    %dma_start3A_208 = tpu.memref_slice %arg8[%dma_start3A_205, %dma_start3A_206, %dma_start3A_207] : memref<8x32x128xf32, #tpu.memory_space<vmem>> -> memref<1x32x128xf32, #tpu.memory_space<vmem>>
    %dma_start3A_209 = tpu.memref_squeeze %dma_start3A_208 : memref<1x32x128xf32, #tpu.memory_space<vmem>> -> memref<32x128xf32, #tpu.memory_space<vmem>>
    %dma_start3A_210 = arith.constant 0 : i32
    %dma_start3A_211 = tpu.memref_slice %arg6[%dma_start3A_204, %dma_start3A_210] : memref<8x32xi32, #tpu.memory_space<vmem>> -> memref<1x32xi32, #tpu.memory_space<vmem>>
    %dma_start3A_212 = tpu.memref_squeeze %dma_start3A_211 : memref<1x32xi32, #tpu.memory_space<vmem>> -> memref<32xi32, #tpu.memory_space<vmem>>
    %dma_start3A_213 = arith.constant 0 : i32
    %dma_start3A_214 = arith.constant 0 : i32
    %dma_start3A_215 = tpu.memref_slice %arg2[%dma_start3A_213, %dma_start3A_214] : memref<10112x128xf32, #tpu.memory_space<hbm>> -> memref<10112x128xf32, #tpu.memory_space<hbm>>
    tpu.enqueue_indirect_dma source(%dma_start3A_215 : memref<10112x128xf32, #tpu.memory_space<hbm>>) target(%dma_start3A_209 : memref<32x128xf32, #tpu.memory_space<vmem>>) offsets(%dma_start3A_212 : memref<32xi32, #tpu.memory_space<vmem>>) semaphore(%arg13 : memref<!tpu.dma_semaphore, #tpu.memory_space<semaphore_mem>>)
    %get3A_216 = arith.constant 128 : index
    %get3A_217 = tpu.vector_load %arg5[%get3A_216] {strides = array<i32>} : memref<10240xi32, #tpu.memory_space<vmem>>, vector<16xi32>,
    %get3A_218 = vector.shape_cast %get3A_217 : vector<16xi32> to vector<16xi32>
    %and3A_219 = arith.constant 65535 : i32
    %and3A_220 = vector.broadcast %and3A_219 : i32 to vector<16xi32>
    %and3A_221 = arith.andi %get3A_218, %and3A_220 : vector<16xi32>
    %swap3A_222 = arith.constant 4 : i32
    %swap3A_223 = arith.index_cast %swap3A_222 : i32 to index
    %swap3A_224 = arith.constant 0 : index
    %swap3A_225 = tpu.vector_load %arg6[%swap3A_223, %swap3A_224] {strides = array<i32>} : memref<8x32xi32, #tpu.memory_space<vmem>>, vector<1x16xi32>,
    %swap3A_226 = vector.shape_cast %swap3A_225 : vector<1x16xi32> to vector<16xi32>
    %swap3A_227 = vector.shape_cast %and3A_221 : vector<16xi32> to vector<1x16xi32>
    tpu.vector_store %arg6[%swap3A_223, %swap3A_224], %swap3A_227 {strides = array<i32>} : memref<8x32xi32, #tpu.memory_space<vmem>>, vector<1x16xi32>,
    %shift_right_logical3A_228 = arith.constant 16 : i32
    %shift_right_logical3A_229 = vector.broadcast %shift_right_logical3A_228 : i32 to vector<16xi32>
    %shift_right_logical3A_230 = arith.shrui %get3A_218, %shift_right_logical3A_229 : vector<16xi32>
    %swap3A_231 = arith.constant 4 : i32
    %swap3A_232 = arith.index_cast %swap3A_231 : i32 to index
    %swap3A_233 = arith.constant 0 : index
    %swap3A_234 = tpu.vector_load %arg7[%swap3A_232, %swap3A_233] {strides = array<i32>} : memref<8x32xi32, #tpu.memory_space<vmem>>, vector<1x16xi32>,
    %swap3A_235 = vector.shape_cast %swap3A_234 : vector<1x16xi32> to vector<16xi32>
    %swap3A_236 = vector.shape_cast %shift_right_logical3A_230 : vector<16xi32> to vector<1x16xi32>
    tpu.vector_store %arg7[%swap3A_232, %swap3A_233], %swap3A_236 {strides = array<i32>} : memref<8x32xi32, #tpu.memory_space<vmem>>, vector<1x16xi32>,
    %get3A_237 = arith.constant 144 : index
    %get3A_238 = tpu.vector_load %arg5[%get3A_237] {strides = array<i32>} : memref<10240xi32, #tpu.memory_space<vmem>>, vector<16xi32>,
    %get3A_239 = vector.shape_cast %get3A_238 : vector<16xi32> to vector<16xi32>
    %and3A_240 = arith.constant 65535 : i32
    %and3A_241 = vector.broadcast %and3A_240 : i32 to vector<16xi32>
    %and3A_242 = arith.andi %get3A_239, %and3A_241 : vector<16xi32>
    %swap3A_243 = arith.constant 4 : i32
    %swap3A_244 = arith.index_cast %swap3A_243 : i32 to index
    %swap3A_245 = arith.constant 16 : index
    %swap3A_246 = tpu.vector_load %arg6[%swap3A_244, %swap3A_245] {strides = array<i32>} : memref<8x32xi32, #tpu.memory_space<vmem>>, vector<1x16xi32>,
    %swap3A_247 = vector.shape_cast %swap3A_246 : vector<1x16xi32> to vector<16xi32>
    %swap3A_248 = vector.shape_cast %and3A_242 : vector<16xi32> to vector<1x16xi32>
    tpu.vector_store %arg6[%swap3A_244, %swap3A_245], %swap3A_248 {strides = array<i32>} : memref<8x32xi32, #tpu.memory_space<vmem>>, vector<1x16xi32>,
    %shift_right_logical3A_249 = arith.constant 16 : i32
    %shift_right_logical3A_250 = vector.broadcast %shift_right_logical3A_249 : i32 to vector<16xi32>
    %shift_right_logical3A_251 = arith.shrui %get3A_239, %shift_right_logical3A_250 : vector<16xi32>
    %swap3A_252 = arith.constant 4 : i32
    %swap3A_253 = arith.index_cast %swap3A_252 : i32 to index
    %swap3A_254 = arith.constant 16 : index
    %swap3A_255 = tpu.vector_load %arg7[%swap3A_253, %swap3A_254] {strides = array<i32>} : memref<8x32xi32, #tpu.memory_space<vmem>>, vector<1x16xi32>,
    %swap3A_256 = vector.shape_cast %swap3A_255 : vector<1x16xi32> to vector<16xi32>
    %swap3A_257 = vector.shape_cast %shift_right_logical3A_251 : vector<16xi32> to vector<1x16xi32>
    tpu.vector_store %arg7[%swap3A_253, %swap3A_254], %swap3A_257 {strides = array<i32>} : memref<8x32xi32, #tpu.memory_space<vmem>>, vector<1x16xi32>,
    %dma_start3A_258 = arith.constant 4 : i32
    %dma_start3A_259 = arith.constant 4 : i32
    %dma_start3A_260 = arith.constant 0 : i32
    %dma_start3A_261 = arith.constant 0 : i32
    %dma_start3A_262 = tpu.memref_slice %arg8[%dma_start3A_259, %dma_start3A_260, %dma_start3A_261] : memref<8x32x128xf32, #tpu.memory_space<vmem>> -> memref<1x32x128xf32, #tpu.memory_space<vmem>>
    %dma_start3A_263 = tpu.memref_squeeze %dma_start3A_262 : memref<1x32x128xf32, #tpu.memory_space<vmem>> -> memref<32x128xf32, #tpu.memory_space<vmem>>
    %dma_start3A_264 = arith.constant 0 : i32
    %dma_start3A_265 = tpu.memref_slice %arg6[%dma_start3A_258, %dma_start3A_264] : memref<8x32xi32, #tpu.memory_space<vmem>> -> memref<1x32xi32, #tpu.memory_space<vmem>>
    %dma_start3A_266 = tpu.memref_squeeze %dma_start3A_265 : memref<1x32xi32, #tpu.memory_space<vmem>> -> memref<32xi32, #tpu.memory_space<vmem>>
    %dma_start3A_267 = arith.constant 0 : i32
    %dma_start3A_268 = arith.constant 0 : i32
    %dma_start3A_269 = tpu.memref_slice %arg2[%dma_start3A_267, %dma_start3A_268] : memref<10112x128xf32, #tpu.memory_space<hbm>> -> memref<10112x128xf32, #tpu.memory_space<hbm>>
    tpu.enqueue_indirect_dma source(%dma_start3A_269 : memref<10112x128xf32, #tpu.memory_space<hbm>>) target(%dma_start3A_263 : memref<32x128xf32, #tpu.memory_space<vmem>>) offsets(%dma_start3A_266 : memref<32xi32, #tpu.memory_space<vmem>>) semaphore(%arg14 : memref<!tpu.dma_semaphore, #tpu.memory_space<semaphore_mem>>)
    %get3A_270 = arith.constant 160 : index
    %get3A_271 = tpu.vector_load %arg5[%get3A_270] {strides = array<i32>} : memref<10240xi32, #tpu.memory_space<vmem>>, vector<16xi32>,
    %get3A_272 = vector.shape_cast %get3A_271 : vector<16xi32> to vector<16xi32>
    %and3A_273 = arith.constant 65535 : i32
    %and3A_274 = vector.broadcast %and3A_273 : i32 to vector<16xi32>
    %and3A_275 = arith.andi %get3A_272, %and3A_274 : vector<16xi32>
    %swap3A_276 = arith.constant 5 : i32
    %swap3A_277 = arith.index_cast %swap3A_276 : i32 to index
    %swap3A_278 = arith.constant 0 : index
    %swap3A_279 = tpu.vector_load %arg6[%swap3A_277, %swap3A_278] {strides = array<i32>} : memref<8x32xi32, #tpu.memory_space<vmem>>, vector<1x16xi32>,
    %swap3A_280 = vector.shape_cast %swap3A_279 : vector<1x16xi32> to vector<16xi32>
    %swap3A_281 = vector.shape_cast %and3A_275 : vector<16xi32> to vector<1x16xi32>
    tpu.vector_store %arg6[%swap3A_277, %swap3A_278], %swap3A_281 {strides = array<i32>} : memref<8x32xi32, #tpu.memory_space<vmem>>, vector<1x16xi32>,
    %shift_right_logical3A_282 = arith.constant 16 : i32
    %shift_right_logical3A_283 = vector.broadcast %shift_right_logical3A_282 : i32 to vector<16xi32>
    %shift_right_logical3A_284 = arith.shrui %get3A_272, %shift_right_logical3A_283 : vector<16xi32>
    %swap3A_285 = arith.constant 5 : i32
    %swap3A_286 = arith.index_cast %swap3A_285 : i32 to index
    %swap3A_287 = arith.constant 0 : index
    %swap3A_288 = tpu.vector_load %arg7[%swap3A_286, %swap3A_287] {strides = array<i32>} : memref<8x32xi32, #tpu.memory_space<vmem>>, vector<1x16xi32>,
    %swap3A_289 = vector.shape_cast %swap3A_288 : vector<1x16xi32> to vector<16xi32>
    %swap3A_290 = vector.shape_cast %shift_right_logical3A_284 : vector<16xi32> to vector<1x16xi32>
    tpu.vector_store %arg7[%swap3A_286, %swap3A_287], %swap3A_290 {strides = array<i32>} : memref<8x32xi32, #tpu.memory_space<vmem>>, vector<1x16xi32>,
    %get3A_291 = arith.constant 176 : index
    %get3A_292 = tpu.vector_load %arg5[%get3A_291] {strides = array<i32>} : memref<10240xi32, #tpu.memory_space<vmem>>, vector<16xi32>,
    %get3A_293 = vector.shape_cast %get3A_292 : vector<16xi32> to vector<16xi32>
    %and3A_294 = arith.constant 65535 : i32
    %and3A_295 = vector.broadcast %and3A_294 : i32 to vector<16xi32>
    %and3A_296 = arith.andi %get3A_293, %and3A_295 : vector<16xi32>
    %swap3A_297 = arith.constant 5 : i32
    %swap3A_298 = arith.index_cast %swap3A_297 : i32 to index
    %swap3A_299 = arith.constant 16 : index
    %swap3A_300 = tpu.vector_load %arg6[%swap3A_298, %swap3A_299] {strides = array<i32>} : memref<8x32xi32, #tpu.memory_space<vmem>>, vector<1x16xi32>,
    %swap3A_301 = vector.shape_cast %swap3A_300 : vector<1x16xi32> to vector<16xi32>
    %swap3A_302 = vector.shape_cast %and3A_296 : vector<16xi32> to vector<1x16xi32>
    tpu.vector_store %arg6[%swap3A_298, %swap3A_299], %swap3A_302 {strides = array<i32>} : memref<8x32xi32, #tpu.memory_space<vmem>>, vector<1x16xi32>,
    %shift_right_logical3A_303 = arith.constant 16 : i32
    %shift_right_logical3A_304 = vector.broadcast %shift_right_logical3A_303 : i32 to vector<16xi32>
    %shift_right_logical3A_305 = arith.shrui %get3A_293, %shift_right_logical3A_304 : vector<16xi32>
    %swap3A_306 = arith.constant 5 : i32
    %swap3A_307 = arith.index_cast %swap3A_306 : i32 to index
    %swap3A_308 = arith.constant 16 : index
    %swap3A_309 = tpu.vector_load %arg7[%swap3A_307, %swap3A_308] {strides = array<i32>} : memref<8x32xi32, #tpu.memory_space<vmem>>, vector<1x16xi32>,
    %swap3A_310 = vector.shape_cast %swap3A_309 : vector<1x16xi32> to vector<16xi32>
    %swap3A_311 = vector.shape_cast %shift_right_logical3A_305 : vector<16xi32> to vector<1x16xi32>
    tpu.vector_store %arg7[%swap3A_307, %swap3A_308], %swap3A_311 {strides = array<i32>} : memref<8x32xi32, #tpu.memory_space<vmem>>, vector<1x16xi32>,
    %dma_start3A_312 = arith.constant 5 : i32
    %dma_start3A_313 = arith.constant 5 : i32
    %dma_start3A_314 = arith.constant 0 : i32
    %dma_start3A_315 = arith.constant 0 : i32
    %dma_start3A_316 = tpu.memref_slice %arg8[%dma_start3A_313, %dma_start3A_314, %dma_start3A_315] : memref<8x32x128xf32, #tpu.memory_space<vmem>> -> memref<1x32x128xf32, #tpu.memory_space<vmem>>
    %dma_start3A_317 = tpu.memref_squeeze %dma_start3A_316 : memref<1x32x128xf32, #tpu.memory_space<vmem>> -> memref<32x128xf32, #tpu.memory_space<vmem>>
    %dma_start3A_318 = arith.constant 0 : i32
    %dma_start3A_319 = tpu.memref_slice %arg6[%dma_start3A_312, %dma_start3A_318] : memref<8x32xi32, #tpu.memory_space<vmem>> -> memref<1x32xi32, #tpu.memory_space<vmem>>
    %dma_start3A_320 = tpu.memref_squeeze %dma_start3A_319 : memref<1x32xi32, #tpu.memory_space<vmem>> -> memref<32xi32, #tpu.memory_space<vmem>>
    %dma_start3A_321 = arith.constant 0 : i32
    %dma_start3A_322 = arith.constant 0 : i32
    %dma_start3A_323 = tpu.memref_slice %arg2[%dma_start3A_321, %dma_start3A_322] : memref<10112x128xf32, #tpu.memory_space<hbm>> -> memref<10112x128xf32, #tpu.memory_space<hbm>>
    tpu.enqueue_indirect_dma source(%dma_start3A_323 : memref<10112x128xf32, #tpu.memory_space<hbm>>) target(%dma_start3A_317 : memref<32x128xf32, #tpu.memory_space<vmem>>) offsets(%dma_start3A_320 : memref<32xi32, #tpu.memory_space<vmem>>) semaphore(%arg15 : memref<!tpu.dma_semaphore, #tpu.memory_space<semaphore_mem>>)
    %get3A_324 = arith.constant 192 : index
    %get3A_325 = tpu.vector_load %arg5[%get3A_324] {strides = array<i32>} : memref<10240xi32, #tpu.memory_space<vmem>>, vector<16xi32>,
    %get3A_326 = vector.shape_cast %get3A_325 : vector<16xi32> to vector<16xi32>
    %and3A_327 = arith.constant 65535 : i32
    %and3A_328 = vector.broadcast %and3A_327 : i32 to vector<16xi32>
    %and3A_329 = arith.andi %get3A_326, %and3A_328 : vector<16xi32>
    %swap3A_330 = arith.constant 6 : i32
    %swap3A_331 = arith.index_cast %swap3A_330 : i32 to index
    %swap3A_332 = arith.constant 0 : index
    %swap3A_333 = tpu.vector_load %arg6[%swap3A_331, %swap3A_332] {strides = array<i32>} : memref<8x32xi32, #tpu.memory_space<vmem>>, vector<1x16xi32>,
    %swap3A_334 = vector.shape_cast %swap3A_333 : vector<1x16xi32> to vector<16xi32>
    %swap3A_335 = vector.shape_cast %and3A_329 : vector<16xi32> to vector<1x16xi32>
    tpu.vector_store %arg6[%swap3A_331, %swap3A_332], %swap3A_335 {strides = array<i32>} : memref<8x32xi32, #tpu.memory_space<vmem>>, vector<1x16xi32>,
    %shift_right_logical3A_336 = arith.constant 16 : i32
    %shift_right_logical3A_337 = vector.broadcast %shift_right_logical3A_336 : i32 to vector<16xi32>
    %shift_right_logical3A_338 = arith.shrui %get3A_326, %shift_right_logical3A_337 : vector<16xi32>
    %swap3A_339 = arith.constant 6 : i32
    %swap3A_340 = arith.index_cast %swap3A_339 : i32 to index
    %swap3A_341 = arith.constant 0 : index
    %swap3A_342 = tpu.vector_load %arg7[%swap3A_340, %swap3A_341] {strides = array<i32>} : memref<8x32xi32, #tpu.memory_space<vmem>>, vector<1x16xi32>,
    %swap3A_343 = vector.shape_cast %swap3A_342 : vector<1x16xi32> to vector<16xi32>
    %swap3A_344 = vector.shape_cast %shift_right_logical3A_338 : vector<16xi32> to vector<1x16xi32>
    tpu.vector_store %arg7[%swap3A_340, %swap3A_341], %swap3A_344 {strides = array<i32>} : memref<8x32xi32, #tpu.memory_space<vmem>>, vector<1x16xi32>,
    %get3A_345 = arith.constant 208 : index
    %get3A_346 = tpu.vector_load %arg5[%get3A_345] {strides = array<i32>} : memref<10240xi32, #tpu.memory_space<vmem>>, vector<16xi32>,
    %get3A_347 = vector.shape_cast %get3A_346 : vector<16xi32> to vector<16xi32>
    %and3A_348 = arith.constant 65535 : i32
    %and3A_349 = vector.broadcast %and3A_348 : i32 to vector<16xi32>
    %and3A_350 = arith.andi %get3A_347, %and3A_349 : vector<16xi32>
    %swap3A_351 = arith.constant 6 : i32
    %swap3A_352 = arith.index_cast %swap3A_351 : i32 to index
    %swap3A_353 = arith.constant 16 : index
    %swap3A_354 = tpu.vector_load %arg6[%swap3A_352, %swap3A_353] {strides = array<i32>} : memref<8x32xi32, #tpu.memory_space<vmem>>, vector<1x16xi32>,
    %swap3A_355 = vector.shape_cast %swap3A_354 : vector<1x16xi32> to vector<16xi32>
    %swap3A_356 = vector.shape_cast %and3A_350 : vector<16xi32> to vector<1x16xi32>
    tpu.vector_store %arg6[%swap3A_352, %swap3A_353], %swap3A_356 {strides = array<i32>} : memref<8x32xi32, #tpu.memory_space<vmem>>, vector<1x16xi32>,
    %shift_right_logical3A_357 = arith.constant 16 : i32
    %shift_right_logical3A_358 = vector.broadcast %shift_right_logical3A_357 : i32 to vector<16xi32>
    %shift_right_logical3A_359 = arith.shrui %get3A_347, %shift_right_logical3A_358 : vector<16xi32>
    %swap3A_360 = arith.constant 6 : i32
    %swap3A_361 = arith.index_cast %swap3A_360 : i32 to index
    %swap3A_362 = arith.constant 16 : index
    %swap3A_363 = tpu.vector_load %arg7[%swap3A_361, %swap3A_362] {strides = array<i32>} : memref<8x32xi32, #tpu.memory_space<vmem>>, vector<1x16xi32>,
    %swap3A_364 = vector.shape_cast %swap3A_363 : vector<1x16xi32> to vector<16xi32>
    %swap3A_365 = vector.shape_cast %shift_right_logical3A_359 : vector<16xi32> to vector<1x16xi32>
    tpu.vector_store %arg7[%swap3A_361, %swap3A_362], %swap3A_365 {strides = array<i32>} : memref<8x32xi32, #tpu.memory_space<vmem>>, vector<1x16xi32>,
    %dma_start3A_366 = arith.constant 6 : i32
    %dma_start3A_367 = arith.constant 6 : i32
    %dma_start3A_368 = arith.constant 0 : i32
    %dma_start3A_369 = arith.constant 0 : i32
    %dma_start3A_370 = tpu.memref_slice %arg8[%dma_start3A_367, %dma_start3A_368, %dma_start3A_369] : memref<8x32x128xf32, #tpu.memory_space<vmem>> -> memref<1x32x128xf32, #tpu.memory_space<vmem>>
    %dma_start3A_371 = tpu.memref_squeeze %dma_start3A_370 : memref<1x32x128xf32, #tpu.memory_space<vmem>> -> memref<32x128xf32, #tpu.memory_space<vmem>>
    %dma_start3A_372 = arith.constant 0 : i32
    %dma_start3A_373 = tpu.memref_slice %arg6[%dma_start3A_366, %dma_start3A_372] : memref<8x32xi32, #tpu.memory_space<vmem>> -> memref<1x32xi32, #tpu.memory_space<vmem>>
    %dma_start3A_374 = tpu.memref_squeeze %dma_start3A_373 : memref<1x32xi32, #tpu.memory_space<vmem>> -> memref<32xi32, #tpu.memory_space<vmem>>
    %dma_start3A_375 = arith.constant 0 : i32
    %dma_start3A_376 = arith.constant 0 : i32
    %dma_start3A_377 = tpu.memref_slice %arg2[%dma_start3A_375, %dma_start3A_376] : memref<10112x128xf32, #tpu.memory_space<hbm>> -> memref<10112x128xf32, #tpu.memory_space<hbm>>
    tpu.enqueue_indirect_dma source(%dma_start3A_377 : memref<10112x128xf32, #tpu.memory_space<hbm>>) target(%dma_start3A_371 : memref<32x128xf32, #tpu.memory_space<vmem>>) offsets(%dma_start3A_374 : memref<32xi32, #tpu.memory_space<vmem>>) semaphore(%arg16 : memref<!tpu.dma_semaphore, #tpu.memory_space<semaphore_mem>>)
    %get3A_378 = arith.constant 224 : index
    %get3A_379 = tpu.vector_load %arg5[%get3A_378] {strides = array<i32>} : memref<10240xi32, #tpu.memory_space<vmem>>, vector<16xi32>,
    %get3A_380 = vector.shape_cast %get3A_379 : vector<16xi32> to vector<16xi32>
    %and3A_381 = arith.constant 65535 : i32
    %and3A_382 = vector.broadcast %and3A_381 : i32 to vector<16xi32>
    %and3A_383 = arith.andi %get3A_380, %and3A_382 : vector<16xi32>
    %swap3A_384 = arith.constant 7 : i32
    %swap3A_385 = arith.index_cast %swap3A_384 : i32 to index
    %swap3A_386 = arith.constant 0 : index
    %swap3A_387 = tpu.vector_load %arg6[%swap3A_385, %swap3A_386] {strides = array<i32>} : memref<8x32xi32, #tpu.memory_space<vmem>>, vector<1x16xi32>,
    %swap3A_388 = vector.shape_cast %swap3A_387 : vector<1x16xi32> to vector<16xi32>
    %swap3A_389 = vector.shape_cast %and3A_383 : vector<16xi32> to vector<1x16xi32>
    tpu.vector_store %arg6[%swap3A_385, %swap3A_386], %swap3A_389 {strides = array<i32>} : memref<8x32xi32, #tpu.memory_space<vmem>>, vector<1x16xi32>,
    %shift_right_logical3A_390 = arith.constant 16 : i32
    %shift_right_logical3A_391 = vector.broadcast %shift_right_logical3A_390 : i32 to vector<16xi32>
    %shift_right_logical3A_392 = arith.shrui %get3A_380, %shift_right_logical3A_391 : vector<16xi32>
    %swap3A_393 = arith.constant 7 : i32
    %swap3A_394 = arith.index_cast %swap3A_393 : i32 to index
    %swap3A_395 = arith.constant 0 : index
    %swap3A_396 = tpu.vector_load %arg7[%swap3A_394, %swap3A_395] {strides = array<i32>} : memref<8x32xi32, #tpu.memory_space<vmem>>, vector<1x16xi32>,
    %swap3A_397 = vector.shape_cast %swap3A_396 : vector<1x16xi32> to vector<16xi32>
    %swap3A_398 = vector.shape_cast %shift_right_logical3A_392 : vector<16xi32> to vector<1x16xi32>
    tpu.vector_store %arg7[%swap3A_394, %swap3A_395], %swap3A_398 {strides = array<i32>} : memref<8x32xi32, #tpu.memory_space<vmem>>, vector<1x16xi32>,
    %get3A_399 = arith.constant 240 : index
    %get3A_400 = tpu.vector_load %arg5[%get3A_399] {strides = array<i32>} : memref<10240xi32, #tpu.memory_space<vmem>>, vector<16xi32>,
    %get3A_401 = vector.shape_cast %get3A_400 : vector<16xi32> to vector<16xi32>
    %and3A_402 = arith.constant 65535 : i32
    %and3A_403 = vector.broadcast %and3A_402 : i32 to vector<16xi32>
    %and3A_404 = arith.andi %get3A_401, %and3A_403 : vector<16xi32>
    %swap3A_405 = arith.constant 7 : i32
    %swap3A_406 = arith.index_cast %swap3A_405 : i32 to index
    %swap3A_407 = arith.constant 16 : index
    %swap3A_408 = tpu.vector_load %arg6[%swap3A_406, %swap3A_407] {strides = array<i32>} : memref<8x32xi32, #tpu.memory_space<vmem>>, vector<1x16xi32>,
    %swap3A_409 = vector.shape_cast %swap3A_408 : vector<1x16xi32> to vector<16xi32>
    %swap3A_410 = vector.shape_cast %and3A_404 : vector<16xi32> to vector<1x16xi32>
    tpu.vector_store %arg6[%swap3A_406, %swap3A_407], %swap3A_410 {strides = array<i32>} : memref<8x32xi32, #tpu.memory_space<vmem>>, vector<1x16xi32>,
    %shift_right_logical3A_411 = arith.constant 16 : i32
    %shift_right_logical3A_412 = vector.broadcast %shift_right_logical3A_411 : i32 to vector<16xi32>
    %shift_right_logical3A_413 = arith.shrui %get3A_401, %shift_right_logical3A_412 : vector<16xi32>
    %swap3A_414 = arith.constant 7 : i32
    %swap3A_415 = arith.index_cast %swap3A_414 : i32 to index
    %swap3A_416 = arith.constant 16 : index
    %swap3A_417 = tpu.vector_load %arg7[%swap3A_415, %swap3A_416] {strides = array<i32>} : memref<8x32xi32, #tpu.memory_space<vmem>>, vector<1x16xi32>,
    %swap3A_418 = vector.shape_cast %swap3A_417 : vector<1x16xi32> to vector<16xi32>
    %swap3A_419 = vector.shape_cast %shift_right_logical3A_413 : vector<16xi32> to vector<1x16xi32>
    tpu.vector_store %arg7[%swap3A_415, %swap3A_416], %swap3A_419 {strides = array<i32>} : memref<8x32xi32, #tpu.memory_space<vmem>>, vector<1x16xi32>,
    %dma_start3A_420 = arith.constant 7 : i32
    %dma_start3A_421 = arith.constant 7 : i32
    %dma_start3A_422 = arith.constant 0 : i32
    %dma_start3A_423 = arith.constant 0 : i32
    %dma_start3A_424 = tpu.memref_slice %arg8[%dma_start3A_421, %dma_start3A_422, %dma_start3A_423] : memref<8x32x128xf32, #tpu.memory_space<vmem>> -> memref<1x32x128xf32, #tpu.memory_space<vmem>>
    %dma_start3A_425 = tpu.memref_squeeze %dma_start3A_424 : memref<1x32x128xf32, #tpu.memory_space<vmem>> -> memref<32x128xf32, #tpu.memory_space<vmem>>
    %dma_start3A_426 = arith.constant 0 : i32
    %dma_start3A_427 = tpu.memref_slice %arg6[%dma_start3A_420, %dma_start3A_426] : memref<8x32xi32, #tpu.memory_space<vmem>> -> memref<1x32xi32, #tpu.memory_space<vmem>>
    %dma_start3A_428 = tpu.memref_squeeze %dma_start3A_427 : memref<1x32xi32, #tpu.memory_space<vmem>> -> memref<32xi32, #tpu.memory_space<vmem>>
    %dma_start3A_429 = arith.constant 0 : i32
    %dma_start3A_430 = arith.constant 0 : i32
    %dma_start3A_431 = tpu.memref_slice %arg2[%dma_start3A_429, %dma_start3A_430] : memref<10112x128xf32, #tpu.memory_space<hbm>> -> memref<10112x128xf32, #tpu.memory_space<hbm>>
    tpu.enqueue_indirect_dma source(%dma_start3A_431 : memref<10112x128xf32, #tpu.memory_space<hbm>>) target(%dma_start3A_425 : memref<32x128xf32, #tpu.memory_space<vmem>>) offsets(%dma_start3A_428 : memref<32xi32, #tpu.memory_space<vmem>>) semaphore(%arg17 : memref<!tpu.dma_semaphore, #tpu.memory_space<semaphore_mem>>)
    %barrier3A = arith.constant 0 : index
    tpu.barrier barrier_id(%barrier3A)
    %scan3A = arith.constant 0 : i32
    %scan3A_432 = arith.constant 0 : i32
    %scan3A_433 = arith.constant 40 : i32
    %scan3A_434 = arith.addi %scan3A_432, %scan3A_433 : i32
    %scan3A_435 = arith.constant 1 : i32
    scf.for %scan3A_533 = %scan3A_432 to %scan3A_434 step %scan3A_435  : i32 {
      %dma_wait3A_534 = arith.constant 0 : i32
      %dma_wait3A_535 = arith.constant 0 : i32
      %dma_wait3A_536 = arith.constant 0 : i32
      %dma_wait3A_537 = arith.constant 0 : i32
      %dma_wait3A_538 = tpu.memref_slice %arg8[%dma_wait3A_535, %dma_wait3A_536, %dma_wait3A_537] : memref<8x32x128xf32, #tpu.memory_space<vmem>> -> memref<1x32x128xf32, #tpu.memory_space<vmem>>
      %dma_wait3A_539 = tpu.memref_squeeze %dma_wait3A_538 : memref<1x32x128xf32, #tpu.memory_space<vmem>> -> memref<32x128xf32, #tpu.memory_space<vmem>>
      %dma_wait3A_540 = arith.constant 0 : i32
      %dma_wait3A_541 = tpu.memref_slice %arg6[%dma_wait3A_534, %dma_wait3A_540] : memref<8x32xi32, #tpu.memory_space<vmem>> -> memref<1x32xi32, #tpu.memory_space<vmem>>
      %dma_wait3A_542 = tpu.memref_squeeze %dma_wait3A_541 : memref<1x32xi32, #tpu.memory_space<vmem>> -> memref<32xi32, #tpu.memory_space<vmem>>
      %dma_wait3A_543 = arith.constant 0 : i32
      %dma_wait3A_544 = arith.constant 0 : i32
      %dma_wait3A_545 = tpu.memref_slice %arg2[%dma_wait3A_543, %dma_wait3A_544] : memref<10112x128xf32, #tpu.memory_space<hbm>> -> memref<10112x128xf32, #tpu.memory_space<hbm>>
      tpu.wait_indirect_dma semaphore(%arg10 : memref<!tpu.dma_semaphore, #tpu.memory_space<semaphore_mem>>) src(%dma_wait3A_545 : memref<10112x128xf32, #tpu.memory_space<hbm>>) dst(%dma_wait3A_539 : memref<32x128xf32, #tpu.memory_space<vmem>>)
      %dma_start3A_546 = arith.constant 0 : i32
      %dma_start3A_547 = arith.constant 0 : i32
      %dma_start3A_548 = arith.constant 0 : i32
      %dma_start3A_549 = arith.constant 0 : i32
      %dma_start3A_550 = tpu.memref_slice %arg8[%dma_start3A_546, %dma_start3A_548, %dma_start3A_549] : memref<8x32x128xf32, #tpu.memory_space<vmem>> -> memref<1x32x128xf32, #tpu.memory_space<vmem>>
      %dma_start3A_551 = tpu.memref_squeeze %dma_start3A_550 : memref<1x32x128xf32, #tpu.memory_space<vmem>> -> memref<32x128xf32, #tpu.memory_space<vmem>>
      %dma_start3A_552 = arith.constant 0 : i32
      %dma_start3A_553 = tpu.memref_slice %arg7[%dma_start3A_547, %dma_start3A_552] : memref<8x32xi32, #tpu.memory_space<vmem>> -> memref<1x32xi32, #tpu.memory_space<vmem>>
      %dma_start3A_554 = tpu.memref_squeeze %dma_start3A_553 : memref<1x32xi32, #tpu.memory_space<vmem>> -> memref<32xi32, #tpu.memory_space<vmem>>
      %dma_start3A_555 = arith.constant 0 : i32
      %dma_start3A_556 = arith.constant 0 : i32
      %dma_start3A_557 = tpu.memref_slice %arg9[%dma_start3A_555, %dma_start3A_556] : memref<10112x128xf32, #tpu.memory_space<vmem_shared>> -> memref<10112x128xf32, #tpu.memory_space<vmem_shared>>
      tpu.enqueue_indirect_dma source(%dma_start3A_551 : memref<32x128xf32, #tpu.memory_space<vmem>>) target(%dma_start3A_557 : memref<10112x128xf32, #tpu.memory_space<vmem_shared>>) offsets(%dma_start3A_554 : memref<32xi32, #tpu.memory_space<vmem>>) semaphore(%arg18 : memref<!tpu.dma_semaphore, #tpu.memory_space<semaphore_mem>>) {add = true}
      %dma_wait3A_558 = arith.constant 1 : i32
      %dma_wait3A_559 = arith.constant 1 : i32
      %dma_wait3A_560 = arith.constant 0 : i32
      %dma_wait3A_561 = arith.constant 0 : i32
      %dma_wait3A_562 = tpu.memref_slice %arg8[%dma_wait3A_559, %dma_wait3A_560, %dma_wait3A_561] : memref<8x32x128xf32, #tpu.memory_space<vmem>> -> memref<1x32x128xf32, #tpu.memory_space<vmem>>
      %dma_wait3A_563 = tpu.memref_squeeze %dma_wait3A_562 : memref<1x32x128xf32, #tpu.memory_space<vmem>> -> memref<32x128xf32, #tpu.memory_space<vmem>>
      %dma_wait3A_564 = arith.constant 0 : i32
      %dma_wait3A_565 = tpu.memref_slice %arg6[%dma_wait3A_558, %dma_wait3A_564] : memref<8x32xi32, #tpu.memory_space<vmem>> -> memref<1x32xi32, #tpu.memory_space<vmem>>
      %dma_wait3A_566 = tpu.memref_squeeze %dma_wait3A_565 : memref<1x32xi32, #tpu.memory_space<vmem>> -> memref<32xi32, #tpu.memory_space<vmem>>
      %dma_wait3A_567 = arith.constant 0 : i32
      %dma_wait3A_568 = arith.constant 0 : i32
      %dma_wait3A_569 = tpu.memref_slice %arg2[%dma_wait3A_567, %dma_wait3A_568] : memref<10112x128xf32, #tpu.memory_space<hbm>> -> memref<10112x128xf32, #tpu.memory_space<hbm>>
      tpu.wait_indirect_dma semaphore(%arg11 : memref<!tpu.dma_semaphore, #tpu.memory_space<semaphore_mem>>) src(%dma_wait3A_569 : memref<10112x128xf32, #tpu.memory_space<hbm>>) dst(%dma_wait3A_563 : memref<32x128xf32, #tpu.memory_space<vmem>>)
      %dma_start3A_570 = arith.constant 1 : i32
      %dma_start3A_571 = arith.constant 1 : i32
      %dma_start3A_572 = arith.constant 0 : i32
      %dma_start3A_573 = arith.constant 0 : i32
      %dma_start3A_574 = tpu.memref_slice %arg8[%dma_start3A_570, %dma_start3A_572, %dma_start3A_573] : memref<8x32x128xf32, #tpu.memory_space<vmem>> -> memref<1x32x128xf32, #tpu.memory_space<vmem>>
      %dma_start3A_575 = tpu.memref_squeeze %dma_start3A_574 : memref<1x32x128xf32, #tpu.memory_space<vmem>> -> memref<32x128xf32, #tpu.memory_space<vmem>>
      %dma_start3A_576 = arith.constant 0 : i32
      %dma_start3A_577 = tpu.memref_slice %arg7[%dma_start3A_571, %dma_start3A_576] : memref<8x32xi32, #tpu.memory_space<vmem>> -> memref<1x32xi32, #tpu.memory_space<vmem>>
      %dma_start3A_578 = tpu.memref_squeeze %dma_start3A_577 : memref<1x32xi32, #tpu.memory_space<vmem>> -> memref<32xi32, #tpu.memory_space<vmem>>
      %dma_start3A_579 = arith.constant 0 : i32
      %dma_start3A_580 = arith.constant 0 : i32
      %dma_start3A_581 = tpu.memref_slice %arg9[%dma_start3A_579, %dma_start3A_580] : memref<10112x128xf32, #tpu.memory_space<vmem_shared>> -> memref<10112x128xf32, #tpu.memory_space<vmem_shared>>
      tpu.enqueue_indirect_dma source(%dma_start3A_575 : memref<32x128xf32, #tpu.memory_space<vmem>>) target(%dma_start3A_581 : memref<10112x128xf32, #tpu.memory_space<vmem_shared>>) offsets(%dma_start3A_578 : memref<32xi32, #tpu.memory_space<vmem>>) semaphore(%arg19 : memref<!tpu.dma_semaphore, #tpu.memory_space<semaphore_mem>>) {add = true}
      %dma_wait3A_582 = arith.constant 2 : i32
      %dma_wait3A_583 = arith.constant 2 : i32
      %dma_wait3A_584 = arith.constant 0 : i32
      %dma_wait3A_585 = arith.constant 0 : i32
      %dma_wait3A_586 = tpu.memref_slice %arg8[%dma_wait3A_583, %dma_wait3A_584, %dma_wait3A_585] : memref<8x32x128xf32, #tpu.memory_space<vmem>> -> memref<1x32x128xf32, #tpu.memory_space<vmem>>
      %dma_wait3A_587 = tpu.memref_squeeze %dma_wait3A_586 : memref<1x32x128xf32, #tpu.memory_space<vmem>> -> memref<32x128xf32, #tpu.memory_space<vmem>>
      %dma_wait3A_588 = arith.constant 0 : i32
      %dma_wait3A_589 = tpu.memref_slice %arg6[%dma_wait3A_582, %dma_wait3A_588] : memref<8x32xi32, #tpu.memory_space<vmem>> -> memref<1x32xi32, #tpu.memory_space<vmem>>
      %dma_wait3A_590 = tpu.memref_squeeze %dma_wait3A_589 : memref<1x32xi32, #tpu.memory_space<vmem>> -> memref<32xi32, #tpu.memory_space<vmem>>
      %dma_wait3A_591 = arith.constant 0 : i32
      %dma_wait3A_592 = arith.constant 0 : i32
      %dma_wait3A_593 = tpu.memref_slice %arg2[%dma_wait3A_591, %dma_wait3A_592] : memref<10112x128xf32, #tpu.memory_space<hbm>> -> memref<10112x128xf32, #tpu.memory_space<hbm>>
      tpu.wait_indirect_dma semaphore(%arg12 : memref<!tpu.dma_semaphore, #tpu.memory_space<semaphore_mem>>) src(%dma_wait3A_593 : memref<10112x128xf32, #tpu.memory_space<hbm>>) dst(%dma_wait3A_587 : memref<32x128xf32, #tpu.memory_space<vmem>>)
      %dma_start3A_594 = arith.constant 2 : i32
      %dma_start3A_595 = arith.constant 2 : i32
      %dma_start3A_596 = arith.constant 0 : i32
      %dma_start3A_597 = arith.constant 0 : i32
      %dma_start3A_598 = tpu.memref_slice %arg8[%dma_start3A_594, %dma_start3A_596, %dma_start3A_597] : memref<8x32x128xf32, #tpu.memory_space<vmem>> -> memref<1x32x128xf32, #tpu.memory_space<vmem>>
      %dma_start3A_599 = tpu.memref_squeeze %dma_start3A_598 : memref<1x32x128xf32, #tpu.memory_space<vmem>> -> memref<32x128xf32, #tpu.memory_space<vmem>>
      %dma_start3A_600 = arith.constant 0 : i32
      %dma_start3A_601 = tpu.memref_slice %arg7[%dma_start3A_595, %dma_start3A_600] : memref<8x32xi32, #tpu.memory_space<vmem>> -> memref<1x32xi32, #tpu.memory_space<vmem>>
      %dma_start3A_602 = tpu.memref_squeeze %dma_start3A_601 : memref<1x32xi32, #tpu.memory_space<vmem>> -> memref<32xi32, #tpu.memory_space<vmem>>
      %dma_start3A_603 = arith.constant 0 : i32
      %dma_start3A_604 = arith.constant 0 : i32
      %dma_start3A_605 = tpu.memref_slice %arg9[%dma_start3A_603, %dma_start3A_604] : memref<10112x128xf32, #tpu.memory_space<vmem_shared>> -> memref<10112x128xf32, #tpu.memory_space<vmem_shared>>
      tpu.enqueue_indirect_dma source(%dma_start3A_599 : memref<32x128xf32, #tpu.memory_space<vmem>>) target(%dma_start3A_605 : memref<10112x128xf32, #tpu.memory_space<vmem_shared>>) offsets(%dma_start3A_602 : memref<32xi32, #tpu.memory_space<vmem>>) semaphore(%arg20 : memref<!tpu.dma_semaphore, #tpu.memory_space<semaphore_mem>>) {add = true}
      %dma_wait3A_606 = arith.constant 3 : i32
      %dma_wait3A_607 = arith.constant 3 : i32
      %dma_wait3A_608 = arith.constant 0 : i32
      %dma_wait3A_609 = arith.constant 0 : i32
      %dma_wait3A_610 = tpu.memref_slice %arg8[%dma_wait3A_607, %dma_wait3A_608, %dma_wait3A_609] : memref<8x32x128xf32, #tpu.memory_space<vmem>> -> memref<1x32x128xf32, #tpu.memory_space<vmem>>
      %dma_wait3A_611 = tpu.memref_squeeze %dma_wait3A_610 : memref<1x32x128xf32, #tpu.memory_space<vmem>> -> memref<32x128xf32, #tpu.memory_space<vmem>>
      %dma_wait3A_612 = arith.constant 0 : i32
      %dma_wait3A_613 = tpu.memref_slice %arg6[%dma_wait3A_606, %dma_wait3A_612] : memref<8x32xi32, #tpu.memory_space<vmem>> -> memref<1x32xi32, #tpu.memory_space<vmem>>
      %dma_wait3A_614 = tpu.memref_squeeze %dma_wait3A_613 : memref<1x32xi32, #tpu.memory_space<vmem>> -> memref<32xi32, #tpu.memory_space<vmem>>
      %dma_wait3A_615 = arith.constant 0 : i32
      %dma_wait3A_616 = arith.constant 0 : i32
      %dma_wait3A_617 = tpu.memref_slice %arg2[%dma_wait3A_615, %dma_wait3A_616] : memref<10112x128xf32, #tpu.memory_space<hbm>> -> memref<10112x128xf32, #tpu.memory_space<hbm>>
      tpu.wait_indirect_dma semaphore(%arg13 : memref<!tpu.dma_semaphore, #tpu.memory_space<semaphore_mem>>) src(%dma_wait3A_617 : memref<10112x128xf32, #tpu.memory_space<hbm>>) dst(%dma_wait3A_611 : memref<32x128xf32, #tpu.memory_space<vmem>>)
      %dma_start3A_618 = arith.constant 3 : i32
      %dma_start3A_619 = arith.constant 3 : i32
      %dma_start3A_620 = arith.constant 0 : i32
      %dma_start3A_621 = arith.constant 0 : i32
      %dma_start3A_622 = tpu.memref_slice %arg8[%dma_start3A_618, %dma_start3A_620, %dma_start3A_621] : memref<8x32x128xf32, #tpu.memory_space<vmem>> -> memref<1x32x128xf32, #tpu.memory_space<vmem>>
      %dma_start3A_623 = tpu.memref_squeeze %dma_start3A_622 : memref<1x32x128xf32, #tpu.memory_space<vmem>> -> memref<32x128xf32, #tpu.memory_space<vmem>>
      %dma_start3A_624 = arith.constant 0 : i32
      %dma_start3A_625 = tpu.memref_slice %arg7[%dma_start3A_619, %dma_start3A_624] : memref<8x32xi32, #tpu.memory_space<vmem>> -> memref<1x32xi32, #tpu.memory_space<vmem>>
      %dma_start3A_626 = tpu.memref_squeeze %dma_start3A_625 : memref<1x32xi32, #tpu.memory_space<vmem>> -> memref<32xi32, #tpu.memory_space<vmem>>
      %dma_start3A_627 = arith.constant 0 : i32
      %dma_start3A_628 = arith.constant 0 : i32
      %dma_start3A_629 = tpu.memref_slice %arg9[%dma_start3A_627, %dma_start3A_628] : memref<10112x128xf32, #tpu.memory_space<vmem_shared>> -> memref<10112x128xf32, #tpu.memory_space<vmem_shared>>
      tpu.enqueue_indirect_dma source(%dma_start3A_623 : memref<32x128xf32, #tpu.memory_space<vmem>>) target(%dma_start3A_629 : memref<10112x128xf32, #tpu.memory_space<vmem_shared>>) offsets(%dma_start3A_626 : memref<32xi32, #tpu.memory_space<vmem>>) semaphore(%arg21 : memref<!tpu.dma_semaphore, #tpu.memory_space<semaphore_mem>>) {add = true}
      %dma_wait3A_630 = arith.constant 4 : i32
      %dma_wait3A_631 = arith.constant 4 : i32
      %dma_wait3A_632 = arith.constant 0 : i32
      %dma_wait3A_633 = arith.constant 0 : i32
      %dma_wait3A_634 = tpu.memref_slice %arg8[%dma_wait3A_631, %dma_wait3A_632, %dma_wait3A_633] : memref<8x32x128xf32, #tpu.memory_space<vmem>> -> memref<1x32x128xf32, #tpu.memory_space<vmem>>
      %dma_wait3A_635 = tpu.memref_squeeze %dma_wait3A_634 : memref<1x32x128xf32, #tpu.memory_space<vmem>> -> memref<32x128xf32, #tpu.memory_space<vmem>>
      %dma_wait3A_636 = arith.constant 0 : i32
      %dma_wait3A_637 = tpu.memref_slice %arg6[%dma_wait3A_630, %dma_wait3A_636] : memref<8x32xi32, #tpu.memory_space<vmem>> -> memref<1x32xi32, #tpu.memory_space<vmem>>
      %dma_wait3A_638 = tpu.memref_squeeze %dma_wait3A_637 : memref<1x32xi32, #tpu.memory_space<vmem>> -> memref<32xi32, #tpu.memory_space<vmem>>
      %dma_wait3A_639 = arith.constant 0 : i32
      %dma_wait3A_640 = arith.constant 0 : i32
      %dma_wait3A_641 = tpu.memref_slice %arg2[%dma_wait3A_639, %dma_wait3A_640] : memref<10112x128xf32, #tpu.memory_space<hbm>> -> memref<10112x128xf32, #tpu.memory_space<hbm>>
      tpu.wait_indirect_dma semaphore(%arg14 : memref<!tpu.dma_semaphore, #tpu.memory_space<semaphore_mem>>) src(%dma_wait3A_641 : memref<10112x128xf32, #tpu.memory_space<hbm>>) dst(%dma_wait3A_635 : memref<32x128xf32, #tpu.memory_space<vmem>>)
      %dma_start3A_642 = arith.constant 4 : i32
      %dma_start3A_643 = arith.constant 4 : i32
      %dma_start3A_644 = arith.constant 0 : i32
      %dma_start3A_645 = arith.constant 0 : i32
      %dma_start3A_646 = tpu.memref_slice %arg8[%dma_start3A_642, %dma_start3A_644, %dma_start3A_645] : memref<8x32x128xf32, #tpu.memory_space<vmem>> -> memref<1x32x128xf32, #tpu.memory_space<vmem>>
      %dma_start3A_647 = tpu.memref_squeeze %dma_start3A_646 : memref<1x32x128xf32, #tpu.memory_space<vmem>> -> memref<32x128xf32, #tpu.memory_space<vmem>>
      %dma_start3A_648 = arith.constant 0 : i32
      %dma_start3A_649 = tpu.memref_slice %arg7[%dma_start3A_643, %dma_start3A_648] : memref<8x32xi32, #tpu.memory_space<vmem>> -> memref<1x32xi32, #tpu.memory_space<vmem>>
      %dma_start3A_650 = tpu.memref_squeeze %dma_start3A_649 : memref<1x32xi32, #tpu.memory_space<vmem>> -> memref<32xi32, #tpu.memory_space<vmem>>
      %dma_start3A_651 = arith.constant 0 : i32
      %dma_start3A_652 = arith.constant 0 : i32
      %dma_start3A_653 = tpu.memref_slice %arg9[%dma_start3A_651, %dma_start3A_652] : memref<10112x128xf32, #tpu.memory_space<vmem_shared>> -> memref<10112x128xf32, #tpu.memory_space<vmem_shared>>
      tpu.enqueue_indirect_dma source(%dma_start3A_647 : memref<32x128xf32, #tpu.memory_space<vmem>>) target(%dma_start3A_653 : memref<10112x128xf32, #tpu.memory_space<vmem_shared>>) offsets(%dma_start3A_650 : memref<32xi32, #tpu.memory_space<vmem>>) semaphore(%arg22 : memref<!tpu.dma_semaphore, #tpu.memory_space<semaphore_mem>>) {add = true}
      %dma_wait3A_654 = arith.constant 5 : i32
      %dma_wait3A_655 = arith.constant 5 : i32
      %dma_wait3A_656 = arith.constant 0 : i32
      %dma_wait3A_657 = arith.constant 0 : i32
      %dma_wait3A_658 = tpu.memref_slice %arg8[%dma_wait3A_655, %dma_wait3A_656, %dma_wait3A_657] : memref<8x32x128xf32, #tpu.memory_space<vmem>> -> memref<1x32x128xf32, #tpu.memory_space<vmem>>
      %dma_wait3A_659 = tpu.memref_squeeze %dma_wait3A_658 : memref<1x32x128xf32, #tpu.memory_space<vmem>> -> memref<32x128xf32, #tpu.memory_space<vmem>>
      %dma_wait3A_660 = arith.constant 0 : i32
      %dma_wait3A_661 = tpu.memref_slice %arg6[%dma_wait3A_654, %dma_wait3A_660] : memref<8x32xi32, #tpu.memory_space<vmem>> -> memref<1x32xi32, #tpu.memory_space<vmem>>
      %dma_wait3A_662 = tpu.memref_squeeze %dma_wait3A_661 : memref<1x32xi32, #tpu.memory_space<vmem>> -> memref<32xi32, #tpu.memory_space<vmem>>
      %dma_wait3A_663 = arith.constant 0 : i32
      %dma_wait3A_664 = arith.constant 0 : i32
      %dma_wait3A_665 = tpu.memref_slice %arg2[%dma_wait3A_663, %dma_wait3A_664] : memref<10112x128xf32, #tpu.memory_space<hbm>> -> memref<10112x128xf32, #tpu.memory_space<hbm>>
      tpu.wait_indirect_dma semaphore(%arg15 : memref<!tpu.dma_semaphore, #tpu.memory_space<semaphore_mem>>) src(%dma_wait3A_665 : memref<10112x128xf32, #tpu.memory_space<hbm>>) dst(%dma_wait3A_659 : memref<32x128xf32, #tpu.memory_space<vmem>>)
      %dma_start3A_666 = arith.constant 5 : i32
      %dma_start3A_667 = arith.constant 5 : i32
      %dma_start3A_668 = arith.constant 0 : i32
      %dma_start3A_669 = arith.constant 0 : i32
      %dma_start3A_670 = tpu.memref_slice %arg8[%dma_start3A_666, %dma_start3A_668, %dma_start3A_669] : memref<8x32x128xf32, #tpu.memory_space<vmem>> -> memref<1x32x128xf32, #tpu.memory_space<vmem>>
      %dma_start3A_671 = tpu.memref_squeeze %dma_start3A_670 : memref<1x32x128xf32, #tpu.memory_space<vmem>> -> memref<32x128xf32, #tpu.memory_space<vmem>>
      %dma_start3A_672 = arith.constant 0 : i32
      %dma_start3A_673 = tpu.memref_slice %arg7[%dma_start3A_667, %dma_start3A_672] : memref<8x32xi32, #tpu.memory_space<vmem>> -> memref<1x32xi32, #tpu.memory_space<vmem>>
      %dma_start3A_674 = tpu.memref_squeeze %dma_start3A_673 : memref<1x32xi32, #tpu.memory_space<vmem>> -> memref<32xi32, #tpu.memory_space<vmem>>
      %dma_start3A_675 = arith.constant 0 : i32
      %dma_start3A_676 = arith.constant 0 : i32
      %dma_start3A_677 = tpu.memref_slice %arg9[%dma_start3A_675, %dma_start3A_676] : memref<10112x128xf32, #tpu.memory_space<vmem_shared>> -> memref<10112x128xf32, #tpu.memory_space<vmem_shared>>
      tpu.enqueue_indirect_dma source(%dma_start3A_671 : memref<32x128xf32, #tpu.memory_space<vmem>>) target(%dma_start3A_677 : memref<10112x128xf32, #tpu.memory_space<vmem_shared>>) offsets(%dma_start3A_674 : memref<32xi32, #tpu.memory_space<vmem>>) semaphore(%arg23 : memref<!tpu.dma_semaphore, #tpu.memory_space<semaphore_mem>>) {add = true}
      %dma_wait3A_678 = arith.constant 6 : i32
      %dma_wait3A_679 = arith.constant 6 : i32
      %dma_wait3A_680 = arith.constant 0 : i32
      %dma_wait3A_681 = arith.constant 0 : i32
      %dma_wait3A_682 = tpu.memref_slice %arg8[%dma_wait3A_679, %dma_wait3A_680, %dma_wait3A_681] : memref<8x32x128xf32, #tpu.memory_space<vmem>> -> memref<1x32x128xf32, #tpu.memory_space<vmem>>
      %dma_wait3A_683 = tpu.memref_squeeze %dma_wait3A_682 : memref<1x32x128xf32, #tpu.memory_space<vmem>> -> memref<32x128xf32, #tpu.memory_space<vmem>>
      %dma_wait3A_684 = arith.constant 0 : i32
      %dma_wait3A_685 = tpu.memref_slice %arg6[%dma_wait3A_678, %dma_wait3A_684] : memref<8x32xi32, #tpu.memory_space<vmem>> -> memref<1x32xi32, #tpu.memory_space<vmem>>
      %dma_wait3A_686 = tpu.memref_squeeze %dma_wait3A_685 : memref<1x32xi32, #tpu.memory_space<vmem>> -> memref<32xi32, #tpu.memory_space<vmem>>
      %dma_wait3A_687 = arith.constant 0 : i32
      %dma_wait3A_688 = arith.constant 0 : i32
      %dma_wait3A_689 = tpu.memref_slice %arg2[%dma_wait3A_687, %dma_wait3A_688] : memref<10112x128xf32, #tpu.memory_space<hbm>> -> memref<10112x128xf32, #tpu.memory_space<hbm>>
      tpu.wait_indirect_dma semaphore(%arg16 : memref<!tpu.dma_semaphore, #tpu.memory_space<semaphore_mem>>) src(%dma_wait3A_689 : memref<10112x128xf32, #tpu.memory_space<hbm>>) dst(%dma_wait3A_683 : memref<32x128xf32, #tpu.memory_space<vmem>>)
      %dma_start3A_690 = arith.constant 6 : i32
      %dma_start3A_691 = arith.constant 6 : i32
      %dma_start3A_692 = arith.constant 0 : i32
      %dma_start3A_693 = arith.constant 0 : i32
      %dma_start3A_694 = tpu.memref_slice %arg8[%dma_start3A_690, %dma_start3A_692, %dma_start3A_693] : memref<8x32x128xf32, #tpu.memory_space<vmem>> -> memref<1x32x128xf32, #tpu.memory_space<vmem>>
      %dma_start3A_695 = tpu.memref_squeeze %dma_start3A_694 : memref<1x32x128xf32, #tpu.memory_space<vmem>> -> memref<32x128xf32, #tpu.memory_space<vmem>>
      %dma_start3A_696 = arith.constant 0 : i32
      %dma_start3A_697 = tpu.memref_slice %arg7[%dma_start3A_691, %dma_start3A_696] : memref<8x32xi32, #tpu.memory_space<vmem>> -> memref<1x32xi32, #tpu.memory_space<vmem>>
      %dma_start3A_698 = tpu.memref_squeeze %dma_start3A_697 : memref<1x32xi32, #tpu.memory_space<vmem>> -> memref<32xi32, #tpu.memory_space<vmem>>
      %dma_start3A_699 = arith.constant 0 : i32
      %dma_start3A_700 = arith.constant 0 : i32
      %dma_start3A_701 = tpu.memref_slice %arg9[%dma_start3A_699, %dma_start3A_700] : memref<10112x128xf32, #tpu.memory_space<vmem_shared>> -> memref<10112x128xf32, #tpu.memory_space<vmem_shared>>
      tpu.enqueue_indirect_dma source(%dma_start3A_695 : memref<32x128xf32, #tpu.memory_space<vmem>>) target(%dma_start3A_701 : memref<10112x128xf32, #tpu.memory_space<vmem_shared>>) offsets(%dma_start3A_698 : memref<32xi32, #tpu.memory_space<vmem>>) semaphore(%arg24 : memref<!tpu.dma_semaphore, #tpu.memory_space<semaphore_mem>>) {add = true}
      %dma_wait3A_702 = arith.constant 7 : i32
      %dma_wait3A_703 = arith.constant 7 : i32
      %dma_wait3A_704 = arith.constant 0 : i32
      %dma_wait3A_705 = arith.constant 0 : i32
      %dma_wait3A_706 = tpu.memref_slice %arg8[%dma_wait3A_703, %dma_wait3A_704, %dma_wait3A_705] : memref<8x32x128xf32, #tpu.memory_space<vmem>> -> memref<1x32x128xf32, #tpu.memory_space<vmem>>
      %dma_wait3A_707 = tpu.memref_squeeze %dma_wait3A_706 : memref<1x32x128xf32, #tpu.memory_space<vmem>> -> memref<32x128xf32, #tpu.memory_space<vmem>>
      %dma_wait3A_708 = arith.constant 0 : i32
      %dma_wait3A_709 = tpu.memref_slice %arg6[%dma_wait3A_702, %dma_wait3A_708] : memref<8x32xi32, #tpu.memory_space<vmem>> -> memref<1x32xi32, #tpu.memory_space<vmem>>
      %dma_wait3A_710 = tpu.memref_squeeze %dma_wait3A_709 : memref<1x32xi32, #tpu.memory_space<vmem>> -> memref<32xi32, #tpu.memory_space<vmem>>
      %dma_wait3A_711 = arith.constant 0 : i32
      %dma_wait3A_712 = arith.constant 0 : i32
      %dma_wait3A_713 = tpu.memref_slice %arg2[%dma_wait3A_711, %dma_wait3A_712] : memref<10112x128xf32, #tpu.memory_space<hbm>> -> memref<10112x128xf32, #tpu.memory_space<hbm>>
      tpu.wait_indirect_dma semaphore(%arg17 : memref<!tpu.dma_semaphore, #tpu.memory_space<semaphore_mem>>) src(%dma_wait3A_713 : memref<10112x128xf32, #tpu.memory_space<hbm>>) dst(%dma_wait3A_707 : memref<32x128xf32, #tpu.memory_space<vmem>>)
      %dma_start3A_714 = arith.constant 7 : i32
      %dma_start3A_715 = arith.constant 7 : i32
      %dma_start3A_716 = arith.constant 0 : i32
      %dma_start3A_717 = arith.constant 0 : i32
      %dma_start3A_718 = tpu.memref_slice %arg8[%dma_start3A_714, %dma_start3A_716, %dma_start3A_717] : memref<8x32x128xf32, #tpu.memory_space<vmem>> -> memref<1x32x128xf32, #tpu.memory_space<vmem>>
      %dma_start3A_719 = tpu.memref_squeeze %dma_start3A_718 : memref<1x32x128xf32, #tpu.memory_space<vmem>> -> memref<32x128xf32, #tpu.memory_space<vmem>>
      %dma_start3A_720 = arith.constant 0 : i32
      %dma_start3A_721 = tpu.memref_slice %arg7[%dma_start3A_715, %dma_start3A_720] : memref<8x32xi32, #tpu.memory_space<vmem>> -> memref<1x32xi32, #tpu.memory_space<vmem>>
      %dma_start3A_722 = tpu.memref_squeeze %dma_start3A_721 : memref<1x32xi32, #tpu.memory_space<vmem>> -> memref<32xi32, #tpu.memory_space<vmem>>
      %dma_start3A_723 = arith.constant 0 : i32
      %dma_start3A_724 = arith.constant 0 : i32
      %dma_start3A_725 = tpu.memref_slice %arg9[%dma_start3A_723, %dma_start3A_724] : memref<10112x128xf32, #tpu.memory_space<vmem_shared>> -> memref<10112x128xf32, #tpu.memory_space<vmem_shared>>
      tpu.enqueue_indirect_dma source(%dma_start3A_719 : memref<32x128xf32, #tpu.memory_space<vmem>>) target(%dma_start3A_725 : memref<10112x128xf32, #tpu.memory_space<vmem_shared>>) offsets(%dma_start3A_722 : memref<32xi32, #tpu.memory_space<vmem>>) semaphore(%arg25 : memref<!tpu.dma_semaphore, #tpu.memory_space<semaphore_mem>>) {add = true}
      %add3A_726 = arith.constant 1 : i32
      %add3A_727 = arith.addi %scan3A_533, %add3A_726 : i32
      %mul3A_728 = arith.constant 8 : i32
      %mul3A_729 = arith.muli %add3A_727, %mul3A_728 : i32
      %add3A_730 = arith.constant 0 : i32
      %add3A_731 = arith.addi %mul3A_729, %add3A_730 : i32
      %lt3A = arith.constant 320 : i32
      %lt3A_732 = arith.cmpi slt, %add3A_731, %lt3A : i32
      %convert_element_type3A = arith.extui %lt3A_732 : i1 to i32
      %cond3A = arith.constant 0 : i32
      %cond3A_733 = arith.cmpi ne, %convert_element_type3A, %cond3A : i32
      scf.if %cond3A_733 {
        %dma_wait3A_811 = arith.constant 0 : i32
        %dma_wait3A_812 = arith.constant 0 : i32
        %dma_wait3A_813 = arith.constant 0 : i32
        %dma_wait3A_814 = arith.constant 0 : i32
        %dma_wait3A_815 = tpu.memref_slice %arg8[%dma_wait3A_811, %dma_wait3A_813, %dma_wait3A_814] : memref<8x32x128xf32, #tpu.memory_space<vmem>> -> memref<1x32x128xf32, #tpu.memory_space<vmem>>
        %dma_wait3A_816 = tpu.memref_squeeze %dma_wait3A_815 : memref<1x32x128xf32, #tpu.memory_space<vmem>> -> memref<32x128xf32, #tpu.memory_space<vmem>>
        %dma_wait3A_817 = arith.constant 0 : i32
        %dma_wait3A_818 = tpu.memref_slice %arg7[%dma_wait3A_812, %dma_wait3A_817] : memref<8x32xi32, #tpu.memory_space<vmem>> -> memref<1x32xi32, #tpu.memory_space<vmem>>
        %dma_wait3A_819 = tpu.memref_squeeze %dma_wait3A_818 : memref<1x32xi32, #tpu.memory_space<vmem>> -> memref<32xi32, #tpu.memory_space<vmem>>
        %dma_wait3A_820 = arith.constant 0 : i32
        %dma_wait3A_821 = arith.constant 0 : i32
        %dma_wait3A_822 = tpu.memref_slice %arg9[%dma_wait3A_820, %dma_wait3A_821] : memref<10112x128xf32, #tpu.memory_space<vmem_shared>> -> memref<10112x128xf32, #tpu.memory_space<vmem_shared>>
        tpu.wait_indirect_dma semaphore(%arg18 : memref<!tpu.dma_semaphore, #tpu.memory_space<semaphore_mem>>) src(%dma_wait3A_816 : memref<32x128xf32, #tpu.memory_space<vmem>>) dst(%dma_wait3A_822 : memref<10112x128xf32, #tpu.memory_space<vmem_shared>>)
        %mul3A_823 = arith.constant 32 : i32
        %mul3A_824 = arith.muli %add3A_731, %mul3A_823 : i32
        %add3A_825 = arith.constant 0 : i32
        %add3A_826 = arith.addi %mul3A_824, %add3A_825 : i32
        %get3A_827 = arith.index_cast %add3A_826 : i32 to index
        %get3A_828 = tpu.vector_load %arg5[%get3A_827] {strides = array<i32>} : memref<10240xi32, #tpu.memory_space<vmem>>, vector<16xi32>,
        %get3A_829 = vector.shape_cast %get3A_828 : vector<16xi32> to vector<16xi32>
        %and3A_830 = arith.constant 65535 : i32
        %and3A_831 = vector.broadcast %and3A_830 : i32 to vector<16xi32>
        %and3A_832 = arith.andi %get3A_829, %and3A_831 : vector<16xi32>
        %swap3A_833 = arith.constant 0 : i32
        %swap3A_834 = arith.index_cast %swap3A_833 : i32 to index
        %swap3A_835 = arith.constant 0 : index
        %swap3A_836 = tpu.vector_load %arg6[%swap3A_834, %swap3A_835] {strides = array<i32>} : memref<8x32xi32, #tpu.memory_space<vmem>>, vector<1x16xi32>,
        %swap3A_837 = vector.shape_cast %swap3A_836 : vector<1x16xi32> to vector<16xi32>
        %swap3A_838 = vector.shape_cast %and3A_832 : vector<16xi32> to vector<1x16xi32>
        tpu.vector_store %arg6[%swap3A_834, %swap3A_835], %swap3A_838 {strides = array<i32>} : memref<8x32xi32, #tpu.memory_space<vmem>>, vector<1x16xi32>,
        %shift_right_logical3A_839 = arith.constant 16 : i32
        %shift_right_logical3A_840 = vector.broadcast %shift_right_logical3A_839 : i32 to vector<16xi32>
        %shift_right_logical3A_841 = arith.shrui %get3A_829, %shift_right_logical3A_840 : vector<16xi32>
        %swap3A_842 = arith.constant 0 : i32
        %swap3A_843 = arith.index_cast %swap3A_842 : i32 to index
        %swap3A_844 = arith.constant 0 : index
        %swap3A_845 = tpu.vector_load %arg7[%swap3A_843, %swap3A_844] {strides = array<i32>} : memref<8x32xi32, #tpu.memory_space<vmem>>, vector<1x16xi32>,
        %swap3A_846 = vector.shape_cast %swap3A_845 : vector<1x16xi32> to vector<16xi32>
        %swap3A_847 = vector.shape_cast %shift_right_logical3A_841 : vector<16xi32> to vector<1x16xi32>
        tpu.vector_store %arg7[%swap3A_843, %swap3A_844], %swap3A_847 {strides = array<i32>} : memref<8x32xi32, #tpu.memory_space<vmem>>, vector<1x16xi32>,
        %mul3A_848 = arith.constant 32 : i32
        %mul3A_849 = arith.muli %add3A_731, %mul3A_848 : i32
        %add3A_850 = arith.constant 16 : i32
        %add3A_851 = arith.addi %mul3A_849, %add3A_850 : i32
        %get3A_852 = arith.index_cast %add3A_851 : i32 to index
        %get3A_853 = tpu.vector_load %arg5[%get3A_852] {strides = array<i32>} : memref<10240xi32, #tpu.memory_space<vmem>>, vector<16xi32>,
        %get3A_854 = vector.shape_cast %get3A_853 : vector<16xi32> to vector<16xi32>
        %and3A_855 = arith.constant 65535 : i32
        %and3A_856 = vector.broadcast %and3A_855 : i32 to vector<16xi32>
        %and3A_857 = arith.andi %get3A_854, %and3A_856 : vector<16xi32>
        %swap3A_858 = arith.constant 0 : i32
        %swap3A_859 = arith.index_cast %swap3A_858 : i32 to index
        %swap3A_860 = arith.constant 16 : index
        %swap3A_861 = tpu.vector_load %arg6[%swap3A_859, %swap3A_860] {strides = array<i32>} : memref<8x32xi32, #tpu.memory_space<vmem>>, vector<1x16xi32>,
        %swap3A_862 = vector.shape_cast %swap3A_861 : vector<1x16xi32> to vector<16xi32>
        %swap3A_863 = vector.shape_cast %and3A_857 : vector<16xi32> to vector<1x16xi32>
        tpu.vector_store %arg6[%swap3A_859, %swap3A_860], %swap3A_863 {strides = array<i32>} : memref<8x32xi32, #tpu.memory_space<vmem>>, vector<1x16xi32>,
        %shift_right_logical3A_864 = arith.constant 16 : i32
        %shift_right_logical3A_865 = vector.broadcast %shift_right_logical3A_864 : i32 to vector<16xi32>
        %shift_right_logical3A_866 = arith.shrui %get3A_854, %shift_right_logical3A_865 : vector<16xi32>
        %swap3A_867 = arith.constant 0 : i32
        %swap3A_868 = arith.index_cast %swap3A_867 : i32 to index
        %swap3A_869 = arith.constant 16 : index
        %swap3A_870 = tpu.vector_load %arg7[%swap3A_868, %swap3A_869] {strides = array<i32>} : memref<8x32xi32, #tpu.memory_space<vmem>>, vector<1x16xi32>,
        %swap3A_871 = vector.shape_cast %swap3A_870 : vector<1x16xi32> to vector<16xi32>
        %swap3A_872 = vector.shape_cast %shift_right_logical3A_866 : vector<16xi32> to vector<1x16xi32>
        tpu.vector_store %arg7[%swap3A_868, %swap3A_869], %swap3A_872 {strides = array<i32>} : memref<8x32xi32, #tpu.memory_space<vmem>>, vector<1x16xi32>,
        %dma_start3A_873 = arith.constant 0 : i32
        %dma_start3A_874 = arith.constant 0 : i32
        %dma_start3A_875 = arith.constant 0 : i32
        %dma_start3A_876 = arith.constant 0 : i32
        %dma_start3A_877 = tpu.memref_slice %arg8[%dma_start3A_874, %dma_start3A_875, %dma_start3A_876] : memref<8x32x128xf32, #tpu.memory_space<vmem>> -> memref<1x32x128xf32, #tpu.memory_space<vmem>>
        %dma_start3A_878 = tpu.memref_squeeze %dma_start3A_877 : memref<1x32x128xf32, #tpu.memory_space<vmem>> -> memref<32x128xf32, #tpu.memory_space<vmem>>
        %dma_start3A_879 = arith.constant 0 : i32
        %dma_start3A_880 = tpu.memref_slice %arg6[%dma_start3A_873, %dma_start3A_879] : memref<8x32xi32, #tpu.memory_space<vmem>> -> memref<1x32xi32, #tpu.memory_space<vmem>>
        %dma_start3A_881 = tpu.memref_squeeze %dma_start3A_880 : memref<1x32xi32, #tpu.memory_space<vmem>> -> memref<32xi32, #tpu.memory_space<vmem>>
        %dma_start3A_882 = arith.constant 0 : i32
        %dma_start3A_883 = arith.constant 0 : i32
        %dma_start3A_884 = tpu.memref_slice %arg2[%dma_start3A_882, %dma_start3A_883] : memref<10112x128xf32, #tpu.memory_space<hbm>> -> memref<10112x128xf32, #tpu.memory_space<hbm>>
        tpu.enqueue_indirect_dma source(%dma_start3A_884 : memref<10112x128xf32, #tpu.memory_space<hbm>>) target(%dma_start3A_878 : memref<32x128xf32, #tpu.memory_space<vmem>>) offsets(%dma_start3A_881 : memref<32xi32, #tpu.memory_space<vmem>>) semaphore(%arg10 : memref<!tpu.dma_semaphore, #tpu.memory_space<semaphore_mem>>)
      } else {
      }
      %add3A_734 = arith.constant 1 : i32
      %add3A_735 = arith.addi %scan3A_533, %add3A_734 : i32
      %mul3A_736 = arith.constant 8 : i32
      %mul3A_737 = arith.muli %add3A_735, %mul3A_736 : i32
      %add3A_738 = arith.constant 1 : i32
      %add3A_739 = arith.addi %mul3A_737, %add3A_738 : i32
      %lt3A_740 = arith.constant 320 : i32
      %lt3A_741 = arith.cmpi slt, %add3A_739, %lt3A_740 : i32
      %convert_element_type3A_742 = arith.extui %lt3A_741 : i1 to i32
      %cond3A_743 = arith.constant 0 : i32
      %cond3A_744 = arith.cmpi ne, %convert_element_type3A_742, %cond3A_743 : i32
      scf.if %cond3A_744 {
        %dma_wait3A_811 = arith.constant 1 : i32
        %dma_wait3A_812 = arith.constant 1 : i32
        %dma_wait3A_813 = arith.constant 0 : i32
        %dma_wait3A_814 = arith.constant 0 : i32
        %dma_wait3A_815 = tpu.memref_slice %arg8[%dma_wait3A_811, %dma_wait3A_813, %dma_wait3A_814] : memref<8x32x128xf32, #tpu.memory_space<vmem>> -> memref<1x32x128xf32, #tpu.memory_space<vmem>>
        %dma_wait3A_816 = tpu.memref_squeeze %dma_wait3A_815 : memref<1x32x128xf32, #tpu.memory_space<vmem>> -> memref<32x128xf32, #tpu.memory_space<vmem>>
        %dma_wait3A_817 = arith.constant 0 : i32
        %dma_wait3A_818 = tpu.memref_slice %arg7[%dma_wait3A_812, %dma_wait3A_817] : memref<8x32xi32, #tpu.memory_space<vmem>> -> memref<1x32xi32, #tpu.memory_space<vmem>>
        %dma_wait3A_819 = tpu.memref_squeeze %dma_wait3A_818 : memref<1x32xi32, #tpu.memory_space<vmem>> -> memref<32xi32, #tpu.memory_space<vmem>>
        %dma_wait3A_820 = arith.constant 0 : i32
        %dma_wait3A_821 = arith.constant 0 : i32
        %dma_wait3A_822 = tpu.memref_slice %arg9[%dma_wait3A_820, %dma_wait3A_821] : memref<10112x128xf32, #tpu.memory_space<vmem_shared>> -> memref<10112x128xf32, #tpu.memory_space<vmem_shared>>
        tpu.wait_indirect_dma semaphore(%arg19 : memref<!tpu.dma_semaphore, #tpu.memory_space<semaphore_mem>>) src(%dma_wait3A_816 : memref<32x128xf32, #tpu.memory_space<vmem>>) dst(%dma_wait3A_822 : memref<10112x128xf32, #tpu.memory_space<vmem_shared>>)
        %mul3A_823 = arith.constant 32 : i32
        %mul3A_824 = arith.muli %add3A_739, %mul3A_823 : i32
        %add3A_825 = arith.constant 0 : i32
        %add3A_826 = arith.addi %mul3A_824, %add3A_825 : i32
        %get3A_827 = arith.index_cast %add3A_826 : i32 to index
        %get3A_828 = tpu.vector_load %arg5[%get3A_827] {strides = array<i32>} : memref<10240xi32, #tpu.memory_space<vmem>>, vector<16xi32>,
        %get3A_829 = vector.shape_cast %get3A_828 : vector<16xi32> to vector<16xi32>
        %and3A_830 = arith.constant 65535 : i32
        %and3A_831 = vector.broadcast %and3A_830 : i32 to vector<16xi32>
        %and3A_832 = arith.andi %get3A_829, %and3A_831 : vector<16xi32>
        %swap3A_833 = arith.constant 1 : i32
        %swap3A_834 = arith.index_cast %swap3A_833 : i32 to index
        %swap3A_835 = arith.constant 0 : index
        %swap3A_836 = tpu.vector_load %arg6[%swap3A_834, %swap3A_835] {strides = array<i32>} : memref<8x32xi32, #tpu.memory_space<vmem>>, vector<1x16xi32>,
        %swap3A_837 = vector.shape_cast %swap3A_836 : vector<1x16xi32> to vector<16xi32>
        %swap3A_838 = vector.shape_cast %and3A_832 : vector<16xi32> to vector<1x16xi32>
        tpu.vector_store %arg6[%swap3A_834, %swap3A_835], %swap3A_838 {strides = array<i32>} : memref<8x32xi32, #tpu.memory_space<vmem>>, vector<1x16xi32>,
        %shift_right_logical3A_839 = arith.constant 16 : i32
        %shift_right_logical3A_840 = vector.broadcast %shift_right_logical3A_839 : i32 to vector<16xi32>
        %shift_right_logical3A_841 = arith.shrui %get3A_829, %shift_right_logical3A_840 : vector<16xi32>
        %swap3A_842 = arith.constant 1 : i32
        %swap3A_843 = arith.index_cast %swap3A_842 : i32 to index
        %swap3A_844 = arith.constant 0 : index
        %swap3A_845 = tpu.vector_load %arg7[%swap3A_843, %swap3A_844] {strides = array<i32>} : memref<8x32xi32, #tpu.memory_space<vmem>>, vector<1x16xi32>,
        %swap3A_846 = vector.shape_cast %swap3A_845 : vector<1x16xi32> to vector<16xi32>
        %swap3A_847 = vector.shape_cast %shift_right_logical3A_841 : vector<16xi32> to vector<1x16xi32>
        tpu.vector_store %arg7[%swap3A_843, %swap3A_844], %swap3A_847 {strides = array<i32>} : memref<8x32xi32, #tpu.memory_space<vmem>>, vector<1x16xi32>,
        %mul3A_848 = arith.constant 32 : i32
        %mul3A_849 = arith.muli %add3A_739, %mul3A_848 : i32
        %add3A_850 = arith.constant 16 : i32
        %add3A_851 = arith.addi %mul3A_849, %add3A_850 : i32
        %get3A_852 = arith.index_cast %add3A_851 : i32 to index
        %get3A_853 = tpu.vector_load %arg5[%get3A_852] {strides = array<i32>} : memref<10240xi32, #tpu.memory_space<vmem>>, vector<16xi32>,
        %get3A_854 = vector.shape_cast %get3A_853 : vector<16xi32> to vector<16xi32>
        %and3A_855 = arith.constant 65535 : i32
        %and3A_856 = vector.broadcast %and3A_855 : i32 to vector<16xi32>
        %and3A_857 = arith.andi %get3A_854, %and3A_856 : vector<16xi32>
        %swap3A_858 = arith.constant 1 : i32
        %swap3A_859 = arith.index_cast %swap3A_858 : i32 to index
        %swap3A_860 = arith.constant 16 : index
        %swap3A_861 = tpu.vector_load %arg6[%swap3A_859, %swap3A_860] {strides = array<i32>} : memref<8x32xi32, #tpu.memory_space<vmem>>, vector<1x16xi32>,
        %swap3A_862 = vector.shape_cast %swap3A_861 : vector<1x16xi32> to vector<16xi32>
        %swap3A_863 = vector.shape_cast %and3A_857 : vector<16xi32> to vector<1x16xi32>
        tpu.vector_store %arg6[%swap3A_859, %swap3A_860], %swap3A_863 {strides = array<i32>} : memref<8x32xi32, #tpu.memory_space<vmem>>, vector<1x16xi32>,
        %shift_right_logical3A_864 = arith.constant 16 : i32
        %shift_right_logical3A_865 = vector.broadcast %shift_right_logical3A_864 : i32 to vector<16xi32>
        %shift_right_logical3A_866 = arith.shrui %get3A_854, %shift_right_logical3A_865 : vector<16xi32>
        %swap3A_867 = arith.constant 1 : i32
        %swap3A_868 = arith.index_cast %swap3A_867 : i32 to index
        %swap3A_869 = arith.constant 16 : index
        %swap3A_870 = tpu.vector_load %arg7[%swap3A_868, %swap3A_869] {strides = array<i32>} : memref<8x32xi32, #tpu.memory_space<vmem>>, vector<1x16xi32>,
        %swap3A_871 = vector.shape_cast %swap3A_870 : vector<1x16xi32> to vector<16xi32>
        %swap3A_872 = vector.shape_cast %shift_right_logical3A_866 : vector<16xi32> to vector<1x16xi32>
        tpu.vector_store %arg7[%swap3A_868, %swap3A_869], %swap3A_872 {strides = array<i32>} : memref<8x32xi32, #tpu.memory_space<vmem>>, vector<1x16xi32>,
        %dma_start3A_873 = arith.constant 1 : i32
        %dma_start3A_874 = arith.constant 1 : i32
        %dma_start3A_875 = arith.constant 0 : i32
        %dma_start3A_876 = arith.constant 0 : i32
        %dma_start3A_877 = tpu.memref_slice %arg8[%dma_start3A_874, %dma_start3A_875, %dma_start3A_876] : memref<8x32x128xf32, #tpu.memory_space<vmem>> -> memref<1x32x128xf32, #tpu.memory_space<vmem>>
        %dma_start3A_878 = tpu.memref_squeeze %dma_start3A_877 : memref<1x32x128xf32, #tpu.memory_space<vmem>> -> memref<32x128xf32, #tpu.memory_space<vmem>>
        %dma_start3A_879 = arith.constant 0 : i32
        %dma_start3A_880 = tpu.memref_slice %arg6[%dma_start3A_873, %dma_start3A_879] : memref<8x32xi32, #tpu.memory_space<vmem>> -> memref<1x32xi32, #tpu.memory_space<vmem>>
        %dma_start3A_881 = tpu.memref_squeeze %dma_start3A_880 : memref<1x32xi32, #tpu.memory_space<vmem>> -> memref<32xi32, #tpu.memory_space<vmem>>
        %dma_start3A_882 = arith.constant 0 : i32
        %dma_start3A_883 = arith.constant 0 : i32
        %dma_start3A_884 = tpu.memref_slice %arg2[%dma_start3A_882, %dma_start3A_883] : memref<10112x128xf32, #tpu.memory_space<hbm>> -> memref<10112x128xf32, #tpu.memory_space<hbm>>
        tpu.enqueue_indirect_dma source(%dma_start3A_884 : memref<10112x128xf32, #tpu.memory_space<hbm>>) target(%dma_start3A_878 : memref<32x128xf32, #tpu.memory_space<vmem>>) offsets(%dma_start3A_881 : memref<32xi32, #tpu.memory_space<vmem>>) semaphore(%arg11 : memref<!tpu.dma_semaphore, #tpu.memory_space<semaphore_mem>>)
      } else {
      }
      %add3A_745 = arith.constant 1 : i32
      %add3A_746 = arith.addi %scan3A_533, %add3A_745 : i32
      %mul3A_747 = arith.constant 8 : i32
      %mul3A_748 = arith.muli %add3A_746, %mul3A_747 : i32
      %add3A_749 = arith.constant 2 : i32
      %add3A_750 = arith.addi %mul3A_748, %add3A_749 : i32
      %lt3A_751 = arith.constant 320 : i32
      %lt3A_752 = arith.cmpi slt, %add3A_750, %lt3A_751 : i32
      %convert_element_type3A_753 = arith.extui %lt3A_752 : i1 to i32
      %cond3A_754 = arith.constant 0 : i32
      %cond3A_755 = arith.cmpi ne, %convert_element_type3A_753, %cond3A_754 : i32
      scf.if %cond3A_755 {
        %dma_wait3A_811 = arith.constant 2 : i32
        %dma_wait3A_812 = arith.constant 2 : i32
        %dma_wait3A_813 = arith.constant 0 : i32
        %dma_wait3A_814 = arith.constant 0 : i32
        %dma_wait3A_815 = tpu.memref_slice %arg8[%dma_wait3A_811, %dma_wait3A_813, %dma_wait3A_814] : memref<8x32x128xf32, #tpu.memory_space<vmem>> -> memref<1x32x128xf32, #tpu.memory_space<vmem>>
        %dma_wait3A_816 = tpu.memref_squeeze %dma_wait3A_815 : memref<1x32x128xf32, #tpu.memory_space<vmem>> -> memref<32x128xf32, #tpu.memory_space<vmem>>
        %dma_wait3A_817 = arith.constant 0 : i32
        %dma_wait3A_818 = tpu.memref_slice %arg7[%dma_wait3A_812, %dma_wait3A_817] : memref<8x32xi32, #tpu.memory_space<vmem>> -> memref<1x32xi32, #tpu.memory_space<vmem>>
        %dma_wait3A_819 = tpu.memref_squeeze %dma_wait3A_818 : memref<1x32xi32, #tpu.memory_space<vmem>> -> memref<32xi32, #tpu.memory_space<vmem>>
        %dma_wait3A_820 = arith.constant 0 : i32
        %dma_wait3A_821 = arith.constant 0 : i32
        %dma_wait3A_822 = tpu.memref_slice %arg9[%dma_wait3A_820, %dma_wait3A_821] : memref<10112x128xf32, #tpu.memory_space<vmem_shared>> -> memref<10112x128xf32, #tpu.memory_space<vmem_shared>>
        tpu.wait_indirect_dma semaphore(%arg20 : memref<!tpu.dma_semaphore, #tpu.memory_space<semaphore_mem>>) src(%dma_wait3A_816 : memref<32x128xf32, #tpu.memory_space<vmem>>) dst(%dma_wait3A_822 : memref<10112x128xf32, #tpu.memory_space<vmem_shared>>)
        %mul3A_823 = arith.constant 32 : i32
        %mul3A_824 = arith.muli %add3A_750, %mul3A_823 : i32
        %add3A_825 = arith.constant 0 : i32
        %add3A_826 = arith.addi %mul3A_824, %add3A_825 : i32
        %get3A_827 = arith.index_cast %add3A_826 : i32 to index
        %get3A_828 = tpu.vector_load %arg5[%get3A_827] {strides = array<i32>} : memref<10240xi32, #tpu.memory_space<vmem>>, vector<16xi32>,
        %get3A_829 = vector.shape_cast %get3A_828 : vector<16xi32> to vector<16xi32>
        %and3A_830 = arith.constant 65535 : i32
        %and3A_831 = vector.broadcast %and3A_830 : i32 to vector<16xi32>
        %and3A_832 = arith.andi %get3A_829, %and3A_831 : vector<16xi32>
        %swap3A_833 = arith.constant 2 : i32
        %swap3A_834 = arith.index_cast %swap3A_833 : i32 to index
        %swap3A_835 = arith.constant 0 : index
        %swap3A_836 = tpu.vector_load %arg6[%swap3A_834, %swap3A_835] {strides = array<i32>} : memref<8x32xi32, #tpu.memory_space<vmem>>, vector<1x16xi32>,
        %swap3A_837 = vector.shape_cast %swap3A_836 : vector<1x16xi32> to vector<16xi32>
        %swap3A_838 = vector.shape_cast %and3A_832 : vector<16xi32> to vector<1x16xi32>
        tpu.vector_store %arg6[%swap3A_834, %swap3A_835], %swap3A_838 {strides = array<i32>} : memref<8x32xi32, #tpu.memory_space<vmem>>, vector<1x16xi32>,
        %shift_right_logical3A_839 = arith.constant 16 : i32
        %shift_right_logical3A_840 = vector.broadcast %shift_right_logical3A_839 : i32 to vector<16xi32>
        %shift_right_logical3A_841 = arith.shrui %get3A_829, %shift_right_logical3A_840 : vector<16xi32>
        %swap3A_842 = arith.constant 2 : i32
        %swap3A_843 = arith.index_cast %swap3A_842 : i32 to index
        %swap3A_844 = arith.constant 0 : index
        %swap3A_845 = tpu.vector_load %arg7[%swap3A_843, %swap3A_844] {strides = array<i32>} : memref<8x32xi32, #tpu.memory_space<vmem>>, vector<1x16xi32>,
        %swap3A_846 = vector.shape_cast %swap3A_845 : vector<1x16xi32> to vector<16xi32>
        %swap3A_847 = vector.shape_cast %shift_right_logical3A_841 : vector<16xi32> to vector<1x16xi32>
        tpu.vector_store %arg7[%swap3A_843, %swap3A_844], %swap3A_847 {strides = array<i32>} : memref<8x32xi32, #tpu.memory_space<vmem>>, vector<1x16xi32>,
        %mul3A_848 = arith.constant 32 : i32
        %mul3A_849 = arith.muli %add3A_750, %mul3A_848 : i32
        %add3A_850 = arith.constant 16 : i32
        %add3A_851 = arith.addi %mul3A_849, %add3A_850 : i32
        %get3A_852 = arith.index_cast %add3A_851 : i32 to index
        %get3A_853 = tpu.vector_load %arg5[%get3A_852] {strides = array<i32>} : memref<10240xi32, #tpu.memory_space<vmem>>, vector<16xi32>,
        %get3A_854 = vector.shape_cast %get3A_853 : vector<16xi32> to vector<16xi32>
        %and3A_855 = arith.constant 65535 : i32
        %and3A_856 = vector.broadcast %and3A_855 : i32 to vector<16xi32>
        %and3A_857 = arith.andi %get3A_854, %and3A_856 : vector<16xi32>
        %swap3A_858 = arith.constant 2 : i32
        %swap3A_859 = arith.index_cast %swap3A_858 : i32 to index
        %swap3A_860 = arith.constant 16 : index
        %swap3A_861 = tpu.vector_load %arg6[%swap3A_859, %swap3A_860] {strides = array<i32>} : memref<8x32xi32, #tpu.memory_space<vmem>>, vector<1x16xi32>,
        %swap3A_862 = vector.shape_cast %swap3A_861 : vector<1x16xi32> to vector<16xi32>
        %swap3A_863 = vector.shape_cast %and3A_857 : vector<16xi32> to vector<1x16xi32>
        tpu.vector_store %arg6[%swap3A_859, %swap3A_860], %swap3A_863 {strides = array<i32>} : memref<8x32xi32, #tpu.memory_space<vmem>>, vector<1x16xi32>,
        %shift_right_logical3A_864 = arith.constant 16 : i32
        %shift_right_logical3A_865 = vector.broadcast %shift_right_logical3A_864 : i32 to vector<16xi32>
        %shift_right_logical3A_866 = arith.shrui %get3A_854, %shift_right_logical3A_865 : vector<16xi32>
        %swap3A_867 = arith.constant 2 : i32
        %swap3A_868 = arith.index_cast %swap3A_867 : i32 to index
        %swap3A_869 = arith.constant 16 : index
        %swap3A_870 = tpu.vector_load %arg7[%swap3A_868, %swap3A_869] {strides = array<i32>} : memref<8x32xi32, #tpu.memory_space<vmem>>, vector<1x16xi32>,
        %swap3A_871 = vector.shape_cast %swap3A_870 : vector<1x16xi32> to vector<16xi32>
        %swap3A_872 = vector.shape_cast %shift_right_logical3A_866 : vector<16xi32> to vector<1x16xi32>
        tpu.vector_store %arg7[%swap3A_868, %swap3A_869], %swap3A_872 {strides = array<i32>} : memref<8x32xi32, #tpu.memory_space<vmem>>, vector<1x16xi32>,
        %dma_start3A_873 = arith.constant 2 : i32
        %dma_start3A_874 = arith.constant 2 : i32
        %dma_start3A_875 = arith.constant 0 : i32
        %dma_start3A_876 = arith.constant 0 : i32
        %dma_start3A_877 = tpu.memref_slice %arg8[%dma_start3A_874, %dma_start3A_875, %dma_start3A_876] : memref<8x32x128xf32, #tpu.memory_space<vmem>> -> memref<1x32x128xf32, #tpu.memory_space<vmem>>
        %dma_start3A_878 = tpu.memref_squeeze %dma_start3A_877 : memref<1x32x128xf32, #tpu.memory_space<vmem>> -> memref<32x128xf32, #tpu.memory_space<vmem>>
        %dma_start3A_879 = arith.constant 0 : i32
        %dma_start3A_880 = tpu.memref_slice %arg6[%dma_start3A_873, %dma_start3A_879] : memref<8x32xi32, #tpu.memory_space<vmem>> -> memref<1x32xi32, #tpu.memory_space<vmem>>
        %dma_start3A_881 = tpu.memref_squeeze %dma_start3A_880 : memref<1x32xi32, #tpu.memory_space<vmem>> -> memref<32xi32, #tpu.memory_space<vmem>>
        %dma_start3A_882 = arith.constant 0 : i32
        %dma_start3A_883 = arith.constant 0 : i32
        %dma_start3A_884 = tpu.memref_slice %arg2[%dma_start3A_882, %dma_start3A_883] : memref<10112x128xf32, #tpu.memory_space<hbm>> -> memref<10112x128xf32, #tpu.memory_space<hbm>>
        tpu.enqueue_indirect_dma source(%dma_start3A_884 : memref<10112x128xf32, #tpu.memory_space<hbm>>) target(%dma_start3A_878 : memref<32x128xf32, #tpu.memory_space<vmem>>) offsets(%dma_start3A_881 : memref<32xi32, #tpu.memory_space<vmem>>) semaphore(%arg12 : memref<!tpu.dma_semaphore, #tpu.memory_space<semaphore_mem>>)
      } else {
      }
      %add3A_756 = arith.constant 1 : i32
      %add3A_757 = arith.addi %scan3A_533, %add3A_756 : i32
      %mul3A_758 = arith.constant 8 : i32
      %mul3A_759 = arith.muli %add3A_757, %mul3A_758 : i32
      %add3A_760 = arith.constant 3 : i32
      %add3A_761 = arith.addi %mul3A_759, %add3A_760 : i32
      %lt3A_762 = arith.constant 320 : i32
      %lt3A_763 = arith.cmpi slt, %add3A_761, %lt3A_762 : i32
      %convert_element_type3A_764 = arith.extui %lt3A_763 : i1 to i32
      %cond3A_765 = arith.constant 0 : i32
      %cond3A_766 = arith.cmpi ne, %convert_element_type3A_764, %cond3A_765 : i32
      scf.if %cond3A_766 {
        %dma_wait3A_811 = arith.constant 3 : i32
        %dma_wait3A_812 = arith.constant 3 : i32
        %dma_wait3A_813 = arith.constant 0 : i32
        %dma_wait3A_814 = arith.constant 0 : i32
        %dma_wait3A_815 = tpu.memref_slice %arg8[%dma_wait3A_811, %dma_wait3A_813, %dma_wait3A_814] : memref<8x32x128xf32, #tpu.memory_space<vmem>> -> memref<1x32x128xf32, #tpu.memory_space<vmem>>
        %dma_wait3A_816 = tpu.memref_squeeze %dma_wait3A_815 : memref<1x32x128xf32, #tpu.memory_space<vmem>> -> memref<32x128xf32, #tpu.memory_space<vmem>>
        %dma_wait3A_817 = arith.constant 0 : i32
        %dma_wait3A_818 = tpu.memref_slice %arg7[%dma_wait3A_812, %dma_wait3A_817] : memref<8x32xi32, #tpu.memory_space<vmem>> -> memref<1x32xi32, #tpu.memory_space<vmem>>
        %dma_wait3A_819 = tpu.memref_squeeze %dma_wait3A_818 : memref<1x32xi32, #tpu.memory_space<vmem>> -> memref<32xi32, #tpu.memory_space<vmem>>
        %dma_wait3A_820 = arith.constant 0 : i32
        %dma_wait3A_821 = arith.constant 0 : i32
        %dma_wait3A_822 = tpu.memref_slice %arg9[%dma_wait3A_820, %dma_wait3A_821] : memref<10112x128xf32, #tpu.memory_space<vmem_shared>> -> memref<10112x128xf32, #tpu.memory_space<vmem_shared>>
        tpu.wait_indirect_dma semaphore(%arg21 : memref<!tpu.dma_semaphore, #tpu.memory_space<semaphore_mem>>) src(%dma_wait3A_816 : memref<32x128xf32, #tpu.memory_space<vmem>>) dst(%dma_wait3A_822 : memref<10112x128xf32, #tpu.memory_space<vmem_shared>>)
        %mul3A_823 = arith.constant 32 : i32
        %mul3A_824 = arith.muli %add3A_761, %mul3A_823 : i32
        %add3A_825 = arith.constant 0 : i32
        %add3A_826 = arith.addi %mul3A_824, %add3A_825 : i32
        %get3A_827 = arith.index_cast %add3A_826 : i32 to index
        %get3A_828 = tpu.vector_load %arg5[%get3A_827] {strides = array<i32>} : memref<10240xi32, #tpu.memory_space<vmem>>, vector<16xi32>,
        %get3A_829 = vector.shape_cast %get3A_828 : vector<16xi32> to vector<16xi32>
        %and3A_830 = arith.constant 65535 : i32
        %and3A_831 = vector.broadcast %and3A_830 : i32 to vector<16xi32>
        %and3A_832 = arith.andi %get3A_829, %and3A_831 : vector<16xi32>
        %swap3A_833 = arith.constant 3 : i32
        %swap3A_834 = arith.index_cast %swap3A_833 : i32 to index
        %swap3A_835 = arith.constant 0 : index
        %swap3A_836 = tpu.vector_load %arg6[%swap3A_834, %swap3A_835] {strides = array<i32>} : memref<8x32xi32, #tpu.memory_space<vmem>>, vector<1x16xi32>,
        %swap3A_837 = vector.shape_cast %swap3A_836 : vector<1x16xi32> to vector<16xi32>
        %swap3A_838 = vector.shape_cast %and3A_832 : vector<16xi32> to vector<1x16xi32>
        tpu.vector_store %arg6[%swap3A_834, %swap3A_835], %swap3A_838 {strides = array<i32>} : memref<8x32xi32, #tpu.memory_space<vmem>>, vector<1x16xi32>,
        %shift_right_logical3A_839 = arith.constant 16 : i32
        %shift_right_logical3A_840 = vector.broadcast %shift_right_logical3A_839 : i32 to vector<16xi32>
        %shift_right_logical3A_841 = arith.shrui %get3A_829, %shift_right_logical3A_840 : vector<16xi32>
        %swap3A_842 = arith.constant 3 : i32
        %swap3A_843 = arith.index_cast %swap3A_842 : i32 to index
        %swap3A_844 = arith.constant 0 : index
        %swap3A_845 = tpu.vector_load %arg7[%swap3A_843, %swap3A_844] {strides = array<i32>} : memref<8x32xi32, #tpu.memory_space<vmem>>, vector<1x16xi32>,
        %swap3A_846 = vector.shape_cast %swap3A_845 : vector<1x16xi32> to vector<16xi32>
        %swap3A_847 = vector.shape_cast %shift_right_logical3A_841 : vector<16xi32> to vector<1x16xi32>
        tpu.vector_store %arg7[%swap3A_843, %swap3A_844], %swap3A_847 {strides = array<i32>} : memref<8x32xi32, #tpu.memory_space<vmem>>, vector<1x16xi32>,
        %mul3A_848 = arith.constant 32 : i32
        %mul3A_849 = arith.muli %add3A_761, %mul3A_848 : i32
        %add3A_850 = arith.constant 16 : i32
        %add3A_851 = arith.addi %mul3A_849, %add3A_850 : i32
        %get3A_852 = arith.index_cast %add3A_851 : i32 to index
        %get3A_853 = tpu.vector_load %arg5[%get3A_852] {strides = array<i32>} : memref<10240xi32, #tpu.memory_space<vmem>>, vector<16xi32>,
        %get3A_854 = vector.shape_cast %get3A_853 : vector<16xi32> to vector<16xi32>
        %and3A_855 = arith.constant 65535 : i32
        %and3A_856 = vector.broadcast %and3A_855 : i32 to vector<16xi32>
        %and3A_857 = arith.andi %get3A_854, %and3A_856 : vector<16xi32>
        %swap3A_858 = arith.constant 3 : i32
        %swap3A_859 = arith.index_cast %swap3A_858 : i32 to index
        %swap3A_860 = arith.constant 16 : index
        %swap3A_861 = tpu.vector_load %arg6[%swap3A_859, %swap3A_860] {strides = array<i32>} : memref<8x32xi32, #tpu.memory_space<vmem>>, vector<1x16xi32>,
        %swap3A_862 = vector.shape_cast %swap3A_861 : vector<1x16xi32> to vector<16xi32>
        %swap3A_863 = vector.shape_cast %and3A_857 : vector<16xi32> to vector<1x16xi32>
        tpu.vector_store %arg6[%swap3A_859, %swap3A_860], %swap3A_863 {strides = array<i32>} : memref<8x32xi32, #tpu.memory_space<vmem>>, vector<1x16xi32>,
        %shift_right_logical3A_864 = arith.constant 16 : i32
        %shift_right_logical3A_865 = vector.broadcast %shift_right_logical3A_864 : i32 to vector<16xi32>
        %shift_right_logical3A_866 = arith.shrui %get3A_854, %shift_right_logical3A_865 : vector<16xi32>
        %swap3A_867 = arith.constant 3 : i32
        %swap3A_868 = arith.index_cast %swap3A_867 : i32 to index
        %swap3A_869 = arith.constant 16 : index
        %swap3A_870 = tpu.vector_load %arg7[%swap3A_868, %swap3A_869] {strides = array<i32>} : memref<8x32xi32, #tpu.memory_space<vmem>>, vector<1x16xi32>,
        %swap3A_871 = vector.shape_cast %swap3A_870 : vector<1x16xi32> to vector<16xi32>
        %swap3A_872 = vector.shape_cast %shift_right_logical3A_866 : vector<16xi32> to vector<1x16xi32>
        tpu.vector_store %arg7[%swap3A_868, %swap3A_869], %swap3A_872 {strides = array<i32>} : memref<8x32xi32, #tpu.memory_space<vmem>>, vector<1x16xi32>,
        %dma_start3A_873 = arith.constant 3 : i32
        %dma_start3A_874 = arith.constant 3 : i32
        %dma_start3A_875 = arith.constant 0 : i32
        %dma_start3A_876 = arith.constant 0 : i32
        %dma_start3A_877 = tpu.memref_slice %arg8[%dma_start3A_874, %dma_start3A_875, %dma_start3A_876] : memref<8x32x128xf32, #tpu.memory_space<vmem>> -> memref<1x32x128xf32, #tpu.memory_space<vmem>>
        %dma_start3A_878 = tpu.memref_squeeze %dma_start3A_877 : memref<1x32x128xf32, #tpu.memory_space<vmem>> -> memref<32x128xf32, #tpu.memory_space<vmem>>
        %dma_start3A_879 = arith.constant 0 : i32
        %dma_start3A_880 = tpu.memref_slice %arg6[%dma_start3A_873, %dma_start3A_879] : memref<8x32xi32, #tpu.memory_space<vmem>> -> memref<1x32xi32, #tpu.memory_space<vmem>>
        %dma_start3A_881 = tpu.memref_squeeze %dma_start3A_880 : memref<1x32xi32, #tpu.memory_space<vmem>> -> memref<32xi32, #tpu.memory_space<vmem>>
        %dma_start3A_882 = arith.constant 0 : i32
        %dma_start3A_883 = arith.constant 0 : i32
        %dma_start3A_884 = tpu.memref_slice %arg2[%dma_start3A_882, %dma_start3A_883] : memref<10112x128xf32, #tpu.memory_space<hbm>> -> memref<10112x128xf32, #tpu.memory_space<hbm>>
        tpu.enqueue_indirect_dma source(%dma_start3A_884 : memref<10112x128xf32, #tpu.memory_space<hbm>>) target(%dma_start3A_878 : memref<32x128xf32, #tpu.memory_space<vmem>>) offsets(%dma_start3A_881 : memref<32xi32, #tpu.memory_space<vmem>>) semaphore(%arg13 : memref<!tpu.dma_semaphore, #tpu.memory_space<semaphore_mem>>)
      } else {
      }
      %add3A_767 = arith.constant 1 : i32
      %add3A_768 = arith.addi %scan3A_533, %add3A_767 : i32
      %mul3A_769 = arith.constant 8 : i32
      %mul3A_770 = arith.muli %add3A_768, %mul3A_769 : i32
      %add3A_771 = arith.constant 4 : i32
      %add3A_772 = arith.addi %mul3A_770, %add3A_771 : i32
      %lt3A_773 = arith.constant 320 : i32
      %lt3A_774 = arith.cmpi slt, %add3A_772, %lt3A_773 : i32
      %convert_element_type3A_775 = arith.extui %lt3A_774 : i1 to i32
      %cond3A_776 = arith.constant 0 : i32
      %cond3A_777 = arith.cmpi ne, %convert_element_type3A_775, %cond3A_776 : i32
      scf.if %cond3A_777 {
        %dma_wait3A_811 = arith.constant 4 : i32
        %dma_wait3A_812 = arith.constant 4 : i32
        %dma_wait3A_813 = arith.constant 0 : i32
        %dma_wait3A_814 = arith.constant 0 : i32
        %dma_wait3A_815 = tpu.memref_slice %arg8[%dma_wait3A_811, %dma_wait3A_813, %dma_wait3A_814] : memref<8x32x128xf32, #tpu.memory_space<vmem>> -> memref<1x32x128xf32, #tpu.memory_space<vmem>>
        %dma_wait3A_816 = tpu.memref_squeeze %dma_wait3A_815 : memref<1x32x128xf32, #tpu.memory_space<vmem>> -> memref<32x128xf32, #tpu.memory_space<vmem>>
        %dma_wait3A_817 = arith.constant 0 : i32
        %dma_wait3A_818 = tpu.memref_slice %arg7[%dma_wait3A_812, %dma_wait3A_817] : memref<8x32xi32, #tpu.memory_space<vmem>> -> memref<1x32xi32, #tpu.memory_space<vmem>>
        %dma_wait3A_819 = tpu.memref_squeeze %dma_wait3A_818 : memref<1x32xi32, #tpu.memory_space<vmem>> -> memref<32xi32, #tpu.memory_space<vmem>>
        %dma_wait3A_820 = arith.constant 0 : i32
        %dma_wait3A_821 = arith.constant 0 : i32
        %dma_wait3A_822 = tpu.memref_slice %arg9[%dma_wait3A_820, %dma_wait3A_821] : memref<10112x128xf32, #tpu.memory_space<vmem_shared>> -> memref<10112x128xf32, #tpu.memory_space<vmem_shared>>
        tpu.wait_indirect_dma semaphore(%arg22 : memref<!tpu.dma_semaphore, #tpu.memory_space<semaphore_mem>>) src(%dma_wait3A_816 : memref<32x128xf32, #tpu.memory_space<vmem>>) dst(%dma_wait3A_822 : memref<10112x128xf32, #tpu.memory_space<vmem_shared>>)
        %mul3A_823 = arith.constant 32 : i32
        %mul3A_824 = arith.muli %add3A_772, %mul3A_823 : i32
        %add3A_825 = arith.constant 0 : i32
        %add3A_826 = arith.addi %mul3A_824, %add3A_825 : i32
        %get3A_827 = arith.index_cast %add3A_826 : i32 to index
        %get3A_828 = tpu.vector_load %arg5[%get3A_827] {strides = array<i32>} : memref<10240xi32, #tpu.memory_space<vmem>>, vector<16xi32>,
        %get3A_829 = vector.shape_cast %get3A_828 : vector<16xi32> to vector<16xi32>
        %and3A_830 = arith.constant 65535 : i32
        %and3A_831 = vector.broadcast %and3A_830 : i32 to vector<16xi32>
        %and3A_832 = arith.andi %get3A_829, %and3A_831 : vector<16xi32>
        %swap3A_833 = arith.constant 4 : i32
        %swap3A_834 = arith.index_cast %swap3A_833 : i32 to index
        %swap3A_835 = arith.constant 0 : index
        %swap3A_836 = tpu.vector_load %arg6[%swap3A_834, %swap3A_835] {strides = array<i32>} : memref<8x32xi32, #tpu.memory_space<vmem>>, vector<1x16xi32>,
        %swap3A_837 = vector.shape_cast %swap3A_836 : vector<1x16xi32> to vector<16xi32>
        %swap3A_838 = vector.shape_cast %and3A_832 : vector<16xi32> to vector<1x16xi32>
        tpu.vector_store %arg6[%swap3A_834, %swap3A_835], %swap3A_838 {strides = array<i32>} : memref<8x32xi32, #tpu.memory_space<vmem>>, vector<1x16xi32>,
        %shift_right_logical3A_839 = arith.constant 16 : i32
        %shift_right_logical3A_840 = vector.broadcast %shift_right_logical3A_839 : i32 to vector<16xi32>
        %shift_right_logical3A_841 = arith.shrui %get3A_829, %shift_right_logical3A_840 : vector<16xi32>
        %swap3A_842 = arith.constant 4 : i32
        %swap3A_843 = arith.index_cast %swap3A_842 : i32 to index
        %swap3A_844 = arith.constant 0 : index
        %swap3A_845 = tpu.vector_load %arg7[%swap3A_843, %swap3A_844] {strides = array<i32>} : memref<8x32xi32, #tpu.memory_space<vmem>>, vector<1x16xi32>,
        %swap3A_846 = vector.shape_cast %swap3A_845 : vector<1x16xi32> to vector<16xi32>
        %swap3A_847 = vector.shape_cast %shift_right_logical3A_841 : vector<16xi32> to vector<1x16xi32>
        tpu.vector_store %arg7[%swap3A_843, %swap3A_844], %swap3A_847 {strides = array<i32>} : memref<8x32xi32, #tpu.memory_space<vmem>>, vector<1x16xi32>,
        %mul3A_848 = arith.constant 32 : i32
        %mul3A_849 = arith.muli %add3A_772, %mul3A_848 : i32
        %add3A_850 = arith.constant 16 : i32
        %add3A_851 = arith.addi %mul3A_849, %add3A_850 : i32
        %get3A_852 = arith.index_cast %add3A_851 : i32 to index
        %get3A_853 = tpu.vector_load %arg5[%get3A_852] {strides = array<i32>} : memref<10240xi32, #tpu.memory_space<vmem>>, vector<16xi32>,
        %get3A_854 = vector.shape_cast %get3A_853 : vector<16xi32> to vector<16xi32>
        %and3A_855 = arith.constant 65535 : i32
        %and3A_856 = vector.broadcast %and3A_855 : i32 to vector<16xi32>
        %and3A_857 = arith.andi %get3A_854, %and3A_856 : vector<16xi32>
        %swap3A_858 = arith.constant 4 : i32
        %swap3A_859 = arith.index_cast %swap3A_858 : i32 to index
        %swap3A_860 = arith.constant 16 : index
        %swap3A_861 = tpu.vector_load %arg6[%swap3A_859, %swap3A_860] {strides = array<i32>} : memref<8x32xi32, #tpu.memory_space<vmem>>, vector<1x16xi32>,
        %swap3A_862 = vector.shape_cast %swap3A_861 : vector<1x16xi32> to vector<16xi32>
        %swap3A_863 = vector.shape_cast %and3A_857 : vector<16xi32> to vector<1x16xi32>
        tpu.vector_store %arg6[%swap3A_859, %swap3A_860], %swap3A_863 {strides = array<i32>} : memref<8x32xi32, #tpu.memory_space<vmem>>, vector<1x16xi32>,
        %shift_right_logical3A_864 = arith.constant 16 : i32
        %shift_right_logical3A_865 = vector.broadcast %shift_right_logical3A_864 : i32 to vector<16xi32>
        %shift_right_logical3A_866 = arith.shrui %get3A_854, %shift_right_logical3A_865 : vector<16xi32>
        %swap3A_867 = arith.constant 4 : i32
        %swap3A_868 = arith.index_cast %swap3A_867 : i32 to index
        %swap3A_869 = arith.constant 16 : index
        %swap3A_870 = tpu.vector_load %arg7[%swap3A_868, %swap3A_869] {strides = array<i32>} : memref<8x32xi32, #tpu.memory_space<vmem>>, vector<1x16xi32>,
        %swap3A_871 = vector.shape_cast %swap3A_870 : vector<1x16xi32> to vector<16xi32>
        %swap3A_872 = vector.shape_cast %shift_right_logical3A_866 : vector<16xi32> to vector<1x16xi32>
        tpu.vector_store %arg7[%swap3A_868, %swap3A_869], %swap3A_872 {strides = array<i32>} : memref<8x32xi32, #tpu.memory_space<vmem>>, vector<1x16xi32>,
        %dma_start3A_873 = arith.constant 4 : i32
        %dma_start3A_874 = arith.constant 4 : i32
        %dma_start3A_875 = arith.constant 0 : i32
        %dma_start3A_876 = arith.constant 0 : i32
        %dma_start3A_877 = tpu.memref_slice %arg8[%dma_start3A_874, %dma_start3A_875, %dma_start3A_876] : memref<8x32x128xf32, #tpu.memory_space<vmem>> -> memref<1x32x128xf32, #tpu.memory_space<vmem>>
        %dma_start3A_878 = tpu.memref_squeeze %dma_start3A_877 : memref<1x32x128xf32, #tpu.memory_space<vmem>> -> memref<32x128xf32, #tpu.memory_space<vmem>>
        %dma_start3A_879 = arith.constant 0 : i32
        %dma_start3A_880 = tpu.memref_slice %arg6[%dma_start3A_873, %dma_start3A_879] : memref<8x32xi32, #tpu.memory_space<vmem>> -> memref<1x32xi32, #tpu.memory_space<vmem>>
        %dma_start3A_881 = tpu.memref_squeeze %dma_start3A_880 : memref<1x32xi32, #tpu.memory_space<vmem>> -> memref<32xi32, #tpu.memory_space<vmem>>
        %dma_start3A_882 = arith.constant 0 : i32
        %dma_start3A_883 = arith.constant 0 : i32
        %dma_start3A_884 = tpu.memref_slice %arg2[%dma_start3A_882, %dma_start3A_883] : memref<10112x128xf32, #tpu.memory_space<hbm>> -> memref<10112x128xf32, #tpu.memory_space<hbm>>
        tpu.enqueue_indirect_dma source(%dma_start3A_884 : memref<10112x128xf32, #tpu.memory_space<hbm>>) target(%dma_start3A_878 : memref<32x128xf32, #tpu.memory_space<vmem>>) offsets(%dma_start3A_881 : memref<32xi32, #tpu.memory_space<vmem>>) semaphore(%arg14 : memref<!tpu.dma_semaphore, #tpu.memory_space<semaphore_mem>>)
      } else {
      }
      %add3A_778 = arith.constant 1 : i32
      %add3A_779 = arith.addi %scan3A_533, %add3A_778 : i32
      %mul3A_780 = arith.constant 8 : i32
      %mul3A_781 = arith.muli %add3A_779, %mul3A_780 : i32
      %add3A_782 = arith.constant 5 : i32
      %add3A_783 = arith.addi %mul3A_781, %add3A_782 : i32
      %lt3A_784 = arith.constant 320 : i32
      %lt3A_785 = arith.cmpi slt, %add3A_783, %lt3A_784 : i32
      %convert_element_type3A_786 = arith.extui %lt3A_785 : i1 to i32
      %cond3A_787 = arith.constant 0 : i32
      %cond3A_788 = arith.cmpi ne, %convert_element_type3A_786, %cond3A_787 : i32
      scf.if %cond3A_788 {
        %dma_wait3A_811 = arith.constant 5 : i32
        %dma_wait3A_812 = arith.constant 5 : i32
        %dma_wait3A_813 = arith.constant 0 : i32
        %dma_wait3A_814 = arith.constant 0 : i32
        %dma_wait3A_815 = tpu.memref_slice %arg8[%dma_wait3A_811, %dma_wait3A_813, %dma_wait3A_814] : memref<8x32x128xf32, #tpu.memory_space<vmem>> -> memref<1x32x128xf32, #tpu.memory_space<vmem>>
        %dma_wait3A_816 = tpu.memref_squeeze %dma_wait3A_815 : memref<1x32x128xf32, #tpu.memory_space<vmem>> -> memref<32x128xf32, #tpu.memory_space<vmem>>
        %dma_wait3A_817 = arith.constant 0 : i32
        %dma_wait3A_818 = tpu.memref_slice %arg7[%dma_wait3A_812, %dma_wait3A_817] : memref<8x32xi32, #tpu.memory_space<vmem>> -> memref<1x32xi32, #tpu.memory_space<vmem>>
        %dma_wait3A_819 = tpu.memref_squeeze %dma_wait3A_818 : memref<1x32xi32, #tpu.memory_space<vmem>> -> memref<32xi32, #tpu.memory_space<vmem>>
        %dma_wait3A_820 = arith.constant 0 : i32
        %dma_wait3A_821 = arith.constant 0 : i32
        %dma_wait3A_822 = tpu.memref_slice %arg9[%dma_wait3A_820, %dma_wait3A_821] : memref<10112x128xf32, #tpu.memory_space<vmem_shared>> -> memref<10112x128xf32, #tpu.memory_space<vmem_shared>>
        tpu.wait_indirect_dma semaphore(%arg23 : memref<!tpu.dma_semaphore, #tpu.memory_space<semaphore_mem>>) src(%dma_wait3A_816 : memref<32x128xf32, #tpu.memory_space<vmem>>) dst(%dma_wait3A_822 : memref<10112x128xf32, #tpu.memory_space<vmem_shared>>)
        %mul3A_823 = arith.constant 32 : i32
        %mul3A_824 = arith.muli %add3A_783, %mul3A_823 : i32
        %add3A_825 = arith.constant 0 : i32
        %add3A_826 = arith.addi %mul3A_824, %add3A_825 : i32
        %get3A_827 = arith.index_cast %add3A_826 : i32 to index
        %get3A_828 = tpu.vector_load %arg5[%get3A_827] {strides = array<i32>} : memref<10240xi32, #tpu.memory_space<vmem>>, vector<16xi32>,
        %get3A_829 = vector.shape_cast %get3A_828 : vector<16xi32> to vector<16xi32>
        %and3A_830 = arith.constant 65535 : i32
        %and3A_831 = vector.broadcast %and3A_830 : i32 to vector<16xi32>
        %and3A_832 = arith.andi %get3A_829, %and3A_831 : vector<16xi32>
        %swap3A_833 = arith.constant 5 : i32
        %swap3A_834 = arith.index_cast %swap3A_833 : i32 to index
        %swap3A_835 = arith.constant 0 : index
        %swap3A_836 = tpu.vector_load %arg6[%swap3A_834, %swap3A_835] {strides = array<i32>} : memref<8x32xi32, #tpu.memory_space<vmem>>, vector<1x16xi32>,
        %swap3A_837 = vector.shape_cast %swap3A_836 : vector<1x16xi32> to vector<16xi32>
        %swap3A_838 = vector.shape_cast %and3A_832 : vector<16xi32> to vector<1x16xi32>
        tpu.vector_store %arg6[%swap3A_834, %swap3A_835], %swap3A_838 {strides = array<i32>} : memref<8x32xi32, #tpu.memory_space<vmem>>, vector<1x16xi32>,
        %shift_right_logical3A_839 = arith.constant 16 : i32
        %shift_right_logical3A_840 = vector.broadcast %shift_right_logical3A_839 : i32 to vector<16xi32>
        %shift_right_logical3A_841 = arith.shrui %get3A_829, %shift_right_logical3A_840 : vector<16xi32>
        %swap3A_842 = arith.constant 5 : i32
        %swap3A_843 = arith.index_cast %swap3A_842 : i32 to index
        %swap3A_844 = arith.constant 0 : index
        %swap3A_845 = tpu.vector_load %arg7[%swap3A_843, %swap3A_844] {strides = array<i32>} : memref<8x32xi32, #tpu.memory_space<vmem>>, vector<1x16xi32>,
        %swap3A_846 = vector.shape_cast %swap3A_845 : vector<1x16xi32> to vector<16xi32>
        %swap3A_847 = vector.shape_cast %shift_right_logical3A_841 : vector<16xi32> to vector<1x16xi32>
        tpu.vector_store %arg7[%swap3A_843, %swap3A_844], %swap3A_847 {strides = array<i32>} : memref<8x32xi32, #tpu.memory_space<vmem>>, vector<1x16xi32>,
        %mul3A_848 = arith.constant 32 : i32
        %mul3A_849 = arith.muli %add3A_783, %mul3A_848 : i32
        %add3A_850 = arith.constant 16 : i32
        %add3A_851 = arith.addi %mul3A_849, %add3A_850 : i32
        %get3A_852 = arith.index_cast %add3A_851 : i32 to index
        %get3A_853 = tpu.vector_load %arg5[%get3A_852] {strides = array<i32>} : memref<10240xi32, #tpu.memory_space<vmem>>, vector<16xi32>,
        %get3A_854 = vector.shape_cast %get3A_853 : vector<16xi32> to vector<16xi32>
        %and3A_855 = arith.constant 65535 : i32
        %and3A_856 = vector.broadcast %and3A_855 : i32 to vector<16xi32>
        %and3A_857 = arith.andi %get3A_854, %and3A_856 : vector<16xi32>
        %swap3A_858 = arith.constant 5 : i32
        %swap3A_859 = arith.index_cast %swap3A_858 : i32 to index
        %swap3A_860 = arith.constant 16 : index
        %swap3A_861 = tpu.vector_load %arg6[%swap3A_859, %swap3A_860] {strides = array<i32>} : memref<8x32xi32, #tpu.memory_space<vmem>>, vector<1x16xi32>,
        %swap3A_862 = vector.shape_cast %swap3A_861 : vector<1x16xi32> to vector<16xi32>
        %swap3A_863 = vector.shape_cast %and3A_857 : vector<16xi32> to vector<1x16xi32>
        tpu.vector_store %arg6[%swap3A_859, %swap3A_860], %swap3A_863 {strides = array<i32>} : memref<8x32xi32, #tpu.memory_space<vmem>>, vector<1x16xi32>,
        %shift_right_logical3A_864 = arith.constant 16 : i32
        %shift_right_logical3A_865 = vector.broadcast %shift_right_logical3A_864 : i32 to vector<16xi32>
        %shift_right_logical3A_866 = arith.shrui %get3A_854, %shift_right_logical3A_865 : vector<16xi32>
        %swap3A_867 = arith.constant 5 : i32
        %swap3A_868 = arith.index_cast %swap3A_867 : i32 to index
        %swap3A_869 = arith.constant 16 : index
        %swap3A_870 = tpu.vector_load %arg7[%swap3A_868, %swap3A_869] {strides = array<i32>} : memref<8x32xi32, #tpu.memory_space<vmem>>, vector<1x16xi32>,
        %swap3A_871 = vector.shape_cast %swap3A_870 : vector<1x16xi32> to vector<16xi32>
        %swap3A_872 = vector.shape_cast %shift_right_logical3A_866 : vector<16xi32> to vector<1x16xi32>
        tpu.vector_store %arg7[%swap3A_868, %swap3A_869], %swap3A_872 {strides = array<i32>} : memref<8x32xi32, #tpu.memory_space<vmem>>, vector<1x16xi32>,
        %dma_start3A_873 = arith.constant 5 : i32
        %dma_start3A_874 = arith.constant 5 : i32
        %dma_start3A_875 = arith.constant 0 : i32
        %dma_start3A_876 = arith.constant 0 : i32
        %dma_start3A_877 = tpu.memref_slice %arg8[%dma_start3A_874, %dma_start3A_875, %dma_start3A_876] : memref<8x32x128xf32, #tpu.memory_space<vmem>> -> memref<1x32x128xf32, #tpu.memory_space<vmem>>
        %dma_start3A_878 = tpu.memref_squeeze %dma_start3A_877 : memref<1x32x128xf32, #tpu.memory_space<vmem>> -> memref<32x128xf32, #tpu.memory_space<vmem>>
        %dma_start3A_879 = arith.constant 0 : i32
        %dma_start3A_880 = tpu.memref_slice %arg6[%dma_start3A_873, %dma_start3A_879] : memref<8x32xi32, #tpu.memory_space<vmem>> -> memref<1x32xi32, #tpu.memory_space<vmem>>
        %dma_start3A_881 = tpu.memref_squeeze %dma_start3A_880 : memref<1x32xi32, #tpu.memory_space<vmem>> -> memref<32xi32, #tpu.memory_space<vmem>>
        %dma_start3A_882 = arith.constant 0 : i32
        %dma_start3A_883 = arith.constant 0 : i32
        %dma_start3A_884 = tpu.memref_slice %arg2[%dma_start3A_882, %dma_start3A_883] : memref<10112x128xf32, #tpu.memory_space<hbm>> -> memref<10112x128xf32, #tpu.memory_space<hbm>>
        tpu.enqueue_indirect_dma source(%dma_start3A_884 : memref<10112x128xf32, #tpu.memory_space<hbm>>) target(%dma_start3A_878 : memref<32x128xf32, #tpu.memory_space<vmem>>) offsets(%dma_start3A_881 : memref<32xi32, #tpu.memory_space<vmem>>) semaphore(%arg15 : memref<!tpu.dma_semaphore, #tpu.memory_space<semaphore_mem>>)
      } else {
      }
      %add3A_789 = arith.constant 1 : i32
      %add3A_790 = arith.addi %scan3A_533, %add3A_789 : i32
      %mul3A_791 = arith.constant 8 : i32
      %mul3A_792 = arith.muli %add3A_790, %mul3A_791 : i32
      %add3A_793 = arith.constant 6 : i32
      %add3A_794 = arith.addi %mul3A_792, %add3A_793 : i32
      %lt3A_795 = arith.constant 320 : i32
      %lt3A_796 = arith.cmpi slt, %add3A_794, %lt3A_795 : i32
      %convert_element_type3A_797 = arith.extui %lt3A_796 : i1 to i32
      %cond3A_798 = arith.constant 0 : i32
      %cond3A_799 = arith.cmpi ne, %convert_element_type3A_797, %cond3A_798 : i32
      scf.if %cond3A_799 {
        %dma_wait3A_811 = arith.constant 6 : i32
        %dma_wait3A_812 = arith.constant 6 : i32
        %dma_wait3A_813 = arith.constant 0 : i32
        %dma_wait3A_814 = arith.constant 0 : i32
        %dma_wait3A_815 = tpu.memref_slice %arg8[%dma_wait3A_811, %dma_wait3A_813, %dma_wait3A_814] : memref<8x32x128xf32, #tpu.memory_space<vmem>> -> memref<1x32x128xf32, #tpu.memory_space<vmem>>
        %dma_wait3A_816 = tpu.memref_squeeze %dma_wait3A_815 : memref<1x32x128xf32, #tpu.memory_space<vmem>> -> memref<32x128xf32, #tpu.memory_space<vmem>>
        %dma_wait3A_817 = arith.constant 0 : i32
        %dma_wait3A_818 = tpu.memref_slice %arg7[%dma_wait3A_812, %dma_wait3A_817] : memref<8x32xi32, #tpu.memory_space<vmem>> -> memref<1x32xi32, #tpu.memory_space<vmem>>
        %dma_wait3A_819 = tpu.memref_squeeze %dma_wait3A_818 : memref<1x32xi32, #tpu.memory_space<vmem>> -> memref<32xi32, #tpu.memory_space<vmem>>
        %dma_wait3A_820 = arith.constant 0 : i32
        %dma_wait3A_821 = arith.constant 0 : i32
        %dma_wait3A_822 = tpu.memref_slice %arg9[%dma_wait3A_820, %dma_wait3A_821] : memref<10112x128xf32, #tpu.memory_space<vmem_shared>> -> memref<10112x128xf32, #tpu.memory_space<vmem_shared>>
        tpu.wait_indirect_dma semaphore(%arg24 : memref<!tpu.dma_semaphore, #tpu.memory_space<semaphore_mem>>) src(%dma_wait3A_816 : memref<32x128xf32, #tpu.memory_space<vmem>>) dst(%dma_wait3A_822 : memref<10112x128xf32, #tpu.memory_space<vmem_shared>>)
        %mul3A_823 = arith.constant 32 : i32
        %mul3A_824 = arith.muli %add3A_794, %mul3A_823 : i32
        %add3A_825 = arith.constant 0 : i32
        %add3A_826 = arith.addi %mul3A_824, %add3A_825 : i32
        %get3A_827 = arith.index_cast %add3A_826 : i32 to index
        %get3A_828 = tpu.vector_load %arg5[%get3A_827] {strides = array<i32>} : memref<10240xi32, #tpu.memory_space<vmem>>, vector<16xi32>,
        %get3A_829 = vector.shape_cast %get3A_828 : vector<16xi32> to vector<16xi32>
        %and3A_830 = arith.constant 65535 : i32
        %and3A_831 = vector.broadcast %and3A_830 : i32 to vector<16xi32>
        %and3A_832 = arith.andi %get3A_829, %and3A_831 : vector<16xi32>
        %swap3A_833 = arith.constant 6 : i32
        %swap3A_834 = arith.index_cast %swap3A_833 : i32 to index
        %swap3A_835 = arith.constant 0 : index
        %swap3A_836 = tpu.vector_load %arg6[%swap3A_834, %swap3A_835] {strides = array<i32>} : memref<8x32xi32, #tpu.memory_space<vmem>>, vector<1x16xi32>,
        %swap3A_837 = vector.shape_cast %swap3A_836 : vector<1x16xi32> to vector<16xi32>
        %swap3A_838 = vector.shape_cast %and3A_832 : vector<16xi32> to vector<1x16xi32>
        tpu.vector_store %arg6[%swap3A_834, %swap3A_835], %swap3A_838 {strides = array<i32>} : memref<8x32xi32, #tpu.memory_space<vmem>>, vector<1x16xi32>,
        %shift_right_logical3A_839 = arith.constant 16 : i32
        %shift_right_logical3A_840 = vector.broadcast %shift_right_logical3A_839 : i32 to vector<16xi32>
        %shift_right_logical3A_841 = arith.shrui %get3A_829, %shift_right_logical3A_840 : vector<16xi32>
        %swap3A_842 = arith.constant 6 : i32
        %swap3A_843 = arith.index_cast %swap3A_842 : i32 to index
        %swap3A_844 = arith.constant 0 : index
        %swap3A_845 = tpu.vector_load %arg7[%swap3A_843, %swap3A_844] {strides = array<i32>} : memref<8x32xi32, #tpu.memory_space<vmem>>, vector<1x16xi32>,
        %swap3A_846 = vector.shape_cast %swap3A_845 : vector<1x16xi32> to vector<16xi32>
        %swap3A_847 = vector.shape_cast %shift_right_logical3A_841 : vector<16xi32> to vector<1x16xi32>
        tpu.vector_store %arg7[%swap3A_843, %swap3A_844], %swap3A_847 {strides = array<i32>} : memref<8x32xi32, #tpu.memory_space<vmem>>, vector<1x16xi32>,
        %mul3A_848 = arith.constant 32 : i32
        %mul3A_849 = arith.muli %add3A_794, %mul3A_848 : i32
        %add3A_850 = arith.constant 16 : i32
        %add3A_851 = arith.addi %mul3A_849, %add3A_850 : i32
        %get3A_852 = arith.index_cast %add3A_851 : i32 to index
        %get3A_853 = tpu.vector_load %arg5[%get3A_852] {strides = array<i32>} : memref<10240xi32, #tpu.memory_space<vmem>>, vector<16xi32>,
        %get3A_854 = vector.shape_cast %get3A_853 : vector<16xi32> to vector<16xi32>
        %and3A_855 = arith.constant 65535 : i32
        %and3A_856 = vector.broadcast %and3A_855 : i32 to vector<16xi32>
        %and3A_857 = arith.andi %get3A_854, %and3A_856 : vector<16xi32>
        %swap3A_858 = arith.constant 6 : i32
        %swap3A_859 = arith.index_cast %swap3A_858 : i32 to index
        %swap3A_860 = arith.constant 16 : index
        %swap3A_861 = tpu.vector_load %arg6[%swap3A_859, %swap3A_860] {strides = array<i32>} : memref<8x32xi32, #tpu.memory_space<vmem>>, vector<1x16xi32>,
        %swap3A_862 = vector.shape_cast %swap3A_861 : vector<1x16xi32> to vector<16xi32>
        %swap3A_863 = vector.shape_cast %and3A_857 : vector<16xi32> to vector<1x16xi32>
        tpu.vector_store %arg6[%swap3A_859, %swap3A_860], %swap3A_863 {strides = array<i32>} : memref<8x32xi32, #tpu.memory_space<vmem>>, vector<1x16xi32>,
        %shift_right_logical3A_864 = arith.constant 16 : i32
        %shift_right_logical3A_865 = vector.broadcast %shift_right_logical3A_864 : i32 to vector<16xi32>
        %shift_right_logical3A_866 = arith.shrui %get3A_854, %shift_right_logical3A_865 : vector<16xi32>
        %swap3A_867 = arith.constant 6 : i32
        %swap3A_868 = arith.index_cast %swap3A_867 : i32 to index
        %swap3A_869 = arith.constant 16 : index
        %swap3A_870 = tpu.vector_load %arg7[%swap3A_868, %swap3A_869] {strides = array<i32>} : memref<8x32xi32, #tpu.memory_space<vmem>>, vector<1x16xi32>,
        %swap3A_871 = vector.shape_cast %swap3A_870 : vector<1x16xi32> to vector<16xi32>
        %swap3A_872 = vector.shape_cast %shift_right_logical3A_866 : vector<16xi32> to vector<1x16xi32>
        tpu.vector_store %arg7[%swap3A_868, %swap3A_869], %swap3A_872 {strides = array<i32>} : memref<8x32xi32, #tpu.memory_space<vmem>>, vector<1x16xi32>,
        %dma_start3A_873 = arith.constant 6 : i32
        %dma_start3A_874 = arith.constant 6 : i32
        %dma_start3A_875 = arith.constant 0 : i32
        %dma_start3A_876 = arith.constant 0 : i32
        %dma_start3A_877 = tpu.memref_slice %arg8[%dma_start3A_874, %dma_start3A_875, %dma_start3A_876] : memref<8x32x128xf32, #tpu.memory_space<vmem>> -> memref<1x32x128xf32, #tpu.memory_space<vmem>>
        %dma_start3A_878 = tpu.memref_squeeze %dma_start3A_877 : memref<1x32x128xf32, #tpu.memory_space<vmem>> -> memref<32x128xf32, #tpu.memory_space<vmem>>
        %dma_start3A_879 = arith.constant 0 : i32
        %dma_start3A_880 = tpu.memref_slice %arg6[%dma_start3A_873, %dma_start3A_879] : memref<8x32xi32, #tpu.memory_space<vmem>> -> memref<1x32xi32, #tpu.memory_space<vmem>>
        %dma_start3A_881 = tpu.memref_squeeze %dma_start3A_880 : memref<1x32xi32, #tpu.memory_space<vmem>> -> memref<32xi32, #tpu.memory_space<vmem>>
        %dma_start3A_882 = arith.constant 0 : i32
        %dma_start3A_883 = arith.constant 0 : i32
        %dma_start3A_884 = tpu.memref_slice %arg2[%dma_start3A_882, %dma_start3A_883] : memref<10112x128xf32, #tpu.memory_space<hbm>> -> memref<10112x128xf32, #tpu.memory_space<hbm>>
        tpu.enqueue_indirect_dma source(%dma_start3A_884 : memref<10112x128xf32, #tpu.memory_space<hbm>>) target(%dma_start3A_878 : memref<32x128xf32, #tpu.memory_space<vmem>>) offsets(%dma_start3A_881 : memref<32xi32, #tpu.memory_space<vmem>>) semaphore(%arg16 : memref<!tpu.dma_semaphore, #tpu.memory_space<semaphore_mem>>)
      } else {
      }
      %add3A_800 = arith.constant 1 : i32
      %add3A_801 = arith.addi %scan3A_533, %add3A_800 : i32
      %mul3A_802 = arith.constant 8 : i32
      %mul3A_803 = arith.muli %add3A_801, %mul3A_802 : i32
      %add3A_804 = arith.constant 7 : i32
      %add3A_805 = arith.addi %mul3A_803, %add3A_804 : i32
      %lt3A_806 = arith.constant 320 : i32
      %lt3A_807 = arith.cmpi slt, %add3A_805, %lt3A_806 : i32
      %convert_element_type3A_808 = arith.extui %lt3A_807 : i1 to i32
      %cond3A_809 = arith.constant 0 : i32
      %cond3A_810 = arith.cmpi ne, %convert_element_type3A_808, %cond3A_809 : i32
      scf.if %cond3A_810 {
        %dma_wait3A_811 = arith.constant 7 : i32
        %dma_wait3A_812 = arith.constant 7 : i32
        %dma_wait3A_813 = arith.constant 0 : i32
        %dma_wait3A_814 = arith.constant 0 : i32
        %dma_wait3A_815 = tpu.memref_slice %arg8[%dma_wait3A_811, %dma_wait3A_813, %dma_wait3A_814] : memref<8x32x128xf32, #tpu.memory_space<vmem>> -> memref<1x32x128xf32, #tpu.memory_space<vmem>>
        %dma_wait3A_816 = tpu.memref_squeeze %dma_wait3A_815 : memref<1x32x128xf32, #tpu.memory_space<vmem>> -> memref<32x128xf32, #tpu.memory_space<vmem>>
        %dma_wait3A_817 = arith.constant 0 : i32
        %dma_wait3A_818 = tpu.memref_slice %arg7[%dma_wait3A_812, %dma_wait3A_817] : memref<8x32xi32, #tpu.memory_space<vmem>> -> memref<1x32xi32, #tpu.memory_space<vmem>>
        %dma_wait3A_819 = tpu.memref_squeeze %dma_wait3A_818 : memref<1x32xi32, #tpu.memory_space<vmem>> -> memref<32xi32, #tpu.memory_space<vmem>>
        %dma_wait3A_820 = arith.constant 0 : i32
        %dma_wait3A_821 = arith.constant 0 : i32
        %dma_wait3A_822 = tpu.memref_slice %arg9[%dma_wait3A_820, %dma_wait3A_821] : memref<10112x128xf32, #tpu.memory_space<vmem_shared>> -> memref<10112x128xf32, #tpu.memory_space<vmem_shared>>
        tpu.wait_indirect_dma semaphore(%arg25 : memref<!tpu.dma_semaphore, #tpu.memory_space<semaphore_mem>>) src(%dma_wait3A_816 : memref<32x128xf32, #tpu.memory_space<vmem>>) dst(%dma_wait3A_822 : memref<10112x128xf32, #tpu.memory_space<vmem_shared>>)
        %mul3A_823 = arith.constant 32 : i32
        %mul3A_824 = arith.muli %add3A_805, %mul3A_823 : i32
        %add3A_825 = arith.constant 0 : i32
        %add3A_826 = arith.addi %mul3A_824, %add3A_825 : i32
        %get3A_827 = arith.index_cast %add3A_826 : i32 to index
        %get3A_828 = tpu.vector_load %arg5[%get3A_827] {strides = array<i32>} : memref<10240xi32, #tpu.memory_space<vmem>>, vector<16xi32>,
        %get3A_829 = vector.shape_cast %get3A_828 : vector<16xi32> to vector<16xi32>
        %and3A_830 = arith.constant 65535 : i32
        %and3A_831 = vector.broadcast %and3A_830 : i32 to vector<16xi32>
        %and3A_832 = arith.andi %get3A_829, %and3A_831 : vector<16xi32>
        %swap3A_833 = arith.constant 7 : i32
        %swap3A_834 = arith.index_cast %swap3A_833 : i32 to index
        %swap3A_835 = arith.constant 0 : index
        %swap3A_836 = tpu.vector_load %arg6[%swap3A_834, %swap3A_835] {strides = array<i32>} : memref<8x32xi32, #tpu.memory_space<vmem>>, vector<1x16xi32>,
        %swap3A_837 = vector.shape_cast %swap3A_836 : vector<1x16xi32> to vector<16xi32>
        %swap3A_838 = vector.shape_cast %and3A_832 : vector<16xi32> to vector<1x16xi32>
        tpu.vector_store %arg6[%swap3A_834, %swap3A_835], %swap3A_838 {strides = array<i32>} : memref<8x32xi32, #tpu.memory_space<vmem>>, vector<1x16xi32>,
        %shift_right_logical3A_839 = arith.constant 16 : i32
        %shift_right_logical3A_840 = vector.broadcast %shift_right_logical3A_839 : i32 to vector<16xi32>
        %shift_right_logical3A_841 = arith.shrui %get3A_829, %shift_right_logical3A_840 : vector<16xi32>
        %swap3A_842 = arith.constant 7 : i32
        %swap3A_843 = arith.index_cast %swap3A_842 : i32 to index
        %swap3A_844 = arith.constant 0 : index
        %swap3A_845 = tpu.vector_load %arg7[%swap3A_843, %swap3A_844] {strides = array<i32>} : memref<8x32xi32, #tpu.memory_space<vmem>>, vector<1x16xi32>,
        %swap3A_846 = vector.shape_cast %swap3A_845 : vector<1x16xi32> to vector<16xi32>
        %swap3A_847 = vector.shape_cast %shift_right_logical3A_841 : vector<16xi32> to vector<1x16xi32>
        tpu.vector_store %arg7[%swap3A_843, %swap3A_844], %swap3A_847 {strides = array<i32>} : memref<8x32xi32, #tpu.memory_space<vmem>>, vector<1x16xi32>,
        %mul3A_848 = arith.constant 32 : i32
        %mul3A_849 = arith.muli %add3A_805, %mul3A_848 : i32
        %add3A_850 = arith.constant 16 : i32
        %add3A_851 = arith.addi %mul3A_849, %add3A_850 : i32
        %get3A_852 = arith.index_cast %add3A_851 : i32 to index
        %get3A_853 = tpu.vector_load %arg5[%get3A_852] {strides = array<i32>} : memref<10240xi32, #tpu.memory_space<vmem>>, vector<16xi32>,
        %get3A_854 = vector.shape_cast %get3A_853 : vector<16xi32> to vector<16xi32>
        %and3A_855 = arith.constant 65535 : i32
        %and3A_856 = vector.broadcast %and3A_855 : i32 to vector<16xi32>
        %and3A_857 = arith.andi %get3A_854, %and3A_856 : vector<16xi32>
        %swap3A_858 = arith.constant 7 : i32
        %swap3A_859 = arith.index_cast %swap3A_858 : i32 to index
        %swap3A_860 = arith.constant 16 : index
        %swap3A_861 = tpu.vector_load %arg6[%swap3A_859, %swap3A_860] {strides = array<i32>} : memref<8x32xi32, #tpu.memory_space<vmem>>, vector<1x16xi32>,
        %swap3A_862 = vector.shape_cast %swap3A_861 : vector<1x16xi32> to vector<16xi32>
        %swap3A_863 = vector.shape_cast %and3A_857 : vector<16xi32> to vector<1x16xi32>
        tpu.vector_store %arg6[%swap3A_859, %swap3A_860], %swap3A_863 {strides = array<i32>} : memref<8x32xi32, #tpu.memory_space<vmem>>, vector<1x16xi32>,
        %shift_right_logical3A_864 = arith.constant 16 : i32
        %shift_right_logical3A_865 = vector.broadcast %shift_right_logical3A_864 : i32 to vector<16xi32>
        %shift_right_logical3A_866 = arith.shrui %get3A_854, %shift_right_logical3A_865 : vector<16xi32>
        %swap3A_867 = arith.constant 7 : i32
        %swap3A_868 = arith.index_cast %swap3A_867 : i32 to index
        %swap3A_869 = arith.constant 16 : index
        %swap3A_870 = tpu.vector_load %arg7[%swap3A_868, %swap3A_869] {strides = array<i32>} : memref<8x32xi32, #tpu.memory_space<vmem>>, vector<1x16xi32>,
        %swap3A_871 = vector.shape_cast %swap3A_870 : vector<1x16xi32> to vector<16xi32>
        %swap3A_872 = vector.shape_cast %shift_right_logical3A_866 : vector<16xi32> to vector<1x16xi32>
        tpu.vector_store %arg7[%swap3A_868, %swap3A_869], %swap3A_872 {strides = array<i32>} : memref<8x32xi32, #tpu.memory_space<vmem>>, vector<1x16xi32>,
        %dma_start3A_873 = arith.constant 7 : i32
        %dma_start3A_874 = arith.constant 7 : i32
        %dma_start3A_875 = arith.constant 0 : i32
        %dma_start3A_876 = arith.constant 0 : i32
        %dma_start3A_877 = tpu.memref_slice %arg8[%dma_start3A_874, %dma_start3A_875, %dma_start3A_876] : memref<8x32x128xf32, #tpu.memory_space<vmem>> -> memref<1x32x128xf32, #tpu.memory_space<vmem>>
        %dma_start3A_878 = tpu.memref_squeeze %dma_start3A_877 : memref<1x32x128xf32, #tpu.memory_space<vmem>> -> memref<32x128xf32, #tpu.memory_space<vmem>>
        %dma_start3A_879 = arith.constant 0 : i32
        %dma_start3A_880 = tpu.memref_slice %arg6[%dma_start3A_873, %dma_start3A_879] : memref<8x32xi32, #tpu.memory_space<vmem>> -> memref<1x32xi32, #tpu.memory_space<vmem>>
        %dma_start3A_881 = tpu.memref_squeeze %dma_start3A_880 : memref<1x32xi32, #tpu.memory_space<vmem>> -> memref<32xi32, #tpu.memory_space<vmem>>
        %dma_start3A_882 = arith.constant 0 : i32
        %dma_start3A_883 = arith.constant 0 : i32
        %dma_start3A_884 = tpu.memref_slice %arg2[%dma_start3A_882, %dma_start3A_883] : memref<10112x128xf32, #tpu.memory_space<hbm>> -> memref<10112x128xf32, #tpu.memory_space<hbm>>
        tpu.enqueue_indirect_dma source(%dma_start3A_884 : memref<10112x128xf32, #tpu.memory_space<hbm>>) target(%dma_start3A_878 : memref<32x128xf32, #tpu.memory_space<vmem>>) offsets(%dma_start3A_881 : memref<32xi32, #tpu.memory_space<vmem>>) semaphore(%arg17 : memref<!tpu.dma_semaphore, #tpu.memory_space<semaphore_mem>>)
      } else {
      }
    }
    %scan3A_436 = arith.constant 40 : i32
    %dma_wait3A = arith.constant 0 : i32
    %dma_wait3A_437 = arith.constant 0 : i32
    %dma_wait3A_438 = arith.constant 0 : i32
    %dma_wait3A_439 = arith.constant 0 : i32
    %dma_wait3A_440 = tpu.memref_slice %arg8[%dma_wait3A, %dma_wait3A_438, %dma_wait3A_439] : memref<8x32x128xf32, #tpu.memory_space<vmem>> -> memref<1x32x128xf32, #tpu.memory_space<vmem>>
    %dma_wait3A_441 = tpu.memref_squeeze %dma_wait3A_440 : memref<1x32x128xf32, #tpu.memory_space<vmem>> -> memref<32x128xf32, #tpu.memory_space<vmem>>
    %dma_wait3A_442 = arith.constant 0 : i32
    %dma_wait3A_443 = tpu.memref_slice %arg7[%dma_wait3A_437, %dma_wait3A_442] : memref<8x32xi32, #tpu.memory_space<vmem>> -> memref<1x32xi32, #tpu.memory_space<vmem>>
    %dma_wait3A_444 = tpu.memref_squeeze %dma_wait3A_443 : memref<1x32xi32, #tpu.memory_space<vmem>> -> memref<32xi32, #tpu.memory_space<vmem>>
    %dma_wait3A_445 = arith.constant 0 : i32
    %dma_wait3A_446 = arith.constant 0 : i32
    %dma_wait3A_447 = tpu.memref_slice %arg9[%dma_wait3A_445, %dma_wait3A_446] : memref<10112x128xf32, #tpu.memory_space<vmem_shared>> -> memref<10112x128xf32, #tpu.memory_space<vmem_shared>>
    tpu.wait_indirect_dma semaphore(%arg18 : memref<!tpu.dma_semaphore, #tpu.memory_space<semaphore_mem>>) src(%dma_wait3A_441 : memref<32x128xf32, #tpu.memory_space<vmem>>) dst(%dma_wait3A_447 : memref<10112x128xf32, #tpu.memory_space<vmem_shared>>)
    %dma_wait3A_448 = arith.constant 1 : i32
    %dma_wait3A_449 = arith.constant 1 : i32
    %dma_wait3A_450 = arith.constant 0 : i32
    %dma_wait3A_451 = arith.constant 0 : i32
    %dma_wait3A_452 = tpu.memref_slice %arg8[%dma_wait3A_448, %dma_wait3A_450, %dma_wait3A_451] : memref<8x32x128xf32, #tpu.memory_space<vmem>> -> memref<1x32x128xf32, #tpu.memory_space<vmem>>
    %dma_wait3A_453 = tpu.memref_squeeze %dma_wait3A_452 : memref<1x32x128xf32, #tpu.memory_space<vmem>> -> memref<32x128xf32, #tpu.memory_space<vmem>>
    %dma_wait3A_454 = arith.constant 0 : i32
    %dma_wait3A_455 = tpu.memref_slice %arg7[%dma_wait3A_449, %dma_wait3A_454] : memref<8x32xi32, #tpu.memory_space<vmem>> -> memref<1x32xi32, #tpu.memory_space<vmem>>
    %dma_wait3A_456 = tpu.memref_squeeze %dma_wait3A_455 : memref<1x32xi32, #tpu.memory_space<vmem>> -> memref<32xi32, #tpu.memory_space<vmem>>
    %dma_wait3A_457 = arith.constant 0 : i32
    %dma_wait3A_458 = arith.constant 0 : i32
    %dma_wait3A_459 = tpu.memref_slice %arg9[%dma_wait3A_457, %dma_wait3A_458] : memref<10112x128xf32, #tpu.memory_space<vmem_shared>> -> memref<10112x128xf32, #tpu.memory_space<vmem_shared>>
    tpu.wait_indirect_dma semaphore(%arg19 : memref<!tpu.dma_semaphore, #tpu.memory_space<semaphore_mem>>) src(%dma_wait3A_453 : memref<32x128xf32, #tpu.memory_space<vmem>>) dst(%dma_wait3A_459 : memref<10112x128xf32, #tpu.memory_space<vmem_shared>>)
    %dma_wait3A_460 = arith.constant 2 : i32
    %dma_wait3A_461 = arith.constant 2 : i32
    %dma_wait3A_462 = arith.constant 0 : i32
    %dma_wait3A_463 = arith.constant 0 : i32
    %dma_wait3A_464 = tpu.memref_slice %arg8[%dma_wait3A_460, %dma_wait3A_462, %dma_wait3A_463] : memref<8x32x128xf32, #tpu.memory_space<vmem>> -> memref<1x32x128xf32, #tpu.memory_space<vmem>>
    %dma_wait3A_465 = tpu.memref_squeeze %dma_wait3A_464 : memref<1x32x128xf32, #tpu.memory_space<vmem>> -> memref<32x128xf32, #tpu.memory_space<vmem>>
    %dma_wait3A_466 = arith.constant 0 : i32
    %dma_wait3A_467 = tpu.memref_slice %arg7[%dma_wait3A_461, %dma_wait3A_466] : memref<8x32xi32, #tpu.memory_space<vmem>> -> memref<1x32xi32, #tpu.memory_space<vmem>>
    %dma_wait3A_468 = tpu.memref_squeeze %dma_wait3A_467 : memref<1x32xi32, #tpu.memory_space<vmem>> -> memref<32xi32, #tpu.memory_space<vmem>>
    %dma_wait3A_469 = arith.constant 0 : i32
    %dma_wait3A_470 = arith.constant 0 : i32
    %dma_wait3A_471 = tpu.memref_slice %arg9[%dma_wait3A_469, %dma_wait3A_470] : memref<10112x128xf32, #tpu.memory_space<vmem_shared>> -> memref<10112x128xf32, #tpu.memory_space<vmem_shared>>
    tpu.wait_indirect_dma semaphore(%arg20 : memref<!tpu.dma_semaphore, #tpu.memory_space<semaphore_mem>>) src(%dma_wait3A_465 : memref<32x128xf32, #tpu.memory_space<vmem>>) dst(%dma_wait3A_471 : memref<10112x128xf32, #tpu.memory_space<vmem_shared>>)
    %dma_wait3A_472 = arith.constant 3 : i32
    %dma_wait3A_473 = arith.constant 3 : i32
    %dma_wait3A_474 = arith.constant 0 : i32
    %dma_wait3A_475 = arith.constant 0 : i32
    %dma_wait3A_476 = tpu.memref_slice %arg8[%dma_wait3A_472, %dma_wait3A_474, %dma_wait3A_475] : memref<8x32x128xf32, #tpu.memory_space<vmem>> -> memref<1x32x128xf32, #tpu.memory_space<vmem>>
    %dma_wait3A_477 = tpu.memref_squeeze %dma_wait3A_476 : memref<1x32x128xf32, #tpu.memory_space<vmem>> -> memref<32x128xf32, #tpu.memory_space<vmem>>
    %dma_wait3A_478 = arith.constant 0 : i32
    %dma_wait3A_479 = tpu.memref_slice %arg7[%dma_wait3A_473, %dma_wait3A_478] : memref<8x32xi32, #tpu.memory_space<vmem>> -> memref<1x32xi32, #tpu.memory_space<vmem>>
    %dma_wait3A_480 = tpu.memref_squeeze %dma_wait3A_479 : memref<1x32xi32, #tpu.memory_space<vmem>> -> memref<32xi32, #tpu.memory_space<vmem>>
    %dma_wait3A_481 = arith.constant 0 : i32
    %dma_wait3A_482 = arith.constant 0 : i32
    %dma_wait3A_483 = tpu.memref_slice %arg9[%dma_wait3A_481, %dma_wait3A_482] : memref<10112x128xf32, #tpu.memory_space<vmem_shared>> -> memref<10112x128xf32, #tpu.memory_space<vmem_shared>>
    tpu.wait_indirect_dma semaphore(%arg21 : memref<!tpu.dma_semaphore, #tpu.memory_space<semaphore_mem>>) src(%dma_wait3A_477 : memref<32x128xf32, #tpu.memory_space<vmem>>) dst(%dma_wait3A_483 : memref<10112x128xf32, #tpu.memory_space<vmem_shared>>)
    %dma_wait3A_484 = arith.constant 4 : i32
    %dma_wait3A_485 = arith.constant 4 : i32
    %dma_wait3A_486 = arith.constant 0 : i32
    %dma_wait3A_487 = arith.constant 0 : i32
    %dma_wait3A_488 = tpu.memref_slice %arg8[%dma_wait3A_484, %dma_wait3A_486, %dma_wait3A_487] : memref<8x32x128xf32, #tpu.memory_space<vmem>> -> memref<1x32x128xf32, #tpu.memory_space<vmem>>
    %dma_wait3A_489 = tpu.memref_squeeze %dma_wait3A_488 : memref<1x32x128xf32, #tpu.memory_space<vmem>> -> memref<32x128xf32, #tpu.memory_space<vmem>>
    %dma_wait3A_490 = arith.constant 0 : i32
    %dma_wait3A_491 = tpu.memref_slice %arg7[%dma_wait3A_485, %dma_wait3A_490] : memref<8x32xi32, #tpu.memory_space<vmem>> -> memref<1x32xi32, #tpu.memory_space<vmem>>
    %dma_wait3A_492 = tpu.memref_squeeze %dma_wait3A_491 : memref<1x32xi32, #tpu.memory_space<vmem>> -> memref<32xi32, #tpu.memory_space<vmem>>
    %dma_wait3A_493 = arith.constant 0 : i32
    %dma_wait3A_494 = arith.constant 0 : i32
    %dma_wait3A_495 = tpu.memref_slice %arg9[%dma_wait3A_493, %dma_wait3A_494] : memref<10112x128xf32, #tpu.memory_space<vmem_shared>> -> memref<10112x128xf32, #tpu.memory_space<vmem_shared>>
    tpu.wait_indirect_dma semaphore(%arg22 : memref<!tpu.dma_semaphore, #tpu.memory_space<semaphore_mem>>) src(%dma_wait3A_489 : memref<32x128xf32, #tpu.memory_space<vmem>>) dst(%dma_wait3A_495 : memref<10112x128xf32, #tpu.memory_space<vmem_shared>>)
    %dma_wait3A_496 = arith.constant 5 : i32
    %dma_wait3A_497 = arith.constant 5 : i32
    %dma_wait3A_498 = arith.constant 0 : i32
    %dma_wait3A_499 = arith.constant 0 : i32
    %dma_wait3A_500 = tpu.memref_slice %arg8[%dma_wait3A_496, %dma_wait3A_498, %dma_wait3A_499] : memref<8x32x128xf32, #tpu.memory_space<vmem>> -> memref<1x32x128xf32, #tpu.memory_space<vmem>>
    %dma_wait3A_501 = tpu.memref_squeeze %dma_wait3A_500 : memref<1x32x128xf32, #tpu.memory_space<vmem>> -> memref<32x128xf32, #tpu.memory_space<vmem>>
    %dma_wait3A_502 = arith.constant 0 : i32
    %dma_wait3A_503 = tpu.memref_slice %arg7[%dma_wait3A_497, %dma_wait3A_502] : memref<8x32xi32, #tpu.memory_space<vmem>> -> memref<1x32xi32, #tpu.memory_space<vmem>>
    %dma_wait3A_504 = tpu.memref_squeeze %dma_wait3A_503 : memref<1x32xi32, #tpu.memory_space<vmem>> -> memref<32xi32, #tpu.memory_space<vmem>>
    %dma_wait3A_505 = arith.constant 0 : i32
    %dma_wait3A_506 = arith.constant 0 : i32
    %dma_wait3A_507 = tpu.memref_slice %arg9[%dma_wait3A_505, %dma_wait3A_506] : memref<10112x128xf32, #tpu.memory_space<vmem_shared>> -> memref<10112x128xf32, #tpu.memory_space<vmem_shared>>
    tpu.wait_indirect_dma semaphore(%arg23 : memref<!tpu.dma_semaphore, #tpu.memory_space<semaphore_mem>>) src(%dma_wait3A_501 : memref<32x128xf32, #tpu.memory_space<vmem>>) dst(%dma_wait3A_507 : memref<10112x128xf32, #tpu.memory_space<vmem_shared>>)
    %dma_wait3A_508 = arith.constant 6 : i32
    %dma_wait3A_509 = arith.constant 6 : i32
    %dma_wait3A_510 = arith.constant 0 : i32
    %dma_wait3A_511 = arith.constant 0 : i32
    %dma_wait3A_512 = tpu.memref_slice %arg8[%dma_wait3A_508, %dma_wait3A_510, %dma_wait3A_511] : memref<8x32x128xf32, #tpu.memory_space<vmem>> -> memref<1x32x128xf32, #tpu.memory_space<vmem>>
    %dma_wait3A_513 = tpu.memref_squeeze %dma_wait3A_512 : memref<1x32x128xf32, #tpu.memory_space<vmem>> -> memref<32x128xf32, #tpu.memory_space<vmem>>
    %dma_wait3A_514 = arith.constant 0 : i32
    %dma_wait3A_515 = tpu.memref_slice %arg7[%dma_wait3A_509, %dma_wait3A_514] : memref<8x32xi32, #tpu.memory_space<vmem>> -> memref<1x32xi32, #tpu.memory_space<vmem>>
    %dma_wait3A_516 = tpu.memref_squeeze %dma_wait3A_515 : memref<1x32xi32, #tpu.memory_space<vmem>> -> memref<32xi32, #tpu.memory_space<vmem>>
    %dma_wait3A_517 = arith.constant 0 : i32
    %dma_wait3A_518 = arith.constant 0 : i32
    %dma_wait3A_519 = tpu.memref_slice %arg9[%dma_wait3A_517, %dma_wait3A_518] : memref<10112x128xf32, #tpu.memory_space<vmem_shared>> -> memref<10112x128xf32, #tpu.memory_space<vmem_shared>>
    tpu.wait_indirect_dma semaphore(%arg24 : memref<!tpu.dma_semaphore, #tpu.memory_space<semaphore_mem>>) src(%dma_wait3A_513 : memref<32x128xf32, #tpu.memory_space<vmem>>) dst(%dma_wait3A_519 : memref<10112x128xf32, #tpu.memory_space<vmem_shared>>)
    %dma_wait3A_520 = arith.constant 7 : i32
    %dma_wait3A_521 = arith.constant 7 : i32
    %dma_wait3A_522 = arith.constant 0 : i32
    %dma_wait3A_523 = arith.constant 0 : i32
    %dma_wait3A_524 = tpu.memref_slice %arg8[%dma_wait3A_520, %dma_wait3A_522, %dma_wait3A_523] : memref<8x32x128xf32, #tpu.memory_space<vmem>> -> memref<1x32x128xf32, #tpu.memory_space<vmem>>
    %dma_wait3A_525 = tpu.memref_squeeze %dma_wait3A_524 : memref<1x32x128xf32, #tpu.memory_space<vmem>> -> memref<32x128xf32, #tpu.memory_space<vmem>>
    %dma_wait3A_526 = arith.constant 0 : i32
    %dma_wait3A_527 = tpu.memref_slice %arg7[%dma_wait3A_521, %dma_wait3A_526] : memref<8x32xi32, #tpu.memory_space<vmem>> -> memref<1x32xi32, #tpu.memory_space<vmem>>
    %dma_wait3A_528 = tpu.memref_squeeze %dma_wait3A_527 : memref<1x32xi32, #tpu.memory_space<vmem>> -> memref<32xi32, #tpu.memory_space<vmem>>
    %dma_wait3A_529 = arith.constant 0 : i32
    %dma_wait3A_530 = arith.constant 0 : i32
    %dma_wait3A_531 = tpu.memref_slice %arg9[%dma_wait3A_529, %dma_wait3A_530] : memref<10112x128xf32, #tpu.memory_space<vmem_shared>> -> memref<10112x128xf32, #tpu.memory_space<vmem_shared>>
    tpu.wait_indirect_dma semaphore(%arg25 : memref<!tpu.dma_semaphore, #tpu.memory_space<semaphore_mem>>) src(%dma_wait3A_525 : memref<32x128xf32, #tpu.memory_space<vmem>>) dst(%dma_wait3A_531 : memref<10112x128xf32, #tpu.memory_space<vmem_shared>>)
    %barrier3A_532 = arith.constant 0 : index
    tpu.barrier barrier_id(%barrier3A_532)
    "tpu.region"() ({
      %run_scoped3A = tpu.sem_alloc : memref<!tpu.dma_semaphore, #tpu.memory_space<semaphore_mem>>
      %dma_start3A_533 = arith.constant 0 : i32
      %dma_start3A_534 = tpu.memref_slice %arg4[%arg0, %mul3A_2, %dma_start3A_533] : memref<2x10112x128xf32, #tpu.memory_space<hbm>> -> memref<1x632x128xf32, #tpu.memory_space<hbm>>
      %dma_start3A_535 = tpu.memref_squeeze %dma_start3A_534 : memref<1x632x128xf32, #tpu.memory_space<hbm>> -> memref<632x128xf32, #tpu.memory_space<hbm>>
      %dma_start3A_536 = arith.constant 0 : i32
      %dma_start3A_537 = tpu.memref_slice %arg9[%mul3A_2, %dma_start3A_536] : memref<10112x128xf32, #tpu.memory_space<vmem_shared>> -> memref<632x128xf32, #tpu.memory_space<vmem_shared>>
      tpu.enqueue_dma source(%dma_start3A_537 : memref<632x128xf32, #tpu.memory_space<vmem_shared>>) target(%dma_start3A_535 : memref<632x128xf32, #tpu.memory_space<hbm>>) target_semaphore(%run_scoped3A : memref<!tpu.dma_semaphore, #tpu.memory_space<semaphore_mem>>)
      %dma_wait3A_538 = arith.constant 0 : i32
      %dma_wait3A_539 = tpu.memref_slice %arg4[%arg0, %mul3A_2, %dma_wait3A_538] : memref<2x10112x128xf32, #tpu.memory_space<hbm>> -> memref<1x632x128xf32, #tpu.memory_space<hbm>>
      %dma_wait3A_540 = tpu.memref_squeeze %dma_wait3A_539 : memref<1x632x128xf32, #tpu.memory_space<hbm>> -> memref<632x128xf32, #tpu.memory_space<hbm>>
      %dma_wait3A_541 = arith.constant 0 : i32
      %dma_wait3A_542 = tpu.memref_slice %arg9[%mul3A_2, %dma_wait3A_541] : memref<10112x128xf32, #tpu.memory_space<vmem_shared>> -> memref<632x128xf32, #tpu.memory_space<vmem_shared>>
      tpu.wait_dma2 semaphore(%run_scoped3A : memref<!tpu.dma_semaphore, #tpu.memory_space<semaphore_mem>>) src(%dma_wait3A_542 : memref<632x128xf32, #tpu.memory_space<vmem_shared>>) dst(%dma_wait3A_540 : memref<632x128xf32, #tpu.memory_space<hbm>>)
      tpu.yield
    }) : () -> ()
    return
  }
}

module attributes {stable_mosaic.version = 14 : i64} {
  func.func @body(%arg0: i32, %arg1: memref<2000x128xf32, #tpu.memory_space<vmem>>, %arg2: memref<2000x128xf32, #tpu.memory_space<vmem>>, %arg3: memref<2000x128xf32, #tpu.memory_space<vmem>>, %arg4: memref<128x128xf32, #tpu.memory_space<vmem>>, %arg5: memref<1x128xf32, #tpu.memory_space<vmem>>, %arg6: memref<128x128xf32, #tpu.memory_space<vmem>>, %arg7: memref<1x128xf32, #tpu.memory_space<vmem>>, %arg8: memref<2000x128xf32, #tpu.memory_space<vmem>>) attributes {dimension_semantics = [#tpu.dimension_semantics<arbitrary>], iteration_bounds = array<i64: 5>, scalar_prefetch = 0 : i64, scratch_operands = 0 : i64, tpu.core_type = #tpu.core_type<tc>, window_params = [{transform_indices = @transform_0, window_bounds = array<i64: 2000, 128>}, {transform_indices = @transform_1, window_bounds = array<i64: 2000, 128>}, {transform_indices = @transform_2, window_bounds = array<i64: 2000, 128>}, {pipeline_mode = #tpu.pipeline_mode<synchronous>, transform_indices = @transform_3, window_bounds = array<i64: 128, 128>}, {pipeline_mode = #tpu.pipeline_mode<synchronous>, transform_indices = @transform_4, window_bounds = array<i64: 1, 128>}, {pipeline_mode = #tpu.pipeline_mode<synchronous>, transform_indices = @transform_5, window_bounds = array<i64: 128, 128>}, {pipeline_mode = #tpu.pipeline_mode<synchronous>, transform_indices = @transform_6, window_bounds = array<i64: 1, 128>}, {transform_indices = @transform_7, window_bounds = array<i64: 2000, 128>}]} {
    %get3A = arith.constant 0 : index
    %get3A_0 = arith.constant 0 : index
    %get3A_1 = vector.load %arg1[%get3A, %get3A_0] : memref<2000x128xf32, #tpu.memory_space<vmem>>, vector<2000x128xf32>
    %get3A_2 = arith.constant 0 : index
    %get3A_3 = arith.constant 0 : index
    %get3A_4 = vector.load %arg2[%get3A_2, %get3A_3] : memref<2000x128xf32, #tpu.memory_space<vmem>>, vector<2000x128xf32>
    %add3A = arith.addf %get3A_1, %get3A_4 : vector<2000x128xf32>
    %get3A_5 = arith.constant 0 : index
    %get3A_6 = arith.constant 0 : index
    %get3A_7 = vector.load %arg3[%get3A_5, %get3A_6] : memref<2000x128xf32, #tpu.memory_space<vmem>>, vector<2000x128xf32>
    %sub3A = arith.subf %add3A, %get3A_7 : vector<2000x128xf32>
    %get3A_8 = arith.constant 0 : index
    %get3A_9 = arith.constant 0 : index
    %get3A_10 = vector.load %arg4[%get3A_8, %get3A_9] : memref<128x128xf32, #tpu.memory_space<vmem>>, vector<128x128xf32>
    %dot_general3A = arith.constant dense<0.000000e+00> : vector<2000x128xf32>
    %dot_general3A_11 = tpu.matmul %sub3A, %get3A_10, %dot_general3A {dimension_numbers = #tpu.dot_dimension_numbers<[1], [0], [0], [1], [0, 0, 1, 1], [], []>, transpose_lhs_hint = false} : vector<2000x128xf32>, vector<128x128xf32>, vector<2000x128xf32> -> vector<2000x128xf32>
    %get3A_12 = arith.constant 0 : index
    %get3A_13 = arith.constant 0 : index
    %get3A_14 = vector.load %arg5[%get3A_12, %get3A_13] : memref<1x128xf32, #tpu.memory_space<vmem>>, vector<1x128xf32>
    %add3A_15 = vector.broadcast %get3A_14 : vector<1x128xf32> to vector<2000x128xf32>
    %add3A_16 = arith.addf %dot_general3A_11, %add3A_15 : vector<2000x128xf32>
    %max3A = arith.constant 0.000000e+00 : f32
    %max3A_17 = vector.broadcast %max3A : f32 to vector<2000x128xf32>
    %max3A_18 = arith.maximumf %add3A_16, %max3A_17 : vector<2000x128xf32>
    %get3A_19 = arith.constant 0 : index
    %get3A_20 = arith.constant 0 : index
    %get3A_21 = vector.load %arg6[%get3A_19, %get3A_20] : memref<128x128xf32, #tpu.memory_space<vmem>>, vector<128x128xf32>
    %dot_general3A_22 = arith.constant dense<0.000000e+00> : vector<2000x128xf32>
    %dot_general3A_23 = tpu.matmul %max3A_18, %get3A_21, %dot_general3A_22 {dimension_numbers = #tpu.dot_dimension_numbers<[1], [0], [0], [1], [0, 0, 1, 1], [], []>, transpose_lhs_hint = false} : vector<2000x128xf32>, vector<128x128xf32>, vector<2000x128xf32> -> vector<2000x128xf32>
    %get3A_24 = arith.constant 0 : index
    %get3A_25 = arith.constant 0 : index
    %get3A_26 = vector.load %arg7[%get3A_24, %get3A_25] : memref<1x128xf32, #tpu.memory_space<vmem>>, vector<1x128xf32>
    %add3A_27 = vector.broadcast %get3A_26 : vector<1x128xf32> to vector<2000x128xf32>
    %add3A_28 = arith.addf %dot_general3A_23, %add3A_27 : vector<2000x128xf32>
    %max3A_29 = arith.constant 0.000000e+00 : f32
    %max3A_30 = vector.broadcast %max3A_29 : f32 to vector<2000x128xf32>
    %max3A_31 = arith.maximumf %add3A_28, %max3A_30 : vector<2000x128xf32>
    %swap3A = arith.constant 0 : index
    %swap3A_32 = arith.constant 0 : index
    %swap3A_33 = vector.load %arg8[%swap3A, %swap3A_32] : memref<2000x128xf32, #tpu.memory_space<vmem>>, vector<2000x128xf32>
    tpu.vector_store %arg8[%swap3A, %swap3A_32], %max3A_31 {strides = array<i32>} : memref<2000x128xf32, #tpu.memory_space<vmem>>, vector<2000x128xf32>,
    return
  }
  func.func @transform_0(%arg0: i32) -> (i32, i32) {
    %c0_i32 = arith.constant 0 : i32
    %c0_i32_0 = arith.constant 0 : i32
    return %arg0, %c0_i32 : i32, i32
  }
  func.func @transform_1(%arg0: i32) -> (i32, i32) {
    %c0_i32 = arith.constant 0 : i32
    %c0_i32_0 = arith.constant 0 : i32
    return %arg0, %c0_i32 : i32, i32
  }
  func.func @transform_2(%arg0: i32) -> (i32, i32) {
    %c0_i32 = arith.constant 0 : i32
    %c0_i32_0 = arith.constant 0 : i32
    return %arg0, %c0_i32 : i32, i32
  }
  func.func @transform_3(%arg0: i32) -> (i32, i32) {
    %c0_i32 = arith.constant 0 : i32
    %c0_i32_0 = arith.constant 0 : i32
    %c0_i32_1 = arith.constant 0 : i32
    return %c0_i32, %c0_i32_0 : i32, i32
  }
  func.func @transform_4(%arg0: i32) -> (i32, i32) {
    %c0_i32 = arith.constant 0 : i32
    %c0_i32_0 = arith.constant 0 : i32
    %c0_i32_1 = arith.constant 0 : i32
    return %c0_i32, %c0_i32_0 : i32, i32
  }
  func.func @transform_5(%arg0: i32) -> (i32, i32) {
    %c0_i32 = arith.constant 0 : i32
    %c0_i32_0 = arith.constant 0 : i32
    %c0_i32_1 = arith.constant 0 : i32
    return %c0_i32, %c0_i32_0 : i32, i32
  }
  func.func @transform_6(%arg0: i32) -> (i32, i32) {
    %c0_i32 = arith.constant 0 : i32
    %c0_i32_0 = arith.constant 0 : i32
    %c0_i32_1 = arith.constant 0 : i32
    return %c0_i32, %c0_i32_0 : i32, i32
  }
  func.func @transform_7(%arg0: i32) -> (i32, i32) {
    %c0_i32 = arith.constant 0 : i32
    %c0_i32_0 = arith.constant 0 : i32
    return %arg0, %c0_i32 : i32, i32
  }
}

module attributes {stable_mosaic.version = 14 : i64} {
  func.func @body(%arg0: i32, %arg1: memref<2000x128xf32, #tpu.memory_space<vmem>>, %arg2: memref<2000x128xf32, #tpu.memory_space<vmem>>, %arg3: memref<2000x128xf32, #tpu.memory_space<vmem>>, %arg4: memref<128x128xf32, #tpu.memory_space<vmem>>, %arg5: memref<1x128xf32, #tpu.memory_space<vmem>>, %arg6: memref<128x128xf32, #tpu.memory_space<vmem>>, %arg7: memref<1x128xf32, #tpu.memory_space<vmem>>, %arg8: memref<2000x128xf32, #tpu.memory_space<vmem>>, %arg9: memref<2000x128xf32, #tpu.memory_space<vmem>>) attributes {dimension_semantics = [#tpu.dimension_semantics<arbitrary>], iteration_bounds = array<i64: 5>, scalar_prefetch = 0 : i64, scratch_operands = 0 : i64, tpu.core_type = #tpu.core_type<tc>, window_params = [{transform_indices = @transform_0, window_bounds = array<i64: 2000, 128>}, {transform_indices = @transform_1, window_bounds = array<i64: 2000, 128>}, {transform_indices = @transform_2, window_bounds = array<i64: 2000, 128>}, {pipeline_mode = #tpu.pipeline_mode<synchronous>, transform_indices = @transform_3, window_bounds = array<i64: 128, 128>}, {pipeline_mode = #tpu.pipeline_mode<synchronous>, transform_indices = @transform_4, window_bounds = array<i64: 1, 128>}, {pipeline_mode = #tpu.pipeline_mode<synchronous>, transform_indices = @transform_5, window_bounds = array<i64: 128, 128>}, {pipeline_mode = #tpu.pipeline_mode<synchronous>, transform_indices = @transform_6, window_bounds = array<i64: 1, 128>}, {transform_indices = @transform_7, window_bounds = array<i64: 2000, 128>}, {transform_indices = @transform_8, window_bounds = array<i64: 2000, 128>}]} {
    %get3A = arith.constant 0 : index
    %get3A_0 = arith.constant 0 : index
    %get3A_1 = vector.load %arg1[%get3A, %get3A_0] : memref<2000x128xf32, #tpu.memory_space<vmem>>, vector<2000x128xf32>
    %get3A_2 = arith.constant 0 : index
    %get3A_3 = arith.constant 0 : index
    %get3A_4 = vector.load %arg2[%get3A_2, %get3A_3] : memref<2000x128xf32, #tpu.memory_space<vmem>>, vector<2000x128xf32>
    %add3A = arith.addf %get3A_1, %get3A_4 : vector<2000x128xf32>
    %get3A_5 = arith.constant 0 : index
    %get3A_6 = arith.constant 0 : index
    %get3A_7 = vector.load %arg3[%get3A_5, %get3A_6] : memref<2000x128xf32, #tpu.memory_space<vmem>>, vector<2000x128xf32>
    %sub3A = arith.subf %add3A, %get3A_7 : vector<2000x128xf32>
    %get3A_8 = arith.constant 0 : index
    %get3A_9 = arith.constant 0 : index
    %get3A_10 = vector.load %arg4[%get3A_8, %get3A_9] : memref<128x128xf32, #tpu.memory_space<vmem>>, vector<128x128xf32>
    %dot_general3A = arith.constant dense<0.000000e+00> : vector<2000x128xf32>
    %dot_general3A_11 = tpu.matmul %sub3A, %get3A_10, %dot_general3A {dimension_numbers = #tpu.dot_dimension_numbers<[1], [0], [0], [1], [0, 0, 1, 1], [], []>, transpose_lhs_hint = false} : vector<2000x128xf32>, vector<128x128xf32>, vector<2000x128xf32> -> vector<2000x128xf32>
    %get3A_12 = arith.constant 0 : index
    %get3A_13 = arith.constant 0 : index
    %get3A_14 = vector.load %arg5[%get3A_12, %get3A_13] : memref<1x128xf32, #tpu.memory_space<vmem>>, vector<1x128xf32>
    %add3A_15 = vector.broadcast %get3A_14 : vector<1x128xf32> to vector<2000x128xf32>
    %add3A_16 = arith.addf %dot_general3A_11, %add3A_15 : vector<2000x128xf32>
    %max3A = arith.constant 0.000000e+00 : f32
    %max3A_17 = vector.broadcast %max3A : f32 to vector<2000x128xf32>
    %max3A_18 = arith.maximumf %add3A_16, %max3A_17 : vector<2000x128xf32>
    %get3A_19 = arith.constant 0 : index
    %get3A_20 = arith.constant 0 : index
    %get3A_21 = vector.load %arg6[%get3A_19, %get3A_20] : memref<128x128xf32, #tpu.memory_space<vmem>>, vector<128x128xf32>
    %dot_general3A_22 = arith.constant dense<0.000000e+00> : vector<2000x128xf32>
    %dot_general3A_23 = tpu.matmul %max3A_18, %get3A_21, %dot_general3A_22 {dimension_numbers = #tpu.dot_dimension_numbers<[1], [0], [0], [1], [0, 0, 1, 1], [], []>, transpose_lhs_hint = false} : vector<2000x128xf32>, vector<128x128xf32>, vector<2000x128xf32> -> vector<2000x128xf32>
    %get3A_24 = arith.constant 0 : index
    %get3A_25 = arith.constant 0 : index
    %get3A_26 = vector.load %arg7[%get3A_24, %get3A_25] : memref<1x128xf32, #tpu.memory_space<vmem>>, vector<1x128xf32>
    %add3A_27 = vector.broadcast %get3A_26 : vector<1x128xf32> to vector<2000x128xf32>
    %add3A_28 = arith.addf %dot_general3A_23, %add3A_27 : vector<2000x128xf32>
    %max3A_29 = arith.constant 0.000000e+00 : f32
    %max3A_30 = vector.broadcast %max3A_29 : f32 to vector<2000x128xf32>
    %max3A_31 = arith.maximumf %add3A_28, %max3A_30 : vector<2000x128xf32>
    %get3A_32 = arith.constant 0 : index
    %get3A_33 = arith.constant 0 : index
    %get3A_34 = vector.load %arg8[%get3A_32, %get3A_33] : memref<2000x128xf32, #tpu.memory_space<vmem>>, vector<2000x128xf32>
    %get3A_35 = arith.constant 0 : index
    %get3A_36 = arith.constant 0 : index
    %get3A_37 = vector.load %arg3[%get3A_35, %get3A_36] : memref<2000x128xf32, #tpu.memory_space<vmem>>, vector<2000x128xf32>
    %add3A_38 = arith.addf %get3A_34, %get3A_37 : vector<2000x128xf32>
    %add3A_39 = arith.addf %add3A_38, %max3A_31 : vector<2000x128xf32>
    %swap3A = arith.constant 0 : index
    %swap3A_40 = arith.constant 0 : index
    %swap3A_41 = vector.load %arg9[%swap3A, %swap3A_40] : memref<2000x128xf32, #tpu.memory_space<vmem>>, vector<2000x128xf32>
    tpu.vector_store %arg9[%swap3A, %swap3A_40], %add3A_39 {strides = array<i32>} : memref<2000x128xf32, #tpu.memory_space<vmem>>, vector<2000x128xf32>,
    return
  }
  func.func @transform_0(%arg0: i32) -> (i32, i32) {
    %c0_i32 = arith.constant 0 : i32
    %c0_i32_0 = arith.constant 0 : i32
    return %arg0, %c0_i32 : i32, i32
  }
  func.func @transform_1(%arg0: i32) -> (i32, i32) {
    %c0_i32 = arith.constant 0 : i32
    %c0_i32_0 = arith.constant 0 : i32
    return %arg0, %c0_i32 : i32, i32
  }
  func.func @transform_2(%arg0: i32) -> (i32, i32) {
    %c0_i32 = arith.constant 0 : i32
    %c0_i32_0 = arith.constant 0 : i32
    return %arg0, %c0_i32 : i32, i32
  }
  func.func @transform_3(%arg0: i32) -> (i32, i32) {
    %c0_i32 = arith.constant 0 : i32
    %c0_i32_0 = arith.constant 0 : i32
    %c0_i32_1 = arith.constant 0 : i32
    return %c0_i32, %c0_i32_0 : i32, i32
  }
  func.func @transform_4(%arg0: i32) -> (i32, i32) {
    %c0_i32 = arith.constant 0 : i32
    %c0_i32_0 = arith.constant 0 : i32
    %c0_i32_1 = arith.constant 0 : i32
    return %c0_i32, %c0_i32_0 : i32, i32
  }
  func.func @transform_5(%arg0: i32) -> (i32, i32) {
    %c0_i32 = arith.constant 0 : i32
    %c0_i32_0 = arith.constant 0 : i32
    %c0_i32_1 = arith.constant 0 : i32
    return %c0_i32, %c0_i32_0 : i32, i32
  }
  func.func @transform_6(%arg0: i32) -> (i32, i32) {
    %c0_i32 = arith.constant 0 : i32
    %c0_i32_0 = arith.constant 0 : i32
    %c0_i32_1 = arith.constant 0 : i32
    return %c0_i32, %c0_i32_0 : i32, i32
  }
  func.func @transform_7(%arg0: i32) -> (i32, i32) {
    %c0_i32 = arith.constant 0 : i32
    %c0_i32_0 = arith.constant 0 : i32
    return %arg0, %c0_i32 : i32, i32
  }
  func.func @transform_8(%arg0: i32) -> (i32, i32) {
    %c0_i32 = arith.constant 0 : i32
    %c0_i32_0 = arith.constant 0 : i32
    return %arg0, %c0_i32 : i32, i32
  }
}

</mosaic_0001>

<sc_bundles>
// kernel: kernel.6.cloned.1.call-start
scs
__scs_entry_jumppad:
0x0: {  	(pc) =	sbr.rel $0x88, $3  }
0x1: {  	(tag) =	ssettag $0x0;
	lr =	simm.s32 $0x1  }
0x2: {  	[smem:$0x3F97] =	sst lr;
	_ =	strace $0xD0000000  }
0x3: {  	_ = 	snop  }
0x4: {  	_ = 	snop  }
0x5: {  	_ = 	snop  }
0x6: {  	_ = 	snop  }
0x7: {  	_ = 	snop  }
__scs_overlays_trampoline_lowered:
0x8: {  	[smem:$0x3FA6] =	sst s0  }
0x9: {  	[smem:$0x3FA7] =	sst s1  }
0xa: {  	[smem:$0x3FA8] =	sst s2  }
0xb: {  	[smem:$0x3FA9] =	sst s3  }
0xc: {  	[smem:$0x3FAA] =	sst s4  }
0xd: {  	[smem:$0x3FAB] =	sst s5  }
0xe: {  	[smem:$0x3FAC] =	sst s6  }
0xf: {  	[smem:$0x3FAD] =	sst s7  }
0x10: {  	[smem:$0x3FAE] =	sst s8  }
0x11: {  	[smem:$0x3FAF] =	sst s9;
	s0 =	simm.s32 @!p0 $0x0  }
0x12: {  	s1 =	sld [smem:$0x3F95];
	s0 =	simm.s32 @p0 $0x1  }
0x13: {  	[smem:$0x3FB0] =	sst s0;
	s0 =	simm.s32 @!p1 $0x0  }
0x14: {  	s2 =	sld [smem:$0x3F94];
	s0 =	simm.s32 @p1 $0x1  }
0x15: {  	[smem:$0x3FB1] =	sst s0;
	s0 =	simm.s32 @!p2 $0x0  }
0x16: {  	s3 =	sld [smem:$0x3FDB];
	s0 =	simm.s32 @p2 $0x1  }
0x17: {  	s4 =	simm.s32 $0x1BF5;
	[smem:$0x3FB3] =	sst s0  }
0x18: {  	s0 =	sld [smem:$0x3F96];
	_ =	swait.ge [sflag:s4], $0x0  }
0x19: {  	s7 =	sld [smem:$0x3F97]  }
0x1a: {  	s8 =	sadd.s32 $0xFFFFE003, lr  }
0x1b: {  	s9 =	sadd.s32 $0xFFFFFEF7, lr;
	s5 =	simm.s32 $0xFFFFFFFF;
	p2 =	slt.u32 s8, $0xFFFFF086  }
0x1c: {  	p1 =	slt.u32 s9, $0xF7A;
	s5 =	simm.s32 @!p2 $0x0  }
0x1d: {  	s5 =	simm.s32 @p1 $0x1;
	p0 =	seq.s32 s7, s2  }
0x1e: {  	s7 =	smul.u32 @!p0 $0xF7A, s2;
	p2 =	seq.s32 @!p0 s5, $0x0  }
0x1f: {  	s9 =	smul.u32 $0xF7A, s1;
	s8 =	simm.s32 @!p0 $0x1BF5;
	p2 =	por !p2, p0  }
0x20: {  	[sflag:s8] =	ssyncset.s32 @!p0 $0xFFFFF086;
	s6 =	sadd.s32 @!p0 s3, s7;
	s7 =	simm.s32 @!p0 $0x108  }
0x21: {  	s3 =	sadd.s32 s3, s9;
	s6 =	sadd.s32 @!p0 $0x88, s6;
	s7 =	simm.s32 @p2 $0x1082  }
0x22: {  	[simem:s7], [sflag:s8] =	dma.local @!p0 [hbm:s6], $0xF7A  }
0x23: {  	s9 =	sor.u32 $0xD0000000, s2;
	s6 =	simm.s32 $0x108;
	_ =	swait.ge @!p0 [sflag:s8], $0x0  }
0x24: {  	s3 =	sadd.s32 $0x88, s3;
	s6 =	simm.s32 @!p1 $0x1082;
	[sflag:s4] =	ssyncset.s32 $0xFFFFF086  }
0x25: {  	[simem:s6], [sflag:s4] =	dma.local [hbm:s3], $0xF7A  }
0x26: {  	[smem:$0x3F97] =	sst s1;
	(tag) =	ssettag s2;
	_ =	strace s9  }
0x27: {  	s1 =	sld [smem:$0x3FA7]  }
0x28: {  	s2 =	sld [smem:$0x3FA8]  }
0x29: {  	s4 =	sld [smem:$0x3FAA]  }
0x2a: {  	p0 =	seq.s32 s5, $0x0;
	s5 =	sld [smem:$0x3FAB]  }
0x2b: {  	s6 =	sld [smem:$0x3FAC]  }
0x2c: {  	s7 =	sld [smem:$0x3FAD]  }
0x2d: {  	s3 =	simm.s32 $0x108;
	s8 =	sld [smem:$0x3FAE]  }
0x2e: {  	s3 =	simm.s32 @!p0 $0x1082;
	s9 =	sld [smem:$0x3FAF]  }
0x2f: {  	lr =	sadd.s32 s0, s3;
	s0 =	sld [smem:$0x3FA6]  }
0x30: {  	s3 =	sld [smem:$0x3FA9]  }
0x31: {  	[smem:$0x3FB2] =	sst s10  }
0x32: {  	s10 =	sld [smem:$0x3FB0];
	_ =	sdelay $0x3  }
0x33: {  	p0 =	seq.s32 s10, $0x1;
	s10 =	sld [smem:$0x3FB2];
	_ =	sdelay $0x3  }
0x34: {  	[smem:$0x3FB2] =	sst s10  }
0x35: {  	s10 =	sld [smem:$0x3FB1];
	_ =	sdelay $0x3  }
0x36: {  	p1 =	seq.s32 s10, $0x1;
	s10 =	sld [smem:$0x3FB2];
	_ =	sdelay $0x3  }
0x37: {  	[smem:$0x3FB2] =	sst s10  }
0x38: {  	s10 =	sld [smem:$0x3FB3]  }
0x39: {  	_ = 	snop;
	(pc) =	sbr.ind lr, $3  }
0x3a: {  	_ = 	snop  }
0x3b: {  	_ = 	snop  }
0x3c: {  	p2 =	seq.s32 s10, $0x1;
	s10 =	sld [smem:$0x3FB2]  }
0x3d: {  	_ =	shalt  }
0x3e: {  	_ =	shalt  }
0x3f: {  	_ =	shalt  }
0x40: {  	_ =	shalt  }
0x41: {  	_ =	shalt  }
0x42: {  	_ =	shalt  }
0x43: {  	_ =	shalt  }
0x44: {  	_ =	shalt  }
0x45: {  	_ =	shalt  }
0x46: {  	_ =	shalt  }
0x47: {  	_ =	shalt  }
0x48: {  	_ =	shalt  }
0x49: {  	_ =	shalt  }
0x4a: {  	_ =	shalt  }
0x4b: {  	_ =	shalt  }
0x4c: {  	_ =	shalt  }
0x4d: {  	_ =	shalt  }
0x4e: {  	_ =	shalt  }
0x4f: {  	_ =	shalt  }
0x50: {  	_ =	shalt  }
0x51: {  	_ =	shalt  }
0x52: {  	_ =	shalt  }
0x53: {  	_ =	shalt  }
0x54: {  	_ =	shalt  }
0x55: {  	_ =	shalt  }
0x56: {  	_ =	shalt  }
0x57: {  	_ =	shalt  }
0x58: {  	_ =	shalt  }
0x59: {  	_ =	shalt  }
0x5a: {  	_ =	shalt  }
0x5b: {  	_ =	shalt  }
0x5c: {  	_ =	shalt  }
0x5d: {  	_ =	shalt  }
0x5e: {  	_ =	shalt  }
0x5f: {  	_ =	shalt  }
0x60: {  	_ =	shalt  }
0x61: {  	_ =	shalt  }
0x62: {  	_ =	shalt  }
0x63: {  	_ =	shalt  }
0x64: {  	_ =	shalt  }
0x65: {  	_ =	shalt  }
0x66: {  	_ =	shalt  }
0x67: {  	_ =	shalt  }
0x68: {  	_ =	shalt  }
0x69: {  	_ =	shalt  }
0x6a: {  	_ =	shalt  }
0x6b: {  	_ =	shalt  }
0x6c: {  	_ =	shalt  }
0x6d: {  	_ =	shalt  }
0x6e: {  	_ =	shalt  }
0x6f: {  	_ =	shalt  }
0x70: {  	_ =	shalt  }
0x71: {  	_ =	shalt  }
0x72: {  	_ =	shalt  }
0x73: {  	_ =	shalt  }
0x74: {  	_ =	shalt  }
0x75: {  	_ =	shalt  }
0x76: {  	_ =	shalt  }
0x77: {  	_ =	shalt  }
0x78: {  	_ =	shalt  }
0x79: {  	_ =	shalt  }
0x7a: {  	_ =	shalt  }
0x7b: {  	_ =	shalt  }
0x7c: {  	_ =	shalt  }
0x7d: {  	_ =	shalt  }
0x7e: {  	_ =	shalt  }
0x7f: {  	_ =	shalt  }
0x80: {  	_ =	shalt  }
0x81: {  	_ =	shalt  }
0x82: {  	_ =	shalt  }
0x83: {  	_ =	shalt  }
0x84: {  	_ =	shalt  }
0x85: {  	_ =	shalt  }
0x86: {  	_ =	shalt  }
0x87: {  	_ =	shalt  }
.Lfunc_end0:
.L_simem_size_0:
called_computation_lowered:
.L_overlay_start_0:
0x88: {  	s2 =	sld [smem:$0x3FD9]  }
0x89: {  	s3 =	sld [smem:$0x3FFE];
	_ =	sdelay $0x1  }
0x8a: {  	s1 =	srdreg.scid  }
0x8b: {  	s0 =	sand.u32 $0x1, s1  }
0x8c: {  	s17 =	sshll.u32 s0, $0xA;
	s2 =	sadd.s32 s3, s2  }
0x8d: {  	s2 =	sadd.s32 s2, s17  }
0x8e: {  	[smem:$0x3FBE] =	sst s2  }
0x8f: {  	_ = 	snop  }
0x90: {  	s2 =	sld [smem:$0x3FD0];
	(tm) =	ssettm $0x1  }
0x91: {  	s18 =	sld [smem:$0x3FFB];
	_ =	sdelay $0x3  }
0x92: {  	_ =	strace s18  }
0x93: {  	s3 =	sld [smem:$0x3FFC];
	_ =	sdelay $0x3  }
0x94: {  	_ =	strace s3  }
0x95: {  	s3 =	sld [smem:$0x3FFD];
	_ =	sdelay $0x3  }
0x96: {  	_ =	strace s3  }
0x97: {  	_ =	strace $0x8FFFFFFF  }
0x98: {  	s19 =	sld [smem:$0x3FDB];
	_ =	sdelay $0x1  }
0x99: {  	s4 =	simm.s32 $_scs_section_size  }
0x9a: {  	s5 =	simm.s32 $_size__tile_overlayer_lowered;
	s6 =	simm.s32 $_tile_overlayer_lowered  }
0x9b: {  	s22 =	simm.s32 $0x1BFF;
	s21 =	sshll.u32 s6, $0x1;
	s3 =	sadd.s32 s4, s19  }
0x9c: {  	s7 =	simm.s32 $0x0;
	s20 =	sshll.u32 s5, $0x1;
	s5 =	sadd.s32 s21, s3  }
0x9d: {  	[timem:s7], [sflag:s22] =	dma.local [hbm:s5], s20  }
0x9e: {  	_ =	swait.ge [sflag:s22], s20  }
0x9f: {  	s4 =	ssub.s32 $0x0, s20;
	[sflag:s22] =	ssyncset.done $0x0  }
0xa0: {  	[sflag:s22] =	ssyncadd.s32 s4;
	_ =	sdelay $0x1  }
0xa1: {  	s23 =	simm.s32 $0x1B8B  }
0xa2: {  	_ =	swait.ge [sflag:s23], $0x1  }
0xa3: {  	[sflag:s23] =	ssyncset.done $0x0  }
0xa4: {  	s25 =	simm.s32 $0x1B8E;
	s24 =	sld [smem:$0x3FFE];
	[sflag:s23] =	ssyncadd.s32 $0xFFFFFFFF  }
0xa5: {  	s26 =	simm.s32 $execute0_lowered;
	[smem:$0x3FD2] =	sst s25  }
0xa6: {  	s5 =	sshll.u32 s26, $0x1;
	_ =	strace $0x80000046;
	[dreg:$0x1] =	wrdreg $0xFFFFFFFF  }
0xa7: {  	s28 =	simm.s32 $_size_execute0_lowered;
	s3 =	sadd.s32 s3, s5;
	[dreg:$0x0] =	wrdreg $0x0  }
0xa8: {  	s5 =	sshll.u32 s28, $0x1;
	[dreg:$0x2] =	wrdreg s3  }
0xa9: {  	[dreg:$0x3] =	wrdreg s5  }
0xaa: {  	[dreg:$0x4] =	wrdreg $0xC0  }
0xab: {  	_ =	task [dreg:s7], $0x5FFFF  }
0xac: {  	[dreg:$0x1] =	wrdreg $0xFFFFFFFF  }
0xad: {  	[dreg:$0x0] =	wrdreg $0x60  }
0xae: {  	[dreg:$0x2] =	wrdreg s24  }
0xaf: {  	[dreg:$0x3] =	wrdreg s2  }
0xb0: {  	[dreg:$0x4] =	wrdreg $0xB0000  }
0xb1: {  	[dreg:$0x5] =	wrdreg $0x9  }
0xb2: {  	_ =	task.clear_ibuf [dreg:s7], $0x6FFFF;
	_ =	strace $0x90000046  }
0xb3: {  	s29 =	simm.s32 $0x9;
	_ =	strace $0x80000048  }
0xb4: {  	_ =	swait.ge [sflag:s29], $0x1  }
0xb5: {  	[sflag:s29] =	ssyncadd.s32 $0xFFFFFFFF  }
0xb6: {  	_ =	strace $0x90000048  }
0xb7: {  	_ =	sfence  }
0xb8: {  	s30 =	sld [smem:$0x0];
	_ =	sdelay $0x2  }
0xb9: {  	s31 =	sshll.u32 s1, $0xD;
	s1 =	sshrl.u32 s1, $0x2  }
0xba: {  	s3 =	sand.u32 $0x4000, s31;
	s1 =	sadd.s32 s1, s30  }
0xbb: {  	s0 =	sor.u32 s3, s0;
	s1 =	sshll.u32 s1, $0x11  }
0xbc: {  	s0 =	sor.u32 s1, s0  }
0xbd: {  	s0 =	sadd.s32 $0x8F2B, s0  }
0xbe: {  	[sflag:s0] =	ssyncadd.remote.s32 $0x1  }
0xbf: {  	_ =	sfence.sel $0xFFFF  }
0xc0: {  	[dreg:$0x0] =	wrdreg $0xFFFFFFFF;
	(pc) =	sbr.abs _section_cstart, $3  }
0xc1: {  	[dreg:$0x1] =	wrdreg $0xFFFFFFFF  }
0xc2: {  	_ =	task.clear_ibuf [dreg:s7], $0x2FFFF;
	_ =	strace $0x9FFFFFFF  }
0xc3: {  	(tm) =	ssettm $0x7FFFFFFF  }
tec
execute0_lowered:
.L_overlay_start_1:
0x0: {  	(tag) =	ssettag $0x1  }
0x1: {  	s0 =	rddreg [dreg:$0x0]  }
0x2: {  	s1 =	rddreg [dreg:$0x1];
	s3 =	srdreg.scid  }
0x3: {  	s9 =	stileid.u32;
	s2 =	rddreg [dreg:$0x2];
	s6 =	simm.s32 $0x0  }
0x4: {  	s10 =	simm.s32 $0x11;
	s12 =	simm.s32 $0x20;
	s13 =	simm.s32 $0x7000  }
0x5: {  	s17 =	simm.s32 $0x8000;
	s30 =	simm.s32 $0x1;
	s15 =	simm.s32 $0x4  }
0x6: {  	s19 =	simm.s32 $0x5;
	s28 =	simm.s32 $0x7;
	s18 =	simm.s32 $0x4000  }
0x7: {  	s31 =	simm.s32 $0x5000;
	s29 =	simm.s32 $0x2E00;
	s16 =	simm.s32 $0x2F80  }
0x8: {  	s3 =	sand.u32 $0x1, s3;
	s5 =	smul.u32 $0x13C00, s9;
	[smem:$0x7FF] =	sst s6  }
0x9: {  	s7 =	sshll.u32 s9, $0x1;
	s21 =	smul.u32 $0x4F000, s9;
	s26 =	sshll.u32 s9, $0x6  }
0xa: {  	s4 =	smul.u32 $0x13C000, s3;
	_ =	strace $0x80000047;
	s8 =	ssub.s32 $0x2, s3  }
0xb: {  	s3 =	sor.u32 s3, s7;
	s11 =	sor.u32 $0x1C11, s26;
	s26 =	simm.s32 $0x2D80  }
0xc: {  	s22 =	sshrl.u32 s8, $0x1;
	s3 =	smul.u32 $0x500, s3;
	s7 =	sshrl.u32 s21, $0x2  }
0xd: {  	s21 =	simm.s32 $0xA000;
	[dreg:$0x8] =	wrdreg s11;
	s20 =	sadd.s32 s5, s4  }
0xe: {  	s4 =	sadd.s32 $0x1600, s0;
	s5 =	sshrl.u32 s5, $0x3;
	s23 =	sadd.s32 s7, s2  }
0xf: {  	s7 =	simm.s32 $0x2F00;
	s6 =	sshrl.u32 s20, $0x3;
	s1 =	sadd.s32 s1, s3  }
0x10: {  	s24 =	sadd.s32 s4, s5;
	s14 =	sshrl.u32 s23, $0x3;
	s20 =	simm.s32 $0x9000  }
0x11: {  	s3 =	simm.s32 $0x3;
	s23 =	simm.s32 $0x6;
	[dreg:$0x4] =	wrdreg s1  }
0x12: {  	s5 =	simm.s32 $0x0;
	s0 =	sadd.s32 s6, s0;
	[dreg:$0x5] =	wrdreg s24  }
0x13: {  	s6 =	ssub.s32 s8, s22;
	s1 =	simm.s32 $0x2;
	[dreg:$0x9] =	wrdreg s14  }
0x14: {  	s22 =	simm.s32 $0x2C80;
	s24 =	simm.s32 $0x2D00;
	s0 =	sadd.s32 $0x28E00, s0  }
0x15: {  	s25 =	smax.u32 s6, $0x1;
	s6 =	simm.s32 $0x8;
	[dreg:$0x6] =	wrdreg s0  }
0x16: {  	[dreg:$0x7] =	wrdreg s25;
	s0 =	simm.s32 $0x6000;
	s25 =	simm.s32 $0xA000  }
.LBB2_1:
0x17: {  	[dreg:$0xa] =	wrdreg s5  }
0x18: {  	s8 =	simm.s32 $0x0;
	s9 =	rddreg [dreg:$0x4]  }
0x19: {  	[tilespmem:s8], [sflag:$0x11] =	stream.linear.gather [hbm4b:s9+s8], $0x2800, $0x38;
	[tilespmem:$0x1EC00] =	vst v63  }
0x1a: {  	_ =	swait.ge [sflag:s10], $0x2800  }
0x1b: {  	[sflag:s10] =	ssyncset.done $0x0  }
0x1c: {  	s9 =	rddreg [dreg:$0x5];
	[sflag:s10] =	ssyncadd.s32 $0xFFFFD800  }
0x1d: {  	[spmem:s14], [sflag:s11] =	dma.local [hbm:s9], $0x2780  }
0x1e: {  	_ =	swait.ge [sflag:s10], $0x2780  }
0x1f: {  	[sflag:s10] =	ssyncset.done $0x0  }
0x20: {  	[sflag:s10] =	ssyncadd.s32 $0xFFFFD880  }
0x21: {  	v0 =	vld [tilespmem:$0x0];
	_ =	sdelay $0x1  }
0x22: {  	v1 =	vld [tilespmem:$0x10];
	_ =	sdelay $0x2  }
0x23: {  	v2 =	vand.u32 $0xFFFF, v0  }
0x24: {  	v0 =	vshrl.u32 v0, $0x10;
	[tilespmem:$0x2800] =	vst v2  }
0x25: {  	v27 =	vand.u32 $0xFFFF, v1;
	[tilespmem:$0x2C00] =	vst v0  }
0x26: {  	v28 =	vshrl.u32 v1, $0x10;
	[tilespmem:$0x2810] =	vst v27  }
0x27: {  	s11 =	simm.s32 $0x2800;
	s14 =	simm.s32 $0x3000;
	[tilespmem:$0x2C10] =	vst v28  }
0x28: {  	[tilespmem:s14], [sflag:$0x1] =	stream.indirect.gather [hbm4b:s4+s12], $0x80, s11, s12, $0xb8;
	[tilespmem:$0x1EC00] =	vst v63  }
0x29: {  	v29 =	vld [tilespmem:$0x20];
	_ =	sdelay $0x1  }
0x2a: {  	v30 =	vld [tilespmem:$0x30];
	_ =	sdelay $0x2  }
0x2b: {  	v31 =	vand.u32 $0xFFFF, v29  }
0x2c: {  	v0 =	vshrl.u32 v29, $0x10;
	[tilespmem:$0x2880] =	vst v31  }
0x2d: {  	v32 =	vand.u32 $0xFFFF, v30;
	[tilespmem:$0x2C80] =	vst v0  }
0x2e: {  	v33 =	vshrl.u32 v30, $0x10;
	[tilespmem:$0x2890] =	vst v32  }
0x2f: {  	s5 =	simm.s32 $0x2880;
	[tilespmem:$0x2C90] =	vst v33  }
0x30: {  	[tilespmem:s18], [sflag:$0x2] =	stream.indirect.gather [hbm4b:s4+s12], $0x80, s5, s12, $0xb8;
	[tilespmem:$0x1EC00] =	vst v63  }
0x31: {  	v34 =	vld [tilespmem:$0x40];
	_ =	sdelay $0x1  }
0x32: {  	v35 =	vld [tilespmem:$0x50];
	_ =	sdelay $0x2  }
0x33: {  	v36 =	vand.u32 $0xFFFF, v34  }
0x34: {  	v0 =	vshrl.u32 v34, $0x10;
	[tilespmem:$0x2900] =	vst v36  }
0x35: {  	v37 =	vand.u32 $0xFFFF, v35;
	[tilespmem:$0x2D00] =	vst v0  }
0x36: {  	v38 =	vshrl.u32 v35, $0x10;
	[tilespmem:$0x2910] =	vst v37  }
0x37: {  	s9 =	simm.s32 $0x2900;
	[tilespmem:$0x2D10] =	vst v38  }
0x38: {  	[tilespmem:s31], [sflag:$0x3] =	stream.indirect.gather [hbm4b:s4+s12], $0x80, s9, s12, $0xb8;
	[tilespmem:$0x1EC00] =	vst v63  }
0x39: {  	v39 =	vld [tilespmem:$0x60];
	_ =	sdelay $0x1  }
0x3a: {  	v40 =	vld [tilespmem:$0x70];
	_ =	sdelay $0x2  }
0x3b: {  	v41 =	vand.u32 $0xFFFF, v39  }
0x3c: {  	v0 =	vshrl.u32 v39, $0x10;
	[tilespmem:$0x2980] =	vst v41  }
0x3d: {  	v42 =	vand.u32 $0xFFFF, v40;
	[tilespmem:$0x2D80] =	vst v0  }
0x3e: {  	v43 =	vshrl.u32 v40, $0x10;
	[tilespmem:$0x2990] =	vst v42  }
0x3f: {  	s10 =	simm.s32 $0x2980;
	[tilespmem:$0x2D90] =	vst v43  }
0x40: {  	[tilespmem:s0], [sflag:$0x4] =	stream.indirect.gather [hbm4b:s4+s12], $0x80, s10, s12, $0xb8;
	[tilespmem:$0x1EC00] =	vst v63  }
0x41: {  	v44 =	vld [tilespmem:$0x80];
	_ =	sdelay $0x1  }
0x42: {  	v45 =	vld [tilespmem:$0x90];
	_ =	sdelay $0x2  }
0x43: {  	v46 =	vand.u32 $0xFFFF, v44  }
0x44: {  	v0 =	vshrl.u32 v44, $0x10;
	[tilespmem:$0x2A00] =	vst v46  }
0x45: {  	v47 =	vand.u32 $0xFFFF, v45;
	[tilespmem:$0x2E00] =	vst v0  }
0x46: {  	v48 =	vshrl.u32 v45, $0x10;
	[tilespmem:$0x2A10] =	vst v47  }
0x47: {  	s11 =	simm.s32 $0x2A00;
	[tilespmem:$0x2E10] =	vst v48  }
0x48: {  	[tilespmem:s13], [sflag:$0x5] =	stream.indirect.gather [hbm4b:s4+s12], $0x80, s11, s12, $0xb8;
	[tilespmem:$0x1EC00] =	vst v63  }
0x49: {  	v49 =	vld [tilespmem:$0xA0];
	_ =	sdelay $0x1  }
0x4a: {  	v50 =	vld [tilespmem:$0xB0];
	_ =	sdelay $0x2  }
0x4b: {  	v51 =	vand.u32 $0xFFFF, v49  }
0x4c: {  	v0 =	vshrl.u32 v49, $0x10;
	[tilespmem:$0x2A80] =	vst v51  }
0x4d: {  	v52 =	vand.u32 $0xFFFF, v50;
	[tilespmem:$0x2E80] =	vst v0  }
0x4e: {  	v53 =	vshrl.u32 v50, $0x10;
	[tilespmem:$0x2A90] =	vst v52  }
0x4f: {  	s14 =	simm.s32 $0x2A80;
	[tilespmem:$0x2E90] =	vst v53  }
0x50: {  	[tilespmem:s17], [sflag:$0x6] =	stream.indirect.gather [hbm4b:s4+s12], $0x80, s14, s12, $0xb8;
	[tilespmem:$0x1EC00] =	vst v63  }
0x51: {  	v54 =	vld [tilespmem:$0xC0];
	_ =	sdelay $0x1  }
0x52: {  	v55 =	vld [tilespmem:$0xD0];
	_ =	sdelay $0x2  }
0x53: {  	v56 =	vand.u32 $0xFFFF, v54  }
0x54: {  	v0 =	vshrl.u32 v54, $0x10;
	[tilespmem:$0x2B00] =	vst v56  }
0x55: {  	v57 =	vand.u32 $0xFFFF, v55;
	[tilespmem:$0x2F00] =	vst v0  }
0x56: {  	v58 =	vshrl.u32 v55, $0x10;
	[tilespmem:$0x2B10] =	vst v57  }
0x57: {  	s17 =	simm.s32 $0x2B00;
	[tilespmem:$0x2F10] =	vst v58  }
0x58: {  	[tilespmem:s20], [sflag:$0x7] =	stream.indirect.gather [hbm4b:s4+s12], $0x80, s17, s12, $0xb8;
	[tilespmem:$0x1EC00] =	vst v63  }
0x59: {  	v59 =	vld [tilespmem:$0xE0];
	_ =	sdelay $0x1  }
0x5a: {  	v60 =	vld [tilespmem:$0xF0];
	_ =	sdelay $0x2  }
0x5b: {  	v61 =	vand.u32 $0xFFFF, v59  }
0x5c: {  	v0 =	vshrl.u32 v59, $0x10;
	[tilespmem:$0x2B80] =	vst v61  }
0x5d: {  	v62 =	vand.u32 $0xFFFF, v60;
	[tilespmem:$0x2F80] =	vst v0  }
0x5e: {  	s5 =	simm.s32 $0x2E80;
	s10 =	simm.s32 $0x0;
	s0 =	simm.s32 $0x6000;
	v63 =	vshrl.u32 v60, $0x10;
	[tilespmem:$0x2B90] =	vst v62  }
0x5f: {  	s13 =	simm.s32 $0x7000;
	s20 =	simm.s32 $0x2B80;
	s17 =	simm.s32 $0x8000;
	[tilespmem:$0x2F90] =	vst v63  }
0x60: {  	[tilespmem:s21], [sflag:$0x8] =	stream.indirect.gather [hbm4b:s4+s12], $0x80, s20, s12, $0xb8;
	[tilespmem:$0x1EC00] =	vst v63  }
0x61: {  	s21 =	simm.s32 $0x9000;
	s20 =	simm.s32 $0x2C00;
	[bflag:$0x0] =	sbarrier.arrive $0xFFFF  }
.LBB2_2:
0x62: {  	_ =	swait.ge [sflag:s30], $0x1000  }
0x63: {  	[sflag:s30] =	ssyncset.done $0x0  }
0x64: {  	s8 =	simm.s32 $0x3000;
	[sflag:s30] =	ssyncadd.s32 $0xFFFFF000  }
0x65: {  	[spmem:s2] =	stream.indirect.scatter.add.f32 [tilespmem:s8], [sflag:$0x9], $0x80, s20, s12, $0xb8;
	[tilespmem:$0x1EC00] =	vst v63  }
0x66: {  	_ =	swait.ge [sflag:s1], $0x1000  }
0x67: {  	[sflag:s1] =	ssyncset.done $0x0  }
0x68: {  	[sflag:s1] =	ssyncadd.s32 $0xFFFFF000  }
0x69: {  	[spmem:s2] =	stream.indirect.scatter.add.f32 [tilespmem:s18], [sflag:$0xA], $0x80, s22, s12, $0xb8;
	[tilespmem:$0x1EC00] =	vst v63  }
0x6a: {  	_ =	swait.ge [sflag:s3], $0x1000  }
0x6b: {  	[sflag:s3] =	ssyncset.done $0x0  }
0x6c: {  	[sflag:s3] =	ssyncadd.s32 $0xFFFFF000  }
0x6d: {  	[spmem:s2] =	stream.indirect.scatter.add.f32 [tilespmem:s31], [sflag:$0xB], $0x80, s24, s12, $0xb8;
	[tilespmem:$0x1EC00] =	vst v63  }
0x6e: {  	_ =	swait.ge [sflag:s15], $0x1000  }
0x6f: {  	[sflag:s15] =	ssyncset.done $0x0  }
0x70: {  	[sflag:s15] =	ssyncadd.s32 $0xFFFFF000  }
0x71: {  	[spmem:s2] =	stream.indirect.scatter.add.f32 [tilespmem:s0], [sflag:$0xC], $0x80, s26, s12, $0xb8;
	[tilespmem:$0x1EC00] =	vst v63  }
0x72: {  	_ =	swait.ge [sflag:s19], $0x1000  }
0x73: {  	[sflag:s19] =	ssyncset.done $0x0  }
0x74: {  	[sflag:s19] =	ssyncadd.s32 $0xFFFFF000  }
0x75: {  	[spmem:s2] =	stream.indirect.scatter.add.f32 [tilespmem:s13], [sflag:$0xD], $0x80, s29, s12, $0xb8;
	[tilespmem:$0x1EC00] =	vst v63  }
0x76: {  	_ =	swait.ge [sflag:s23], $0x1000  }
0x77: {  	[sflag:s23] =	ssyncset.done $0x0  }
0x78: {  	[sflag:s23] =	ssyncadd.s32 $0xFFFFF000  }
0x79: {  	[spmem:s2] =	stream.indirect.scatter.add.f32 [tilespmem:s17], [sflag:$0xE], $0x80, s5, s12, $0xb8;
	[tilespmem:$0x1EC00] =	vst v63  }
0x7a: {  	_ =	swait.ge [sflag:s28], $0x1000  }
0x7b: {  	[sflag:s28] =	ssyncset.done $0x0  }
0x7c: {  	[sflag:s28] =	ssyncadd.s32 $0xFFFFF000  }
0x7d: {  	[spmem:s2] =	stream.indirect.scatter.add.f32 [tilespmem:s21], [sflag:$0xF], $0x80, s7, s12, $0xb8;
	[tilespmem:$0x1EC00] =	vst v63  }
0x7e: {  	_ =	swait.ge [sflag:s6], $0x1000  }
0x7f: {  	p0 =	seq.s32 s10, $0x9C00;
	[sflag:s6] =	ssyncset.done $0x0  }
0x80: {  	s9 =	simm.s32 @!p0 $0x9;
	[sflag:s6] =	ssyncadd.s32 $0xFFFFF000  }
0x81: {  	[spmem:s2] =	stream.indirect.scatter.add.f32 [tilespmem:s25], [sflag:$0x10], $0x80, s16, s12, $0xb8;
	[tilespmem:$0x1EC00] =	vst v63  }
0x82: {  	_ =	swait.ge @!p0 [sflag:s9], $0x1000  }
0x83: {  	[sflag:s9] =	ssyncset.done @!p0 $0x0  }
0x84: {  	s11 =	sshra.s32 @!p0 s10, $0x2;
	[sflag:s9] =	ssyncadd.s32 @!p0 $0xFFFFF000  }
0x85: {  	v0 =	vld @!p0 [tilespmem:s11+$0x100];
	_ =	sdelay $0x4  }
0x86: {  	v1 =	vand.u32 @!p0 $0xFFFF, v0  }
0x87: {  	v0 =	vshrl.u32 @!p0 v0, $0x10;
	[tilespmem:$0x2800] =	vst @!p0 v1  }
0x88: {  	[tilespmem:$0x2C00] =	vst @!p0 v0  }
0x89: {  	v0 =	vld @!p0 [tilespmem:s11+$0x110];
	_ =	sdelay $0x4  }
0x8a: {  	v1 =	vand.u32 @!p0 $0xFFFF, v0  }
0x8b: {  	v0 =	vshrl.u32 @!p0 v0, $0x10;
	[tilespmem:$0x2810] =	vst @!p0 v1  }
0x8c: {  	s14 =	simm.s32 @!p0 $0x3000;
	s8 =	simm.s32 @!p0 $0x2800;
	s9 =	simm.s32 @!p0 $0x20;
	[tilespmem:$0x2C10] =	vst @!p0 v0  }
0x8d: {  	[tilespmem:s14], [sflag:$0x1] =	stream.indirect.gather @!p0 [hbm4b:s4+s9], $0x80, s8, s9, $0xb8;
	[tilespmem:$0x1EC00] =	vst v63  }
0x8e: {  	s8 =	simm.s32 @!p0 $0xA  }
0x8f: {  	_ =	swait.ge @!p0 [sflag:s8], $0x1000  }
0x90: {  	[sflag:s8] =	ssyncset.done @!p0 $0x0  }
0x91: {  	[sflag:s8] =	ssyncadd.s32 @!p0 $0xFFFFF000  }
0x92: {  	v0 =	vld @!p0 [tilespmem:s11+$0x120];
	_ =	sdelay $0x4  }
0x93: {  	v1 =	vand.u32 @!p0 $0xFFFF, v0  }
0x94: {  	v0 =	vshrl.u32 @!p0 v0, $0x10;
	[tilespmem:$0x2880] =	vst @!p0 v1  }
0x95: {  	[tilespmem:$0x2C80] =	vst @!p0 v0  }
0x96: {  	v0 =	vld @!p0 [tilespmem:s11+$0x130];
	_ =	sdelay $0x4  }
0x97: {  	v1 =	vand.u32 @!p0 $0xFFFF, v0  }
0x98: {  	v0 =	vshrl.u32 @!p0 v0, $0x10;
	[tilespmem:$0x2890] =	vst @!p0 v1  }
0x99: {  	s14 =	simm.s32 @!p0 $0x4000;
	s8 =	simm.s32 @!p0 $0x2880;
	[tilespmem:$0x2C90] =	vst @!p0 v0  }
0x9a: {  	[tilespmem:s14], [sflag:$0x2] =	stream.indirect.gather @!p0 [hbm4b:s4+s9], $0x80, s8, s9, $0xb8;
	[tilespmem:$0x1EC00] =	vst v63  }
0x9b: {  	s8 =	simm.s32 @!p0 $0xB  }
0x9c: {  	_ =	swait.ge @!p0 [sflag:s8], $0x1000  }
0x9d: {  	[sflag:s8] =	ssyncset.done @!p0 $0x0  }
0x9e: {  	[sflag:s8] =	ssyncadd.s32 @!p0 $0xFFFFF000  }
0x9f: {  	v0 =	vld @!p0 [tilespmem:s11+$0x140];
	_ =	sdelay $0x4  }
0xa0: {  	v1 =	vand.u32 @!p0 $0xFFFF, v0  }
0xa1: {  	v0 =	vshrl.u32 @!p0 v0, $0x10;
	[tilespmem:$0x2900] =	vst @!p0 v1  }
0xa2: {  	[tilespmem:$0x2D00] =	vst @!p0 v0  }
0xa3: {  	v0 =	vld @!p0 [tilespmem:s11+$0x150];
	_ =	sdelay $0x4  }
0xa4: {  	v1 =	vand.u32 @!p0 $0xFFFF, v0  }
0xa5: {  	v0 =	vshrl.u32 @!p0 v0, $0x10;
	[tilespmem:$0x2910] =	vst @!p0 v1  }
0xa6: {  	s14 =	simm.s32 @!p0 $0x5000;
	s8 =	simm.s32 @!p0 $0x2900;
	[tilespmem:$0x2D10] =	vst @!p0 v0  }
0xa7: {  	[tilespmem:s14], [sflag:$0x3] =	stream.indirect.gather @!p0 [hbm4b:s4+s9], $0x80, s8, s9, $0xb8;
	[tilespmem:$0x1EC00] =	vst v63  }
0xa8: {  	s8 =	simm.s32 @!p0 $0xC  }
0xa9: {  	_ =	swait.ge @!p0 [sflag:s8], $0x1000  }
0xaa: {  	[sflag:s8] =	ssyncset.done @!p0 $0x0  }
0xab: {  	[sflag:s8] =	ssyncadd.s32 @!p0 $0xFFFFF000  }
0xac: {  	v0 =	vld @!p0 [tilespmem:s11+$0x160];
	_ =	sdelay $0x4  }
0xad: {  	v1 =	vand.u32 @!p0 $0xFFFF, v0  }
0xae: {  	v0 =	vshrl.u32 @!p0 v0, $0x10;
	[tilespmem:$0x2980] =	vst @!p0 v1  }
0xaf: {  	[tilespmem:$0x2D80] =	vst @!p0 v0  }
0xb0: {  	v0 =	vld @!p0 [tilespmem:s11+$0x170];
	_ =	sdelay $0x4  }
0xb1: {  	v1 =	vand.u32 @!p0 $0xFFFF, v0  }
0xb2: {  	v0 =	vshrl.u32 @!p0 v0, $0x10;
	[tilespmem:$0x2990] =	vst @!p0 v1  }
0xb3: {  	s14 =	simm.s32 @!p0 $0x6000;
	s8 =	simm.s32 @!p0 $0x2980;
	[tilespmem:$0x2D90] =	vst @!p0 v0  }
0xb4: {  	[tilespmem:s14], [sflag:$0x4] =	stream.indirect.gather @!p0 [hbm4b:s4+s9], $0x80, s8, s9, $0xb8;
	[tilespmem:$0x1EC00] =	vst v63  }
0xb5: {  	s8 =	simm.s32 @!p0 $0xD  }
0xb6: {  	_ =	swait.ge @!p0 [sflag:s8], $0x1000  }
0xb7: {  	[sflag:s8] =	ssyncset.done @!p0 $0x0  }
0xb8: {  	[sflag:s8] =	ssyncadd.s32 @!p0 $0xFFFFF000  }
0xb9: {  	v0 =	vld @!p0 [tilespmem:s11+$0x180];
	_ =	sdelay $0x4  }
0xba: {  	v1 =	vand.u32 @!p0 $0xFFFF, v0  }
0xbb: {  	v0 =	vshrl.u32 @!p0 v0, $0x10;
	[tilespmem:$0x2A00] =	vst @!p0 v1  }
0xbc: {  	[tilespmem:$0x2E00] =	vst @!p0 v0  }
0xbd: {  	v0 =	vld @!p0 [tilespmem:s11+$0x190];
	_ =	sdelay $0x4  }
0xbe: {  	v1 =	vand.u32 @!p0 $0xFFFF, v0  }
0xbf: {  	v0 =	vshrl.u32 @!p0 v0, $0x10;
	[tilespmem:$0x2A10] =	vst @!p0 v1  }
0xc0: {  	s14 =	simm.s32 @!p0 $0x7000;
	s8 =	simm.s32 @!p0 $0x2A00;
	[tilespmem:$0x2E10] =	vst @!p0 v0  }
0xc1: {  	[tilespmem:s14], [sflag:$0x5] =	stream.indirect.gather @!p0 [hbm4b:s4+s9], $0x80, s8, s9, $0xb8;
	[tilespmem:$0x1EC00] =	vst v63  }
0xc2: {  	s8 =	simm.s32 @!p0 $0xE  }
0xc3: {  	_ =	swait.ge @!p0 [sflag:s8], $0x1000  }
0xc4: {  	[sflag:s8] =	ssyncset.done @!p0 $0x0  }
0xc5: {  	[sflag:s8] =	ssyncadd.s32 @!p0 $0xFFFFF000  }
0xc6: {  	v0 =	vld @!p0 [tilespmem:s11+$0x1A0];
	_ =	sdelay $0x4  }
0xc7: {  	v1 =	vand.u32 @!p0 $0xFFFF, v0  }
0xc8: {  	v0 =	vshrl.u32 @!p0 v0, $0x10;
	[tilespmem:$0x2A80] =	vst @!p0 v1  }
0xc9: {  	[tilespmem:$0x2E80] =	vst @!p0 v0  }
0xca: {  	v0 =	vld @!p0 [tilespmem:s11+$0x1B0];
	_ =	sdelay $0x4  }
0xcb: {  	v1 =	vand.u32 @!p0 $0xFFFF, v0  }
0xcc: {  	v0 =	vshrl.u32 @!p0 v0, $0x10;
	[tilespmem:$0x2A90] =	vst @!p0 v1  }
0xcd: {  	s14 =	simm.s32 @!p0 $0x8000;
	s8 =	simm.s32 @!p0 $0x2A80;
	[tilespmem:$0x2E90] =	vst @!p0 v0  }
0xce: {  	[tilespmem:s14], [sflag:$0x6] =	stream.indirect.gather @!p0 [hbm4b:s4+s9], $0x80, s8, s9, $0xb8;
	[tilespmem:$0x1EC00] =	vst v63  }
0xcf: {  	s8 =	simm.s32 @!p0 $0xF  }
0xd0: {  	_ =	swait.ge @!p0 [sflag:s8], $0x1000  }
0xd1: {  	[sflag:s8] =	ssyncset.done @!p0 $0x0  }
0xd2: {  	[sflag:s8] =	ssyncadd.s32 @!p0 $0xFFFFF000  }
0xd3: {  	v0 =	vld @!p0 [tilespmem:s11+$0x1C0];
	_ =	sdelay $0x4  }
0xd4: {  	v1 =	vand.u32 @!p0 $0xFFFF, v0  }
0xd5: {  	v0 =	vshrl.u32 @!p0 v0, $0x10;
	[tilespmem:$0x2B00] =	vst @!p0 v1  }
0xd6: {  	[tilespmem:$0x2F00] =	vst @!p0 v0  }
0xd7: {  	v0 =	vld @!p0 [tilespmem:s11+$0x1D0];
	_ =	sdelay $0x4  }
0xd8: {  	v1 =	vand.u32 @!p0 $0xFFFF, v0  }
0xd9: {  	v0 =	vshrl.u32 @!p0 v0, $0x10;
	[tilespmem:$0x2B10] =	vst @!p0 v1  }
0xda: {  	s14 =	simm.s32 @!p0 $0x9000;
	s8 =	simm.s32 @!p0 $0x2B00;
	[tilespmem:$0x2F10] =	vst @!p0 v0  }
0xdb: {  	[tilespmem:s14], [sflag:$0x7] =	stream.indirect.gather @!p0 [hbm4b:s4+s9], $0x80, s8, s9, $0xb8;
	[tilespmem:$0x1EC00] =	vst v63  }
0xdc: {  	s8 =	simm.s32 @!p0 $0x10  }
0xdd: {  	_ =	swait.ge @!p0 [sflag:s8], $0x1000  }
0xde: {  	[sflag:s8] =	ssyncset.done @!p0 $0x0  }
0xdf: {  	[sflag:s8] =	ssyncadd.s32 @!p0 $0xFFFFF000  }
0xe0: {  	v0 =	vld @!p0 [tilespmem:s11+$0x1E0];
	_ =	sdelay $0x4  }
0xe1: {  	v1 =	vand.u32 @!p0 $0xFFFF, v0  }
0xe2: {  	v0 =	vshrl.u32 @!p0 v0, $0x10;
	[tilespmem:$0x2B80] =	vst @!p0 v1  }
0xe3: {  	[tilespmem:$0x2F80] =	vst @!p0 v0  }
0xe4: {  	v0 =	vld @!p0 [tilespmem:s11+$0x1F0];
	_ =	sdelay $0x4  }
0xe5: {  	v1 =	vand.u32 @!p0 $0xFFFF, v0  }
0xe6: {  	s10 =	sadd.s32 @!p0 $0x400, s10;
	v0 =	vshrl.u32 @!p0 v0, $0x10;
	[tilespmem:$0x2B90] =	vst @!p0 v1  }
0xe7: {  	p1 =	sne.s32 @!p0 s10, $0xA000;
	s8 =	simm.s32 @!p0 $0x2B80;
	s11 =	simm.s32 @!p0 $0xA000;
	[tilespmem:$0x2F90] =	vst @!p0 v0  }
0xe8: {  	[tilespmem:s11], [sflag:$0x8] =	stream.indirect.gather @!p0 [hbm4b:s4+s9], $0x80, s8, s9, $0xb8;
	[tilespmem:$0x1EC00] =	vst v63  }
0xe9: {  	p0 =	por p0, !p1  }
.Ltmp0:
0xea: {  	_ = 	snop;
	(pc) =	sbr.rel @!p0 .LBB2_2-.Ltmp0, $1  }
0xeb: {  	_ =	sdelay $0x3  }
0xec: {  	s0 =	simm.s32 $0x9  }
0xed: {  	_ =	swait.ge [sflag:s0], $0x1000  }
0xee: {  	[sflag:s0] =	ssyncset.done $0x0  }
0xef: {  	s9 =	simm.s32 $0xA;
	[sflag:s0] =	ssyncadd.s32 $0xFFFFF000  }
0xf0: {  	_ =	swait.ge [sflag:s9], $0x1000  }
0xf1: {  	[sflag:s9] =	ssyncset.done $0x0  }
0xf2: {  	s10 =	simm.s32 $0xB;
	[sflag:s9] =	ssyncadd.s32 $0xFFFFF000  }
0xf3: {  	_ =	swait.ge [sflag:s10], $0x1000  }
0xf4: {  	[sflag:s10] =	ssyncset.done $0x0  }
0xf5: {  	s11 =	simm.s32 $0xC;
	[sflag:s10] =	ssyncadd.s32 $0xFFFFF000  }
0xf6: {  	_ =	swait.ge [sflag:s11], $0x1000  }
0xf7: {  	[sflag:s11] =	ssyncset.done $0x0  }
0xf8: {  	s13 =	simm.s32 $0xD;
	[sflag:s11] =	ssyncadd.s32 $0xFFFFF000  }
0xf9: {  	_ =	swait.ge [sflag:s13], $0x1000  }
0xfa: {  	[sflag:s13] =	ssyncset.done $0x0  }
0xfb: {  	s14 =	simm.s32 $0xE;
	[sflag:s13] =	ssyncadd.s32 $0xFFFFF000  }
0xfc: {  	_ =	swait.ge [sflag:s14], $0x1000  }
0xfd: {  	[sflag:s14] =	ssyncset.done $0x0  }
0xfe: {  	s17 =	simm.s32 $0xF;
	[sflag:s14] =	ssyncadd.s32 $0xFFFFF000  }
0xff: {  	_ =	swait.ge [sflag:s17], $0x1000  }
0x100: {  	[sflag:s17] =	ssyncset.done $0x0  }
0x101: {  	s20 =	simm.s32 $0x10;
	[sflag:s17] =	ssyncadd.s32 $0xFFFFF000  }
0x102: {  	_ =	swait.ge [sflag:s20], $0x1000  }
0x103: {  	[sflag:s20] =	ssyncset.done $0x0  }
0x104: {  	[sflag:s20] =	ssyncadd.s32 $0xFFFFF000  }
0x105: {  	[bflag:$0x0] =	sbarrier.arrive $0xFFFF  }
0x106: {  	s8 =	rddreg [dreg:$0x6]  }
0x107: {  	s11 =	rddreg [dreg:$0x8]  }
0x108: {  	s10 =	simm.s32 $0x11;
	s14 =	rddreg [dreg:$0x9]  }
0x109: {  	[hbm:s8], [sflag:s11] =	dma.local [spmem:s14], $0x2780  }
0x10a: {  	_ =	swait.ge [sflag:s10], $0x2780  }
0x10b: {  	s5 =	rddreg [dreg:$0xa]  }
0x10c: {  	s21 =	rddreg [dreg:$0x7];
	s5 =	sadd.s32 $0x1, s5  }
0x10d: {  	p0 =	sne.s32 s5, s21  }
.Ltmp1:
0x10e: {  	_ = 	snop;
	(pc) =	sbr.rel @p0 .LBB2_1-.Ltmp1, $4  }
0x10f: {  	_ = 	snop  }
0x110: {  	s0 =	simm.s32 $0x6000  }
0x111: {  	s13 =	simm.s32 $0x7000;
	s17 =	simm.s32 $0x8000;
	[sflag:s10] =	ssyncset.done $0x0  }
0x112: {  	s20 =	simm.s32 $0x9000;
	[sflag:s10] =	ssyncadd.s32 $0xFFFFD880;
	s21 =	simm.s32 $0xA000  }
0x113: {  	_ =	sfence.sel $0x180000  }
0x114: {  	[bflag:$0x0] =	sbarrier.arrive $0xFFFF  }
0x115: {  	_ =	strace $0x90000047  }
0x116: {  	s0 =	stileid.u32;
	[bflag:$0x2] =	sbarrier.arrive $0xFFFF  }
0x117: {  	p0 =	sne.s32 s0, $0x0;
	s0 =	rddreg [dreg:$0x3]  }
0x118: {  	s0 =	sadd.s32 @!p0 $0x100000, s0  }
0x119: {  	[sflag:s0] =	ssyncadd.tile.s32 @!p0 $0x1;
	_ =	shalt  }
.Lfunc_end2:
_tile_overlayer_lowered:
.L_overlay_start_2:
0x11a: {  	(tag) =	ssettag $0x2  }
0x11b: {  	s0 =	rddreg [dreg:$0x0];
	s2 =	stileid.u32  }
0x11c: {  	s1 =	rddreg [dreg:$0x1];
	p0 =	sne.s32 s2, $0x0  }
0x11d: {  	s3 =	rddreg [dreg:$0x2];
	[bflag:$0x3] =	sbarrier.arrive $0xFFFF;
	s2 =	simm.s32 @!p0 $0x1C11  }
0x11e: {  	[timem:s3], [sflag:s2] =	dma.local @!p0 [hbm:s0], s1  }
0x11f: {  	s0 =	simm.s32 @!p0 $0x11  }
0x120: {  	_ =	swait.ge @!p0 [sflag:s0], s1  }
0x121: {  	s1 =	ssub.s32 @!p0 $0x0, s1;
	[sflag:s0] =	ssyncset.done @!p0 $0x0  }
0x122: {  	[sflag:s0] =	ssyncadd.s32 @!p0 s1  }
0x123: {  	[bflag:$0x3] =	sbarrier.arrive $0xFFFF  }
0x124: {  	_ =	shalt  }

// kernel: kernel.9.cloned.1.call-start
scs
__scs_entry_jumppad:
0x0: {  	(pc) =	sbr.rel $0x88, $3  }
0x1: {  	(tag) =	ssettag $0x0;
	lr =	simm.s32 $0x1  }
0x2: {  	[smem:$0x3F97] =	sst lr;
	_ =	strace $0xD0000000  }
0x3: {  	_ = 	snop  }
0x4: {  	_ = 	snop  }
0x5: {  	_ = 	snop  }
0x6: {  	_ = 	snop  }
0x7: {  	_ = 	snop  }
__scs_overlays_trampoline_lowered:
0x8: {  	[smem:$0x3FA6] =	sst s0  }
0x9: {  	[smem:$0x3FA7] =	sst s1  }
0xa: {  	[smem:$0x3FA8] =	sst s2  }
0xb: {  	[smem:$0x3FA9] =	sst s3  }
0xc: {  	[smem:$0x3FAA] =	sst s4  }
0xd: {  	[smem:$0x3FAB] =	sst s5  }
0xe: {  	[smem:$0x3FAC] =	sst s6  }
0xf: {  	[smem:$0x3FAD] =	sst s7  }
0x10: {  	[smem:$0x3FAE] =	sst s8  }
0x11: {  	[smem:$0x3FAF] =	sst s9;
	s0 =	simm.s32 @!p0 $0x0  }
0x12: {  	s1 =	sld [smem:$0x3F95];
	s0 =	simm.s32 @p0 $0x1  }
0x13: {  	[smem:$0x3FB0] =	sst s0;
	s0 =	simm.s32 @!p1 $0x0  }
0x14: {  	s2 =	sld [smem:$0x3F94];
	s0 =	simm.s32 @p1 $0x1  }
0x15: {  	[smem:$0x3FB1] =	sst s0;
	s0 =	simm.s32 @!p2 $0x0  }
0x16: {  	s3 =	sld [smem:$0x3FDB];
	s0 =	simm.s32 @p2 $0x1  }
0x17: {  	s4 =	simm.s32 $0x1BF5;
	[smem:$0x3FB3] =	sst s0  }
0x18: {  	s0 =	sld [smem:$0x3F96];
	_ =	swait.ge [sflag:s4], $0x0  }
0x19: {  	s7 =	sld [smem:$0x3F97]  }
0x1a: {  	s8 =	sadd.s32 $0xFFFFE003, lr  }
0x1b: {  	s9 =	sadd.s32 $0xFFFFFEF7, lr;
	s5 =	simm.s32 $0xFFFFFFFF;
	p2 =	slt.u32 s8, $0xFFFFF086  }
0x1c: {  	p1 =	slt.u32 s9, $0xF7A;
	s5 =	simm.s32 @!p2 $0x0  }
0x1d: {  	s5 =	simm.s32 @p1 $0x1;
	p0 =	seq.s32 s7, s2  }
0x1e: {  	s7 =	smul.u32 @!p0 $0xF7A, s2;
	p2 =	seq.s32 @!p0 s5, $0x0  }
0x1f: {  	s9 =	smul.u32 $0xF7A, s1;
	s8 =	simm.s32 @!p0 $0x1BF5;
	p2 =	por !p2, p0  }
0x20: {  	[sflag:s8] =	ssyncset.s32 @!p0 $0xFFFFF086;
	s6 =	sadd.s32 @!p0 s3, s7;
	s7 =	simm.s32 @!p0 $0x108  }
0x21: {  	s3 =	sadd.s32 s3, s9;
	s6 =	sadd.s32 @!p0 $0x88, s6;
	s7 =	simm.s32 @p2 $0x1082  }
0x22: {  	[simem:s7], [sflag:s8] =	dma.local @!p0 [hbm:s6], $0xF7A  }
0x23: {  	s9 =	sor.u32 $0xD0000000, s2;
	s6 =	simm.s32 $0x108;
	_ =	swait.ge @!p0 [sflag:s8], $0x0  }
0x24: {  	s3 =	sadd.s32 $0x88, s3;
	s6 =	simm.s32 @!p1 $0x1082;
	[sflag:s4] =	ssyncset.s32 $0xFFFFF086  }
0x25: {  	[simem:s6], [sflag:s4] =	dma.local [hbm:s3], $0xF7A  }
0x26: {  	[smem:$0x3F97] =	sst s1;
	(tag) =	ssettag s2;
	_ =	strace s9  }
0x27: {  	s1 =	sld [smem:$0x3FA7]  }
0x28: {  	s2 =	sld [smem:$0x3FA8]  }
0x29: {  	s4 =	sld [smem:$0x3FAA]  }
0x2a: {  	p0 =	seq.s32 s5, $0x0;
	s5 =	sld [smem:$0x3FAB]  }
0x2b: {  	s6 =	sld [smem:$0x3FAC]  }
0x2c: {  	s7 =	sld [smem:$0x3FAD]  }
0x2d: {  	s3 =	simm.s32 $0x108;
	s8 =	sld [smem:$0x3FAE]  }
0x2e: {  	s3 =	simm.s32 @!p0 $0x1082;
	s9 =	sld [smem:$0x3FAF]  }
0x2f: {  	lr =	sadd.s32 s0, s3;
	s0 =	sld [smem:$0x3FA6]  }
0x30: {  	s3 =	sld [smem:$0x3FA9]  }
0x31: {  	[smem:$0x3FB2] =	sst s10  }
0x32: {  	s10 =	sld [smem:$0x3FB0];
	_ =	sdelay $0x3  }
0x33: {  	p0 =	seq.s32 s10, $0x1;
	s10 =	sld [smem:$0x3FB2];
	_ =	sdelay $0x3  }
0x34: {  	[smem:$0x3FB2] =	sst s10  }
0x35: {  	s10 =	sld [smem:$0x3FB1];
	_ =	sdelay $0x3  }
0x36: {  	p1 =	seq.s32 s10, $0x1;
	s10 =	sld [smem:$0x3FB2];
	_ =	sdelay $0x3  }
0x37: {  	[smem:$0x3FB2] =	sst s10  }
0x38: {  	s10 =	sld [smem:$0x3FB3]  }
0x39: {  	_ = 	snop;
	(pc) =	sbr.ind lr, $3  }
0x3a: {  	_ = 	snop  }
0x3b: {  	_ = 	snop  }
0x3c: {  	p2 =	seq.s32 s10, $0x1;
	s10 =	sld [smem:$0x3FB2]  }
0x3d: {  	_ =	shalt  }
0x3e: {  	_ =	shalt  }
0x3f: {  	_ =	shalt  }
0x40: {  	_ =	shalt  }
0x41: {  	_ =	shalt  }
0x42: {  	_ =	shalt  }
0x43: {  	_ =	shalt  }
0x44: {  	_ =	shalt  }
0x45: {  	_ =	shalt  }
0x46: {  	_ =	shalt  }
0x47: {  	_ =	shalt  }
0x48: {  	_ =	shalt  }
0x49: {  	_ =	shalt  }
0x4a: {  	_ =	shalt  }
0x4b: {  	_ =	shalt  }
0x4c: {  	_ =	shalt  }
0x4d: {  	_ =	shalt  }
0x4e: {  	_ =	shalt  }
0x4f: {  	_ =	shalt  }
0x50: {  	_ =	shalt  }
0x51: {  	_ =	shalt  }
0x52: {  	_ =	shalt  }
0x53: {  	_ =	shalt  }
0x54: {  	_ =	shalt  }
0x55: {  	_ =	shalt  }
0x56: {  	_ =	shalt  }
0x57: {  	_ =	shalt  }
0x58: {  	_ =	shalt  }
0x59: {  	_ =	shalt  }
0x5a: {  	_ =	shalt  }
0x5b: {  	_ =	shalt  }
0x5c: {  	_ =	shalt  }
0x5d: {  	_ =	shalt  }
0x5e: {  	_ =	shalt  }
0x5f: {  	_ =	shalt  }
0x60: {  	_ =	shalt  }
0x61: {  	_ =	shalt  }
0x62: {  	_ =	shalt  }
0x63: {  	_ =	shalt  }
0x64: {  	_ =	shalt  }
0x65: {  	_ =	shalt  }
0x66: {  	_ =	shalt  }
0x67: {  	_ =	shalt  }
0x68: {  	_ =	shalt  }
0x69: {  	_ =	shalt  }
0x6a: {  	_ =	shalt  }
0x6b: {  	_ =	shalt  }
0x6c: {  	_ =	shalt  }
0x6d: {  	_ =	shalt  }
0x6e: {  	_ =	shalt  }
0x6f: {  	_ =	shalt  }
0x70: {  	_ =	shalt  }
0x71: {  	_ =	shalt  }
0x72: {  	_ =	shalt  }
0x73: {  	_ =	shalt  }
0x74: {  	_ =	shalt  }
0x75: {  	_ =	shalt  }
0x76: {  	_ =	shalt  }
0x77: {  	_ =	shalt  }
0x78: {  	_ =	shalt  }
0x79: {  	_ =	shalt  }
0x7a: {  	_ =	shalt  }
0x7b: {  	_ =	shalt  }
0x7c: {  	_ =	shalt  }
0x7d: {  	_ =	shalt  }
0x7e: {  	_ =	shalt  }
0x7f: {  	_ =	shalt  }
0x80: {  	_ =	shalt  }
0x81: {  	_ =	shalt  }
0x82: {  	_ =	shalt  }
0x83: {  	_ =	shalt  }
0x84: {  	_ =	shalt  }
0x85: {  	_ =	shalt  }
0x86: {  	_ =	shalt  }
0x87: {  	_ =	shalt  }
.Lfunc_end0:
.L_simem_size_0:
called_computation.1_lowered:
.L_overlay_start_0:
0x88: {  	s2 =	sld [smem:$0x3FD9]  }
0x89: {  	s3 =	sld [smem:$0x3FFE];
	_ =	sdelay $0x1  }
0x8a: {  	s1 =	srdreg.scid  }
0x8b: {  	s0 =	sand.u32 $0x1, s1  }
0x8c: {  	s17 =	sshll.u32 s0, $0xA;
	s2 =	sadd.s32 s3, s2  }
0x8d: {  	s2 =	sadd.s32 s2, s17  }
0x8e: {  	[smem:$0x3FBE] =	sst s2  }
0x8f: {  	_ = 	snop  }
0x90: {  	s2 =	sld [smem:$0x3FD0];
	(tm) =	ssettm $0x1  }
0x91: {  	s18 =	sld [smem:$0x3FFB];
	_ =	sdelay $0x3  }
0x92: {  	_ =	strace s18  }
0x93: {  	s3 =	sld [smem:$0x3FFC];
	_ =	sdelay $0x3  }
0x94: {  	_ =	strace s3  }
0x95: {  	s3 =	sld [smem:$0x3FFD];
	_ =	sdelay $0x3  }
0x96: {  	_ =	strace s3  }
0x97: {  	_ =	strace $0x8FFFFFFF  }
0x98: {  	s19 =	sld [smem:$0x3FDB];
	_ =	sdelay $0x1  }
0x99: {  	s4 =	simm.s32 $_scs_section_size  }
0x9a: {  	s5 =	simm.s32 $_size__tile_overlayer_lowered;
	s6 =	simm.s32 $_tile_overlayer_lowered  }
0x9b: {  	s22 =	simm.s32 $0x1BFF;
	s21 =	sshll.u32 s6, $0x1;
	s3 =	sadd.s32 s4, s19  }
0x9c: {  	s7 =	simm.s32 $0x0;
	s20 =	sshll.u32 s5, $0x1;
	s5 =	sadd.s32 s21, s3  }
0x9d: {  	[timem:s7], [sflag:s22] =	dma.local [hbm:s5], s20  }
0x9e: {  	_ =	swait.ge [sflag:s22], s20  }
0x9f: {  	s4 =	ssub.s32 $0x0, s20;
	[sflag:s22] =	ssyncset.done $0x0  }
0xa0: {  	[sflag:s22] =	ssyncadd.s32 s4;
	_ =	sdelay $0x1  }
0xa1: {  	s23 =	simm.s32 $0x1B8B  }
0xa2: {  	_ =	swait.ge [sflag:s23], $0x1  }
0xa3: {  	[sflag:s23] =	ssyncset.done $0x0  }
0xa4: {  	s25 =	simm.s32 $0x1B8E;
	s24 =	sld [smem:$0x3FFE];
	[sflag:s23] =	ssyncadd.s32 $0xFFFFFFFF  }
0xa5: {  	s26 =	simm.s32 $execute0_lowered;
	[smem:$0x3FD2] =	sst s25  }
0xa6: {  	s5 =	sshll.u32 s26, $0x1;
	_ =	strace $0x80000049;
	[dreg:$0x1] =	wrdreg $0xFFFFFFFF  }
0xa7: {  	s28 =	simm.s32 $_size_execute0_lowered;
	s3 =	sadd.s32 s3, s5;
	[dreg:$0x0] =	wrdreg $0x0  }
0xa8: {  	s5 =	sshll.u32 s28, $0x1;
	[dreg:$0x2] =	wrdreg s3  }
0xa9: {  	[dreg:$0x3] =	wrdreg s5  }
0xaa: {  	[dreg:$0x4] =	wrdreg $0xC0  }
0xab: {  	_ =	task [dreg:s7], $0x5FFFF  }
0xac: {  	[dreg:$0x1] =	wrdreg $0xFFFFFFFF  }
0xad: {  	[dreg:$0x0] =	wrdreg $0x60  }
0xae: {  	[dreg:$0x2] =	wrdreg s24  }
0xaf: {  	[dreg:$0x3] =	wrdreg s2  }
0xb0: {  	[dreg:$0x4] =	wrdreg $0xB0000  }
0xb1: {  	[dreg:$0x5] =	wrdreg $0x9  }
0xb2: {  	_ =	task.clear_ibuf [dreg:s7], $0x6FFFF;
	_ =	strace $0x90000049  }
0xb3: {  	s29 =	simm.s32 $0x9;
	_ =	strace $0x8000004B  }
0xb4: {  	_ =	swait.ge [sflag:s29], $0x1  }
0xb5: {  	[sflag:s29] =	ssyncadd.s32 $0xFFFFFFFF  }
0xb6: {  	_ =	strace $0x9000004B  }
0xb7: {  	_ =	sfence  }
0xb8: {  	s30 =	sld [smem:$0x0];
	_ =	sdelay $0x2  }
0xb9: {  	s31 =	sshll.u32 s1, $0xD;
	s1 =	sshrl.u32 s1, $0x2  }
0xba: {  	s3 =	sand.u32 $0x4000, s31;
	s1 =	sadd.s32 s1, s30  }
0xbb: {  	s0 =	sor.u32 s3, s0;
	s1 =	sshll.u32 s1, $0x11  }
0xbc: {  	s0 =	sor.u32 s1, s0  }
0xbd: {  	s0 =	sadd.s32 $0x8F2B, s0  }
0xbe: {  	[sflag:s0] =	ssyncadd.remote.s32 $0x1  }
0xbf: {  	_ =	sfence.sel $0xFFFF  }
0xc0: {  	[dreg:$0x0] =	wrdreg $0xFFFFFFFF;
	(pc) =	sbr.abs _section_cstart, $3  }
0xc1: {  	[dreg:$0x1] =	wrdreg $0xFFFFFFFF  }
0xc2: {  	_ =	task.clear_ibuf [dreg:s7], $0x2FFFF;
	_ =	strace $0x9FFFFFFF  }
0xc3: {  	(tm) =	ssettm $0x7FFFFFFF  }
tec
execute0_lowered:
.L_overlay_start_1:
0x0: {  	(tag) =	ssettag $0x1  }
0x1: {  	s0 =	rddreg [dreg:$0x0]  }
0x2: {  	s1 =	rddreg [dreg:$0x1];
	s3 =	srdreg.scid  }
0x3: {  	s9 =	stileid.u32;
	s2 =	rddreg [dreg:$0x2];
	s6 =	simm.s32 $0x0  }
0x4: {  	s10 =	simm.s32 $0x11;
	s12 =	simm.s32 $0x20;
	s13 =	simm.s32 $0x7000  }
0x5: {  	s17 =	simm.s32 $0x8000;
	s30 =	simm.s32 $0x1;
	s15 =	simm.s32 $0x4  }
0x6: {  	s19 =	simm.s32 $0x5;
	s28 =	simm.s32 $0x7;
	s18 =	simm.s32 $0x4000  }
0x7: {  	s31 =	simm.s32 $0x5000;
	s29 =	simm.s32 $0x2E00;
	s16 =	simm.s32 $0x2F80  }
0x8: {  	s3 =	sand.u32 $0x1, s3;
	s5 =	smul.u32 $0x13C00, s9;
	[smem:$0x7FF] =	sst s6  }
0x9: {  	s7 =	sshll.u32 s9, $0x1;
	s21 =	smul.u32 $0x4F000, s9;
	s26 =	sshll.u32 s9, $0x6  }
0xa: {  	s4 =	smul.u32 $0x13C000, s3;
	_ =	strace $0x8000004A;
	s8 =	ssub.s32 $0x2, s3  }
0xb: {  	s3 =	sor.u32 s3, s7;
	s11 =	sor.u32 $0x1C11, s26;
	s26 =	simm.s32 $0x2D80  }
0xc: {  	s22 =	sshrl.u32 s8, $0x1;
	s3 =	smul.u32 $0x500, s3;
	s7 =	sshrl.u32 s21, $0x2  }
0xd: {  	s21 =	simm.s32 $0xA000;
	[dreg:$0x8] =	wrdreg s11;
	s20 =	sadd.s32 s5, s4  }
0xe: {  	s4 =	sadd.s32 $0x1600, s0;
	s5 =	sshrl.u32 s5, $0x3;
	s23 =	sadd.s32 s7, s2  }
0xf: {  	s7 =	simm.s32 $0x2F00;
	s6 =	sshrl.u32 s20, $0x3;
	s1 =	sadd.s32 s1, s3  }
0x10: {  	s24 =	sadd.s32 s4, s5;
	s14 =	sshrl.u32 s23, $0x3;
	s20 =	simm.s32 $0x9000  }
0x11: {  	s3 =	simm.s32 $0x3;
	s23 =	simm.s32 $0x6;
	[dreg:$0x4] =	wrdreg s1  }
0x12: {  	s5 =	simm.s32 $0x0;
	s0 =	sadd.s32 s6, s0;
	[dreg:$0x5] =	wrdreg s24  }
0x13: {  	s6 =	ssub.s32 s8, s22;
	s1 =	simm.s32 $0x2;
	[dreg:$0x9] =	wrdreg s14  }
0x14: {  	s22 =	simm.s32 $0x2C80;
	s24 =	simm.s32 $0x2D00;
	s0 =	sadd.s32 $0x28E00, s0  }
0x15: {  	s25 =	smax.u32 s6, $0x1;
	s6 =	simm.s32 $0x8;
	[dreg:$0x6] =	wrdreg s0  }
0x16: {  	[dreg:$0x7] =	wrdreg s25;
	s0 =	simm.s32 $0x6000;
	s25 =	simm.s32 $0xA000  }
.LBB2_1:
0x17: {  	[dreg:$0xa] =	wrdreg s5  }
0x18: {  	s8 =	simm.s32 $0x0;
	s9 =	rddreg [dreg:$0x4]  }
0x19: {  	[tilespmem:s8], [sflag:$0x11] =	stream.linear.gather [hbm4b:s9+s8], $0x2800, $0x38;
	[tilespmem:$0x1EC00] =	vst v63  }
0x1a: {  	_ =	swait.ge [sflag:s10], $0x2800  }
0x1b: {  	[sflag:s10] =	ssyncset.done $0x0  }
0x1c: {  	s9 =	rddreg [dreg:$0x5];
	[sflag:s10] =	ssyncadd.s32 $0xFFFFD800  }
0x1d: {  	[spmem:s14], [sflag:s11] =	dma.local [hbm:s9], $0x2780  }
0x1e: {  	_ =	swait.ge [sflag:s10], $0x2780  }
0x1f: {  	[sflag:s10] =	ssyncset.done $0x0  }
0x20: {  	[sflag:s10] =	ssyncadd.s32 $0xFFFFD880  }
0x21: {  	v0 =	vld [tilespmem:$0x0];
	_ =	sdelay $0x1  }
0x22: {  	v1 =	vld [tilespmem:$0x10];
	_ =	sdelay $0x2  }
0x23: {  	v2 =	vand.u32 $0xFFFF, v0  }
0x24: {  	v0 =	vshrl.u32 v0, $0x10;
	[tilespmem:$0x2800] =	vst v2  }
0x25: {  	v27 =	vand.u32 $0xFFFF, v1;
	[tilespmem:$0x2C00] =	vst v0  }
0x26: {  	v28 =	vshrl.u32 v1, $0x10;
	[tilespmem:$0x2810] =	vst v27  }
0x27: {  	s11 =	simm.s32 $0x2800;
	s14 =	simm.s32 $0x3000;
	[tilespmem:$0x2C10] =	vst v28  }
0x28: {  	[tilespmem:s14], [sflag:$0x1] =	stream.indirect.gather [hbm4b:s4+s12], $0x80, s11, s12, $0xb8;
	[tilespmem:$0x1EC00] =	vst v63  }
0x29: {  	v29 =	vld [tilespmem:$0x20];
	_ =	sdelay $0x1  }
0x2a: {  	v30 =	vld [tilespmem:$0x30];
	_ =	sdelay $0x2  }
0x2b: {  	v31 =	vand.u32 $0xFFFF, v29  }
0x2c: {  	v0 =	vshrl.u32 v29, $0x10;
	[tilespmem:$0x2880] =	vst v31  }
0x2d: {  	v32 =	vand.u32 $0xFFFF, v30;
	[tilespmem:$0x2C80] =	vst v0  }
0x2e: {  	v33 =	vshrl.u32 v30, $0x10;
	[tilespmem:$0x2890] =	vst v32  }
0x2f: {  	s5 =	simm.s32 $0x2880;
	[tilespmem:$0x2C90] =	vst v33  }
0x30: {  	[tilespmem:s18], [sflag:$0x2] =	stream.indirect.gather [hbm4b:s4+s12], $0x80, s5, s12, $0xb8;
	[tilespmem:$0x1EC00] =	vst v63  }
0x31: {  	v34 =	vld [tilespmem:$0x40];
	_ =	sdelay $0x1  }
0x32: {  	v35 =	vld [tilespmem:$0x50];
	_ =	sdelay $0x2  }
0x33: {  	v36 =	vand.u32 $0xFFFF, v34  }
0x34: {  	v0 =	vshrl.u32 v34, $0x10;
	[tilespmem:$0x2900] =	vst v36  }
0x35: {  	v37 =	vand.u32 $0xFFFF, v35;
	[tilespmem:$0x2D00] =	vst v0  }
0x36: {  	v38 =	vshrl.u32 v35, $0x10;
	[tilespmem:$0x2910] =	vst v37  }
0x37: {  	s9 =	simm.s32 $0x2900;
	[tilespmem:$0x2D10] =	vst v38  }
0x38: {  	[tilespmem:s31], [sflag:$0x3] =	stream.indirect.gather [hbm4b:s4+s12], $0x80, s9, s12, $0xb8;
	[tilespmem:$0x1EC00] =	vst v63  }
0x39: {  	v39 =	vld [tilespmem:$0x60];
	_ =	sdelay $0x1  }
0x3a: {  	v40 =	vld [tilespmem:$0x70];
	_ =	sdelay $0x2  }
0x3b: {  	v41 =	vand.u32 $0xFFFF, v39  }
0x3c: {  	v0 =	vshrl.u32 v39, $0x10;
	[tilespmem:$0x2980] =	vst v41  }
0x3d: {  	v42 =	vand.u32 $0xFFFF, v40;
	[tilespmem:$0x2D80] =	vst v0  }
0x3e: {  	v43 =	vshrl.u32 v40, $0x10;
	[tilespmem:$0x2990] =	vst v42  }
0x3f: {  	s10 =	simm.s32 $0x2980;
	[tilespmem:$0x2D90] =	vst v43  }
0x40: {  	[tilespmem:s0], [sflag:$0x4] =	stream.indirect.gather [hbm4b:s4+s12], $0x80, s10, s12, $0xb8;
	[tilespmem:$0x1EC00] =	vst v63  }
0x41: {  	v44 =	vld [tilespmem:$0x80];
	_ =	sdelay $0x1  }
0x42: {  	v45 =	vld [tilespmem:$0x90];
	_ =	sdelay $0x2  }
0x43: {  	v46 =	vand.u32 $0xFFFF, v44  }
0x44: {  	v0 =	vshrl.u32 v44, $0x10;
	[tilespmem:$0x2A00] =	vst v46  }
0x45: {  	v47 =	vand.u32 $0xFFFF, v45;
	[tilespmem:$0x2E00] =	vst v0  }
0x46: {  	v48 =	vshrl.u32 v45, $0x10;
	[tilespmem:$0x2A10] =	vst v47  }
0x47: {  	s11 =	simm.s32 $0x2A00;
	[tilespmem:$0x2E10] =	vst v48  }
0x48: {  	[tilespmem:s13], [sflag:$0x5] =	stream.indirect.gather [hbm4b:s4+s12], $0x80, s11, s12, $0xb8;
	[tilespmem:$0x1EC00] =	vst v63  }
0x49: {  	v49 =	vld [tilespmem:$0xA0];
	_ =	sdelay $0x1  }
0x4a: {  	v50 =	vld [tilespmem:$0xB0];
	_ =	sdelay $0x2  }
0x4b: {  	v51 =	vand.u32 $0xFFFF, v49  }
0x4c: {  	v0 =	vshrl.u32 v49, $0x10;
	[tilespmem:$0x2A80] =	vst v51  }
0x4d: {  	v52 =	vand.u32 $0xFFFF, v50;
	[tilespmem:$0x2E80] =	vst v0  }
0x4e: {  	v53 =	vshrl.u32 v50, $0x10;
	[tilespmem:$0x2A90] =	vst v52  }
0x4f: {  	s14 =	simm.s32 $0x2A80;
	[tilespmem:$0x2E90] =	vst v53  }
0x50: {  	[tilespmem:s17], [sflag:$0x6] =	stream.indirect.gather [hbm4b:s4+s12], $0x80, s14, s12, $0xb8;
	[tilespmem:$0x1EC00] =	vst v63  }
0x51: {  	v54 =	vld [tilespmem:$0xC0];
	_ =	sdelay $0x1  }
0x52: {  	v55 =	vld [tilespmem:$0xD0];
	_ =	sdelay $0x2  }
0x53: {  	v56 =	vand.u32 $0xFFFF, v54  }
0x54: {  	v0 =	vshrl.u32 v54, $0x10;
	[tilespmem:$0x2B00] =	vst v56  }
0x55: {  	v57 =	vand.u32 $0xFFFF, v55;
	[tilespmem:$0x2F00] =	vst v0  }
0x56: {  	v58 =	vshrl.u32 v55, $0x10;
	[tilespmem:$0x2B10] =	vst v57  }
0x57: {  	s17 =	simm.s32 $0x2B00;
	[tilespmem:$0x2F10] =	vst v58  }
0x58: {  	[tilespmem:s20], [sflag:$0x7] =	stream.indirect.gather [hbm4b:s4+s12], $0x80, s17, s12, $0xb8;
	[tilespmem:$0x1EC00] =	vst v63  }
0x59: {  	v59 =	vld [tilespmem:$0xE0];
	_ =	sdelay $0x1  }
0x5a: {  	v60 =	vld [tilespmem:$0xF0];
	_ =	sdelay $0x2  }
0x5b: {  	v61 =	vand.u32 $0xFFFF, v59  }
0x5c: {  	v0 =	vshrl.u32 v59, $0x10;
	[tilespmem:$0x2B80] =	vst v61  }
0x5d: {  	v62 =	vand.u32 $0xFFFF, v60;
	[tilespmem:$0x2F80] =	vst v0  }
0x5e: {  	s5 =	simm.s32 $0x2E80;
	s10 =	simm.s32 $0x0;
	s0 =	simm.s32 $0x6000;
	v63 =	vshrl.u32 v60, $0x10;
	[tilespmem:$0x2B90] =	vst v62  }
0x5f: {  	s13 =	simm.s32 $0x7000;
	s20 =	simm.s32 $0x2B80;
	s17 =	simm.s32 $0x8000;
	[tilespmem:$0x2F90] =	vst v63  }
0x60: {  	[tilespmem:s21], [sflag:$0x8] =	stream.indirect.gather [hbm4b:s4+s12], $0x80, s20, s12, $0xb8;
	[tilespmem:$0x1EC00] =	vst v63  }
0x61: {  	s21 =	simm.s32 $0x9000;
	s20 =	simm.s32 $0x2C00;
	[bflag:$0x0] =	sbarrier.arrive $0xFFFF  }
.LBB2_2:
0x62: {  	_ =	swait.ge [sflag:s30], $0x1000  }
0x63: {  	[sflag:s30] =	ssyncset.done $0x0  }
0x64: {  	s8 =	simm.s32 $0x3000;
	[sflag:s30] =	ssyncadd.s32 $0xFFFFF000  }
0x65: {  	[spmem:s2] =	stream.indirect.scatter.add.f32 [tilespmem:s8], [sflag:$0x9], $0x80, s20, s12, $0xb8;
	[tilespmem:$0x1EC00] =	vst v63  }
0x66: {  	_ =	swait.ge [sflag:s1], $0x1000  }
0x67: {  	[sflag:s1] =	ssyncset.done $0x0  }
0x68: {  	[sflag:s1] =	ssyncadd.s32 $0xFFFFF000  }
0x69: {  	[spmem:s2] =	stream.indirect.scatter.add.f32 [tilespmem:s18], [sflag:$0xA], $0x80, s22, s12, $0xb8;
	[tilespmem:$0x1EC00] =	vst v63  }
0x6a: {  	_ =	swait.ge [sflag:s3], $0x1000  }
0x6b: {  	[sflag:s3] =	ssyncset.done $0x0  }
0x6c: {  	[sflag:s3] =	ssyncadd.s32 $0xFFFFF000  }
0x6d: {  	[spmem:s2] =	stream.indirect.scatter.add.f32 [tilespmem:s31], [sflag:$0xB], $0x80, s24, s12, $0xb8;
	[tilespmem:$0x1EC00] =	vst v63  }
0x6e: {  	_ =	swait.ge [sflag:s15], $0x1000  }
0x6f: {  	[sflag:s15] =	ssyncset.done $0x0  }
0x70: {  	[sflag:s15] =	ssyncadd.s32 $0xFFFFF000  }
0x71: {  	[spmem:s2] =	stream.indirect.scatter.add.f32 [tilespmem:s0], [sflag:$0xC], $0x80, s26, s12, $0xb8;
	[tilespmem:$0x1EC00] =	vst v63  }
0x72: {  	_ =	swait.ge [sflag:s19], $0x1000  }
0x73: {  	[sflag:s19] =	ssyncset.done $0x0  }
0x74: {  	[sflag:s19] =	ssyncadd.s32 $0xFFFFF000  }
0x75: {  	[spmem:s2] =	stream.indirect.scatter.add.f32 [tilespmem:s13], [sflag:$0xD], $0x80, s29, s12, $0xb8;
	[tilespmem:$0x1EC00] =	vst v63  }
0x76: {  	_ =	swait.ge [sflag:s23], $0x1000  }
0x77: {  	[sflag:s23] =	ssyncset.done $0x0  }
0x78: {  	[sflag:s23] =	ssyncadd.s32 $0xFFFFF000  }
0x79: {  	[spmem:s2] =	stream.indirect.scatter.add.f32 [tilespmem:s17], [sflag:$0xE], $0x80, s5, s12, $0xb8;
	[tilespmem:$0x1EC00] =	vst v63  }
0x7a: {  	_ =	swait.ge [sflag:s28], $0x1000  }
0x7b: {  	[sflag:s28] =	ssyncset.done $0x0  }
0x7c: {  	[sflag:s28] =	ssyncadd.s32 $0xFFFFF000  }
0x7d: {  	[spmem:s2] =	stream.indirect.scatter.add.f32 [tilespmem:s21], [sflag:$0xF], $0x80, s7, s12, $0xb8;
	[tilespmem:$0x1EC00] =	vst v63  }
0x7e: {  	_ =	swait.ge [sflag:s6], $0x1000  }
0x7f: {  	p0 =	seq.s32 s10, $0x9C00;
	[sflag:s6] =	ssyncset.done $0x0  }
0x80: {  	s9 =	simm.s32 @!p0 $0x9;
	[sflag:s6] =	ssyncadd.s32 $0xFFFFF000  }
0x81: {  	[spmem:s2] =	stream.indirect.scatter.add.f32 [tilespmem:s25], [sflag:$0x10], $0x80, s16, s12, $0xb8;
	[tilespmem:$0x1EC00] =	vst v63  }
0x82: {  	_ =	swait.ge @!p0 [sflag:s9], $0x1000  }
0x83: {  	[sflag:s9] =	ssyncset.done @!p0 $0x0  }
0x84: {  	s11 =	sshra.s32 @!p0 s10, $0x2;
	[sflag:s9] =	ssyncadd.s32 @!p0 $0xFFFFF000  }
0x85: {  	v0 =	vld @!p0 [tilespmem:s11+$0x100];
	_ =	sdelay $0x4  }
0x86: {  	v1 =	vand.u32 @!p0 $0xFFFF, v0  }
0x87: {  	v0 =	vshrl.u32 @!p0 v0, $0x10;
	[tilespmem:$0x2800] =	vst @!p0 v1  }
0x88: {  	[tilespmem:$0x2C00] =	vst @!p0 v0  }
0x89: {  	v0 =	vld @!p0 [tilespmem:s11+$0x110];
	_ =	sdelay $0x4  }
0x8a: {  	v1 =	vand.u32 @!p0 $0xFFFF, v0  }
0x8b: {  	v0 =	vshrl.u32 @!p0 v0, $0x10;
	[tilespmem:$0x2810] =	vst @!p0 v1  }
0x8c: {  	s14 =	simm.s32 @!p0 $0x3000;
	s8 =	simm.s32 @!p0 $0x2800;
	s9 =	simm.s32 @!p0 $0x20;
	[tilespmem:$0x2C10] =	vst @!p0 v0  }
0x8d: {  	[tilespmem:s14], [sflag:$0x1] =	stream.indirect.gather @!p0 [hbm4b:s4+s9], $0x80, s8, s9, $0xb8;
	[tilespmem:$0x1EC00] =	vst v63  }
0x8e: {  	s8 =	simm.s32 @!p0 $0xA  }
0x8f: {  	_ =	swait.ge @!p0 [sflag:s8], $0x1000  }
0x90: {  	[sflag:s8] =	ssyncset.done @!p0 $0x0  }
0x91: {  	[sflag:s8] =	ssyncadd.s32 @!p0 $0xFFFFF000  }
0x92: {  	v0 =	vld @!p0 [tilespmem:s11+$0x120];
	_ =	sdelay $0x4  }
0x93: {  	v1 =	vand.u32 @!p0 $0xFFFF, v0  }
0x94: {  	v0 =	vshrl.u32 @!p0 v0, $0x10;
	[tilespmem:$0x2880] =	vst @!p0 v1  }
0x95: {  	[tilespmem:$0x2C80] =	vst @!p0 v0  }
0x96: {  	v0 =	vld @!p0 [tilespmem:s11+$0x130];
	_ =	sdelay $0x4  }
0x97: {  	v1 =	vand.u32 @!p0 $0xFFFF, v0  }
0x98: {  	v0 =	vshrl.u32 @!p0 v0, $0x10;
	[tilespmem:$0x2890] =	vst @!p0 v1  }
0x99: {  	s14 =	simm.s32 @!p0 $0x4000;
	s8 =	simm.s32 @!p0 $0x2880;
	[tilespmem:$0x2C90] =	vst @!p0 v0  }
0x9a: {  	[tilespmem:s14], [sflag:$0x2] =	stream.indirect.gather @!p0 [hbm4b:s4+s9], $0x80, s8, s9, $0xb8;
	[tilespmem:$0x1EC00] =	vst v63  }
0x9b: {  	s8 =	simm.s32 @!p0 $0xB  }
0x9c: {  	_ =	swait.ge @!p0 [sflag:s8], $0x1000  }
0x9d: {  	[sflag:s8] =	ssyncset.done @!p0 $0x0  }
0x9e: {  	[sflag:s8] =	ssyncadd.s32 @!p0 $0xFFFFF000  }
0x9f: {  	v0 =	vld @!p0 [tilespmem:s11+$0x140];
	_ =	sdelay $0x4  }
0xa0: {  	v1 =	vand.u32 @!p0 $0xFFFF, v0  }
0xa1: {  	v0 =	vshrl.u32 @!p0 v0, $0x10;
	[tilespmem:$0x2900] =	vst @!p0 v1  }
0xa2: {  	[tilespmem:$0x2D00] =	vst @!p0 v0  }
0xa3: {  	v0 =	vld @!p0 [tilespmem:s11+$0x150];
	_ =	sdelay $0x4  }
0xa4: {  	v1 =	vand.u32 @!p0 $0xFFFF, v0  }
0xa5: {  	v0 =	vshrl.u32 @!p0 v0, $0x10;
	[tilespmem:$0x2910] =	vst @!p0 v1  }
0xa6: {  	s14 =	simm.s32 @!p0 $0x5000;
	s8 =	simm.s32 @!p0 $0x2900;
	[tilespmem:$0x2D10] =	vst @!p0 v0  }
0xa7: {  	[tilespmem:s14], [sflag:$0x3] =	stream.indirect.gather @!p0 [hbm4b:s4+s9], $0x80, s8, s9, $0xb8;
	[tilespmem:$0x1EC00] =	vst v63  }
0xa8: {  	s8 =	simm.s32 @!p0 $0xC  }
0xa9: {  	_ =	swait.ge @!p0 [sflag:s8], $0x1000  }
0xaa: {  	[sflag:s8] =	ssyncset.done @!p0 $0x0  }
0xab: {  	[sflag:s8] =	ssyncadd.s32 @!p0 $0xFFFFF000  }
0xac: {  	v0 =	vld @!p0 [tilespmem:s11+$0x160];
	_ =	sdelay $0x4  }
0xad: {  	v1 =	vand.u32 @!p0 $0xFFFF, v0  }
0xae: {  	v0 =	vshrl.u32 @!p0 v0, $0x10;
	[tilespmem:$0x2980] =	vst @!p0 v1  }
0xaf: {  	[tilespmem:$0x2D80] =	vst @!p0 v0  }
0xb0: {  	v0 =	vld @!p0 [tilespmem:s11+$0x170];
	_ =	sdelay $0x4  }
0xb1: {  	v1 =	vand.u32 @!p0 $0xFFFF, v0  }
0xb2: {  	v0 =	vshrl.u32 @!p0 v0, $0x10;
	[tilespmem:$0x2990] =	vst @!p0 v1  }
0xb3: {  	s14 =	simm.s32 @!p0 $0x6000;
	s8 =	simm.s32 @!p0 $0x2980;
	[tilespmem:$0x2D90] =	vst @!p0 v0  }
0xb4: {  	[tilespmem:s14], [sflag:$0x4] =	stream.indirect.gather @!p0 [hbm4b:s4+s9], $0x80, s8, s9, $0xb8;
	[tilespmem:$0x1EC00] =	vst v63  }
0xb5: {  	s8 =	simm.s32 @!p0 $0xD  }
0xb6: {  	_ =	swait.ge @!p0 [sflag:s8], $0x1000  }
0xb7: {  	[sflag:s8] =	ssyncset.done @!p0 $0x0  }
0xb8: {  	[sflag:s8] =	ssyncadd.s32 @!p0 $0xFFFFF000  }
0xb9: {  	v0 =	vld @!p0 [tilespmem:s11+$0x180];
	_ =	sdelay $0x4  }
0xba: {  	v1 =	vand.u32 @!p0 $0xFFFF, v0  }
0xbb: {  	v0 =	vshrl.u32 @!p0 v0, $0x10;
	[tilespmem:$0x2A00] =	vst @!p0 v1  }
0xbc: {  	[tilespmem:$0x2E00] =	vst @!p0 v0  }
0xbd: {  	v0 =	vld @!p0 [tilespmem:s11+$0x190];
	_ =	sdelay $0x4  }
0xbe: {  	v1 =	vand.u32 @!p0 $0xFFFF, v0  }
0xbf: {  	v0 =	vshrl.u32 @!p0 v0, $0x10;
	[tilespmem:$0x2A10] =	vst @!p0 v1  }
0xc0: {  	s14 =	simm.s32 @!p0 $0x7000;
	s8 =	simm.s32 @!p0 $0x2A00;
	[tilespmem:$0x2E10] =	vst @!p0 v0  }
0xc1: {  	[tilespmem:s14], [sflag:$0x5] =	stream.indirect.gather @!p0 [hbm4b:s4+s9], $0x80, s8, s9, $0xb8;
	[tilespmem:$0x1EC00] =	vst v63  }
0xc2: {  	s8 =	simm.s32 @!p0 $0xE  }
0xc3: {  	_ =	swait.ge @!p0 [sflag:s8], $0x1000  }
0xc4: {  	[sflag:s8] =	ssyncset.done @!p0 $0x0  }
0xc5: {  	[sflag:s8] =	ssyncadd.s32 @!p0 $0xFFFFF000  }
0xc6: {  	v0 =	vld @!p0 [tilespmem:s11+$0x1A0];
	_ =	sdelay $0x4  }
0xc7: {  	v1 =	vand.u32 @!p0 $0xFFFF, v0  }
0xc8: {  	v0 =	vshrl.u32 @!p0 v0, $0x10;
	[tilespmem:$0x2A80] =	vst @!p0 v1  }
0xc9: {  	[tilespmem:$0x2E80] =	vst @!p0 v0  }
0xca: {  	v0 =	vld @!p0 [tilespmem:s11+$0x1B0];
	_ =	sdelay $0x4  }
0xcb: {  	v1 =	vand.u32 @!p0 $0xFFFF, v0  }
0xcc: {  	v0 =	vshrl.u32 @!p0 v0, $0x10;
	[tilespmem:$0x2A90] =	vst @!p0 v1  }
0xcd: {  	s14 =	simm.s32 @!p0 $0x8000;
	s8 =	simm.s32 @!p0 $0x2A80;
	[tilespmem:$0x2E90] =	vst @!p0 v0  }
0xce: {  	[tilespmem:s14], [sflag:$0x6] =	stream.indirect.gather @!p0 [hbm4b:s4+s9], $0x80, s8, s9, $0xb8;
	[tilespmem:$0x1EC00] =	vst v63  }
0xcf: {  	s8 =	simm.s32 @!p0 $0xF  }
0xd0: {  	_ =	swait.ge @!p0 [sflag:s8], $0x1000  }
0xd1: {  	[sflag:s8] =	ssyncset.done @!p0 $0x0  }
0xd2: {  	[sflag:s8] =	ssyncadd.s32 @!p0 $0xFFFFF000  }
0xd3: {  	v0 =	vld @!p0 [tilespmem:s11+$0x1C0];
	_ =	sdelay $0x4  }
0xd4: {  	v1 =	vand.u32 @!p0 $0xFFFF, v0  }
0xd5: {  	v0 =	vshrl.u32 @!p0 v0, $0x10;
	[tilespmem:$0x2B00] =	vst @!p0 v1  }
0xd6: {  	[tilespmem:$0x2F00] =	vst @!p0 v0  }
0xd7: {  	v0 =	vld @!p0 [tilespmem:s11+$0x1D0];
	_ =	sdelay $0x4  }
0xd8: {  	v1 =	vand.u32 @!p0 $0xFFFF, v0  }
0xd9: {  	v0 =	vshrl.u32 @!p0 v0, $0x10;
	[tilespmem:$0x2B10] =	vst @!p0 v1  }
0xda: {  	s14 =	simm.s32 @!p0 $0x9000;
	s8 =	simm.s32 @!p0 $0x2B00;
	[tilespmem:$0x2F10] =	vst @!p0 v0  }
0xdb: {  	[tilespmem:s14], [sflag:$0x7] =	stream.indirect.gather @!p0 [hbm4b:s4+s9], $0x80, s8, s9, $0xb8;
	[tilespmem:$0x1EC00] =	vst v63  }
0xdc: {  	s8 =	simm.s32 @!p0 $0x10  }
0xdd: {  	_ =	swait.ge @!p0 [sflag:s8], $0x1000  }
0xde: {  	[sflag:s8] =	ssyncset.done @!p0 $0x0  }
0xdf: {  	[sflag:s8] =	ssyncadd.s32 @!p0 $0xFFFFF000  }
0xe0: {  	v0 =	vld @!p0 [tilespmem:s11+$0x1E0];
	_ =	sdelay $0x4  }
0xe1: {  	v1 =	vand.u32 @!p0 $0xFFFF, v0  }
0xe2: {  	v0 =	vshrl.u32 @!p0 v0, $0x10;
	[tilespmem:$0x2B80] =	vst @!p0 v1  }
0xe3: {  	[tilespmem:$0x2F80] =	vst @!p0 v0  }
0xe4: {  	v0 =	vld @!p0 [tilespmem:s11+$0x1F0];
	_ =	sdelay $0x4  }
0xe5: {  	v1 =	vand.u32 @!p0 $0xFFFF, v0  }
0xe6: {  	s10 =	sadd.s32 @!p0 $0x400, s10;
	v0 =	vshrl.u32 @!p0 v0, $0x10;
	[tilespmem:$0x2B90] =	vst @!p0 v1  }
0xe7: {  	p1 =	sne.s32 @!p0 s10, $0xA000;
	s8 =	simm.s32 @!p0 $0x2B80;
	s11 =	simm.s32 @!p0 $0xA000;
	[tilespmem:$0x2F90] =	vst @!p0 v0  }
0xe8: {  	[tilespmem:s11], [sflag:$0x8] =	stream.indirect.gather @!p0 [hbm4b:s4+s9], $0x80, s8, s9, $0xb8;
	[tilespmem:$0x1EC00] =	vst v63  }
0xe9: {  	p0 =	por p0, !p1  }
.Ltmp0:
0xea: {  	_ = 	snop;
	(pc) =	sbr.rel @!p0 .LBB2_2-.Ltmp0, $1  }
0xeb: {  	_ =	sdelay $0x3  }
0xec: {  	s0 =	simm.s32 $0x9  }
0xed: {  	_ =	swait.ge [sflag:s0], $0x1000  }
0xee: {  	[sflag:s0] =	ssyncset.done $0x0  }
0xef: {  	s9 =	simm.s32 $0xA;
	[sflag:s0] =	ssyncadd.s32 $0xFFFFF000  }
0xf0: {  	_ =	swait.ge [sflag:s9], $0x1000  }
0xf1: {  	[sflag:s9] =	ssyncset.done $0x0  }
0xf2: {  	s10 =	simm.s32 $0xB;
	[sflag:s9] =	ssyncadd.s32 $0xFFFFF000  }
0xf3: {  	_ =	swait.ge [sflag:s10], $0x1000  }
0xf4: {  	[sflag:s10] =	ssyncset.done $0x0  }
0xf5: {  	s11 =	simm.s32 $0xC;
	[sflag:s10] =	ssyncadd.s32 $0xFFFFF000  }
0xf6: {  	_ =	swait.ge [sflag:s11], $0x1000  }
0xf7: {  	[sflag:s11] =	ssyncset.done $0x0  }
0xf8: {  	s13 =	simm.s32 $0xD;
	[sflag:s11] =	ssyncadd.s32 $0xFFFFF000  }
0xf9: {  	_ =	swait.ge [sflag:s13], $0x1000  }
0xfa: {  	[sflag:s13] =	ssyncset.done $0x0  }
0xfb: {  	s14 =	simm.s32 $0xE;
	[sflag:s13] =	ssyncadd.s32 $0xFFFFF000  }
0xfc: {  	_ =	swait.ge [sflag:s14], $0x1000  }
0xfd: {  	[sflag:s14] =	ssyncset.done $0x0  }
0xfe: {  	s17 =	simm.s32 $0xF;
	[sflag:s14] =	ssyncadd.s32 $0xFFFFF000  }
0xff: {  	_ =	swait.ge [sflag:s17], $0x1000  }
0x100: {  	[sflag:s17] =	ssyncset.done $0x0  }
0x101: {  	s20 =	simm.s32 $0x10;
	[sflag:s17] =	ssyncadd.s32 $0xFFFFF000  }
0x102: {  	_ =	swait.ge [sflag:s20], $0x1000  }
0x103: {  	[sflag:s20] =	ssyncset.done $0x0  }
0x104: {  	[sflag:s20] =	ssyncadd.s32 $0xFFFFF000  }
0x105: {  	[bflag:$0x0] =	sbarrier.arrive $0xFFFF  }
0x106: {  	s8 =	rddreg [dreg:$0x6]  }
0x107: {  	s11 =	rddreg [dreg:$0x8]  }
0x108: {  	s10 =	simm.s32 $0x11;
	s14 =	rddreg [dreg:$0x9]  }
0x109: {  	[hbm:s8], [sflag:s11] =	dma.local [spmem:s14], $0x2780  }
0x10a: {  	_ =	swait.ge [sflag:s10], $0x2780  }
0x10b: {  	s5 =	rddreg [dreg:$0xa]  }
0x10c: {  	s21 =	rddreg [dreg:$0x7];
	s5 =	sadd.s32 $0x1, s5  }
0x10d: {  	p0 =	sne.s32 s5, s21  }
.Ltmp1:
0x10e: {  	_ = 	snop;
	(pc) =	sbr.rel @p0 .LBB2_1-.Ltmp1, $4  }
0x10f: {  	_ = 	snop  }
0x110: {  	s0 =	simm.s32 $0x6000  }
0x111: {  	s13 =	simm.s32 $0x7000;
	s17 =	simm.s32 $0x8000;
	[sflag:s10] =	ssyncset.done $0x0  }
0x112: {  	s20 =	simm.s32 $0x9000;
	[sflag:s10] =	ssyncadd.s32 $0xFFFFD880;
	s21 =	simm.s32 $0xA000  }
0x113: {  	_ =	sfence.sel $0x180000  }
0x114: {  	[bflag:$0x0] =	sbarrier.arrive $0xFFFF  }
0x115: {  	_ =	strace $0x9000004A  }
0x116: {  	s0 =	stileid.u32;
	[bflag:$0x2] =	sbarrier.arrive $0xFFFF  }
0x117: {  	p0 =	sne.s32 s0, $0x0;
	s0 =	rddreg [dreg:$0x3]  }
0x118: {  	s0 =	sadd.s32 @!p0 $0x100000, s0  }
0x119: {  	[sflag:s0] =	ssyncadd.tile.s32 @!p0 $0x1;
	_ =	shalt  }
.Lfunc_end2:
_tile_overlayer_lowered:
.L_overlay_start_2:
0x11a: {  	(tag) =	ssettag $0x2  }
0x11b: {  	s0 =	rddreg [dreg:$0x0];
	s2 =	stileid.u32  }
0x11c: {  	s1 =	rddreg [dreg:$0x1];
	p0 =	sne.s32 s2, $0x0  }
0x11d: {  	s3 =	rddreg [dreg:$0x2];
	[bflag:$0x3] =	sbarrier.arrive $0xFFFF;
	s2 =	simm.s32 @!p0 $0x1C11  }
0x11e: {  	[timem:s3], [sflag:s2] =	dma.local @!p0 [hbm:s0], s1  }
0x11f: {  	s0 =	simm.s32 @!p0 $0x11  }
0x120: {  	_ =	swait.ge @!p0 [sflag:s0], s1  }
0x121: {  	s1 =	ssub.s32 @!p0 $0x0, s1;
	[sflag:s0] =	ssyncset.done @!p0 $0x0  }
0x122: {  	[sflag:s0] =	ssyncadd.s32 @!p0 s1  }
0x123: {  	[bflag:$0x3] =	sbarrier.arrive $0xFFFF  }
0x124: {  	_ =	shalt  }

</sc_bundles>
